<compile_context>
chip_gen: v7x
topology: tpu7x:2x2x1
jax: 0.10.2.dev20260603
libtpu: 0.0.44.dev20260713+nightly
codegen_flags: <defaults>
</compile_context>

<pallas_src>
import functools

import jax
import jax.numpy as jnp
import numpy as np
from jax import lax
from jax.experimental import pallas as pl
from jax.experimental.pallas import tpu as pltpu
from jax.experimental.pallas import tpu_sc as plsc

N = 10000
E = 160000
NG = 64
NPAD = 10240
CHUNK = 128
NW = 32
CPW = 40
EPAD = NW * CPW * CHUNK
BE = 2048
INV_SQRT_NEI = float(3.8 ** -0.5)
SQRT3 = float(3.0 ** 0.5)


def _mesh():
    return plsc.VectorSubcoreMesh(core_axis_name="c", subcore_axis_name="s")



NB = 4
NROUNDS = CPW // NB


def _make_gather1(T):
    NBG = 2
    TPS = T // 16
    scratch = ([pltpu.VMEM((CPW, CHUNK), jnp.int32)]
               + [pltpu.VMEM((CHUNK, 128), jnp.float32)] * NBG
               + [pltpu.SemaphoreType.DMA] * (2 * NBG)
               + [pltpu.VMEM_SHARED((T, 128), jnp.float32)])

    @functools.partial(
        pl.kernel, out_type=jax.ShapeDtypeStruct((EPAD, 128), jnp.float32),
        mesh=_mesh(), scratch_types=scratch,
    )
    def k(table, idx, out, i_v, *rs):
        bufs = rs[:NBG]
        gs = rs[NBG:2 * NBG]
        ws = rs[2 * NBG:3 * NBG]
        stab = rs[3 * NBG]
        sid = lax.axis_index("s")
        wid = sid * 2 + lax.axis_index("c")
        base = wid * (CPW * CHUNK)
        pltpu.sync_copy(table.at[pl.ds(sid * TPS, TPS)],
                        stab.at[pl.ds(sid * TPS, TPS)])
        pltpu.sync_copy(idx.at[wid], i_v)
        plsc.subcore_barrier()
        for b in range(NBG):
            pltpu.async_copy(stab.at[i_v.at[b]], bufs[b], gs[b])

        def rnd(r, c):
            for b in range(NBG):
                j = r * NBG + b
                pltpu.make_async_copy(stab.at[i_v.at[j]], bufs[b],
                                      gs[b]).wait()
                pltpu.async_copy(bufs[b],
                                 out.at[pl.ds(base + j * CHUNK, CHUNK)],
                                 ws[b])
            for b in range(NBG):
                jn = (r + 1) * NBG + b

                @pl.when(jn < CPW)
                def _():
                    pltpu.make_async_copy(
                        bufs[b], out.at[pl.ds(base, CHUNK)], ws[b]).wait()
                    pltpu.async_copy(stab.at[i_v.at[jn]], bufs[b], gs[b])
            return c

        lax.fori_loop(0, CPW // NBG, rnd, 0)
        for b in range(NBG):
            pltpu.make_async_copy(bufs[b], out.at[pl.ds(base, CHUNK)],
                                  ws[b]).wait()

    return k


def _make_scatter():
    RPT = NPAD // 16
    NBS = 2
    scratch = ([pltpu.VMEM((CPW, CHUNK), jnp.int32)]
               + [pltpu.VMEM((CHUNK, 128), jnp.float32)] * NBS
               + [pltpu.SemaphoreType.DMA] * (2 * NBS))

    @functools.partial(
        pl.kernel, out_type=jax.ShapeDtypeStruct((2 * NPAD, 128), jnp.float32),
        mesh=_mesh(),
        scratch_types=scratch + [pltpu.VMEM_SHARED((NPAD, 128), jnp.float32)],
    )
    def k(data, idx, zeros, out, i_v, *rs):
        bufs = rs[:NBS]
        ls = rs[NBS:2 * NBS]
        ss = rs[2 * NBS:3 * NBS]
        acc = rs[3 * NBS]
        cid = lax.axis_index("c")
        sid = lax.axis_index("s")
        wid = sid * 2 + cid
        base = wid * (CPW * CHUNK)
        pltpu.sync_copy(zeros.at[pl.ds(sid * RPT, RPT)],
                        acc.at[pl.ds(sid * RPT, RPT)])
        pltpu.sync_copy(idx.at[wid], i_v)
        plsc.subcore_barrier()
        for b in range(NBS):
            pltpu.async_copy(data.at[pl.ds(base + b * CHUNK, CHUNK)],
                             bufs[b], ls[b])

        def rnd(r, c):
            for b in range(NBS):
                j = r * NBS + b
                pltpu.make_async_copy(
                    data.at[pl.ds(base, CHUNK)], bufs[b], ls[b]).wait()
                pltpu.async_copy(bufs[b], acc.at[i_v.at[j]], ss[b], add=True)
            for b in range(NBS):
                jn = (r + 1) * NBS + b

                @pl.when(jn < CPW)
                def _():
                    pltpu.make_async_copy(bufs[b], acc.at[i_v.at[0]],
                                          ss[b]).wait()
                    pltpu.async_copy(data.at[pl.ds(base + jn * CHUNK, CHUNK)],
                                     bufs[b], ls[b])
            return c

        lax.fori_loop(0, CPW // NBS, rnd, 0)
        for b in range(NBS):
            pltpu.make_async_copy(bufs[b], acc.at[i_v.at[0]], ss[b]).wait()
        plsc.subcore_barrier()
        pltpu.sync_copy(acc.at[pl.ds(sid * RPT, RPT)],
                        out.at[pl.ds(cid * NPAD + sid * RPT, RPT)])

    return k



def _sh_constants():
    s5 = 5.0 ** 0.5
    s15 = 15.0 ** 0.5
    c1 = (35.0 / 8.0) ** 0.5
    c2 = 105.0 ** 0.5
    c3 = (21.0 / 8.0) ** 0.5
    c4 = (7.0 ** 0.5) / 2.0
    terms = {
        0: [((3, 3, 3), 1.0)],
        1: [((0, 3, 3), SQRT3)],
        2: [((1, 3, 3), SQRT3)],
        3: [((2, 3, 3), SQRT3)],
        4: [((0, 1, 3), s15)],
        5: [((1, 2, 3), s15)],
        6: [((2, 2, 3), 1.5 * s5), ((3, 3, 3), -0.5 * s5)],
        7: [((0, 2, 3), s15)],
        8: [((0, 0, 3), 0.5 * s15), ((1, 1, 3), -0.5 * s15)],
        9: [((0, 0, 1), 3 * c1), ((1, 1, 1), -c1)],
        10: [((0, 1, 2), c2)],
        11: [((1, 2, 2), 5 * c3), ((1, 3, 3), -c3)],
        12: [((2, 2, 2), 5 * c4), ((2, 3, 3), -3 * c4)],
        13: [((0, 2, 2), 5 * c3), ((0, 3, 3), -c3)],
        14: [((0, 0, 2), 0.5 * c2), ((1, 1, 2), -0.5 * c2)],
        15: [((0, 0, 0), c1), ((0, 1, 1), -3 * c1)],
    }
    P6 = np.full((8, 128), 3, np.int32)
    CC = np.zeros((8, 128), np.float32)
    for comp, ts in terms.items():
        for t, (f, coeff) in enumerate(ts):
            P6[3 * t: 3 * t + 3, comp] = f
            CC[t, comp] = coeff
    return (P6, CC)


def _edge_body(psrc_ref, pdst_ref, f11_ref, f21_ref, f12_ref, f22_ref,
               p6_ref, cc_ref, ew_ref, w2_ref):
    f32 = jnp.float32

    def mm(a, b):
        return jnp.dot(a, b, preferred_element_type=f32)

    ev = psrc_ref[...] - pdst_ref[...]
    x = ev[:, 0:1]
    y = ev[:, 1:2]
    z = ev[:, 2:3]
    r = jnp.sqrt(x * x + y * y + z * z)
    inv = 1.0 / (r + 1e-9)
    shape = (BE, 128)
    X = jnp.broadcast_to(x * inv, shape)
    Y = jnp.broadcast_to(y * inv, shape)
    Z = jnp.broadcast_to(z * inv, shape)
    p6 = p6_ref[...]
    cc = cc_ref[...]

    def sel(k):
        bits = jnp.broadcast_to(p6[k:k + 1, :], shape)
        return jnp.where(bits == 0, X,
                         jnp.where(bits == 1, Y,
                                   jnp.where(bits == 2, Z, 1.0)))

    ca = jnp.broadcast_to(cc[0:1, :], shape)
    cb = jnp.broadcast_to(cc[1:2, :], shape)
    shw = (sel(0) * sel(1) * sel(2) * ca + sel(3) * sel(4) * sel(5) * cb)
    coli16 = lax.broadcasted_iota(jnp.int32, (BE, 16), 1)
    rb16 = jnp.broadcast_to(r, (BE, 16))
    d = (rb16 - (1.0 + 0.5 * coli16.astype(f32))) * 2.0
    embq = jnp.where(coli16 < 3, jnp.exp(-d * d) * SQRT3, 0.0)
    h1 = jnp.maximum(mm(embq, f11_ref[...]), 0.0)
    h2 = jnp.maximum(mm(embq, f12_ref[...]), 0.0)
    w1 = mm(h1, f21_ref[...]) * (1.0 / (SQRT3 * 16.0))
    ew_ref[...] = shw + jnp.pad(w1, ((0, 0), (16, 96)))
    w2_ref[...] = mm(h2, f22_ref[...]) * (1.0 / (SQRT3 * 16.0))


def _msg1_body(x0_ref, ew_ref, wmix_ref, smix_ref, t1_ref, t2_ref):
    ew = ew_ref[...]
    xw = x0_ref[...][:, :16] * INV_SQRT_NEI * ew[:, 16:32]
    m1 = (jnp.dot(xw, wmix_ref[...], preferred_element_type=jnp.float32)
          * jnp.dot(ew[:, :16], smix_ref[...],
                    preferred_element_type=jnp.float32))
    t1_ref[...] = m1[:, :128]
    t2_ref[...] = jnp.concatenate(
        [m1[:, 128:], jnp.zeros((BE, 96), jnp.float32)], axis=1)


def _msg2_body(x1_ref, w2_ref, ew_ref, wmix_ref, smix_ref, m_ref):
    xw = x1_ref[...] * w2_ref[...]
    m2 = (jnp.dot(xw, wmix_ref[...], preferred_element_type=jnp.float32)
          * jnp.dot(ew_ref[...][:, :16], smix_ref[...],
                    preferred_element_type=jnp.float32))
    m_ref[...] = jnp.concatenate(
        [m2, jnp.zeros((BE, 112), jnp.float32)], axis=1)


def _add2_body(a_ref, b_ref, o_ref):
    o_ref[...] = a_ref[...] + b_ref[...]


def _gate_body(y1a_ref, y1b_ref, y2a_ref, y2b_ref, x1_ref):
    p = (y1a_ref[...] + y1b_ref[...]) * INV_SQRT_NEI
    q = (y2a_ref[...] + y2b_ref[...]) * INV_SQRT_NEI
    xx = jnp.concatenate([p, q[:, :32]], axis=1)
    scalars = jnp.concatenate(
        [jnp.maximum(xx[:, :16], 0.0), jnp.abs(xx[:, 16:32])], axis=1)
    gates = jnp.concatenate([
        jnp.maximum(xx[:, 32:40], 0.0), jnp.tanh(xx[:, 40:48]),
        jnp.maximum(xx[:, 48:56], 0.0), jnp.tanh(xx[:, 56:64]),
    ], axis=1)
    g_row = lax.broadcasted_iota(jnp.int32, (32, 96), 0)
    j_col = lax.broadcasted_iota(jnp.int32, (32, 96), 1)
    expand = jnp.where(g_row == j_col // 3, 1.0, 0.0)
    gates96 = jnp.dot(gates, expand, preferred_element_type=jnp.float32,
                      precision=lax.Precision.HIGHEST)
    x1_ref[...] = jnp.concatenate([scalars, xx[:, 64:160] * gates96], axis=1)


def _graph_body(ya_ref, yb_ref, batch_ref, out_ref):
    i = pl.program_id(0)

    @pl.when(i == 0)
    def _():
        out_ref[...] = jnp.zeros_like(out_ref)

    y = (ya_ref[0] + yb_ref[0]) * (INV_SQRT_NEI * 0.5)
    b = batch_ref[...]
    gcol = lax.broadcasted_iota(jnp.int32, (b.shape[0], NG), 1).astype(jnp.float32)
    onehot = jnp.where(b == gcol, 1.0, 0.0)
    out_ref[...] += lax.dot_general(onehot, y, (((0,), (0,)), ((), ())),
                                    preferred_element_type=jnp.float32,
                                    precision=lax.Precision.HIGHEST)



def _wfull(a):
    return pl.BlockSpec(a.shape, lambda i: (0,) * a.ndim)


def _edge_precompute(psrc, pdst, f11, f21, f12, f22, consts):
    grid = EPAD // BE
    eb = pl.BlockSpec((BE, 128), lambda i: (i, 0))
    ws = [f11, f21, f12, f22] + list(consts)
    return pl.pallas_call(
        _edge_body,
        grid=(grid,),
        in_specs=[eb, eb] + [_wfull(w) for w in ws],
        out_specs=[eb, eb],
        out_shape=[jax.ShapeDtypeStruct((EPAD, 128), jnp.float32),
                   jax.ShapeDtypeStruct((EPAD, 128), jnp.float32)],
    )(psrc, pdst, *ws)


def _messages1(x0src, ew, wmix, smix):
    grid = EPAD // BE
    eb = pl.BlockSpec((BE, 128), lambda i: (i, 0))
    return pl.pallas_call(
        _msg1_body,
        grid=(grid,),
        in_specs=[eb, eb, _wfull(wmix), _wfull(smix)],
        out_specs=[eb, eb],
        out_shape=[jax.ShapeDtypeStruct((EPAD, 128), jnp.float32),
                   jax.ShapeDtypeStruct((EPAD, 128), jnp.float32)],
    )(x0src, ew, wmix, smix)


def _messages2(x1src, w2, ew, wmix, smix):
    grid = EPAD // BE
    eb = pl.BlockSpec((BE, 128), lambda i: (i, 0))
    return pl.pallas_call(
        _msg2_body,
        grid=(grid,),
        in_specs=[eb, eb, eb, _wfull(wmix), _wfull(smix)],
        out_specs=eb,
        out_shape=jax.ShapeDtypeStruct((EPAD, 128), jnp.float32),
    )(x1src, w2, ew, wmix, smix)


def _add2(pair):
    BN = 1024
    grid = NPAD // BN
    return pl.pallas_call(
        _add2_body,
        grid=(grid,),
        in_specs=[pl.BlockSpec((BN, 128), lambda i: (i, 0)),
                  pl.BlockSpec((BN, 128), lambda i: (i + NPAD // BN, 0))],
        out_specs=pl.BlockSpec((BN, 128), lambda i: (i, 0)),
        out_shape=jax.ShapeDtypeStruct((NPAD, 128), jnp.float32),
    )(pair, pair)


def _gate(y1p, y2p):
    BN = 1024
    grid = NPAD // BN
    lo = pl.BlockSpec((BN, 128), lambda i: (i, 0))
    hi = pl.BlockSpec((BN, 128), lambda i: (i + NPAD // BN, 0))
    return pl.pallas_call(
        _gate_body,
        grid=(grid,),
        in_specs=[lo, hi, lo, hi],
        out_specs=lo,
        out_shape=jax.ShapeDtypeStruct((NPAD, 128), jnp.float32),
    )(y1p, y1p, y2p, y2p)


def _graph_reduce(y2pair, batch_f):
    BN = 2000
    grid = N // BN
    return pl.pallas_call(
        _graph_body,
        grid=(grid,),
        in_specs=[pl.BlockSpec((1, BN, 128), lambda i: (0, i, 0)),
                  pl.BlockSpec((1, BN, 128), lambda i: (1, i, 0)),
                  pl.BlockSpec((BN, 1), lambda i: (i, 0))],
        out_specs=pl.BlockSpec((NG, 128), lambda i: (0, 0)),
        out_shape=jax.ShapeDtypeStruct((NG, 128), jnp.float32),
    )(y2pair, y2pair, batch_f)



def kernel(pos, batch, edge_src, edge_dst, fc1_1, fc2_1, Wmix1, Smix1,
           fc1_2, fc2_2, Wmix2, Smix2):
    f32 = jnp.float32
    es = edge_src.astype(jnp.int32)
    ed = edge_dst.astype(jnp.int32)
    padn = EPAD - E
    es_g = jnp.concatenate([es, jnp.zeros((padn,), jnp.int32)])
    ed_g = jnp.concatenate([ed, jnp.zeros((padn,), jnp.int32)])
    ed_s = jnp.concatenate([ed, jnp.full((padn,), N, jnp.int32)])
    i_src = es_g.reshape(NW, CPW, CHUNK)
    i_dst = ed_g.reshape(NW, CPW, CHUNK)
    i_dst_s = ed_s.reshape(NW, CPW, CHUNK)

    pos128 = jnp.pad(pos.astype(f32), ((0, NPAD - N), (0, 125)))
    mlp_s = 1.0 / (SQRT3 * 16.0)
    f11 = jnp.pad(fc1_1.astype(f32), ((0, 13), (0, 0)))
    f12 = jnp.pad(fc1_2.astype(f32), ((0, 13), (0, 0)))
    f21 = fc2_1.astype(f32)
    f22 = fc2_2.astype(f32)
    consts = [jnp.asarray(c) for c in _sh_constants()]
    wmix2p = jnp.pad(Wmix2.astype(f32), ((0, 0), (0, 9)))
    smix2p = jnp.pad(Smix2.astype(f32), ((0, 0), (0, 9)))
    batch_f = batch.astype(f32)[:, None]
    z128 = jnp.zeros((NPAD, 128), f32)

    psrc = _make_gather1(NPAD)(pos128, i_src)
    pdst = _make_gather1(NPAD)(pos128, i_dst)
    ew, w2 = _edge_precompute(psrc, pdst, f11, f21, f12, f22, consts)
    x0p = _make_scatter()(ew, i_dst_s, z128)
    x0c = _add2(x0p)
    x0src = _make_gather1(NPAD)(x0c, i_src)
    t1, t2 = _messages1(x0src, ew, Wmix1.astype(f32), Smix1.astype(f32))
    y1p = _make_scatter()(t1, i_dst_s, z128)
    y2p_ = _make_scatter()(t2, i_dst_s, z128)
    x1 = _gate(y1p, y2p_)
    x1src = _make_gather1(NPAD)(x1, i_src)
    m2 = _messages2(x1src, w2, ew, wmix2p, smix2p)
    y2p = _make_scatter()(m2, i_dst_s, z128)
    out = _graph_reduce(y2p.reshape(2, NPAD, 128), batch_f)
    return out[:, :7]

# --- scband reference (transcript-rebuilt; emitter-appended) ---
"""Pipeline reference for scband-network-50087908606125 (READ-ONLY COPY).

The authoritative reference and input builder live on the scoring server;
editing this copy changes nothing except your own understanding.
"""

import jax, jax.numpy as jnp
import numpy as np

N_NODES = 10000
N_EDGES = 160000
N_GRAPHS = 64
NUM_NEIGHBORS = 3.8
NUM_NODES_CONST = 4


def spherical_harmonics(u):
    # real spherical harmonics l=0..3, component normalization (|Y_l|^2 = 2l+1 on unit sphere)
    x, y, z = u[:, 0], u[:, 1], u[:, 2]
    s5 = 5.0 ** 0.5
    s15 = 15.0 ** 0.5
    l0 = jnp.ones_like(x)[:, None]
    l1 = (3.0 ** 0.5) * u
    l2 = jnp.stack([
        s15 * x * y,
        s15 * y * z,
        0.5 * s5 * (3.0 * z * z - 1.0),
        s15 * x * z,
        0.5 * s15 * (x * x - y * y),
    ], axis=1)
    c1 = (35.0 / 8.0) ** 0.5
    c2 = 105.0 ** 0.5
    c3 = (21.0 / 8.0) ** 0.5
    c4 = (7.0 ** 0.5) / 2.0
    l3 = jnp.stack([
        c1 * y * (3.0 * x * x - y * y),
        c2 * x * y * z,
        c3 * y * (5.0 * z * z - 1.0),
        c4 * z * (5.0 * z * z - 3.0),
        c3 * x * (5.0 * z * z - 1.0),
        0.5 * c2 * z * (x * x - y * y),
        c1 * x * (x * x - 3.0 * y * y),
    ], axis=1)
    return jnp.concatenate([l0, l1, l2, l3], axis=1)  # [E, 16]


def soft_one_hot(r):
    values = jnp.linspace(1.0, 2.0, 3)
    step = values[1] - values[0]
    d = (r[:, None] - values[None, :]) / step
    return jnp.exp(-d * d)  # [E, 3]


def edge_mlp(emb, w1, w2):
    h = jax.nn.relu(emb @ w1) / (3.0 ** 0.5)
    return (h @ w2) / (256.0 ** 0.5)


def conv(x, edge_src, edge_dst, sh, emb, w1, w2, wmix, smix, n_nodes):
    w = edge_mlp(emb, w1, w2)                       # [E, in_dim] per-edge weights
    ef = ((x[edge_src] * w) @ wmix) * (sh @ smix)   # tensor-product style bilinear message
    out = jax.ops.segment_sum(ef, edge_dst, num_segments=n_nodes)
    return out / (NUM_NEIGHBORS ** 0.5)


def gate(x):
    n = x.shape[0]
    scalars = jnp.concatenate([jax.nn.relu(x[:, :16]), jnp.abs(x[:, 16:32])], axis=1)
    gates = jnp.concatenate([
        jax.nn.relu(x[:, 32:40]), jnp.tanh(x[:, 40:48]),
        jax.nn.relu(x[:, 48:56]), jnp.tanh(x[:, 56:64]),
    ], axis=1)                                       # [N, 32]
    gated = x[:, 64:160].reshape(n, 32, 3) * gates[:, :, None]
    return jnp.concatenate([scalars, gated.reshape(n, 96)], axis=1)  # [N, 128]


def setup_inputs(seed: int = 0) -> dict:
    key = jax.random.key(seed)
    ks = jax.random.split(key, 12)
    pos = jax.random.normal(ks[0], (N_NODES, 3), dtype=jnp.float32)
    batch = jnp.sort(jax.random.randint(ks[1], (N_NODES,), 0, N_GRAPHS)).astype(jnp.int64)
    edge_src = jax.random.randint(ks[2], (N_EDGES,), 0, N_NODES).astype(jnp.int64)
    edge_dst = jax.random.randint(ks[3], (N_EDGES,), 0, N_NODES).astype(jnp.int64)
    fc1_1 = jax.random.normal(ks[4], (3, 256), dtype=jnp.float32)
    fc2_1 = jax.random.normal(ks[5], (256, 16), dtype=jnp.float32)
    Wmix1 = jax.random.normal(ks[6], (16, 160), dtype=jnp.float32)
    Smix1 = jax.random.normal(ks[7], (16, 160), dtype=jnp.float32)
    fc1_2 = jax.random.normal(ks[8], (3, 256), dtype=jnp.float32)
    fc2_2 = jax.random.normal(ks[9], (256, 128), dtype=jnp.float32)
    Wmix2 = jax.random.normal(ks[10], (128, 7), dtype=jnp.float32)
    Smix2 = jax.random.normal(ks[11], (16, 7), dtype=jnp.float32)
    return {"pos": pos, "batch": batch, "edge_src": edge_src, "edge_dst": edge_dst,
            "fc1_1": fc1_1, "fc2_1": fc2_1, "Wmix1": Wmix1, "Smix1": Smix1,
            "fc1_2": fc1_2, "fc2_2": fc2_2, "Wmix2": Wmix2, "Smix2": Smix2}


def reference(pos, batch, edge_src, edge_dst, fc1_1, fc2_1, Wmix1, Smix1, fc1_2, fc2_2, Wmix2, Smix2):
    n = pos.shape[0]
    edge_vec = pos[edge_src] - pos[edge_dst]
    r = jnp.linalg.norm(edge_vec, axis=1)
    u = edge_vec / (r[:, None] + 1e-9)
    sh = spherical_harmonics(u)                       # [E, 16]
    emb = soft_one_hot(r) * (3.0 ** 0.5)              # [E, 3]
    x = jax.ops.segment_sum(sh, edge_dst, num_segments=n) / (NUM_NEIGHBORS ** 0.5)
    x = conv(x, edge_src, edge_dst, sh, emb, fc1_1, fc2_1, Wmix1, Smix1, n)  # [N, 160]
    x = gate(x)                                                               # [N, 128]
    x = conv(x, edge_src, edge_dst, sh, emb, fc1_2, fc2_2, Wmix2, Smix2, n)  # [N, 7]
    out = jax.ops.segment_sum(x, batch, num_segments=N_GRAPHS)
    return out / (NUM_NODES_CONST ** 0.5)             # [64, 7]

if __name__ == "__main__":
    import jax
    _d = setup_inputs()
    print(jax.jit(kernel)(*tuple(_d.values())))

</pallas_src>

<mosaic_0001>
#map = affine_map<(d0, d1) -> (0, 0)>
#map1 = affine_map<(d0, d1) -> (0, 0, 0)>
module attributes {stable_mosaic.version = 14 : i64} {
  func.func @k(%arg0: i32, %arg1: i32, %arg2: memref<10240x128xf32, #tpu.memory_space<hbm>>, %arg3: memref<32x40x128xi32, #tpu.memory_space<hbm>>, %arg4: memref<163840x128xf32, #tpu.memory_space<hbm>>, %arg5: memref<40x128xi32, #tpu.memory_space<vmem>>, %arg6: memref<128x128xf32, #tpu.memory_space<vmem>>, %arg7: memref<128x128xf32, #tpu.memory_space<vmem>>, %arg8: memref<!tpu.dma_semaphore, #tpu.memory_space<semaphore_mem>>, %arg9: memref<!tpu.dma_semaphore, #tpu.memory_space<semaphore_mem>>, %arg10: memref<!tpu.dma_semaphore, #tpu.memory_space<semaphore_mem>>, %arg11: memref<!tpu.dma_semaphore, #tpu.memory_space<semaphore_mem>>, %arg12: memref<10240x128xf32, #tpu.memory_space<vmem_shared>>) attributes {dimension_semantics = [#tpu.dimension_semantics<core_parallel>, #tpu.dimension_semantics<subcore_parallel>], iteration_bounds = array<i64: 2, 16>, scalar_prefetch = 0 : i64, scratch_operands = 8 : i64, tpu.core_type = #tpu.core_type<sc_vector_subcore>, window_params = [{transform_indices = #map}, {transform_indices = #map1}, {transform_indices = #map}]} {
    %mul3A = arith.constant 2 : i32
    %mul3A_0 = arith.muli %arg1, %mul3A : i32
    %add3A = arith.addi %mul3A_0, %arg0 : i32
    %mul3A_1 = arith.constant 5120 : i32
    %mul3A_2 = arith.muli %add3A, %mul3A_1 : i32
    %mul3A_3 = arith.constant 640 : i32
    %mul3A_4 = arith.muli %arg1, %mul3A_3 : i32
    %mul3A_5 = arith.constant 640 : i32
    %mul3A_6 = arith.muli %arg1, %mul3A_5 : i32
    "tpu.region"() ({
      %run_scoped3A = tpu.sem_alloc : memref<!tpu.dma_semaphore, #tpu.memory_space<semaphore_mem>>
      %dma_start3A_32 = arith.constant 0 : i32
      %dma_start3A_33 = tpu.memref_slice %arg12[%mul3A_6, %dma_start3A_32] : memref<10240x128xf32, #tpu.memory_space<vmem_shared>> -> memref<640x128xf32, #tpu.memory_space<vmem_shared>>
      %dma_start3A_34 = arith.constant 0 : i32
      %dma_start3A_35 = tpu.memref_slice %arg2[%mul3A_4, %dma_start3A_34] : memref<10240x128xf32, #tpu.memory_space<hbm>> -> memref<640x128xf32, #tpu.memory_space<hbm>>
      tpu.enqueue_dma source(%dma_start3A_35 : memref<640x128xf32, #tpu.memory_space<hbm>>) target(%dma_start3A_33 : memref<640x128xf32, #tpu.memory_space<vmem_shared>>) target_semaphore(%run_scoped3A : memref<!tpu.dma_semaphore, #tpu.memory_space<semaphore_mem>>)
      %dma_wait3A_36 = arith.constant 0 : i32
      %dma_wait3A_37 = tpu.memref_slice %arg12[%mul3A_6, %dma_wait3A_36] : memref<10240x128xf32, #tpu.memory_space<vmem_shared>> -> memref<640x128xf32, #tpu.memory_space<vmem_shared>>
      %dma_wait3A_38 = arith.constant 0 : i32
      %dma_wait3A_39 = tpu.memref_slice %arg2[%mul3A_4, %dma_wait3A_38] : memref<10240x128xf32, #tpu.memory_space<hbm>> -> memref<640x128xf32, #tpu.memory_space<hbm>>
      tpu.wait_dma2 semaphore(%run_scoped3A : memref<!tpu.dma_semaphore, #tpu.memory_space<semaphore_mem>>) src(%dma_wait3A_39 : memref<640x128xf32, #tpu.memory_space<hbm>>) dst(%dma_wait3A_37 : memref<640x128xf32, #tpu.memory_space<vmem_shared>>)
      tpu.yield
    }) : () -> ()
    "tpu.region"() ({
      %run_scoped3A = tpu.sem_alloc : memref<!tpu.dma_semaphore, #tpu.memory_space<semaphore_mem>>
      %dma_start3A_32 = arith.constant 0 : i32
      %dma_start3A_33 = arith.constant 0 : i32
      %dma_start3A_34 = tpu.memref_slice %arg3[%add3A, %dma_start3A_32, %dma_start3A_33] : memref<32x40x128xi32, #tpu.memory_space<hbm>> -> memref<1x40x128xi32, #tpu.memory_space<hbm>>
      %dma_start3A_35 = tpu.memref_squeeze %dma_start3A_34 : memref<1x40x128xi32, #tpu.memory_space<hbm>> -> memref<40x128xi32, #tpu.memory_space<hbm>>
      %dma_start3A_36 = arith.constant 0 : i32
      %dma_start3A_37 = arith.constant 0 : i32
      %dma_start3A_38 = tpu.memref_slice %arg3[%add3A, %dma_start3A_36, %dma_start3A_37] : memref<32x40x128xi32, #tpu.memory_space<hbm>> -> memref<1x40x128xi32, #tpu.memory_space<hbm>>
      %dma_start3A_39 = tpu.memref_squeeze %dma_start3A_38 : memref<1x40x128xi32, #tpu.memory_space<hbm>> -> memref<40x128xi32, #tpu.memory_space<hbm>>
      tpu.enqueue_dma source(%dma_start3A_39 : memref<40x128xi32, #tpu.memory_space<hbm>>) target(%arg5 : memref<40x128xi32, #tpu.memory_space<vmem>>) target_semaphore(%run_scoped3A : memref<!tpu.dma_semaphore, #tpu.memory_space<semaphore_mem>>)
      %dma_wait3A_40 = arith.constant 0 : i32
      %dma_wait3A_41 = arith.constant 0 : i32
      %dma_wait3A_42 = tpu.memref_slice %arg3[%add3A, %dma_wait3A_40, %dma_wait3A_41] : memref<32x40x128xi32, #tpu.memory_space<hbm>> -> memref<1x40x128xi32, #tpu.memory_space<hbm>>
      %dma_wait3A_43 = tpu.memref_squeeze %dma_wait3A_42 : memref<1x40x128xi32, #tpu.memory_space<hbm>> -> memref<40x128xi32, #tpu.memory_space<hbm>>
      %dma_wait3A_44 = arith.constant 0 : i32
      %dma_wait3A_45 = arith.constant 0 : i32
      %dma_wait3A_46 = tpu.memref_slice %arg3[%add3A, %dma_wait3A_44, %dma_wait3A_45] : memref<32x40x128xi32, #tpu.memory_space<hbm>> -> memref<1x40x128xi32, #tpu.memory_space<hbm>>
      %dma_wait3A_47 = tpu.memref_squeeze %dma_wait3A_46 : memref<1x40x128xi32, #tpu.memory_space<hbm>> -> memref<40x128xi32, #tpu.memory_space<hbm>>
      tpu.wait_dma2 semaphore(%run_scoped3A : memref<!tpu.dma_semaphore, #tpu.memory_space<semaphore_mem>>) src(%dma_wait3A_47 : memref<40x128xi32, #tpu.memory_space<hbm>>) dst(%arg5 : memref<40x128xi32, #tpu.memory_space<vmem>>)
      tpu.yield
    }) : () -> ()
    %barrier3A = arith.constant 0 : index
    tpu.barrier barrier_id(%barrier3A)
    %dma_start3A = arith.constant 0 : i32
    %dma_start3A_7 = arith.constant 0 : i32
    %dma_start3A_8 = tpu.memref_slice %arg5[%dma_start3A, %dma_start3A_7] : memref<40x128xi32, #tpu.memory_space<vmem>> -> memref<1x128xi32, #tpu.memory_space<vmem>>
    %dma_start3A_9 = tpu.memref_squeeze %dma_start3A_8 : memref<1x128xi32, #tpu.memory_space<vmem>> -> memref<128xi32, #tpu.memory_space<vmem>>
    %dma_start3A_10 = arith.constant 0 : i32
    %dma_start3A_11 = arith.constant 0 : i32
    %dma_start3A_12 = tpu.memref_slice %arg12[%dma_start3A_10, %dma_start3A_11] : memref<10240x128xf32, #tpu.memory_space<vmem_shared>> -> memref<10240x128xf32, #tpu.memory_space<vmem_shared>>
    tpu.enqueue_indirect_dma source(%dma_start3A_12 : memref<10240x128xf32, #tpu.memory_space<vmem_shared>>) target(%arg6 : memref<128x128xf32, #tpu.memory_space<vmem>>) offsets(%dma_start3A_9 : memref<128xi32, #tpu.memory_space<vmem>>) semaphore(%arg8 : memref<!tpu.dma_semaphore, #tpu.memory_space<semaphore_mem>>)
    %dma_start3A_13 = arith.constant 1 : i32
    %dma_start3A_14 = arith.constant 0 : i32
    %dma_start3A_15 = tpu.memref_slice %arg5[%dma_start3A_13, %dma_start3A_14] : memref<40x128xi32, #tpu.memory_space<vmem>> -> memref<1x128xi32, #tpu.memory_space<vmem>>
    %dma_start3A_16 = tpu.memref_squeeze %dma_start3A_15 : memref<1x128xi32, #tpu.memory_space<vmem>> -> memref<128xi32, #tpu.memory_space<vmem>>
    %dma_start3A_17 = arith.constant 0 : i32
    %dma_start3A_18 = arith.constant 0 : i32
    %dma_start3A_19 = tpu.memref_slice %arg12[%dma_start3A_17, %dma_start3A_18] : memref<10240x128xf32, #tpu.memory_space<vmem_shared>> -> memref<10240x128xf32, #tpu.memory_space<vmem_shared>>
    tpu.enqueue_indirect_dma source(%dma_start3A_19 : memref<10240x128xf32, #tpu.memory_space<vmem_shared>>) target(%arg7 : memref<128x128xf32, #tpu.memory_space<vmem>>) offsets(%dma_start3A_16 : memref<128xi32, #tpu.memory_space<vmem>>) semaphore(%arg9 : memref<!tpu.dma_semaphore, #tpu.memory_space<semaphore_mem>>)
    %scan3A = arith.constant 0 : i32
    %scan3A_20 = arith.constant 0 : i32
    %scan3A_21 = arith.constant 20 : i32
    %scan3A_22 = arith.addi %scan3A_20, %scan3A_21 : i32
    %scan3A_23 = arith.constant 1 : i32
    scf.for %scan3A_32 = %scan3A_20 to %scan3A_22 step %scan3A_23  : i32 {
      %mul3A_33 = arith.constant 2 : i32
      %mul3A_34 = arith.muli %scan3A_32, %mul3A_33 : i32
      %add3A_35 = arith.constant 0 : i32
      %add3A_36 = arith.addi %mul3A_34, %add3A_35 : i32
      %dma_wait3A_37 = arith.constant 0 : i32
      %dma_wait3A_38 = tpu.memref_slice %arg5[%add3A_36, %dma_wait3A_37] : memref<40x128xi32, #tpu.memory_space<vmem>> -> memref<1x128xi32, #tpu.memory_space<vmem>>
      %dma_wait3A_39 = tpu.memref_squeeze %dma_wait3A_38 : memref<1x128xi32, #tpu.memory_space<vmem>> -> memref<128xi32, #tpu.memory_space<vmem>>
      %dma_wait3A_40 = arith.constant 0 : i32
      %dma_wait3A_41 = arith.constant 0 : i32
      %dma_wait3A_42 = tpu.memref_slice %arg12[%dma_wait3A_40, %dma_wait3A_41] : memref<10240x128xf32, #tpu.memory_space<vmem_shared>> -> memref<10240x128xf32, #tpu.memory_space<vmem_shared>>
      tpu.wait_indirect_dma semaphore(%arg8 : memref<!tpu.dma_semaphore, #tpu.memory_space<semaphore_mem>>) src(%dma_wait3A_42 : memref<10240x128xf32, #tpu.memory_space<vmem_shared>>) dst(%arg6 : memref<128x128xf32, #tpu.memory_space<vmem>>)
      %mul3A_43 = arith.constant 128 : i32
      %mul3A_44 = arith.muli %add3A_36, %mul3A_43 : i32
      %add3A_45 = arith.addi %mul3A_2, %mul3A_44 : i32
      %dma_start3A_46 = arith.constant 0 : i32
      %dma_start3A_47 = tpu.memref_slice %arg4[%add3A_45, %dma_start3A_46] : memref<163840x128xf32, #tpu.memory_space<hbm>> -> memref<128x128xf32, #tpu.memory_space<hbm>>
      %dma_start3A_48 = arith.constant 0 : i32
      %dma_start3A_49 = tpu.memref_slice %arg4[%add3A_45, %dma_start3A_48] : memref<163840x128xf32, #tpu.memory_space<hbm>> -> memref<128x128xf32, #tpu.memory_space<hbm>>
      tpu.enqueue_dma source(%arg6 : memref<128x128xf32, #tpu.memory_space<vmem>>) target(%dma_start3A_49 : memref<128x128xf32, #tpu.memory_space<hbm>>) target_semaphore(%arg10 : memref<!tpu.dma_semaphore, #tpu.memory_space<semaphore_mem>>)
      %mul3A_50 = arith.constant 2 : i32
      %mul3A_51 = arith.muli %scan3A_32, %mul3A_50 : i32
      %add3A_52 = arith.constant 1 : i32
      %add3A_53 = arith.addi %mul3A_51, %add3A_52 : i32
      %dma_wait3A_54 = arith.constant 0 : i32
      %dma_wait3A_55 = tpu.memref_slice %arg5[%add3A_53, %dma_wait3A_54] : memref<40x128xi32, #tpu.memory_space<vmem>> -> memref<1x128xi32, #tpu.memory_space<vmem>>
      %dma_wait3A_56 = tpu.memref_squeeze %dma_wait3A_55 : memref<1x128xi32, #tpu.memory_space<vmem>> -> memref<128xi32, #tpu.memory_space<vmem>>
      %dma_wait3A_57 = arith.constant 0 : i32
      %dma_wait3A_58 = arith.constant 0 : i32
      %dma_wait3A_59 = tpu.memref_slice %arg12[%dma_wait3A_57, %dma_wait3A_58] : memref<10240x128xf32, #tpu.memory_space<vmem_shared>> -> memref<10240x128xf32, #tpu.memory_space<vmem_shared>>
      tpu.wait_indirect_dma semaphore(%arg9 : memref<!tpu.dma_semaphore, #tpu.memory_space<semaphore_mem>>) src(%dma_wait3A_59 : memref<10240x128xf32, #tpu.memory_space<vmem_shared>>) dst(%arg7 : memref<128x128xf32, #tpu.memory_space<vmem>>)
      %mul3A_60 = arith.constant 128 : i32
      %mul3A_61 = arith.muli %add3A_53, %mul3A_60 : i32
      %add3A_62 = arith.addi %mul3A_2, %mul3A_61 : i32
      %dma_start3A_63 = arith.constant 0 : i32
      %dma_start3A_64 = tpu.memref_slice %arg4[%add3A_62, %dma_start3A_63] : memref<163840x128xf32, #tpu.memory_space<hbm>> -> memref<128x128xf32, #tpu.memory_space<hbm>>
      %dma_start3A_65 = arith.constant 0 : i32
      %dma_start3A_66 = tpu.memref_slice %arg4[%add3A_62, %dma_start3A_65] : memref<163840x128xf32, #tpu.memory_space<hbm>> -> memref<128x128xf32, #tpu.memory_space<hbm>>
      tpu.enqueue_dma source(%arg7 : memref<128x128xf32, #tpu.memory_space<vmem>>) target(%dma_start3A_66 : memref<128x128xf32, #tpu.memory_space<hbm>>) target_semaphore(%arg11 : memref<!tpu.dma_semaphore, #tpu.memory_space<semaphore_mem>>)
      %add3A_67 = arith.constant 1 : i32
      %add3A_68 = arith.addi %scan3A_32, %add3A_67 : i32
      %mul3A_69 = arith.constant 2 : i32
      %mul3A_70 = arith.muli %add3A_68, %mul3A_69 : i32
      %add3A_71 = arith.constant 0 : i32
      %add3A_72 = arith.addi %mul3A_70, %add3A_71 : i32
      %lt3A = arith.constant 40 : i32
      %lt3A_73 = arith.cmpi slt, %add3A_72, %lt3A : i32
      %convert_element_type3A = arith.extui %lt3A_73 : i1 to i32
      %cond3A = arith.constant 0 : i32
      %cond3A_74 = arith.cmpi ne, %convert_element_type3A, %cond3A : i32
      scf.if %cond3A_74 {
        %dma_wait3A_86 = arith.constant 0 : i32
        %dma_wait3A_87 = tpu.memref_slice %arg4[%mul3A_2, %dma_wait3A_86] : memref<163840x128xf32, #tpu.memory_space<hbm>> -> memref<128x128xf32, #tpu.memory_space<hbm>>
        %dma_wait3A_88 = arith.constant 0 : i32
        %dma_wait3A_89 = tpu.memref_slice %arg4[%mul3A_2, %dma_wait3A_88] : memref<163840x128xf32, #tpu.memory_space<hbm>> -> memref<128x128xf32, #tpu.memory_space<hbm>>
        tpu.wait_dma2 semaphore(%arg10 : memref<!tpu.dma_semaphore, #tpu.memory_space<semaphore_mem>>) src(%arg6 : memref<128x128xf32, #tpu.memory_space<vmem>>) dst(%dma_wait3A_89 : memref<128x128xf32, #tpu.memory_space<hbm>>)
        %dma_start3A_90 = arith.constant 0 : i32
        %dma_start3A_91 = tpu.memref_slice %arg5[%add3A_72, %dma_start3A_90] : memref<40x128xi32, #tpu.memory_space<vmem>> -> memref<1x128xi32, #tpu.memory_space<vmem>>
        %dma_start3A_92 = tpu.memref_squeeze %dma_start3A_91 : memref<1x128xi32, #tpu.memory_space<vmem>> -> memref<128xi32, #tpu.memory_space<vmem>>
        %dma_start3A_93 = arith.constant 0 : i32
        %dma_start3A_94 = arith.constant 0 : i32
        %dma_start3A_95 = tpu.memref_slice %arg12[%dma_start3A_93, %dma_start3A_94] : memref<10240x128xf32, #tpu.memory_space<vmem_shared>> -> memref<10240x128xf32, #tpu.memory_space<vmem_shared>>
        tpu.enqueue_indirect_dma source(%dma_start3A_95 : memref<10240x128xf32, #tpu.memory_space<vmem_shared>>) target(%arg6 : memref<128x128xf32, #tpu.memory_space<vmem>>) offsets(%dma_start3A_92 : memref<128xi32, #tpu.memory_space<vmem>>) semaphore(%arg8 : memref<!tpu.dma_semaphore, #tpu.memory_space<semaphore_mem>>)
      } else {
      }
      %add3A_75 = arith.constant 1 : i32
      %add3A_76 = arith.addi %scan3A_32, %add3A_75 : i32
      %mul3A_77 = arith.constant 2 : i32
      %mul3A_78 = arith.muli %add3A_76, %mul3A_77 : i32
      %add3A_79 = arith.constant 1 : i32
      %add3A_80 = arith.addi %mul3A_78, %add3A_79 : i32
      %lt3A_81 = arith.constant 40 : i32
      %lt3A_82 = arith.cmpi slt, %add3A_80, %lt3A_81 : i32
      %convert_element_type3A_83 = arith.extui %lt3A_82 : i1 to i32
      %cond3A_84 = arith.constant 0 : i32
      %cond3A_85 = arith.cmpi ne, %convert_element_type3A_83, %cond3A_84 : i32
      scf.if %cond3A_85 {
        %dma_wait3A_86 = arith.constant 0 : i32
        %dma_wait3A_87 = tpu.memref_slice %arg4[%mul3A_2, %dma_wait3A_86] : memref<163840x128xf32, #tpu.memory_space<hbm>> -> memref<128x128xf32, #tpu.memory_space<hbm>>
        %dma_wait3A_88 = arith.constant 0 : i32
        %dma_wait3A_89 = tpu.memref_slice %arg4[%mul3A_2, %dma_wait3A_88] : memref<163840x128xf32, #tpu.memory_space<hbm>> -> memref<128x128xf32, #tpu.memory_space<hbm>>
        tpu.wait_dma2 semaphore(%arg11 : memref<!tpu.dma_semaphore, #tpu.memory_space<semaphore_mem>>) src(%arg7 : memref<128x128xf32, #tpu.memory_space<vmem>>) dst(%dma_wait3A_89 : memref<128x128xf32, #tpu.memory_space<hbm>>)
        %dma_start3A_90 = arith.constant 0 : i32
        %dma_start3A_91 = tpu.memref_slice %arg5[%add3A_80, %dma_start3A_90] : memref<40x128xi32, #tpu.memory_space<vmem>> -> memref<1x128xi32, #tpu.memory_space<vmem>>
        %dma_start3A_92 = tpu.memref_squeeze %dma_start3A_91 : memref<1x128xi32, #tpu.memory_space<vmem>> -> memref<128xi32, #tpu.memory_space<vmem>>
        %dma_start3A_93 = arith.constant 0 : i32
        %dma_start3A_94 = arith.constant 0 : i32
        %dma_start3A_95 = tpu.memref_slice %arg12[%dma_start3A_93, %dma_start3A_94] : memref<10240x128xf32, #tpu.memory_space<vmem_shared>> -> memref<10240x128xf32, #tpu.memory_space<vmem_shared>>
        tpu.enqueue_indirect_dma source(%dma_start3A_95 : memref<10240x128xf32, #tpu.memory_space<vmem_shared>>) target(%arg7 : memref<128x128xf32, #tpu.memory_space<vmem>>) offsets(%dma_start3A_92 : memref<128xi32, #tpu.memory_space<vmem>>) semaphore(%arg9 : memref<!tpu.dma_semaphore, #tpu.memory_space<semaphore_mem>>)
      } else {
      }
    }
    %scan3A_24 = arith.constant 20 : i32
    %dma_wait3A = arith.constant 0 : i32
    %dma_wait3A_25 = tpu.memref_slice %arg4[%mul3A_2, %dma_wait3A] : memref<163840x128xf32, #tpu.memory_space<hbm>> -> memref<128x128xf32, #tpu.memory_space<hbm>>
    %dma_wait3A_26 = arith.constant 0 : i32
    %dma_wait3A_27 = tpu.memref_slice %arg4[%mul3A_2, %dma_wait3A_26] : memref<163840x128xf32, #tpu.memory_space<hbm>> -> memref<128x128xf32, #tpu.memory_space<hbm>>
    tpu.wait_dma2 semaphore(%arg10 : memref<!tpu.dma_semaphore, #tpu.memory_space<semaphore_mem>>) src(%arg6 : memref<128x128xf32, #tpu.memory_space<vmem>>) dst(%dma_wait3A_27 : memref<128x128xf32, #tpu.memory_space<hbm>>)
    %dma_wait3A_28 = arith.constant 0 : i32
    %dma_wait3A_29 = tpu.memref_slice %arg4[%mul3A_2, %dma_wait3A_28] : memref<163840x128xf32, #tpu.memory_space<hbm>> -> memref<128x128xf32, #tpu.memory_space<hbm>>
    %dma_wait3A_30 = arith.constant 0 : i32
    %dma_wait3A_31 = tpu.memref_slice %arg4[%mul3A_2, %dma_wait3A_30] : memref<163840x128xf32, #tpu.memory_space<hbm>> -> memref<128x128xf32, #tpu.memory_space<hbm>>
    tpu.wait_dma2 semaphore(%arg11 : memref<!tpu.dma_semaphore, #tpu.memory_space<semaphore_mem>>) src(%arg7 : memref<128x128xf32, #tpu.memory_space<vmem>>) dst(%dma_wait3A_31 : memref<128x128xf32, #tpu.memory_space<hbm>>)
    return
  }
}

#map = affine_map<(d0, d1) -> (0, 0)>
#map1 = affine_map<(d0, d1) -> (0, 0, 0)>
module attributes {stable_mosaic.version = 14 : i64} {
  func.func @k(%arg0: i32, %arg1: i32, %arg2: memref<10240x128xf32, #tpu.memory_space<hbm>>, %arg3: memref<32x40x128xi32, #tpu.memory_space<hbm>>, %arg4: memref<163840x128xf32, #tpu.memory_space<hbm>>, %arg5: memref<40x128xi32, #tpu.memory_space<vmem>>, %arg6: memref<128x128xf32, #tpu.memory_space<vmem>>, %arg7: memref<128x128xf32, #tpu.memory_space<vmem>>, %arg8: memref<!tpu.dma_semaphore, #tpu.memory_space<semaphore_mem>>, %arg9: memref<!tpu.dma_semaphore, #tpu.memory_space<semaphore_mem>>, %arg10: memref<!tpu.dma_semaphore, #tpu.memory_space<semaphore_mem>>, %arg11: memref<!tpu.dma_semaphore, #tpu.memory_space<semaphore_mem>>, %arg12: memref<10240x128xf32, #tpu.memory_space<vmem_shared>>) attributes {dimension_semantics = [#tpu.dimension_semantics<core_parallel>, #tpu.dimension_semantics<subcore_parallel>], iteration_bounds = array<i64: 2, 16>, scalar_prefetch = 0 : i64, scratch_operands = 8 : i64, tpu.core_type = #tpu.core_type<sc_vector_subcore>, window_params = [{transform_indices = #map}, {transform_indices = #map1}, {transform_indices = #map}]} {
    %mul3A = arith.constant 2 : i32
    %mul3A_0 = arith.muli %arg1, %mul3A : i32
    %add3A = arith.addi %mul3A_0, %arg0 : i32
    %mul3A_1 = arith.constant 5120 : i32
    %mul3A_2 = arith.muli %add3A, %mul3A_1 : i32
    %mul3A_3 = arith.constant 640 : i32
    %mul3A_4 = arith.muli %arg1, %mul3A_3 : i32
    %mul3A_5 = arith.constant 640 : i32
    %mul3A_6 = arith.muli %arg1, %mul3A_5 : i32
    "tpu.region"() ({
      %run_scoped3A = tpu.sem_alloc : memref<!tpu.dma_semaphore, #tpu.memory_space<semaphore_mem>>
      %dma_start3A_32 = arith.constant 0 : i32
      %dma_start3A_33 = tpu.memref_slice %arg12[%mul3A_6, %dma_start3A_32] : memref<10240x128xf32, #tpu.memory_space<vmem_shared>> -> memref<640x128xf32, #tpu.memory_space<vmem_shared>>
      %dma_start3A_34 = arith.constant 0 : i32
      %dma_start3A_35 = tpu.memref_slice %arg2[%mul3A_4, %dma_start3A_34] : memref<10240x128xf32, #tpu.memory_space<hbm>> -> memref<640x128xf32, #tpu.memory_space<hbm>>
      tpu.enqueue_dma source(%dma_start3A_35 : memref<640x128xf32, #tpu.memory_space<hbm>>) target(%dma_start3A_33 : memref<640x128xf32, #tpu.memory_space<vmem_shared>>) target_semaphore(%run_scoped3A : memref<!tpu.dma_semaphore, #tpu.memory_space<semaphore_mem>>)
      %dma_wait3A_36 = arith.constant 0 : i32
      %dma_wait3A_37 = tpu.memref_slice %arg12[%mul3A_6, %dma_wait3A_36] : memref<10240x128xf32, #tpu.memory_space<vmem_shared>> -> memref<640x128xf32, #tpu.memory_space<vmem_shared>>
      %dma_wait3A_38 = arith.constant 0 : i32
      %dma_wait3A_39 = tpu.memref_slice %arg2[%mul3A_4, %dma_wait3A_38] : memref<10240x128xf32, #tpu.memory_space<hbm>> -> memref<640x128xf32, #tpu.memory_space<hbm>>
      tpu.wait_dma2 semaphore(%run_scoped3A : memref<!tpu.dma_semaphore, #tpu.memory_space<semaphore_mem>>) src(%dma_wait3A_39 : memref<640x128xf32, #tpu.memory_space<hbm>>) dst(%dma_wait3A_37 : memref<640x128xf32, #tpu.memory_space<vmem_shared>>)
      tpu.yield
    }) : () -> ()
    "tpu.region"() ({
      %run_scoped3A = tpu.sem_alloc : memref<!tpu.dma_semaphore, #tpu.memory_space<semaphore_mem>>
      %dma_start3A_32 = arith.constant 0 : i32
      %dma_start3A_33 = arith.constant 0 : i32
      %dma_start3A_34 = tpu.memref_slice %arg3[%add3A, %dma_start3A_32, %dma_start3A_33] : memref<32x40x128xi32, #tpu.memory_space<hbm>> -> memref<1x40x128xi32, #tpu.memory_space<hbm>>
      %dma_start3A_35 = tpu.memref_squeeze %dma_start3A_34 : memref<1x40x128xi32, #tpu.memory_space<hbm>> -> memref<40x128xi32, #tpu.memory_space<hbm>>
      %dma_start3A_36 = arith.constant 0 : i32
      %dma_start3A_37 = arith.constant 0 : i32
      %dma_start3A_38 = tpu.memref_slice %arg3[%add3A, %dma_start3A_36, %dma_start3A_37] : memref<32x40x128xi32, #tpu.memory_space<hbm>> -> memref<1x40x128xi32, #tpu.memory_space<hbm>>
      %dma_start3A_39 = tpu.memref_squeeze %dma_start3A_38 : memref<1x40x128xi32, #tpu.memory_space<hbm>> -> memref<40x128xi32, #tpu.memory_space<hbm>>
      tpu.enqueue_dma source(%dma_start3A_39 : memref<40x128xi32, #tpu.memory_space<hbm>>) target(%arg5 : memref<40x128xi32, #tpu.memory_space<vmem>>) target_semaphore(%run_scoped3A : memref<!tpu.dma_semaphore, #tpu.memory_space<semaphore_mem>>)
      %dma_wait3A_40 = arith.constant 0 : i32
      %dma_wait3A_41 = arith.constant 0 : i32
      %dma_wait3A_42 = tpu.memref_slice %arg3[%add3A, %dma_wait3A_40, %dma_wait3A_41] : memref<32x40x128xi32, #tpu.memory_space<hbm>> -> memref<1x40x128xi32, #tpu.memory_space<hbm>>
      %dma_wait3A_43 = tpu.memref_squeeze %dma_wait3A_42 : memref<1x40x128xi32, #tpu.memory_space<hbm>> -> memref<40x128xi32, #tpu.memory_space<hbm>>
      %dma_wait3A_44 = arith.constant 0 : i32
      %dma_wait3A_45 = arith.constant 0 : i32
      %dma_wait3A_46 = tpu.memref_slice %arg3[%add3A, %dma_wait3A_44, %dma_wait3A_45] : memref<32x40x128xi32, #tpu.memory_space<hbm>> -> memref<1x40x128xi32, #tpu.memory_space<hbm>>
      %dma_wait3A_47 = tpu.memref_squeeze %dma_wait3A_46 : memref<1x40x128xi32, #tpu.memory_space<hbm>> -> memref<40x128xi32, #tpu.memory_space<hbm>>
      tpu.wait_dma2 semaphore(%run_scoped3A : memref<!tpu.dma_semaphore, #tpu.memory_space<semaphore_mem>>) src(%dma_wait3A_47 : memref<40x128xi32, #tpu.memory_space<hbm>>) dst(%arg5 : memref<40x128xi32, #tpu.memory_space<vmem>>)
      tpu.yield
    }) : () -> ()
    %barrier3A = arith.constant 0 : index
    tpu.barrier barrier_id(%barrier3A)
    %dma_start3A = arith.constant 0 : i32
    %dma_start3A_7 = arith.constant 0 : i32
    %dma_start3A_8 = tpu.memref_slice %arg5[%dma_start3A, %dma_start3A_7] : memref<40x128xi32, #tpu.memory_space<vmem>> -> memref<1x128xi32, #tpu.memory_space<vmem>>
    %dma_start3A_9 = tpu.memref_squeeze %dma_start3A_8 : memref<1x128xi32, #tpu.memory_space<vmem>> -> memref<128xi32, #tpu.memory_space<vmem>>
    %dma_start3A_10 = arith.constant 0 : i32
    %dma_start3A_11 = arith.constant 0 : i32
    %dma_start3A_12 = tpu.memref_slice %arg12[%dma_start3A_10, %dma_start3A_11] : memref<10240x128xf32, #tpu.memory_space<vmem_shared>> -> memref<10240x128xf32, #tpu.memory_space<vmem_shared>>
    tpu.enqueue_indirect_dma source(%dma_start3A_12 : memref<10240x128xf32, #tpu.memory_space<vmem_shared>>) target(%arg6 : memref<128x128xf32, #tpu.memory_space<vmem>>) offsets(%dma_start3A_9 : memref<128xi32, #tpu.memory_space<vmem>>) semaphore(%arg8 : memref<!tpu.dma_semaphore, #tpu.memory_space<semaphore_mem>>)
    %dma_start3A_13 = arith.constant 1 : i32
    %dma_start3A_14 = arith.constant 0 : i32
    %dma_start3A_15 = tpu.memref_slice %arg5[%dma_start3A_13, %dma_start3A_14] : memref<40x128xi32, #tpu.memory_space<vmem>> -> memref<1x128xi32, #tpu.memory_space<vmem>>
    %dma_start3A_16 = tpu.memref_squeeze %dma_start3A_15 : memref<1x128xi32, #tpu.memory_space<vmem>> -> memref<128xi32, #tpu.memory_space<vmem>>
    %dma_start3A_17 = arith.constant 0 : i32
    %dma_start3A_18 = arith.constant 0 : i32
    %dma_start3A_19 = tpu.memref_slice %arg12[%dma_start3A_17, %dma_start3A_18] : memref<10240x128xf32, #tpu.memory_space<vmem_shared>> -> memref<10240x128xf32, #tpu.memory_space<vmem_shared>>
    tpu.enqueue_indirect_dma source(%dma_start3A_19 : memref<10240x128xf32, #tpu.memory_space<vmem_shared>>) target(%arg7 : memref<128x128xf32, #tpu.memory_space<vmem>>) offsets(%dma_start3A_16 : memref<128xi32, #tpu.memory_space<vmem>>) semaphore(%arg9 : memref<!tpu.dma_semaphore, #tpu.memory_space<semaphore_mem>>)
    %scan3A = arith.constant 0 : i32
    %scan3A_20 = arith.constant 0 : i32
    %scan3A_21 = arith.constant 20 : i32
    %scan3A_22 = arith.addi %scan3A_20, %scan3A_21 : i32
    %scan3A_23 = arith.constant 1 : i32
    scf.for %scan3A_32 = %scan3A_20 to %scan3A_22 step %scan3A_23  : i32 {
      %mul3A_33 = arith.constant 2 : i32
      %mul3A_34 = arith.muli %scan3A_32, %mul3A_33 : i32
      %add3A_35 = arith.constant 0 : i32
      %add3A_36 = arith.addi %mul3A_34, %add3A_35 : i32
      %dma_wait3A_37 = arith.constant 0 : i32
      %dma_wait3A_38 = tpu.memref_slice %arg5[%add3A_36, %dma_wait3A_37] : memref<40x128xi32, #tpu.memory_space<vmem>> -> memref<1x128xi32, #tpu.memory_space<vmem>>
      %dma_wait3A_39 = tpu.memref_squeeze %dma_wait3A_38 : memref<1x128xi32, #tpu.memory_space<vmem>> -> memref<128xi32, #tpu.memory_space<vmem>>
      %dma_wait3A_40 = arith.constant 0 : i32
      %dma_wait3A_41 = arith.constant 0 : i32
      %dma_wait3A_42 = tpu.memref_slice %arg12[%dma_wait3A_40, %dma_wait3A_41] : memref<10240x128xf32, #tpu.memory_space<vmem_shared>> -> memref<10240x128xf32, #tpu.memory_space<vmem_shared>>
      tpu.wait_indirect_dma semaphore(%arg8 : memref<!tpu.dma_semaphore, #tpu.memory_space<semaphore_mem>>) src(%dma_wait3A_42 : memref<10240x128xf32, #tpu.memory_space<vmem_shared>>) dst(%arg6 : memref<128x128xf32, #tpu.memory_space<vmem>>)
      %mul3A_43 = arith.constant 128 : i32
      %mul3A_44 = arith.muli %add3A_36, %mul3A_43 : i32
      %add3A_45 = arith.addi %mul3A_2, %mul3A_44 : i32
      %dma_start3A_46 = arith.constant 0 : i32
      %dma_start3A_47 = tpu.memref_slice %arg4[%add3A_45, %dma_start3A_46] : memref<163840x128xf32, #tpu.memory_space<hbm>> -> memref<128x128xf32, #tpu.memory_space<hbm>>
      %dma_start3A_48 = arith.constant 0 : i32
      %dma_start3A_49 = tpu.memref_slice %arg4[%add3A_45, %dma_start3A_48] : memref<163840x128xf32, #tpu.memory_space<hbm>> -> memref<128x128xf32, #tpu.memory_space<hbm>>
      tpu.enqueue_dma source(%arg6 : memref<128x128xf32, #tpu.memory_space<vmem>>) target(%dma_start3A_49 : memref<128x128xf32, #tpu.memory_space<hbm>>) target_semaphore(%arg10 : memref<!tpu.dma_semaphore, #tpu.memory_space<semaphore_mem>>)
      %mul3A_50 = arith.constant 2 : i32
      %mul3A_51 = arith.muli %scan3A_32, %mul3A_50 : i32
      %add3A_52 = arith.constant 1 : i32
      %add3A_53 = arith.addi %mul3A_51, %add3A_52 : i32
      %dma_wait3A_54 = arith.constant 0 : i32
      %dma_wait3A_55 = tpu.memref_slice %arg5[%add3A_53, %dma_wait3A_54] : memref<40x128xi32, #tpu.memory_space<vmem>> -> memref<1x128xi32, #tpu.memory_space<vmem>>
      %dma_wait3A_56 = tpu.memref_squeeze %dma_wait3A_55 : memref<1x128xi32, #tpu.memory_space<vmem>> -> memref<128xi32, #tpu.memory_space<vmem>>
      %dma_wait3A_57 = arith.constant 0 : i32
      %dma_wait3A_58 = arith.constant 0 : i32
      %dma_wait3A_59 = tpu.memref_slice %arg12[%dma_wait3A_57, %dma_wait3A_58] : memref<10240x128xf32, #tpu.memory_space<vmem_shared>> -> memref<10240x128xf32, #tpu.memory_space<vmem_shared>>
      tpu.wait_indirect_dma semaphore(%arg9 : memref<!tpu.dma_semaphore, #tpu.memory_space<semaphore_mem>>) src(%dma_wait3A_59 : memref<10240x128xf32, #tpu.memory_space<vmem_shared>>) dst(%arg7 : memref<128x128xf32, #tpu.memory_space<vmem>>)
      %mul3A_60 = arith.constant 128 : i32
      %mul3A_61 = arith.muli %add3A_53, %mul3A_60 : i32
      %add3A_62 = arith.addi %mul3A_2, %mul3A_61 : i32
      %dma_start3A_63 = arith.constant 0 : i32
      %dma_start3A_64 = tpu.memref_slice %arg4[%add3A_62, %dma_start3A_63] : memref<163840x128xf32, #tpu.memory_space<hbm>> -> memref<128x128xf32, #tpu.memory_space<hbm>>
      %dma_start3A_65 = arith.constant 0 : i32
      %dma_start3A_66 = tpu.memref_slice %arg4[%add3A_62, %dma_start3A_65] : memref<163840x128xf32, #tpu.memory_space<hbm>> -> memref<128x128xf32, #tpu.memory_space<hbm>>
      tpu.enqueue_dma source(%arg7 : memref<128x128xf32, #tpu.memory_space<vmem>>) target(%dma_start3A_66 : memref<128x128xf32, #tpu.memory_space<hbm>>) target_semaphore(%arg11 : memref<!tpu.dma_semaphore, #tpu.memory_space<semaphore_mem>>)
      %add3A_67 = arith.constant 1 : i32
      %add3A_68 = arith.addi %scan3A_32, %add3A_67 : i32
      %mul3A_69 = arith.constant 2 : i32
      %mul3A_70 = arith.muli %add3A_68, %mul3A_69 : i32
      %add3A_71 = arith.constant 0 : i32
      %add3A_72 = arith.addi %mul3A_70, %add3A_71 : i32
      %lt3A = arith.constant 40 : i32
      %lt3A_73 = arith.cmpi slt, %add3A_72, %lt3A : i32
      %convert_element_type3A = arith.extui %lt3A_73 : i1 to i32
      %cond3A = arith.constant 0 : i32
      %cond3A_74 = arith.cmpi ne, %convert_element_type3A, %cond3A : i32
      scf.if %cond3A_74 {
        %dma_wait3A_86 = arith.constant 0 : i32
        %dma_wait3A_87 = tpu.memref_slice %arg4[%mul3A_2, %dma_wait3A_86] : memref<163840x128xf32, #tpu.memory_space<hbm>> -> memref<128x128xf32, #tpu.memory_space<hbm>>
        %dma_wait3A_88 = arith.constant 0 : i32
        %dma_wait3A_89 = tpu.memref_slice %arg4[%mul3A_2, %dma_wait3A_88] : memref<163840x128xf32, #tpu.memory_space<hbm>> -> memref<128x128xf32, #tpu.memory_space<hbm>>
        tpu.wait_dma2 semaphore(%arg10 : memref<!tpu.dma_semaphore, #tpu.memory_space<semaphore_mem>>) src(%arg6 : memref<128x128xf32, #tpu.memory_space<vmem>>) dst(%dma_wait3A_89 : memref<128x128xf32, #tpu.memory_space<hbm>>)
        %dma_start3A_90 = arith.constant 0 : i32
        %dma_start3A_91 = tpu.memref_slice %arg5[%add3A_72, %dma_start3A_90] : memref<40x128xi32, #tpu.memory_space<vmem>> -> memref<1x128xi32, #tpu.memory_space<vmem>>
        %dma_start3A_92 = tpu.memref_squeeze %dma_start3A_91 : memref<1x128xi32, #tpu.memory_space<vmem>> -> memref<128xi32, #tpu.memory_space<vmem>>
        %dma_start3A_93 = arith.constant 0 : i32
        %dma_start3A_94 = arith.constant 0 : i32
        %dma_start3A_95 = tpu.memref_slice %arg12[%dma_start3A_93, %dma_start3A_94] : memref<10240x128xf32, #tpu.memory_space<vmem_shared>> -> memref<10240x128xf32, #tpu.memory_space<vmem_shared>>
        tpu.enqueue_indirect_dma source(%dma_start3A_95 : memref<10240x128xf32, #tpu.memory_space<vmem_shared>>) target(%arg6 : memref<128x128xf32, #tpu.memory_space<vmem>>) offsets(%dma_start3A_92 : memref<128xi32, #tpu.memory_space<vmem>>) semaphore(%arg8 : memref<!tpu.dma_semaphore, #tpu.memory_space<semaphore_mem>>)
      } else {
      }
      %add3A_75 = arith.constant 1 : i32
      %add3A_76 = arith.addi %scan3A_32, %add3A_75 : i32
      %mul3A_77 = arith.constant 2 : i32
      %mul3A_78 = arith.muli %add3A_76, %mul3A_77 : i32
      %add3A_79 = arith.constant 1 : i32
      %add3A_80 = arith.addi %mul3A_78, %add3A_79 : i32
      %lt3A_81 = arith.constant 40 : i32
      %lt3A_82 = arith.cmpi slt, %add3A_80, %lt3A_81 : i32
      %convert_element_type3A_83 = arith.extui %lt3A_82 : i1 to i32
      %cond3A_84 = arith.constant 0 : i32
      %cond3A_85 = arith.cmpi ne, %convert_element_type3A_83, %cond3A_84 : i32
      scf.if %cond3A_85 {
        %dma_wait3A_86 = arith.constant 0 : i32
        %dma_wait3A_87 = tpu.memref_slice %arg4[%mul3A_2, %dma_wait3A_86] : memref<163840x128xf32, #tpu.memory_space<hbm>> -> memref<128x128xf32, #tpu.memory_space<hbm>>
        %dma_wait3A_88 = arith.constant 0 : i32
        %dma_wait3A_89 = tpu.memref_slice %arg4[%mul3A_2, %dma_wait3A_88] : memref<163840x128xf32, #tpu.memory_space<hbm>> -> memref<128x128xf32, #tpu.memory_space<hbm>>
        tpu.wait_dma2 semaphore(%arg11 : memref<!tpu.dma_semaphore, #tpu.memory_space<semaphore_mem>>) src(%arg7 : memref<128x128xf32, #tpu.memory_space<vmem>>) dst(%dma_wait3A_89 : memref<128x128xf32, #tpu.memory_space<hbm>>)
        %dma_start3A_90 = arith.constant 0 : i32
        %dma_start3A_91 = tpu.memref_slice %arg5[%add3A_80, %dma_start3A_90] : memref<40x128xi32, #tpu.memory_space<vmem>> -> memref<1x128xi32, #tpu.memory_space<vmem>>
        %dma_start3A_92 = tpu.memref_squeeze %dma_start3A_91 : memref<1x128xi32, #tpu.memory_space<vmem>> -> memref<128xi32, #tpu.memory_space<vmem>>
        %dma_start3A_93 = arith.constant 0 : i32
        %dma_start3A_94 = arith.constant 0 : i32
        %dma_start3A_95 = tpu.memref_slice %arg12[%dma_start3A_93, %dma_start3A_94] : memref<10240x128xf32, #tpu.memory_space<vmem_shared>> -> memref<10240x128xf32, #tpu.memory_space<vmem_shared>>
        tpu.enqueue_indirect_dma source(%dma_start3A_95 : memref<10240x128xf32, #tpu.memory_space<vmem_shared>>) target(%arg7 : memref<128x128xf32, #tpu.memory_space<vmem>>) offsets(%dma_start3A_92 : memref<128xi32, #tpu.memory_space<vmem>>) semaphore(%arg9 : memref<!tpu.dma_semaphore, #tpu.memory_space<semaphore_mem>>)
      } else {
      }
    }
    %scan3A_24 = arith.constant 20 : i32
    %dma_wait3A = arith.constant 0 : i32
    %dma_wait3A_25 = tpu.memref_slice %arg4[%mul3A_2, %dma_wait3A] : memref<163840x128xf32, #tpu.memory_space<hbm>> -> memref<128x128xf32, #tpu.memory_space<hbm>>
    %dma_wait3A_26 = arith.constant 0 : i32
    %dma_wait3A_27 = tpu.memref_slice %arg4[%mul3A_2, %dma_wait3A_26] : memref<163840x128xf32, #tpu.memory_space<hbm>> -> memref<128x128xf32, #tpu.memory_space<hbm>>
    tpu.wait_dma2 semaphore(%arg10 : memref<!tpu.dma_semaphore, #tpu.memory_space<semaphore_mem>>) src(%arg6 : memref<128x128xf32, #tpu.memory_space<vmem>>) dst(%dma_wait3A_27 : memref<128x128xf32, #tpu.memory_space<hbm>>)
    %dma_wait3A_28 = arith.constant 0 : i32
    %dma_wait3A_29 = tpu.memref_slice %arg4[%mul3A_2, %dma_wait3A_28] : memref<163840x128xf32, #tpu.memory_space<hbm>> -> memref<128x128xf32, #tpu.memory_space<hbm>>
    %dma_wait3A_30 = arith.constant 0 : i32
    %dma_wait3A_31 = tpu.memref_slice %arg4[%mul3A_2, %dma_wait3A_30] : memref<163840x128xf32, #tpu.memory_space<hbm>> -> memref<128x128xf32, #tpu.memory_space<hbm>>
    tpu.wait_dma2 semaphore(%arg11 : memref<!tpu.dma_semaphore, #tpu.memory_space<semaphore_mem>>) src(%arg7 : memref<128x128xf32, #tpu.memory_space<vmem>>) dst(%dma_wait3A_31 : memref<128x128xf32, #tpu.memory_space<hbm>>)
    return
  }
}

#map = affine_map<(d0, d1) -> (0, 0)>
#map1 = affine_map<(d0, d1) -> (0, 0, 0)>
module attributes {stable_mosaic.version = 14 : i64} {
  func.func @k(%arg0: i32, %arg1: i32, %arg2: memref<163840x128xf32, #tpu.memory_space<hbm>>, %arg3: memref<32x40x128xi32, #tpu.memory_space<hbm>>, %arg4: memref<10240x128xf32, #tpu.memory_space<hbm>>, %arg5: memref<20480x128xf32, #tpu.memory_space<hbm>>, %arg6: memref<40x128xi32, #tpu.memory_space<vmem>>, %arg7: memref<128x128xf32, #tpu.memory_space<vmem>>, %arg8: memref<128x128xf32, #tpu.memory_space<vmem>>, %arg9: memref<!tpu.dma_semaphore, #tpu.memory_space<semaphore_mem>>, %arg10: memref<!tpu.dma_semaphore, #tpu.memory_space<semaphore_mem>>, %arg11: memref<!tpu.dma_semaphore, #tpu.memory_space<semaphore_mem>>, %arg12: memref<!tpu.dma_semaphore, #tpu.memory_space<semaphore_mem>>, %arg13: memref<10240x128xf32, #tpu.memory_space<vmem_shared>>) attributes {dimension_semantics = [#tpu.dimension_semantics<core_parallel>, #tpu.dimension_semantics<subcore_parallel>], iteration_bounds = array<i64: 2, 16>, scalar_prefetch = 0 : i64, scratch_operands = 8 : i64, tpu.core_type = #tpu.core_type<sc_vector_subcore>, window_params = [{transform_indices = #map}, {transform_indices = #map1}, {transform_indices = #map}, {transform_indices = #map}]} {
    %mul3A = arith.constant 2 : i32
    %mul3A_0 = arith.muli %arg1, %mul3A : i32
    %add3A = arith.addi %mul3A_0, %arg0 : i32
    %mul3A_1 = arith.constant 5120 : i32
    %mul3A_2 = arith.muli %add3A, %mul3A_1 : i32
    %mul3A_3 = arith.constant 640 : i32
    %mul3A_4 = arith.muli %arg1, %mul3A_3 : i32
    %mul3A_5 = arith.constant 640 : i32
    %mul3A_6 = arith.muli %arg1, %mul3A_5 : i32
    "tpu.region"() ({
      %run_scoped3A = tpu.sem_alloc : memref<!tpu.dma_semaphore, #tpu.memory_space<semaphore_mem>>
      %dma_start3A_44 = arith.constant 0 : i32
      %dma_start3A_45 = tpu.memref_slice %arg13[%mul3A_6, %dma_start3A_44] : memref<10240x128xf32, #tpu.memory_space<vmem_shared>> -> memref<640x128xf32, #tpu.memory_space<vmem_shared>>
      %dma_start3A_46 = arith.constant 0 : i32
      %dma_start3A_47 = tpu.memref_slice %arg4[%mul3A_4, %dma_start3A_46] : memref<10240x128xf32, #tpu.memory_space<hbm>> -> memref<640x128xf32, #tpu.memory_space<hbm>>
      tpu.enqueue_dma source(%dma_start3A_47 : memref<640x128xf32, #tpu.memory_space<hbm>>) target(%dma_start3A_45 : memref<640x128xf32, #tpu.memory_space<vmem_shared>>) target_semaphore(%run_scoped3A : memref<!tpu.dma_semaphore, #tpu.memory_space<semaphore_mem>>)
      %dma_wait3A_48 = arith.constant 0 : i32
      %dma_wait3A_49 = tpu.memref_slice %arg13[%mul3A_6, %dma_wait3A_48] : memref<10240x128xf32, #tpu.memory_space<vmem_shared>> -> memref<640x128xf32, #tpu.memory_space<vmem_shared>>
      %dma_wait3A_50 = arith.constant 0 : i32
      %dma_wait3A_51 = tpu.memref_slice %arg4[%mul3A_4, %dma_wait3A_50] : memref<10240x128xf32, #tpu.memory_space<hbm>> -> memref<640x128xf32, #tpu.memory_space<hbm>>
      tpu.wait_dma2 semaphore(%run_scoped3A : memref<!tpu.dma_semaphore, #tpu.memory_space<semaphore_mem>>) src(%dma_wait3A_51 : memref<640x128xf32, #tpu.memory_space<hbm>>) dst(%dma_wait3A_49 : memref<640x128xf32, #tpu.memory_space<vmem_shared>>)
      tpu.yield
    }) : () -> ()
    "tpu.region"() ({
      %run_scoped3A = tpu.sem_alloc : memref<!tpu.dma_semaphore, #tpu.memory_space<semaphore_mem>>
      %dma_start3A_44 = arith.constant 0 : i32
      %dma_start3A_45 = arith.constant 0 : i32
      %dma_start3A_46 = tpu.memref_slice %arg3[%add3A, %dma_start3A_44, %dma_start3A_45] : memref<32x40x128xi32, #tpu.memory_space<hbm>> -> memref<1x40x128xi32, #tpu.memory_space<hbm>>
      %dma_start3A_47 = tpu.memref_squeeze %dma_start3A_46 : memref<1x40x128xi32, #tpu.memory_space<hbm>> -> memref<40x128xi32, #tpu.memory_space<hbm>>
      %dma_start3A_48 = arith.constant 0 : i32
      %dma_start3A_49 = arith.constant 0 : i32
      %dma_start3A_50 = tpu.memref_slice %arg3[%add3A, %dma_start3A_48, %dma_start3A_49] : memref<32x40x128xi32, #tpu.memory_space<hbm>> -> memref<1x40x128xi32, #tpu.memory_space<hbm>>
      %dma_start3A_51 = tpu.memref_squeeze %dma_start3A_50 : memref<1x40x128xi32, #tpu.memory_space<hbm>> -> memref<40x128xi32, #tpu.memory_space<hbm>>
      tpu.enqueue_dma source(%dma_start3A_51 : memref<40x128xi32, #tpu.memory_space<hbm>>) target(%arg6 : memref<40x128xi32, #tpu.memory_space<vmem>>) target_semaphore(%run_scoped3A : memref<!tpu.dma_semaphore, #tpu.memory_space<semaphore_mem>>)
      %dma_wait3A_52 = arith.constant 0 : i32
      %dma_wait3A_53 = arith.constant 0 : i32
      %dma_wait3A_54 = tpu.memref_slice %arg3[%add3A, %dma_wait3A_52, %dma_wait3A_53] : memref<32x40x128xi32, #tpu.memory_space<hbm>> -> memref<1x40x128xi32, #tpu.memory_space<hbm>>
      %dma_wait3A_55 = tpu.memref_squeeze %dma_wait3A_54 : memref<1x40x128xi32, #tpu.memory_space<hbm>> -> memref<40x128xi32, #tpu.memory_space<hbm>>
      %dma_wait3A_56 = arith.constant 0 : i32
      %dma_wait3A_57 = arith.constant 0 : i32
      %dma_wait3A_58 = tpu.memref_slice %arg3[%add3A, %dma_wait3A_56, %dma_wait3A_57] : memref<32x40x128xi32, #tpu.memory_space<hbm>> -> memref<1x40x128xi32, #tpu.memory_space<hbm>>
      %dma_wait3A_59 = tpu.memref_squeeze %dma_wait3A_58 : memref<1x40x128xi32, #tpu.memory_space<hbm>> -> memref<40x128xi32, #tpu.memory_space<hbm>>
      tpu.wait_dma2 semaphore(%run_scoped3A : memref<!tpu.dma_semaphore, #tpu.memory_space<semaphore_mem>>) src(%dma_wait3A_59 : memref<40x128xi32, #tpu.memory_space<hbm>>) dst(%arg6 : memref<40x128xi32, #tpu.memory_space<vmem>>)
      tpu.yield
    }) : () -> ()
    %barrier3A = arith.constant 0 : index
    tpu.barrier barrier_id(%barrier3A)
    %add3A_7 = arith.constant 0 : i32
    %add3A_8 = arith.addi %mul3A_2, %add3A_7 : i32
    %dma_start3A = arith.constant 0 : i32
    %dma_start3A_9 = tpu.memref_slice %arg2[%add3A_8, %dma_start3A] : memref<163840x128xf32, #tpu.memory_space<hbm>> -> memref<128x128xf32, #tpu.memory_space<hbm>>
    %dma_start3A_10 = arith.constant 0 : i32
    %dma_start3A_11 = tpu.memref_slice %arg2[%add3A_8, %dma_start3A_10] : memref<163840x128xf32, #tpu.memory_space<hbm>> -> memref<128x128xf32, #tpu.memory_space<hbm>>
    tpu.enqueue_dma source(%dma_start3A_11 : memref<128x128xf32, #tpu.memory_space<hbm>>) target(%arg7 : memref<128x128xf32, #tpu.memory_space<vmem>>) target_semaphore(%arg9 : memref<!tpu.dma_semaphore, #tpu.memory_space<semaphore_mem>>)
    %add3A_12 = arith.constant 128 : i32
    %add3A_13 = arith.addi %mul3A_2, %add3A_12 : i32
    %dma_start3A_14 = arith.constant 0 : i32
    %dma_start3A_15 = tpu.memref_slice %arg2[%add3A_13, %dma_start3A_14] : memref<163840x128xf32, #tpu.memory_space<hbm>> -> memref<128x128xf32, #tpu.memory_space<hbm>>
    %dma_start3A_16 = arith.constant 0 : i32
    %dma_start3A_17 = tpu.memref_slice %arg2[%add3A_13, %dma_start3A_16] : memref<163840x128xf32, #tpu.memory_space<hbm>> -> memref<128x128xf32, #tpu.memory_space<hbm>>
    tpu.enqueue_dma source(%dma_start3A_17 : memref<128x128xf32, #tpu.memory_space<hbm>>) target(%arg8 : memref<128x128xf32, #tpu.memory_space<vmem>>) target_semaphore(%arg10 : memref<!tpu.dma_semaphore, #tpu.memory_space<semaphore_mem>>)
    %scan3A = arith.constant 0 : i32
    %scan3A_18 = arith.constant 0 : i32
    %scan3A_19 = arith.constant 20 : i32
    %scan3A_20 = arith.addi %scan3A_18, %scan3A_19 : i32
    %scan3A_21 = arith.constant 1 : i32
    scf.for %scan3A_44 = %scan3A_18 to %scan3A_20 step %scan3A_21  : i32 {
      %mul3A_45 = arith.constant 2 : i32
      %mul3A_46 = arith.muli %scan3A_44, %mul3A_45 : i32
      %add3A_47 = arith.constant 0 : i32
      %add3A_48 = arith.addi %mul3A_46, %add3A_47 : i32
      %dma_wait3A_49 = arith.constant 0 : i32
      %dma_wait3A_50 = tpu.memref_slice %arg2[%mul3A_2, %dma_wait3A_49] : memref<163840x128xf32, #tpu.memory_space<hbm>> -> memref<128x128xf32, #tpu.memory_space<hbm>>
      %dma_wait3A_51 = arith.constant 0 : i32
      %dma_wait3A_52 = tpu.memref_slice %arg2[%mul3A_2, %dma_wait3A_51] : memref<163840x128xf32, #tpu.memory_space<hbm>> -> memref<128x128xf32, #tpu.memory_space<hbm>>
      tpu.wait_dma2 semaphore(%arg9 : memref<!tpu.dma_semaphore, #tpu.memory_space<semaphore_mem>>) src(%dma_wait3A_52 : memref<128x128xf32, #tpu.memory_space<hbm>>) dst(%arg7 : memref<128x128xf32, #tpu.memory_space<vmem>>)
      %dma_start3A_53 = arith.constant 0 : i32
      %dma_start3A_54 = tpu.memref_slice %arg6[%add3A_48, %dma_start3A_53] : memref<40x128xi32, #tpu.memory_space<vmem>> -> memref<1x128xi32, #tpu.memory_space<vmem>>
      %dma_start3A_55 = tpu.memref_squeeze %dma_start3A_54 : memref<1x128xi32, #tpu.memory_space<vmem>> -> memref<128xi32, #tpu.memory_space<vmem>>
      %dma_start3A_56 = arith.constant 0 : i32
      %dma_start3A_57 = arith.constant 0 : i32
      %dma_start3A_58 = tpu.memref_slice %arg13[%dma_start3A_56, %dma_start3A_57] : memref<10240x128xf32, #tpu.memory_space<vmem_shared>> -> memref<10240x128xf32, #tpu.memory_space<vmem_shared>>
      tpu.enqueue_indirect_dma source(%arg7 : memref<128x128xf32, #tpu.memory_space<vmem>>) target(%dma_start3A_58 : memref<10240x128xf32, #tpu.memory_space<vmem_shared>>) offsets(%dma_start3A_55 : memref<128xi32, #tpu.memory_space<vmem>>) semaphore(%arg11 : memref<!tpu.dma_semaphore, #tpu.memory_space<semaphore_mem>>) {add = true}
      %mul3A_59 = arith.constant 2 : i32
      %mul3A_60 = arith.muli %scan3A_44, %mul3A_59 : i32
      %add3A_61 = arith.constant 1 : i32
      %add3A_62 = arith.addi %mul3A_60, %add3A_61 : i32
      %dma_wait3A_63 = arith.constant 0 : i32
      %dma_wait3A_64 = tpu.memref_slice %arg2[%mul3A_2, %dma_wait3A_63] : memref<163840x128xf32, #tpu.memory_space<hbm>> -> memref<128x128xf32, #tpu.memory_space<hbm>>
      %dma_wait3A_65 = arith.constant 0 : i32
      %dma_wait3A_66 = tpu.memref_slice %arg2[%mul3A_2, %dma_wait3A_65] : memref<163840x128xf32, #tpu.memory_space<hbm>> -> memref<128x128xf32, #tpu.memory_space<hbm>>
      tpu.wait_dma2 semaphore(%arg10 : memref<!tpu.dma_semaphore, #tpu.memory_space<semaphore_mem>>) src(%dma_wait3A_66 : memref<128x128xf32, #tpu.memory_space<hbm>>) dst(%arg8 : memref<128x128xf32, #tpu.memory_space<vmem>>)
      %dma_start3A_67 = arith.constant 0 : i32
      %dma_start3A_68 = tpu.memref_slice %arg6[%add3A_62, %dma_start3A_67] : memref<40x128xi32, #tpu.memory_space<vmem>> -> memref<1x128xi32, #tpu.memory_space<vmem>>
      %dma_start3A_69 = tpu.memref_squeeze %dma_start3A_68 : memref<1x128xi32, #tpu.memory_space<vmem>> -> memref<128xi32, #tpu.memory_space<vmem>>
      %dma_start3A_70 = arith.constant 0 : i32
      %dma_start3A_71 = arith.constant 0 : i32
      %dma_start3A_72 = tpu.memref_slice %arg13[%dma_start3A_70, %dma_start3A_71] : memref<10240x128xf32, #tpu.memory_space<vmem_shared>> -> memref<10240x128xf32, #tpu.memory_space<vmem_shared>>
      tpu.enqueue_indirect_dma source(%arg8 : memref<128x128xf32, #tpu.memory_space<vmem>>) target(%dma_start3A_72 : memref<10240x128xf32, #tpu.memory_space<vmem_shared>>) offsets(%dma_start3A_69 : memref<128xi32, #tpu.memory_space<vmem>>) semaphore(%arg12 : memref<!tpu.dma_semaphore, #tpu.memory_space<semaphore_mem>>) {add = true}
      %add3A_73 = arith.constant 1 : i32
      %add3A_74 = arith.addi %scan3A_44, %add3A_73 : i32
      %mul3A_75 = arith.constant 2 : i32
      %mul3A_76 = arith.muli %add3A_74, %mul3A_75 : i32
      %add3A_77 = arith.constant 0 : i32
      %add3A_78 = arith.addi %mul3A_76, %add3A_77 : i32
      %lt3A = arith.constant 40 : i32
      %lt3A_79 = arith.cmpi slt, %add3A_78, %lt3A : i32
      %convert_element_type3A = arith.extui %lt3A_79 : i1 to i32
      %cond3A = arith.constant 0 : i32
      %cond3A_80 = arith.cmpi ne, %convert_element_type3A, %cond3A : i32
      scf.if %cond3A_80 {
        %dma_wait3A_92 = arith.constant 0 : i32
        %dma_wait3A_93 = arith.constant 0 : i32
        %dma_wait3A_94 = tpu.memref_slice %arg6[%dma_wait3A_92, %dma_wait3A_93] : memref<40x128xi32, #tpu.memory_space<vmem>> -> memref<1x128xi32, #tpu.memory_space<vmem>>
        %dma_wait3A_95 = tpu.memref_squeeze %dma_wait3A_94 : memref<1x128xi32, #tpu.memory_space<vmem>> -> memref<128xi32, #tpu.memory_space<vmem>>
        %dma_wait3A_96 = arith.constant 0 : i32
        %dma_wait3A_97 = arith.constant 0 : i32
        %dma_wait3A_98 = tpu.memref_slice %arg13[%dma_wait3A_96, %dma_wait3A_97] : memref<10240x128xf32, #tpu.memory_space<vmem_shared>> -> memref<10240x128xf32, #tpu.memory_space<vmem_shared>>
        tpu.wait_indirect_dma semaphore(%arg11 : memref<!tpu.dma_semaphore, #tpu.memory_space<semaphore_mem>>) src(%arg7 : memref<128x128xf32, #tpu.memory_space<vmem>>) dst(%dma_wait3A_98 : memref<10240x128xf32, #tpu.memory_space<vmem_shared>>)
        %mul3A_99 = arith.constant 128 : i32
        %mul3A_100 = arith.muli %add3A_78, %mul3A_99 : i32
        %add3A_101 = arith.addi %mul3A_2, %mul3A_100 : i32
        %dma_start3A_102 = arith.constant 0 : i32
        %dma_start3A_103 = tpu.memref_slice %arg2[%add3A_101, %dma_start3A_102] : memref<163840x128xf32, #tpu.memory_space<hbm>> -> memref<128x128xf32, #tpu.memory_space<hbm>>
        %dma_start3A_104 = arith.constant 0 : i32
        %dma_start3A_105 = tpu.memref_slice %arg2[%add3A_101, %dma_start3A_104] : memref<163840x128xf32, #tpu.memory_space<hbm>> -> memref<128x128xf32, #tpu.memory_space<hbm>>
        tpu.enqueue_dma source(%dma_start3A_105 : memref<128x128xf32, #tpu.memory_space<hbm>>) target(%arg7 : memref<128x128xf32, #tpu.memory_space<vmem>>) target_semaphore(%arg9 : memref<!tpu.dma_semaphore, #tpu.memory_space<semaphore_mem>>)
      } else {
      }
      %add3A_81 = arith.constant 1 : i32
      %add3A_82 = arith.addi %scan3A_44, %add3A_81 : i32
      %mul3A_83 = arith.constant 2 : i32
      %mul3A_84 = arith.muli %add3A_82, %mul3A_83 : i32
      %add3A_85 = arith.constant 1 : i32
      %add3A_86 = arith.addi %mul3A_84, %add3A_85 : i32
      %lt3A_87 = arith.constant 40 : i32
      %lt3A_88 = arith.cmpi slt, %add3A_86, %lt3A_87 : i32
      %convert_element_type3A_89 = arith.extui %lt3A_88 : i1 to i32
      %cond3A_90 = arith.constant 0 : i32
      %cond3A_91 = arith.cmpi ne, %convert_element_type3A_89, %cond3A_90 : i32
      scf.if %cond3A_91 {
        %dma_wait3A_92 = arith.constant 0 : i32
        %dma_wait3A_93 = arith.constant 0 : i32
        %dma_wait3A_94 = tpu.memref_slice %arg6[%dma_wait3A_92, %dma_wait3A_93] : memref<40x128xi32, #tpu.memory_space<vmem>> -> memref<1x128xi32, #tpu.memory_space<vmem>>
        %dma_wait3A_95 = tpu.memref_squeeze %dma_wait3A_94 : memref<1x128xi32, #tpu.memory_space<vmem>> -> memref<128xi32, #tpu.memory_space<vmem>>
        %dma_wait3A_96 = arith.constant 0 : i32
        %dma_wait3A_97 = arith.constant 0 : i32
        %dma_wait3A_98 = tpu.memref_slice %arg13[%dma_wait3A_96, %dma_wait3A_97] : memref<10240x128xf32, #tpu.memory_space<vmem_shared>> -> memref<10240x128xf32, #tpu.memory_space<vmem_shared>>
        tpu.wait_indirect_dma semaphore(%arg12 : memref<!tpu.dma_semaphore, #tpu.memory_space<semaphore_mem>>) src(%arg8 : memref<128x128xf32, #tpu.memory_space<vmem>>) dst(%dma_wait3A_98 : memref<10240x128xf32, #tpu.memory_space<vmem_shared>>)
        %mul3A_99 = arith.constant 128 : i32
        %mul3A_100 = arith.muli %add3A_86, %mul3A_99 : i32
        %add3A_101 = arith.addi %mul3A_2, %mul3A_100 : i32
        %dma_start3A_102 = arith.constant 0 : i32
        %dma_start3A_103 = tpu.memref_slice %arg2[%add3A_101, %dma_start3A_102] : memref<163840x128xf32, #tpu.memory_space<hbm>> -> memref<128x128xf32, #tpu.memory_space<hbm>>
        %dma_start3A_104 = arith.constant 0 : i32
        %dma_start3A_105 = tpu.memref_slice %arg2[%add3A_101, %dma_start3A_104] : memref<163840x128xf32, #tpu.memory_space<hbm>> -> memref<128x128xf32, #tpu.memory_space<hbm>>
        tpu.enqueue_dma source(%dma_start3A_105 : memref<128x128xf32, #tpu.memory_space<hbm>>) target(%arg8 : memref<128x128xf32, #tpu.memory_space<vmem>>) target_semaphore(%arg10 : memref<!tpu.dma_semaphore, #tpu.memory_space<semaphore_mem>>)
      } else {
      }
    }
    %scan3A_22 = arith.constant 20 : i32
    %dma_wait3A = arith.constant 0 : i32
    %dma_wait3A_23 = arith.constant 0 : i32
    %dma_wait3A_24 = tpu.memref_slice %arg6[%dma_wait3A, %dma_wait3A_23] : memref<40x128xi32, #tpu.memory_space<vmem>> -> memref<1x128xi32, #tpu.memory_space<vmem>>
    %dma_wait3A_25 = tpu.memref_squeeze %dma_wait3A_24 : memref<1x128xi32, #tpu.memory_space<vmem>> -> memref<128xi32, #tpu.memory_space<vmem>>
    %dma_wait3A_26 = arith.constant 0 : i32
    %dma_wait3A_27 = arith.constant 0 : i32
    %dma_wait3A_28 = tpu.memref_slice %arg13[%dma_wait3A_26, %dma_wait3A_27] : memref<10240x128xf32, #tpu.memory_space<vmem_shared>> -> memref<10240x128xf32, #tpu.memory_space<vmem_shared>>
    tpu.wait_indirect_dma semaphore(%arg11 : memref<!tpu.dma_semaphore, #tpu.memory_space<semaphore_mem>>) src(%arg7 : memref<128x128xf32, #tpu.memory_space<vmem>>) dst(%dma_wait3A_28 : memref<10240x128xf32, #tpu.memory_space<vmem_shared>>)
    %dma_wait3A_29 = arith.constant 0 : i32
    %dma_wait3A_30 = arith.constant 0 : i32
    %dma_wait3A_31 = tpu.memref_slice %arg6[%dma_wait3A_29, %dma_wait3A_30] : memref<40x128xi32, #tpu.memory_space<vmem>> -> memref<1x128xi32, #tpu.memory_space<vmem>>
    %dma_wait3A_32 = tpu.memref_squeeze %dma_wait3A_31 : memref<1x128xi32, #tpu.memory_space<vmem>> -> memref<128xi32, #tpu.memory_space<vmem>>
    %dma_wait3A_33 = arith.constant 0 : i32
    %dma_wait3A_34 = arith.constant 0 : i32
    %dma_wait3A_35 = tpu.memref_slice %arg13[%dma_wait3A_33, %dma_wait3A_34] : memref<10240x128xf32, #tpu.memory_space<vmem_shared>> -> memref<10240x128xf32, #tpu.memory_space<vmem_shared>>
    tpu.wait_indirect_dma semaphore(%arg12 : memref<!tpu.dma_semaphore, #tpu.memory_space<semaphore_mem>>) src(%arg8 : memref<128x128xf32, #tpu.memory_space<vmem>>) dst(%dma_wait3A_35 : memref<10240x128xf32, #tpu.memory_space<vmem_shared>>)
    %barrier3A_36 = arith.constant 0 : index
    tpu.barrier barrier_id(%barrier3A_36)
    %mul3A_37 = arith.constant 640 : i32
    %mul3A_38 = arith.muli %arg1, %mul3A_37 : i32
    %mul3A_39 = arith.constant 10240 : i32
    %mul3A_40 = arith.muli %arg0, %mul3A_39 : i32
    %mul3A_41 = arith.constant 640 : i32
    %mul3A_42 = arith.muli %arg1, %mul3A_41 : i32
    %add3A_43 = arith.addi %mul3A_40, %mul3A_42 : i32
    "tpu.region"() ({
      %run_scoped3A = tpu.sem_alloc : memref<!tpu.dma_semaphore, #tpu.memory_space<semaphore_mem>>
      %dma_start3A_44 = arith.constant 0 : i32
      %dma_start3A_45 = tpu.memref_slice %arg5[%add3A_43, %dma_start3A_44] : memref<20480x128xf32, #tpu.memory_space<hbm>> -> memref<640x128xf32, #tpu.memory_space<hbm>>
      %dma_start3A_46 = arith.constant 0 : i32
      %dma_start3A_47 = tpu.memref_slice %arg13[%mul3A_38, %dma_start3A_46] : memref<10240x128xf32, #tpu.memory_space<vmem_shared>> -> memref<640x128xf32, #tpu.memory_space<vmem_shared>>
      tpu.enqueue_dma source(%dma_start3A_47 : memref<640x128xf32, #tpu.memory_space<vmem_shared>>) target(%dma_start3A_45 : memref<640x128xf32, #tpu.memory_space<hbm>>) target_semaphore(%run_scoped3A : memref<!tpu.dma_semaphore, #tpu.memory_space<semaphore_mem>>)
      %dma_wait3A_48 = arith.constant 0 : i32
      %dma_wait3A_49 = tpu.memref_slice %arg5[%add3A_43, %dma_wait3A_48] : memref<20480x128xf32, #tpu.memory_space<hbm>> -> memref<640x128xf32, #tpu.memory_space<hbm>>
      %dma_wait3A_50 = arith.constant 0 : i32
      %dma_wait3A_51 = tpu.memref_slice %arg13[%mul3A_38, %dma_wait3A_50] : memref<10240x128xf32, #tpu.memory_space<vmem_shared>> -> memref<640x128xf32, #tpu.memory_space<vmem_shared>>
      tpu.wait_dma2 semaphore(%run_scoped3A : memref<!tpu.dma_semaphore, #tpu.memory_space<semaphore_mem>>) src(%dma_wait3A_51 : memref<640x128xf32, #tpu.memory_space<vmem_shared>>) dst(%dma_wait3A_49 : memref<640x128xf32, #tpu.memory_space<hbm>>)
      tpu.yield
    }) : () -> ()
    return
  }
}

#map = affine_map<(d0, d1) -> (0, 0)>
#map1 = affine_map<(d0, d1) -> (0, 0, 0)>
module attributes {stable_mosaic.version = 14 : i64} {
  func.func @k(%arg0: i32, %arg1: i32, %arg2: memref<10240x128xf32, #tpu.memory_space<hbm>>, %arg3: memref<32x40x128xi32, #tpu.memory_space<hbm>>, %arg4: memref<163840x128xf32, #tpu.memory_space<hbm>>, %arg5: memref<40x128xi32, #tpu.memory_space<vmem>>, %arg6: memref<128x128xf32, #tpu.memory_space<vmem>>, %arg7: memref<128x128xf32, #tpu.memory_space<vmem>>, %arg8: memref<!tpu.dma_semaphore, #tpu.memory_space<semaphore_mem>>, %arg9: memref<!tpu.dma_semaphore, #tpu.memory_space<semaphore_mem>>, %arg10: memref<!tpu.dma_semaphore, #tpu.memory_space<semaphore_mem>>, %arg11: memref<!tpu.dma_semaphore, #tpu.memory_space<semaphore_mem>>, %arg12: memref<10240x128xf32, #tpu.memory_space<vmem_shared>>) attributes {dimension_semantics = [#tpu.dimension_semantics<core_parallel>, #tpu.dimension_semantics<subcore_parallel>], iteration_bounds = array<i64: 2, 16>, scalar_prefetch = 0 : i64, scratch_operands = 8 : i64, tpu.core_type = #tpu.core_type<sc_vector_subcore>, window_params = [{transform_indices = #map}, {transform_indices = #map1}, {transform_indices = #map}]} {
    %mul3A = arith.constant 2 : i32
    %mul3A_0 = arith.muli %arg1, %mul3A : i32
    %add3A = arith.addi %mul3A_0, %arg0 : i32
    %mul3A_1 = arith.constant 5120 : i32
    %mul3A_2 = arith.muli %add3A, %mul3A_1 : i32
    %mul3A_3 = arith.constant 640 : i32
    %mul3A_4 = arith.muli %arg1, %mul3A_3 : i32
    %mul3A_5 = arith.constant 640 : i32
    %mul3A_6 = arith.muli %arg1, %mul3A_5 : i32
    "tpu.region"() ({
      %run_scoped3A = tpu.sem_alloc : memref<!tpu.dma_semaphore, #tpu.memory_space<semaphore_mem>>
      %dma_start3A_32 = arith.constant 0 : i32
      %dma_start3A_33 = tpu.memref_slice %arg12[%mul3A_6, %dma_start3A_32] : memref<10240x128xf32, #tpu.memory_space<vmem_shared>> -> memref<640x128xf32, #tpu.memory_space<vmem_shared>>
      %dma_start3A_34 = arith.constant 0 : i32
      %dma_start3A_35 = tpu.memref_slice %arg2[%mul3A_4, %dma_start3A_34] : memref<10240x128xf32, #tpu.memory_space<hbm>> -> memref<640x128xf32, #tpu.memory_space<hbm>>
      tpu.enqueue_dma source(%dma_start3A_35 : memref<640x128xf32, #tpu.memory_space<hbm>>) target(%dma_start3A_33 : memref<640x128xf32, #tpu.memory_space<vmem_shared>>) target_semaphore(%run_scoped3A : memref<!tpu.dma_semaphore, #tpu.memory_space<semaphore_mem>>)
      %dma_wait3A_36 = arith.constant 0 : i32
      %dma_wait3A_37 = tpu.memref_slice %arg12[%mul3A_6, %dma_wait3A_36] : memref<10240x128xf32, #tpu.memory_space<vmem_shared>> -> memref<640x128xf32, #tpu.memory_space<vmem_shared>>
      %dma_wait3A_38 = arith.constant 0 : i32
      %dma_wait3A_39 = tpu.memref_slice %arg2[%mul3A_4, %dma_wait3A_38] : memref<10240x128xf32, #tpu.memory_space<hbm>> -> memref<640x128xf32, #tpu.memory_space<hbm>>
      tpu.wait_dma2 semaphore(%run_scoped3A : memref<!tpu.dma_semaphore, #tpu.memory_space<semaphore_mem>>) src(%dma_wait3A_39 : memref<640x128xf32, #tpu.memory_space<hbm>>) dst(%dma_wait3A_37 : memref<640x128xf32, #tpu.memory_space<vmem_shared>>)
      tpu.yield
    }) : () -> ()
    "tpu.region"() ({
      %run_scoped3A = tpu.sem_alloc : memref<!tpu.dma_semaphore, #tpu.memory_space<semaphore_mem>>
      %dma_start3A_32 = arith.constant 0 : i32
      %dma_start3A_33 = arith.constant 0 : i32
      %dma_start3A_34 = tpu.memref_slice %arg3[%add3A, %dma_start3A_32, %dma_start3A_33] : memref<32x40x128xi32, #tpu.memory_space<hbm>> -> memref<1x40x128xi32, #tpu.memory_space<hbm>>
      %dma_start3A_35 = tpu.memref_squeeze %dma_start3A_34 : memref<1x40x128xi32, #tpu.memory_space<hbm>> -> memref<40x128xi32, #tpu.memory_space<hbm>>
      %dma_start3A_36 = arith.constant 0 : i32
      %dma_start3A_37 = arith.constant 0 : i32
      %dma_start3A_38 = tpu.memref_slice %arg3[%add3A, %dma_start3A_36, %dma_start3A_37] : memref<32x40x128xi32, #tpu.memory_space<hbm>> -> memref<1x40x128xi32, #tpu.memory_space<hbm>>
      %dma_start3A_39 = tpu.memref_squeeze %dma_start3A_38 : memref<1x40x128xi32, #tpu.memory_space<hbm>> -> memref<40x128xi32, #tpu.memory_space<hbm>>
      tpu.enqueue_dma source(%dma_start3A_39 : memref<40x128xi32, #tpu.memory_space<hbm>>) target(%arg5 : memref<40x128xi32, #tpu.memory_space<vmem>>) target_semaphore(%run_scoped3A : memref<!tpu.dma_semaphore, #tpu.memory_space<semaphore_mem>>)
      %dma_wait3A_40 = arith.constant 0 : i32
      %dma_wait3A_41 = arith.constant 0 : i32
      %dma_wait3A_42 = tpu.memref_slice %arg3[%add3A, %dma_wait3A_40, %dma_wait3A_41] : memref<32x40x128xi32, #tpu.memory_space<hbm>> -> memref<1x40x128xi32, #tpu.memory_space<hbm>>
      %dma_wait3A_43 = tpu.memref_squeeze %dma_wait3A_42 : memref<1x40x128xi32, #tpu.memory_space<hbm>> -> memref<40x128xi32, #tpu.memory_space<hbm>>
      %dma_wait3A_44 = arith.constant 0 : i32
      %dma_wait3A_45 = arith.constant 0 : i32
      %dma_wait3A_46 = tpu.memref_slice %arg3[%add3A, %dma_wait3A_44, %dma_wait3A_45] : memref<32x40x128xi32, #tpu.memory_space<hbm>> -> memref<1x40x128xi32, #tpu.memory_space<hbm>>
      %dma_wait3A_47 = tpu.memref_squeeze %dma_wait3A_46 : memref<1x40x128xi32, #tpu.memory_space<hbm>> -> memref<40x128xi32, #tpu.memory_space<hbm>>
      tpu.wait_dma2 semaphore(%run_scoped3A : memref<!tpu.dma_semaphore, #tpu.memory_space<semaphore_mem>>) src(%dma_wait3A_47 : memref<40x128xi32, #tpu.memory_space<hbm>>) dst(%arg5 : memref<40x128xi32, #tpu.memory_space<vmem>>)
      tpu.yield
    }) : () -> ()
    %barrier3A = arith.constant 0 : index
    tpu.barrier barrier_id(%barrier3A)
    %dma_start3A = arith.constant 0 : i32
    %dma_start3A_7 = arith.constant 0 : i32
    %dma_start3A_8 = tpu.memref_slice %arg5[%dma_start3A, %dma_start3A_7] : memref<40x128xi32, #tpu.memory_space<vmem>> -> memref<1x128xi32, #tpu.memory_space<vmem>>
    %dma_start3A_9 = tpu.memref_squeeze %dma_start3A_8 : memref<1x128xi32, #tpu.memory_space<vmem>> -> memref<128xi32, #tpu.memory_space<vmem>>
    %dma_start3A_10 = arith.constant 0 : i32
    %dma_start3A_11 = arith.constant 0 : i32
    %dma_start3A_12 = tpu.memref_slice %arg12[%dma_start3A_10, %dma_start3A_11] : memref<10240x128xf32, #tpu.memory_space<vmem_shared>> -> memref<10240x128xf32, #tpu.memory_space<vmem_shared>>
    tpu.enqueue_indirect_dma source(%dma_start3A_12 : memref<10240x128xf32, #tpu.memory_space<vmem_shared>>) target(%arg6 : memref<128x128xf32, #tpu.memory_space<vmem>>) offsets(%dma_start3A_9 : memref<128xi32, #tpu.memory_space<vmem>>) semaphore(%arg8 : memref<!tpu.dma_semaphore, #tpu.memory_space<semaphore_mem>>)
    %dma_start3A_13 = arith.constant 1 : i32
    %dma_start3A_14 = arith.constant 0 : i32
    %dma_start3A_15 = tpu.memref_slice %arg5[%dma_start3A_13, %dma_start3A_14] : memref<40x128xi32, #tpu.memory_space<vmem>> -> memref<1x128xi32, #tpu.memory_space<vmem>>
    %dma_start3A_16 = tpu.memref_squeeze %dma_start3A_15 : memref<1x128xi32, #tpu.memory_space<vmem>> -> memref<128xi32, #tpu.memory_space<vmem>>
    %dma_start3A_17 = arith.constant 0 : i32
    %dma_start3A_18 = arith.constant 0 : i32
    %dma_start3A_19 = tpu.memref_slice %arg12[%dma_start3A_17, %dma_start3A_18] : memref<10240x128xf32, #tpu.memory_space<vmem_shared>> -> memref<10240x128xf32, #tpu.memory_space<vmem_shared>>
    tpu.enqueue_indirect_dma source(%dma_start3A_19 : memref<10240x128xf32, #tpu.memory_space<vmem_shared>>) target(%arg7 : memref<128x128xf32, #tpu.memory_space<vmem>>) offsets(%dma_start3A_16 : memref<128xi32, #tpu.memory_space<vmem>>) semaphore(%arg9 : memref<!tpu.dma_semaphore, #tpu.memory_space<semaphore_mem>>)
    %scan3A = arith.constant 0 : i32
    %scan3A_20 = arith.constant 0 : i32
    %scan3A_21 = arith.constant 20 : i32
    %scan3A_22 = arith.addi %scan3A_20, %scan3A_21 : i32
    %scan3A_23 = arith.constant 1 : i32
    scf.for %scan3A_32 = %scan3A_20 to %scan3A_22 step %scan3A_23  : i32 {
      %mul3A_33 = arith.constant 2 : i32
      %mul3A_34 = arith.muli %scan3A_32, %mul3A_33 : i32
      %add3A_35 = arith.constant 0 : i32
      %add3A_36 = arith.addi %mul3A_34, %add3A_35 : i32
      %dma_wait3A_37 = arith.constant 0 : i32
      %dma_wait3A_38 = tpu.memref_slice %arg5[%add3A_36, %dma_wait3A_37] : memref<40x128xi32, #tpu.memory_space<vmem>> -> memref<1x128xi32, #tpu.memory_space<vmem>>
      %dma_wait3A_39 = tpu.memref_squeeze %dma_wait3A_38 : memref<1x128xi32, #tpu.memory_space<vmem>> -> memref<128xi32, #tpu.memory_space<vmem>>
      %dma_wait3A_40 = arith.constant 0 : i32
      %dma_wait3A_41 = arith.constant 0 : i32
      %dma_wait3A_42 = tpu.memref_slice %arg12[%dma_wait3A_40, %dma_wait3A_41] : memref<10240x128xf32, #tpu.memory_space<vmem_shared>> -> memref<10240x128xf32, #tpu.memory_space<vmem_shared>>
      tpu.wait_indirect_dma semaphore(%arg8 : memref<!tpu.dma_semaphore, #tpu.memory_space<semaphore_mem>>) src(%dma_wait3A_42 : memref<10240x128xf32, #tpu.memory_space<vmem_shared>>) dst(%arg6 : memref<128x128xf32, #tpu.memory_space<vmem>>)
      %mul3A_43 = arith.constant 128 : i32
      %mul3A_44 = arith.muli %add3A_36, %mul3A_43 : i32
      %add3A_45 = arith.addi %mul3A_2, %mul3A_44 : i32
      %dma_start3A_46 = arith.constant 0 : i32
      %dma_start3A_47 = tpu.memref_slice %arg4[%add3A_45, %dma_start3A_46] : memref<163840x128xf32, #tpu.memory_space<hbm>> -> memref<128x128xf32, #tpu.memory_space<hbm>>
      %dma_start3A_48 = arith.constant 0 : i32
      %dma_start3A_49 = tpu.memref_slice %arg4[%add3A_45, %dma_start3A_48] : memref<163840x128xf32, #tpu.memory_space<hbm>> -> memref<128x128xf32, #tpu.memory_space<hbm>>
      tpu.enqueue_dma source(%arg6 : memref<128x128xf32, #tpu.memory_space<vmem>>) target(%dma_start3A_49 : memref<128x128xf32, #tpu.memory_space<hbm>>) target_semaphore(%arg10 : memref<!tpu.dma_semaphore, #tpu.memory_space<semaphore_mem>>)
      %mul3A_50 = arith.constant 2 : i32
      %mul3A_51 = arith.muli %scan3A_32, %mul3A_50 : i32
      %add3A_52 = arith.constant 1 : i32
      %add3A_53 = arith.addi %mul3A_51, %add3A_52 : i32
      %dma_wait3A_54 = arith.constant 0 : i32
      %dma_wait3A_55 = tpu.memref_slice %arg5[%add3A_53, %dma_wait3A_54] : memref<40x128xi32, #tpu.memory_space<vmem>> -> memref<1x128xi32, #tpu.memory_space<vmem>>
      %dma_wait3A_56 = tpu.memref_squeeze %dma_wait3A_55 : memref<1x128xi32, #tpu.memory_space<vmem>> -> memref<128xi32, #tpu.memory_space<vmem>>
      %dma_wait3A_57 = arith.constant 0 : i32
      %dma_wait3A_58 = arith.constant 0 : i32
      %dma_wait3A_59 = tpu.memref_slice %arg12[%dma_wait3A_57, %dma_wait3A_58] : memref<10240x128xf32, #tpu.memory_space<vmem_shared>> -> memref<10240x128xf32, #tpu.memory_space<vmem_shared>>
      tpu.wait_indirect_dma semaphore(%arg9 : memref<!tpu.dma_semaphore, #tpu.memory_space<semaphore_mem>>) src(%dma_wait3A_59 : memref<10240x128xf32, #tpu.memory_space<vmem_shared>>) dst(%arg7 : memref<128x128xf32, #tpu.memory_space<vmem>>)
      %mul3A_60 = arith.constant 128 : i32
      %mul3A_61 = arith.muli %add3A_53, %mul3A_60 : i32
      %add3A_62 = arith.addi %mul3A_2, %mul3A_61 : i32
      %dma_start3A_63 = arith.constant 0 : i32
      %dma_start3A_64 = tpu.memref_slice %arg4[%add3A_62, %dma_start3A_63] : memref<163840x128xf32, #tpu.memory_space<hbm>> -> memref<128x128xf32, #tpu.memory_space<hbm>>
      %dma_start3A_65 = arith.constant 0 : i32
      %dma_start3A_66 = tpu.memref_slice %arg4[%add3A_62, %dma_start3A_65] : memref<163840x128xf32, #tpu.memory_space<hbm>> -> memref<128x128xf32, #tpu.memory_space<hbm>>
      tpu.enqueue_dma source(%arg7 : memref<128x128xf32, #tpu.memory_space<vmem>>) target(%dma_start3A_66 : memref<128x128xf32, #tpu.memory_space<hbm>>) target_semaphore(%arg11 : memref<!tpu.dma_semaphore, #tpu.memory_space<semaphore_mem>>)
      %add3A_67 = arith.constant 1 : i32
      %add3A_68 = arith.addi %scan3A_32, %add3A_67 : i32
      %mul3A_69 = arith.constant 2 : i32
      %mul3A_70 = arith.muli %add3A_68, %mul3A_69 : i32
      %add3A_71 = arith.constant 0 : i32
      %add3A_72 = arith.addi %mul3A_70, %add3A_71 : i32
      %lt3A = arith.constant 40 : i32
      %lt3A_73 = arith.cmpi slt, %add3A_72, %lt3A : i32
      %convert_element_type3A = arith.extui %lt3A_73 : i1 to i32
      %cond3A = arith.constant 0 : i32
      %cond3A_74 = arith.cmpi ne, %convert_element_type3A, %cond3A : i32
      scf.if %cond3A_74 {
        %dma_wait3A_86 = arith.constant 0 : i32
        %dma_wait3A_87 = tpu.memref_slice %arg4[%mul3A_2, %dma_wait3A_86] : memref<163840x128xf32, #tpu.memory_space<hbm>> -> memref<128x128xf32, #tpu.memory_space<hbm>>
        %dma_wait3A_88 = arith.constant 0 : i32
        %dma_wait3A_89 = tpu.memref_slice %arg4[%mul3A_2, %dma_wait3A_88] : memref<163840x128xf32, #tpu.memory_space<hbm>> -> memref<128x128xf32, #tpu.memory_space<hbm>>
        tpu.wait_dma2 semaphore(%arg10 : memref<!tpu.dma_semaphore, #tpu.memory_space<semaphore_mem>>) src(%arg6 : memref<128x128xf32, #tpu.memory_space<vmem>>) dst(%dma_wait3A_89 : memref<128x128xf32, #tpu.memory_space<hbm>>)
        %dma_start3A_90 = arith.constant 0 : i32
        %dma_start3A_91 = tpu.memref_slice %arg5[%add3A_72, %dma_start3A_90] : memref<40x128xi32, #tpu.memory_space<vmem>> -> memref<1x128xi32, #tpu.memory_space<vmem>>
        %dma_start3A_92 = tpu.memref_squeeze %dma_start3A_91 : memref<1x128xi32, #tpu.memory_space<vmem>> -> memref<128xi32, #tpu.memory_space<vmem>>
        %dma_start3A_93 = arith.constant 0 : i32
        %dma_start3A_94 = arith.constant 0 : i32
        %dma_start3A_95 = tpu.memref_slice %arg12[%dma_start3A_93, %dma_start3A_94] : memref<10240x128xf32, #tpu.memory_space<vmem_shared>> -> memref<10240x128xf32, #tpu.memory_space<vmem_shared>>
        tpu.enqueue_indirect_dma source(%dma_start3A_95 : memref<10240x128xf32, #tpu.memory_space<vmem_shared>>) target(%arg6 : memref<128x128xf32, #tpu.memory_space<vmem>>) offsets(%dma_start3A_92 : memref<128xi32, #tpu.memory_space<vmem>>) semaphore(%arg8 : memref<!tpu.dma_semaphore, #tpu.memory_space<semaphore_mem>>)
      } else {
      }
      %add3A_75 = arith.constant 1 : i32
      %add3A_76 = arith.addi %scan3A_32, %add3A_75 : i32
      %mul3A_77 = arith.constant 2 : i32
      %mul3A_78 = arith.muli %add3A_76, %mul3A_77 : i32
      %add3A_79 = arith.constant 1 : i32
      %add3A_80 = arith.addi %mul3A_78, %add3A_79 : i32
      %lt3A_81 = arith.constant 40 : i32
      %lt3A_82 = arith.cmpi slt, %add3A_80, %lt3A_81 : i32
      %convert_element_type3A_83 = arith.extui %lt3A_82 : i1 to i32
      %cond3A_84 = arith.constant 0 : i32
      %cond3A_85 = arith.cmpi ne, %convert_element_type3A_83, %cond3A_84 : i32
      scf.if %cond3A_85 {
        %dma_wait3A_86 = arith.constant 0 : i32
        %dma_wait3A_87 = tpu.memref_slice %arg4[%mul3A_2, %dma_wait3A_86] : memref<163840x128xf32, #tpu.memory_space<hbm>> -> memref<128x128xf32, #tpu.memory_space<hbm>>
        %dma_wait3A_88 = arith.constant 0 : i32
        %dma_wait3A_89 = tpu.memref_slice %arg4[%mul3A_2, %dma_wait3A_88] : memref<163840x128xf32, #tpu.memory_space<hbm>> -> memref<128x128xf32, #tpu.memory_space<hbm>>
        tpu.wait_dma2 semaphore(%arg11 : memref<!tpu.dma_semaphore, #tpu.memory_space<semaphore_mem>>) src(%arg7 : memref<128x128xf32, #tpu.memory_space<vmem>>) dst(%dma_wait3A_89 : memref<128x128xf32, #tpu.memory_space<hbm>>)
        %dma_start3A_90 = arith.constant 0 : i32
        %dma_start3A_91 = tpu.memref_slice %arg5[%add3A_80, %dma_start3A_90] : memref<40x128xi32, #tpu.memory_space<vmem>> -> memref<1x128xi32, #tpu.memory_space<vmem>>
        %dma_start3A_92 = tpu.memref_squeeze %dma_start3A_91 : memref<1x128xi32, #tpu.memory_space<vmem>> -> memref<128xi32, #tpu.memory_space<vmem>>
        %dma_start3A_93 = arith.constant 0 : i32
        %dma_start3A_94 = arith.constant 0 : i32
        %dma_start3A_95 = tpu.memref_slice %arg12[%dma_start3A_93, %dma_start3A_94] : memref<10240x128xf32, #tpu.memory_space<vmem_shared>> -> memref<10240x128xf32, #tpu.memory_space<vmem_shared>>
        tpu.enqueue_indirect_dma source(%dma_start3A_95 : memref<10240x128xf32, #tpu.memory_space<vmem_shared>>) target(%arg7 : memref<128x128xf32, #tpu.memory_space<vmem>>) offsets(%dma_start3A_92 : memref<128xi32, #tpu.memory_space<vmem>>) semaphore(%arg9 : memref<!tpu.dma_semaphore, #tpu.memory_space<semaphore_mem>>)
      } else {
      }
    }
    %scan3A_24 = arith.constant 20 : i32
    %dma_wait3A = arith.constant 0 : i32
    %dma_wait3A_25 = tpu.memref_slice %arg4[%mul3A_2, %dma_wait3A] : memref<163840x128xf32, #tpu.memory_space<hbm>> -> memref<128x128xf32, #tpu.memory_space<hbm>>
    %dma_wait3A_26 = arith.constant 0 : i32
    %dma_wait3A_27 = tpu.memref_slice %arg4[%mul3A_2, %dma_wait3A_26] : memref<163840x128xf32, #tpu.memory_space<hbm>> -> memref<128x128xf32, #tpu.memory_space<hbm>>
    tpu.wait_dma2 semaphore(%arg10 : memref<!tpu.dma_semaphore, #tpu.memory_space<semaphore_mem>>) src(%arg6 : memref<128x128xf32, #tpu.memory_space<vmem>>) dst(%dma_wait3A_27 : memref<128x128xf32, #tpu.memory_space<hbm>>)
    %dma_wait3A_28 = arith.constant 0 : i32
    %dma_wait3A_29 = tpu.memref_slice %arg4[%mul3A_2, %dma_wait3A_28] : memref<163840x128xf32, #tpu.memory_space<hbm>> -> memref<128x128xf32, #tpu.memory_space<hbm>>
    %dma_wait3A_30 = arith.constant 0 : i32
    %dma_wait3A_31 = tpu.memref_slice %arg4[%mul3A_2, %dma_wait3A_30] : memref<163840x128xf32, #tpu.memory_space<hbm>> -> memref<128x128xf32, #tpu.memory_space<hbm>>
    tpu.wait_dma2 semaphore(%arg11 : memref<!tpu.dma_semaphore, #tpu.memory_space<semaphore_mem>>) src(%arg7 : memref<128x128xf32, #tpu.memory_space<vmem>>) dst(%dma_wait3A_31 : memref<128x128xf32, #tpu.memory_space<hbm>>)
    return
  }
}

#map = affine_map<(d0, d1) -> (0, 0)>
#map1 = affine_map<(d0, d1) -> (0, 0, 0)>
module attributes {stable_mosaic.version = 14 : i64} {
  func.func @k(%arg0: i32, %arg1: i32, %arg2: memref<163840x128xf32, #tpu.memory_space<hbm>>, %arg3: memref<32x40x128xi32, #tpu.memory_space<hbm>>, %arg4: memref<10240x128xf32, #tpu.memory_space<hbm>>, %arg5: memref<20480x128xf32, #tpu.memory_space<hbm>>, %arg6: memref<40x128xi32, #tpu.memory_space<vmem>>, %arg7: memref<128x128xf32, #tpu.memory_space<vmem>>, %arg8: memref<128x128xf32, #tpu.memory_space<vmem>>, %arg9: memref<!tpu.dma_semaphore, #tpu.memory_space<semaphore_mem>>, %arg10: memref<!tpu.dma_semaphore, #tpu.memory_space<semaphore_mem>>, %arg11: memref<!tpu.dma_semaphore, #tpu.memory_space<semaphore_mem>>, %arg12: memref<!tpu.dma_semaphore, #tpu.memory_space<semaphore_mem>>, %arg13: memref<10240x128xf32, #tpu.memory_space<vmem_shared>>) attributes {dimension_semantics = [#tpu.dimension_semantics<core_parallel>, #tpu.dimension_semantics<subcore_parallel>], iteration_bounds = array<i64: 2, 16>, scalar_prefetch = 0 : i64, scratch_operands = 8 : i64, tpu.core_type = #tpu.core_type<sc_vector_subcore>, window_params = [{transform_indices = #map}, {transform_indices = #map1}, {transform_indices = #map}, {transform_indices = #map}]} {
    %mul3A = arith.constant 2 : i32
    %mul3A_0 = arith.muli %arg1, %mul3A : i32
    %add3A = arith.addi %mul3A_0, %arg0 : i32
    %mul3A_1 = arith.constant 5120 : i32
    %mul3A_2 = arith.muli %add3A, %mul3A_1 : i32
    %mul3A_3 = arith.constant 640 : i32
    %mul3A_4 = arith.muli %arg1, %mul3A_3 : i32
    %mul3A_5 = arith.constant 640 : i32
    %mul3A_6 = arith.muli %arg1, %mul3A_5 : i32
    "tpu.region"() ({
      %run_scoped3A = tpu.sem_alloc : memref<!tpu.dma_semaphore, #tpu.memory_space<semaphore_mem>>
      %dma_start3A_44 = arith.constant 0 : i32
      %dma_start3A_45 = tpu.memref_slice %arg13[%mul3A_6, %dma_start3A_44] : memref<10240x128xf32, #tpu.memory_space<vmem_shared>> -> memref<640x128xf32, #tpu.memory_space<vmem_shared>>
      %dma_start3A_46 = arith.constant 0 : i32
      %dma_start3A_47 = tpu.memref_slice %arg4[%mul3A_4, %dma_start3A_46] : memref<10240x128xf32, #tpu.memory_space<hbm>> -> memref<640x128xf32, #tpu.memory_space<hbm>>
      tpu.enqueue_dma source(%dma_start3A_47 : memref<640x128xf32, #tpu.memory_space<hbm>>) target(%dma_start3A_45 : memref<640x128xf32, #tpu.memory_space<vmem_shared>>) target_semaphore(%run_scoped3A : memref<!tpu.dma_semaphore, #tpu.memory_space<semaphore_mem>>)
      %dma_wait3A_48 = arith.constant 0 : i32
      %dma_wait3A_49 = tpu.memref_slice %arg13[%mul3A_6, %dma_wait3A_48] : memref<10240x128xf32, #tpu.memory_space<vmem_shared>> -> memref<640x128xf32, #tpu.memory_space<vmem_shared>>
      %dma_wait3A_50 = arith.constant 0 : i32
      %dma_wait3A_51 = tpu.memref_slice %arg4[%mul3A_4, %dma_wait3A_50] : memref<10240x128xf32, #tpu.memory_space<hbm>> -> memref<640x128xf32, #tpu.memory_space<hbm>>
      tpu.wait_dma2 semaphore(%run_scoped3A : memref<!tpu.dma_semaphore, #tpu.memory_space<semaphore_mem>>) src(%dma_wait3A_51 : memref<640x128xf32, #tpu.memory_space<hbm>>) dst(%dma_wait3A_49 : memref<640x128xf32, #tpu.memory_space<vmem_shared>>)
      tpu.yield
    }) : () -> ()
    "tpu.region"() ({
      %run_scoped3A = tpu.sem_alloc : memref<!tpu.dma_semaphore, #tpu.memory_space<semaphore_mem>>
      %dma_start3A_44 = arith.constant 0 : i32
      %dma_start3A_45 = arith.constant 0 : i32
      %dma_start3A_46 = tpu.memref_slice %arg3[%add3A, %dma_start3A_44, %dma_start3A_45] : memref<32x40x128xi32, #tpu.memory_space<hbm>> -> memref<1x40x128xi32, #tpu.memory_space<hbm>>
      %dma_start3A_47 = tpu.memref_squeeze %dma_start3A_46 : memref<1x40x128xi32, #tpu.memory_space<hbm>> -> memref<40x128xi32, #tpu.memory_space<hbm>>
      %dma_start3A_48 = arith.constant 0 : i32
      %dma_start3A_49 = arith.constant 0 : i32
      %dma_start3A_50 = tpu.memref_slice %arg3[%add3A, %dma_start3A_48, %dma_start3A_49] : memref<32x40x128xi32, #tpu.memory_space<hbm>> -> memref<1x40x128xi32, #tpu.memory_space<hbm>>
      %dma_start3A_51 = tpu.memref_squeeze %dma_start3A_50 : memref<1x40x128xi32, #tpu.memory_space<hbm>> -> memref<40x128xi32, #tpu.memory_space<hbm>>
      tpu.enqueue_dma source(%dma_start3A_51 : memref<40x128xi32, #tpu.memory_space<hbm>>) target(%arg6 : memref<40x128xi32, #tpu.memory_space<vmem>>) target_semaphore(%run_scoped3A : memref<!tpu.dma_semaphore, #tpu.memory_space<semaphore_mem>>)
      %dma_wait3A_52 = arith.constant 0 : i32
      %dma_wait3A_53 = arith.constant 0 : i32
      %dma_wait3A_54 = tpu.memref_slice %arg3[%add3A, %dma_wait3A_52, %dma_wait3A_53] : memref<32x40x128xi32, #tpu.memory_space<hbm>> -> memref<1x40x128xi32, #tpu.memory_space<hbm>>
      %dma_wait3A_55 = tpu.memref_squeeze %dma_wait3A_54 : memref<1x40x128xi32, #tpu.memory_space<hbm>> -> memref<40x128xi32, #tpu.memory_space<hbm>>
      %dma_wait3A_56 = arith.constant 0 : i32
      %dma_wait3A_57 = arith.constant 0 : i32
      %dma_wait3A_58 = tpu.memref_slice %arg3[%add3A, %dma_wait3A_56, %dma_wait3A_57] : memref<32x40x128xi32, #tpu.memory_space<hbm>> -> memref<1x40x128xi32, #tpu.memory_space<hbm>>
      %dma_wait3A_59 = tpu.memref_squeeze %dma_wait3A_58 : memref<1x40x128xi32, #tpu.memory_space<hbm>> -> memref<40x128xi32, #tpu.memory_space<hbm>>
      tpu.wait_dma2 semaphore(%run_scoped3A : memref<!tpu.dma_semaphore, #tpu.memory_space<semaphore_mem>>) src(%dma_wait3A_59 : memref<40x128xi32, #tpu.memory_space<hbm>>) dst(%arg6 : memref<40x128xi32, #tpu.memory_space<vmem>>)
      tpu.yield
    }) : () -> ()
    %barrier3A = arith.constant 0 : index
    tpu.barrier barrier_id(%barrier3A)
    %add3A_7 = arith.constant 0 : i32
    %add3A_8 = arith.addi %mul3A_2, %add3A_7 : i32
    %dma_start3A = arith.constant 0 : i32
    %dma_start3A_9 = tpu.memref_slice %arg2[%add3A_8, %dma_start3A] : memref<163840x128xf32, #tpu.memory_space<hbm>> -> memref<128x128xf32, #tpu.memory_space<hbm>>
    %dma_start3A_10 = arith.constant 0 : i32
    %dma_start3A_11 = tpu.memref_slice %arg2[%add3A_8, %dma_start3A_10] : memref<163840x128xf32, #tpu.memory_space<hbm>> -> memref<128x128xf32, #tpu.memory_space<hbm>>
    tpu.enqueue_dma source(%dma_start3A_11 : memref<128x128xf32, #tpu.memory_space<hbm>>) target(%arg7 : memref<128x128xf32, #tpu.memory_space<vmem>>) target_semaphore(%arg9 : memref<!tpu.dma_semaphore, #tpu.memory_space<semaphore_mem>>)
    %add3A_12 = arith.constant 128 : i32
    %add3A_13 = arith.addi %mul3A_2, %add3A_12 : i32
    %dma_start3A_14 = arith.constant 0 : i32
    %dma_start3A_15 = tpu.memref_slice %arg2[%add3A_13, %dma_start3A_14] : memref<163840x128xf32, #tpu.memory_space<hbm>> -> memref<128x128xf32, #tpu.memory_space<hbm>>
    %dma_start3A_16 = arith.constant 0 : i32
    %dma_start3A_17 = tpu.memref_slice %arg2[%add3A_13, %dma_start3A_16] : memref<163840x128xf32, #tpu.memory_space<hbm>> -> memref<128x128xf32, #tpu.memory_space<hbm>>
    tpu.enqueue_dma source(%dma_start3A_17 : memref<128x128xf32, #tpu.memory_space<hbm>>) target(%arg8 : memref<128x128xf32, #tpu.memory_space<vmem>>) target_semaphore(%arg10 : memref<!tpu.dma_semaphore, #tpu.memory_space<semaphore_mem>>)
    %scan3A = arith.constant 0 : i32
    %scan3A_18 = arith.constant 0 : i32
    %scan3A_19 = arith.constant 20 : i32
    %scan3A_20 = arith.addi %scan3A_18, %scan3A_19 : i32
    %scan3A_21 = arith.constant 1 : i32
    scf.for %scan3A_44 = %scan3A_18 to %scan3A_20 step %scan3A_21  : i32 {
      %mul3A_45 = arith.constant 2 : i32
      %mul3A_46 = arith.muli %scan3A_44, %mul3A_45 : i32
      %add3A_47 = arith.constant 0 : i32
      %add3A_48 = arith.addi %mul3A_46, %add3A_47 : i32
      %dma_wait3A_49 = arith.constant 0 : i32
      %dma_wait3A_50 = tpu.memref_slice %arg2[%mul3A_2, %dma_wait3A_49] : memref<163840x128xf32, #tpu.memory_space<hbm>> -> memref<128x128xf32, #tpu.memory_space<hbm>>
      %dma_wait3A_51 = arith.constant 0 : i32
      %dma_wait3A_52 = tpu.memref_slice %arg2[%mul3A_2, %dma_wait3A_51] : memref<163840x128xf32, #tpu.memory_space<hbm>> -> memref<128x128xf32, #tpu.memory_space<hbm>>
      tpu.wait_dma2 semaphore(%arg9 : memref<!tpu.dma_semaphore, #tpu.memory_space<semaphore_mem>>) src(%dma_wait3A_52 : memref<128x128xf32, #tpu.memory_space<hbm>>) dst(%arg7 : memref<128x128xf32, #tpu.memory_space<vmem>>)
      %dma_start3A_53 = arith.constant 0 : i32
      %dma_start3A_54 = tpu.memref_slice %arg6[%add3A_48, %dma_start3A_53] : memref<40x128xi32, #tpu.memory_space<vmem>> -> memref<1x128xi32, #tpu.memory_space<vmem>>
      %dma_start3A_55 = tpu.memref_squeeze %dma_start3A_54 : memref<1x128xi32, #tpu.memory_space<vmem>> -> memref<128xi32, #tpu.memory_space<vmem>>
      %dma_start3A_56 = arith.constant 0 : i32
      %dma_start3A_57 = arith.constant 0 : i32
      %dma_start3A_58 = tpu.memref_slice %arg13[%dma_start3A_56, %dma_start3A_57] : memref<10240x128xf32, #tpu.memory_space<vmem_shared>> -> memref<10240x128xf32, #tpu.memory_space<vmem_shared>>
      tpu.enqueue_indirect_dma source(%arg7 : memref<128x128xf32, #tpu.memory_space<vmem>>) target(%dma_start3A_58 : memref<10240x128xf32, #tpu.memory_space<vmem_shared>>) offsets(%dma_start3A_55 : memref<128xi32, #tpu.memory_space<vmem>>) semaphore(%arg11 : memref<!tpu.dma_semaphore, #tpu.memory_space<semaphore_mem>>) {add = true}
      %mul3A_59 = arith.constant 2 : i32
      %mul3A_60 = arith.muli %scan3A_44, %mul3A_59 : i32
      %add3A_61 = arith.constant 1 : i32
      %add3A_62 = arith.addi %mul3A_60, %add3A_61 : i32
      %dma_wait3A_63 = arith.constant 0 : i32
      %dma_wait3A_64 = tpu.memref_slice %arg2[%mul3A_2, %dma_wait3A_63] : memref<163840x128xf32, #tpu.memory_space<hbm>> -> memref<128x128xf32, #tpu.memory_space<hbm>>
      %dma_wait3A_65 = arith.constant 0 : i32
      %dma_wait3A_66 = tpu.memref_slice %arg2[%mul3A_2, %dma_wait3A_65] : memref<163840x128xf32, #tpu.memory_space<hbm>> -> memref<128x128xf32, #tpu.memory_space<hbm>>
      tpu.wait_dma2 semaphore(%arg10 : memref<!tpu.dma_semaphore, #tpu.memory_space<semaphore_mem>>) src(%dma_wait3A_66 : memref<128x128xf32, #tpu.memory_space<hbm>>) dst(%arg8 : memref<128x128xf32, #tpu.memory_space<vmem>>)
      %dma_start3A_67 = arith.constant 0 : i32
      %dma_start3A_68 = tpu.memref_slice %arg6[%add3A_62, %dma_start3A_67] : memref<40x128xi32, #tpu.memory_space<vmem>> -> memref<1x128xi32, #tpu.memory_space<vmem>>
      %dma_start3A_69 = tpu.memref_squeeze %dma_start3A_68 : memref<1x128xi32, #tpu.memory_space<vmem>> -> memref<128xi32, #tpu.memory_space<vmem>>
      %dma_start3A_70 = arith.constant 0 : i32
      %dma_start3A_71 = arith.constant 0 : i32
      %dma_start3A_72 = tpu.memref_slice %arg13[%dma_start3A_70, %dma_start3A_71] : memref<10240x128xf32, #tpu.memory_space<vmem_shared>> -> memref<10240x128xf32, #tpu.memory_space<vmem_shared>>
      tpu.enqueue_indirect_dma source(%arg8 : memref<128x128xf32, #tpu.memory_space<vmem>>) target(%dma_start3A_72 : memref<10240x128xf32, #tpu.memory_space<vmem_shared>>) offsets(%dma_start3A_69 : memref<128xi32, #tpu.memory_space<vmem>>) semaphore(%arg12 : memref<!tpu.dma_semaphore, #tpu.memory_space<semaphore_mem>>) {add = true}
      %add3A_73 = arith.constant 1 : i32
      %add3A_74 = arith.addi %scan3A_44, %add3A_73 : i32
      %mul3A_75 = arith.constant 2 : i32
      %mul3A_76 = arith.muli %add3A_74, %mul3A_75 : i32
      %add3A_77 = arith.constant 0 : i32
      %add3A_78 = arith.addi %mul3A_76, %add3A_77 : i32
      %lt3A = arith.constant 40 : i32
      %lt3A_79 = arith.cmpi slt, %add3A_78, %lt3A : i32
      %convert_element_type3A = arith.extui %lt3A_79 : i1 to i32
      %cond3A = arith.constant 0 : i32
      %cond3A_80 = arith.cmpi ne, %convert_element_type3A, %cond3A : i32
      scf.if %cond3A_80 {
        %dma_wait3A_92 = arith.constant 0 : i32
        %dma_wait3A_93 = arith.constant 0 : i32
        %dma_wait3A_94 = tpu.memref_slice %arg6[%dma_wait3A_92, %dma_wait3A_93] : memref<40x128xi32, #tpu.memory_space<vmem>> -> memref<1x128xi32, #tpu.memory_space<vmem>>
        %dma_wait3A_95 = tpu.memref_squeeze %dma_wait3A_94 : memref<1x128xi32, #tpu.memory_space<vmem>> -> memref<128xi32, #tpu.memory_space<vmem>>
        %dma_wait3A_96 = arith.constant 0 : i32
        %dma_wait3A_97 = arith.constant 0 : i32
        %dma_wait3A_98 = tpu.memref_slice %arg13[%dma_wait3A_96, %dma_wait3A_97] : memref<10240x128xf32, #tpu.memory_space<vmem_shared>> -> memref<10240x128xf32, #tpu.memory_space<vmem_shared>>
        tpu.wait_indirect_dma semaphore(%arg11 : memref<!tpu.dma_semaphore, #tpu.memory_space<semaphore_mem>>) src(%arg7 : memref<128x128xf32, #tpu.memory_space<vmem>>) dst(%dma_wait3A_98 : memref<10240x128xf32, #tpu.memory_space<vmem_shared>>)
        %mul3A_99 = arith.constant 128 : i32
        %mul3A_100 = arith.muli %add3A_78, %mul3A_99 : i32
        %add3A_101 = arith.addi %mul3A_2, %mul3A_100 : i32
        %dma_start3A_102 = arith.constant 0 : i32
        %dma_start3A_103 = tpu.memref_slice %arg2[%add3A_101, %dma_start3A_102] : memref<163840x128xf32, #tpu.memory_space<hbm>> -> memref<128x128xf32, #tpu.memory_space<hbm>>
        %dma_start3A_104 = arith.constant 0 : i32
        %dma_start3A_105 = tpu.memref_slice %arg2[%add3A_101, %dma_start3A_104] : memref<163840x128xf32, #tpu.memory_space<hbm>> -> memref<128x128xf32, #tpu.memory_space<hbm>>
        tpu.enqueue_dma source(%dma_start3A_105 : memref<128x128xf32, #tpu.memory_space<hbm>>) target(%arg7 : memref<128x128xf32, #tpu.memory_space<vmem>>) target_semaphore(%arg9 : memref<!tpu.dma_semaphore, #tpu.memory_space<semaphore_mem>>)
      } else {
      }
      %add3A_81 = arith.constant 1 : i32
      %add3A_82 = arith.addi %scan3A_44, %add3A_81 : i32
      %mul3A_83 = arith.constant 2 : i32
      %mul3A_84 = arith.muli %add3A_82, %mul3A_83 : i32
      %add3A_85 = arith.constant 1 : i32
      %add3A_86 = arith.addi %mul3A_84, %add3A_85 : i32
      %lt3A_87 = arith.constant 40 : i32
      %lt3A_88 = arith.cmpi slt, %add3A_86, %lt3A_87 : i32
      %convert_element_type3A_89 = arith.extui %lt3A_88 : i1 to i32
      %cond3A_90 = arith.constant 0 : i32
      %cond3A_91 = arith.cmpi ne, %convert_element_type3A_89, %cond3A_90 : i32
      scf.if %cond3A_91 {
        %dma_wait3A_92 = arith.constant 0 : i32
        %dma_wait3A_93 = arith.constant 0 : i32
        %dma_wait3A_94 = tpu.memref_slice %arg6[%dma_wait3A_92, %dma_wait3A_93] : memref<40x128xi32, #tpu.memory_space<vmem>> -> memref<1x128xi32, #tpu.memory_space<vmem>>
        %dma_wait3A_95 = tpu.memref_squeeze %dma_wait3A_94 : memref<1x128xi32, #tpu.memory_space<vmem>> -> memref<128xi32, #tpu.memory_space<vmem>>
        %dma_wait3A_96 = arith.constant 0 : i32
        %dma_wait3A_97 = arith.constant 0 : i32
        %dma_wait3A_98 = tpu.memref_slice %arg13[%dma_wait3A_96, %dma_wait3A_97] : memref<10240x128xf32, #tpu.memory_space<vmem_shared>> -> memref<10240x128xf32, #tpu.memory_space<vmem_shared>>
        tpu.wait_indirect_dma semaphore(%arg12 : memref<!tpu.dma_semaphore, #tpu.memory_space<semaphore_mem>>) src(%arg8 : memref<128x128xf32, #tpu.memory_space<vmem>>) dst(%dma_wait3A_98 : memref<10240x128xf32, #tpu.memory_space<vmem_shared>>)
        %mul3A_99 = arith.constant 128 : i32
        %mul3A_100 = arith.muli %add3A_86, %mul3A_99 : i32
        %add3A_101 = arith.addi %mul3A_2, %mul3A_100 : i32
        %dma_start3A_102 = arith.constant 0 : i32
        %dma_start3A_103 = tpu.memref_slice %arg2[%add3A_101, %dma_start3A_102] : memref<163840x128xf32, #tpu.memory_space<hbm>> -> memref<128x128xf32, #tpu.memory_space<hbm>>
        %dma_start3A_104 = arith.constant 0 : i32
        %dma_start3A_105 = tpu.memref_slice %arg2[%add3A_101, %dma_start3A_104] : memref<163840x128xf32, #tpu.memory_space<hbm>> -> memref<128x128xf32, #tpu.memory_space<hbm>>
        tpu.enqueue_dma source(%dma_start3A_105 : memref<128x128xf32, #tpu.memory_space<hbm>>) target(%arg8 : memref<128x128xf32, #tpu.memory_space<vmem>>) target_semaphore(%arg10 : memref<!tpu.dma_semaphore, #tpu.memory_space<semaphore_mem>>)
      } else {
      }
    }
    %scan3A_22 = arith.constant 20 : i32
    %dma_wait3A = arith.constant 0 : i32
    %dma_wait3A_23 = arith.constant 0 : i32
    %dma_wait3A_24 = tpu.memref_slice %arg6[%dma_wait3A, %dma_wait3A_23] : memref<40x128xi32, #tpu.memory_space<vmem>> -> memref<1x128xi32, #tpu.memory_space<vmem>>
    %dma_wait3A_25 = tpu.memref_squeeze %dma_wait3A_24 : memref<1x128xi32, #tpu.memory_space<vmem>> -> memref<128xi32, #tpu.memory_space<vmem>>
    %dma_wait3A_26 = arith.constant 0 : i32
    %dma_wait3A_27 = arith.constant 0 : i32
    %dma_wait3A_28 = tpu.memref_slice %arg13[%dma_wait3A_26, %dma_wait3A_27] : memref<10240x128xf32, #tpu.memory_space<vmem_shared>> -> memref<10240x128xf32, #tpu.memory_space<vmem_shared>>
    tpu.wait_indirect_dma semaphore(%arg11 : memref<!tpu.dma_semaphore, #tpu.memory_space<semaphore_mem>>) src(%arg7 : memref<128x128xf32, #tpu.memory_space<vmem>>) dst(%dma_wait3A_28 : memref<10240x128xf32, #tpu.memory_space<vmem_shared>>)
    %dma_wait3A_29 = arith.constant 0 : i32
    %dma_wait3A_30 = arith.constant 0 : i32
    %dma_wait3A_31 = tpu.memref_slice %arg6[%dma_wait3A_29, %dma_wait3A_30] : memref<40x128xi32, #tpu.memory_space<vmem>> -> memref<1x128xi32, #tpu.memory_space<vmem>>
    %dma_wait3A_32 = tpu.memref_squeeze %dma_wait3A_31 : memref<1x128xi32, #tpu.memory_space<vmem>> -> memref<128xi32, #tpu.memory_space<vmem>>
    %dma_wait3A_33 = arith.constant 0 : i32
    %dma_wait3A_34 = arith.constant 0 : i32
    %dma_wait3A_35 = tpu.memref_slice %arg13[%dma_wait3A_33, %dma_wait3A_34] : memref<10240x128xf32, #tpu.memory_space<vmem_shared>> -> memref<10240x128xf32, #tpu.memory_space<vmem_shared>>
    tpu.wait_indirect_dma semaphore(%arg12 : memref<!tpu.dma_semaphore, #tpu.memory_space<semaphore_mem>>) src(%arg8 : memref<128x128xf32, #tpu.memory_space<vmem>>) dst(%dma_wait3A_35 : memref<10240x128xf32, #tpu.memory_space<vmem_shared>>)
    %barrier3A_36 = arith.constant 0 : index
    tpu.barrier barrier_id(%barrier3A_36)
    %mul3A_37 = arith.constant 640 : i32
    %mul3A_38 = arith.muli %arg1, %mul3A_37 : i32
    %mul3A_39 = arith.constant 10240 : i32
    %mul3A_40 = arith.muli %arg0, %mul3A_39 : i32
    %mul3A_41 = arith.constant 640 : i32
    %mul3A_42 = arith.muli %arg1, %mul3A_41 : i32
    %add3A_43 = arith.addi %mul3A_40, %mul3A_42 : i32
    "tpu.region"() ({
      %run_scoped3A = tpu.sem_alloc : memref<!tpu.dma_semaphore, #tpu.memory_space<semaphore_mem>>
      %dma_start3A_44 = arith.constant 0 : i32
      %dma_start3A_45 = tpu.memref_slice %arg5[%add3A_43, %dma_start3A_44] : memref<20480x128xf32, #tpu.memory_space<hbm>> -> memref<640x128xf32, #tpu.memory_space<hbm>>
      %dma_start3A_46 = arith.constant 0 : i32
      %dma_start3A_47 = tpu.memref_slice %arg13[%mul3A_38, %dma_start3A_46] : memref<10240x128xf32, #tpu.memory_space<vmem_shared>> -> memref<640x128xf32, #tpu.memory_space<vmem_shared>>
      tpu.enqueue_dma source(%dma_start3A_47 : memref<640x128xf32, #tpu.memory_space<vmem_shared>>) target(%dma_start3A_45 : memref<640x128xf32, #tpu.memory_space<hbm>>) target_semaphore(%run_scoped3A : memref<!tpu.dma_semaphore, #tpu.memory_space<semaphore_mem>>)
      %dma_wait3A_48 = arith.constant 0 : i32
      %dma_wait3A_49 = tpu.memref_slice %arg5[%add3A_43, %dma_wait3A_48] : memref<20480x128xf32, #tpu.memory_space<hbm>> -> memref<640x128xf32, #tpu.memory_space<hbm>>
      %dma_wait3A_50 = arith.constant 0 : i32
      %dma_wait3A_51 = tpu.memref_slice %arg13[%mul3A_38, %dma_wait3A_50] : memref<10240x128xf32, #tpu.memory_space<vmem_shared>> -> memref<640x128xf32, #tpu.memory_space<vmem_shared>>
      tpu.wait_dma2 semaphore(%run_scoped3A : memref<!tpu.dma_semaphore, #tpu.memory_space<semaphore_mem>>) src(%dma_wait3A_51 : memref<640x128xf32, #tpu.memory_space<vmem_shared>>) dst(%dma_wait3A_49 : memref<640x128xf32, #tpu.memory_space<hbm>>)
      tpu.yield
    }) : () -> ()
    return
  }
}

#map = affine_map<(d0, d1) -> (0, 0)>
#map1 = affine_map<(d0, d1) -> (0, 0, 0)>
module attributes {stable_mosaic.version = 14 : i64} {
  func.func @k(%arg0: i32, %arg1: i32, %arg2: memref<163840x128xf32, #tpu.memory_space<hbm>>, %arg3: memref<32x40x128xi32, #tpu.memory_space<hbm>>, %arg4: memref<10240x128xf32, #tpu.memory_space<hbm>>, %arg5: memref<20480x128xf32, #tpu.memory_space<hbm>>, %arg6: memref<40x128xi32, #tpu.memory_space<vmem>>, %arg7: memref<128x128xf32, #tpu.memory_space<vmem>>, %arg8: memref<128x128xf32, #tpu.memory_space<vmem>>, %arg9: memref<!tpu.dma_semaphore, #tpu.memory_space<semaphore_mem>>, %arg10: memref<!tpu.dma_semaphore, #tpu.memory_space<semaphore_mem>>, %arg11: memref<!tpu.dma_semaphore, #tpu.memory_space<semaphore_mem>>, %arg12: memref<!tpu.dma_semaphore, #tpu.memory_space<semaphore_mem>>, %arg13: memref<10240x128xf32, #tpu.memory_space<vmem_shared>>) attributes {dimension_semantics = [#tpu.dimension_semantics<core_parallel>, #tpu.dimension_semantics<subcore_parallel>], iteration_bounds = array<i64: 2, 16>, scalar_prefetch = 0 : i64, scratch_operands = 8 : i64, tpu.core_type = #tpu.core_type<sc_vector_subcore>, window_params = [{transform_indices = #map}, {transform_indices = #map1}, {transform_indices = #map}, {transform_indices = #map}]} {
    %mul3A = arith.constant 2 : i32
    %mul3A_0 = arith.muli %arg1, %mul3A : i32
    %add3A = arith.addi %mul3A_0, %arg0 : i32
    %mul3A_1 = arith.constant 5120 : i32
    %mul3A_2 = arith.muli %add3A, %mul3A_1 : i32
    %mul3A_3 = arith.constant 640 : i32
    %mul3A_4 = arith.muli %arg1, %mul3A_3 : i32
    %mul3A_5 = arith.constant 640 : i32
    %mul3A_6 = arith.muli %arg1, %mul3A_5 : i32
    "tpu.region"() ({
      %run_scoped3A = tpu.sem_alloc : memref<!tpu.dma_semaphore, #tpu.memory_space<semaphore_mem>>
      %dma_start3A_44 = arith.constant 0 : i32
      %dma_start3A_45 = tpu.memref_slice %arg13[%mul3A_6, %dma_start3A_44] : memref<10240x128xf32, #tpu.memory_space<vmem_shared>> -> memref<640x128xf32, #tpu.memory_space<vmem_shared>>
      %dma_start3A_46 = arith.constant 0 : i32
      %dma_start3A_47 = tpu.memref_slice %arg4[%mul3A_4, %dma_start3A_46] : memref<10240x128xf32, #tpu.memory_space<hbm>> -> memref<640x128xf32, #tpu.memory_space<hbm>>
      tpu.enqueue_dma source(%dma_start3A_47 : memref<640x128xf32, #tpu.memory_space<hbm>>) target(%dma_start3A_45 : memref<640x128xf32, #tpu.memory_space<vmem_shared>>) target_semaphore(%run_scoped3A : memref<!tpu.dma_semaphore, #tpu.memory_space<semaphore_mem>>)
      %dma_wait3A_48 = arith.constant 0 : i32
      %dma_wait3A_49 = tpu.memref_slice %arg13[%mul3A_6, %dma_wait3A_48] : memref<10240x128xf32, #tpu.memory_space<vmem_shared>> -> memref<640x128xf32, #tpu.memory_space<vmem_shared>>
      %dma_wait3A_50 = arith.constant 0 : i32
      %dma_wait3A_51 = tpu.memref_slice %arg4[%mul3A_4, %dma_wait3A_50] : memref<10240x128xf32, #tpu.memory_space<hbm>> -> memref<640x128xf32, #tpu.memory_space<hbm>>
      tpu.wait_dma2 semaphore(%run_scoped3A : memref<!tpu.dma_semaphore, #tpu.memory_space<semaphore_mem>>) src(%dma_wait3A_51 : memref<640x128xf32, #tpu.memory_space<hbm>>) dst(%dma_wait3A_49 : memref<640x128xf32, #tpu.memory_space<vmem_shared>>)
      tpu.yield
    }) : () -> ()
    "tpu.region"() ({
      %run_scoped3A = tpu.sem_alloc : memref<!tpu.dma_semaphore, #tpu.memory_space<semaphore_mem>>
      %dma_start3A_44 = arith.constant 0 : i32
      %dma_start3A_45 = arith.constant 0 : i32
      %dma_start3A_46 = tpu.memref_slice %arg3[%add3A, %dma_start3A_44, %dma_start3A_45] : memref<32x40x128xi32, #tpu.memory_space<hbm>> -> memref<1x40x128xi32, #tpu.memory_space<hbm>>
      %dma_start3A_47 = tpu.memref_squeeze %dma_start3A_46 : memref<1x40x128xi32, #tpu.memory_space<hbm>> -> memref<40x128xi32, #tpu.memory_space<hbm>>
      %dma_start3A_48 = arith.constant 0 : i32
      %dma_start3A_49 = arith.constant 0 : i32
      %dma_start3A_50 = tpu.memref_slice %arg3[%add3A, %dma_start3A_48, %dma_start3A_49] : memref<32x40x128xi32, #tpu.memory_space<hbm>> -> memref<1x40x128xi32, #tpu.memory_space<hbm>>
      %dma_start3A_51 = tpu.memref_squeeze %dma_start3A_50 : memref<1x40x128xi32, #tpu.memory_space<hbm>> -> memref<40x128xi32, #tpu.memory_space<hbm>>
      tpu.enqueue_dma source(%dma_start3A_51 : memref<40x128xi32, #tpu.memory_space<hbm>>) target(%arg6 : memref<40x128xi32, #tpu.memory_space<vmem>>) target_semaphore(%run_scoped3A : memref<!tpu.dma_semaphore, #tpu.memory_space<semaphore_mem>>)
      %dma_wait3A_52 = arith.constant 0 : i32
      %dma_wait3A_53 = arith.constant 0 : i32
      %dma_wait3A_54 = tpu.memref_slice %arg3[%add3A, %dma_wait3A_52, %dma_wait3A_53] : memref<32x40x128xi32, #tpu.memory_space<hbm>> -> memref<1x40x128xi32, #tpu.memory_space<hbm>>
      %dma_wait3A_55 = tpu.memref_squeeze %dma_wait3A_54 : memref<1x40x128xi32, #tpu.memory_space<hbm>> -> memref<40x128xi32, #tpu.memory_space<hbm>>
      %dma_wait3A_56 = arith.constant 0 : i32
      %dma_wait3A_57 = arith.constant 0 : i32
      %dma_wait3A_58 = tpu.memref_slice %arg3[%add3A, %dma_wait3A_56, %dma_wait3A_57] : memref<32x40x128xi32, #tpu.memory_space<hbm>> -> memref<1x40x128xi32, #tpu.memory_space<hbm>>
      %dma_wait3A_59 = tpu.memref_squeeze %dma_wait3A_58 : memref<1x40x128xi32, #tpu.memory_space<hbm>> -> memref<40x128xi32, #tpu.memory_space<hbm>>
      tpu.wait_dma2 semaphore(%run_scoped3A : memref<!tpu.dma_semaphore, #tpu.memory_space<semaphore_mem>>) src(%dma_wait3A_59 : memref<40x128xi32, #tpu.memory_space<hbm>>) dst(%arg6 : memref<40x128xi32, #tpu.memory_space<vmem>>)
      tpu.yield
    }) : () -> ()
    %barrier3A = arith.constant 0 : index
    tpu.barrier barrier_id(%barrier3A)
    %add3A_7 = arith.constant 0 : i32
    %add3A_8 = arith.addi %mul3A_2, %add3A_7 : i32
    %dma_start3A = arith.constant 0 : i32
    %dma_start3A_9 = tpu.memref_slice %arg2[%add3A_8, %dma_start3A] : memref<163840x128xf32, #tpu.memory_space<hbm>> -> memref<128x128xf32, #tpu.memory_space<hbm>>
    %dma_start3A_10 = arith.constant 0 : i32
    %dma_start3A_11 = tpu.memref_slice %arg2[%add3A_8, %dma_start3A_10] : memref<163840x128xf32, #tpu.memory_space<hbm>> -> memref<128x128xf32, #tpu.memory_space<hbm>>
    tpu.enqueue_dma source(%dma_start3A_11 : memref<128x128xf32, #tpu.memory_space<hbm>>) target(%arg7 : memref<128x128xf32, #tpu.memory_space<vmem>>) target_semaphore(%arg9 : memref<!tpu.dma_semaphore, #tpu.memory_space<semaphore_mem>>)
    %add3A_12 = arith.constant 128 : i32
    %add3A_13 = arith.addi %mul3A_2, %add3A_12 : i32
    %dma_start3A_14 = arith.constant 0 : i32
    %dma_start3A_15 = tpu.memref_slice %arg2[%add3A_13, %dma_start3A_14] : memref<163840x128xf32, #tpu.memory_space<hbm>> -> memref<128x128xf32, #tpu.memory_space<hbm>>
    %dma_start3A_16 = arith.constant 0 : i32
    %dma_start3A_17 = tpu.memref_slice %arg2[%add3A_13, %dma_start3A_16] : memref<163840x128xf32, #tpu.memory_space<hbm>> -> memref<128x128xf32, #tpu.memory_space<hbm>>
    tpu.enqueue_dma source(%dma_start3A_17 : memref<128x128xf32, #tpu.memory_space<hbm>>) target(%arg8 : memref<128x128xf32, #tpu.memory_space<vmem>>) target_semaphore(%arg10 : memref<!tpu.dma_semaphore, #tpu.memory_space<semaphore_mem>>)
    %scan3A = arith.constant 0 : i32
    %scan3A_18 = arith.constant 0 : i32
    %scan3A_19 = arith.constant 20 : i32
    %scan3A_20 = arith.addi %scan3A_18, %scan3A_19 : i32
    %scan3A_21 = arith.constant 1 : i32
    scf.for %scan3A_44 = %scan3A_18 to %scan3A_20 step %scan3A_21  : i32 {
      %mul3A_45 = arith.constant 2 : i32
      %mul3A_46 = arith.muli %scan3A_44, %mul3A_45 : i32
      %add3A_47 = arith.constant 0 : i32
      %add3A_48 = arith.addi %mul3A_46, %add3A_47 : i32
      %dma_wait3A_49 = arith.constant 0 : i32
      %dma_wait3A_50 = tpu.memref_slice %arg2[%mul3A_2, %dma_wait3A_49] : memref<163840x128xf32, #tpu.memory_space<hbm>> -> memref<128x128xf32, #tpu.memory_space<hbm>>
      %dma_wait3A_51 = arith.constant 0 : i32
      %dma_wait3A_52 = tpu.memref_slice %arg2[%mul3A_2, %dma_wait3A_51] : memref<163840x128xf32, #tpu.memory_space<hbm>> -> memref<128x128xf32, #tpu.memory_space<hbm>>
      tpu.wait_dma2 semaphore(%arg9 : memref<!tpu.dma_semaphore, #tpu.memory_space<semaphore_mem>>) src(%dma_wait3A_52 : memref<128x128xf32, #tpu.memory_space<hbm>>) dst(%arg7 : memref<128x128xf32, #tpu.memory_space<vmem>>)
      %dma_start3A_53 = arith.constant 0 : i32
      %dma_start3A_54 = tpu.memref_slice %arg6[%add3A_48, %dma_start3A_53] : memref<40x128xi32, #tpu.memory_space<vmem>> -> memref<1x128xi32, #tpu.memory_space<vmem>>
      %dma_start3A_55 = tpu.memref_squeeze %dma_start3A_54 : memref<1x128xi32, #tpu.memory_space<vmem>> -> memref<128xi32, #tpu.memory_space<vmem>>
      %dma_start3A_56 = arith.constant 0 : i32
      %dma_start3A_57 = arith.constant 0 : i32
      %dma_start3A_58 = tpu.memref_slice %arg13[%dma_start3A_56, %dma_start3A_57] : memref<10240x128xf32, #tpu.memory_space<vmem_shared>> -> memref<10240x128xf32, #tpu.memory_space<vmem_shared>>
      tpu.enqueue_indirect_dma source(%arg7 : memref<128x128xf32, #tpu.memory_space<vmem>>) target(%dma_start3A_58 : memref<10240x128xf32, #tpu.memory_space<vmem_shared>>) offsets(%dma_start3A_55 : memref<128xi32, #tpu.memory_space<vmem>>) semaphore(%arg11 : memref<!tpu.dma_semaphore, #tpu.memory_space<semaphore_mem>>) {add = true}
      %mul3A_59 = arith.constant 2 : i32
      %mul3A_60 = arith.muli %scan3A_44, %mul3A_59 : i32
      %add3A_61 = arith.constant 1 : i32
      %add3A_62 = arith.addi %mul3A_60, %add3A_61 : i32
      %dma_wait3A_63 = arith.constant 0 : i32
      %dma_wait3A_64 = tpu.memref_slice %arg2[%mul3A_2, %dma_wait3A_63] : memref<163840x128xf32, #tpu.memory_space<hbm>> -> memref<128x128xf32, #tpu.memory_space<hbm>>
      %dma_wait3A_65 = arith.constant 0 : i32
      %dma_wait3A_66 = tpu.memref_slice %arg2[%mul3A_2, %dma_wait3A_65] : memref<163840x128xf32, #tpu.memory_space<hbm>> -> memref<128x128xf32, #tpu.memory_space<hbm>>
      tpu.wait_dma2 semaphore(%arg10 : memref<!tpu.dma_semaphore, #tpu.memory_space<semaphore_mem>>) src(%dma_wait3A_66 : memref<128x128xf32, #tpu.memory_space<hbm>>) dst(%arg8 : memref<128x128xf32, #tpu.memory_space<vmem>>)
      %dma_start3A_67 = arith.constant 0 : i32
      %dma_start3A_68 = tpu.memref_slice %arg6[%add3A_62, %dma_start3A_67] : memref<40x128xi32, #tpu.memory_space<vmem>> -> memref<1x128xi32, #tpu.memory_space<vmem>>
      %dma_start3A_69 = tpu.memref_squeeze %dma_start3A_68 : memref<1x128xi32, #tpu.memory_space<vmem>> -> memref<128xi32, #tpu.memory_space<vmem>>
      %dma_start3A_70 = arith.constant 0 : i32
      %dma_start3A_71 = arith.constant 0 : i32
      %dma_start3A_72 = tpu.memref_slice %arg13[%dma_start3A_70, %dma_start3A_71] : memref<10240x128xf32, #tpu.memory_space<vmem_shared>> -> memref<10240x128xf32, #tpu.memory_space<vmem_shared>>
      tpu.enqueue_indirect_dma source(%arg8 : memref<128x128xf32, #tpu.memory_space<vmem>>) target(%dma_start3A_72 : memref<10240x128xf32, #tpu.memory_space<vmem_shared>>) offsets(%dma_start3A_69 : memref<128xi32, #tpu.memory_space<vmem>>) semaphore(%arg12 : memref<!tpu.dma_semaphore, #tpu.memory_space<semaphore_mem>>) {add = true}
      %add3A_73 = arith.constant 1 : i32
      %add3A_74 = arith.addi %scan3A_44, %add3A_73 : i32
      %mul3A_75 = arith.constant 2 : i32
      %mul3A_76 = arith.muli %add3A_74, %mul3A_75 : i32
      %add3A_77 = arith.constant 0 : i32
      %add3A_78 = arith.addi %mul3A_76, %add3A_77 : i32
      %lt3A = arith.constant 40 : i32
      %lt3A_79 = arith.cmpi slt, %add3A_78, %lt3A : i32
      %convert_element_type3A = arith.extui %lt3A_79 : i1 to i32
      %cond3A = arith.constant 0 : i32
      %cond3A_80 = arith.cmpi ne, %convert_element_type3A, %cond3A : i32
      scf.if %cond3A_80 {
        %dma_wait3A_92 = arith.constant 0 : i32
        %dma_wait3A_93 = arith.constant 0 : i32
        %dma_wait3A_94 = tpu.memref_slice %arg6[%dma_wait3A_92, %dma_wait3A_93] : memref<40x128xi32, #tpu.memory_space<vmem>> -> memref<1x128xi32, #tpu.memory_space<vmem>>
        %dma_wait3A_95 = tpu.memref_squeeze %dma_wait3A_94 : memref<1x128xi32, #tpu.memory_space<vmem>> -> memref<128xi32, #tpu.memory_space<vmem>>
        %dma_wait3A_96 = arith.constant 0 : i32
        %dma_wait3A_97 = arith.constant 0 : i32
        %dma_wait3A_98 = tpu.memref_slice %arg13[%dma_wait3A_96, %dma_wait3A_97] : memref<10240x128xf32, #tpu.memory_space<vmem_shared>> -> memref<10240x128xf32, #tpu.memory_space<vmem_shared>>
        tpu.wait_indirect_dma semaphore(%arg11 : memref<!tpu.dma_semaphore, #tpu.memory_space<semaphore_mem>>) src(%arg7 : memref<128x128xf32, #tpu.memory_space<vmem>>) dst(%dma_wait3A_98 : memref<10240x128xf32, #tpu.memory_space<vmem_shared>>)
        %mul3A_99 = arith.constant 128 : i32
        %mul3A_100 = arith.muli %add3A_78, %mul3A_99 : i32
        %add3A_101 = arith.addi %mul3A_2, %mul3A_100 : i32
        %dma_start3A_102 = arith.constant 0 : i32
        %dma_start3A_103 = tpu.memref_slice %arg2[%add3A_101, %dma_start3A_102] : memref<163840x128xf32, #tpu.memory_space<hbm>> -> memref<128x128xf32, #tpu.memory_space<hbm>>
        %dma_start3A_104 = arith.constant 0 : i32
        %dma_start3A_105 = tpu.memref_slice %arg2[%add3A_101, %dma_start3A_104] : memref<163840x128xf32, #tpu.memory_space<hbm>> -> memref<128x128xf32, #tpu.memory_space<hbm>>
        tpu.enqueue_dma source(%dma_start3A_105 : memref<128x128xf32, #tpu.memory_space<hbm>>) target(%arg7 : memref<128x128xf32, #tpu.memory_space<vmem>>) target_semaphore(%arg9 : memref<!tpu.dma_semaphore, #tpu.memory_space<semaphore_mem>>)
      } else {
      }
      %add3A_81 = arith.constant 1 : i32
      %add3A_82 = arith.addi %scan3A_44, %add3A_81 : i32
      %mul3A_83 = arith.constant 2 : i32
      %mul3A_84 = arith.muli %add3A_82, %mul3A_83 : i32
      %add3A_85 = arith.constant 1 : i32
      %add3A_86 = arith.addi %mul3A_84, %add3A_85 : i32
      %lt3A_87 = arith.constant 40 : i32
      %lt3A_88 = arith.cmpi slt, %add3A_86, %lt3A_87 : i32
      %convert_element_type3A_89 = arith.extui %lt3A_88 : i1 to i32
      %cond3A_90 = arith.constant 0 : i32
      %cond3A_91 = arith.cmpi ne, %convert_element_type3A_89, %cond3A_90 : i32
      scf.if %cond3A_91 {
        %dma_wait3A_92 = arith.constant 0 : i32
        %dma_wait3A_93 = arith.constant 0 : i32
        %dma_wait3A_94 = tpu.memref_slice %arg6[%dma_wait3A_92, %dma_wait3A_93] : memref<40x128xi32, #tpu.memory_space<vmem>> -> memref<1x128xi32, #tpu.memory_space<vmem>>
        %dma_wait3A_95 = tpu.memref_squeeze %dma_wait3A_94 : memref<1x128xi32, #tpu.memory_space<vmem>> -> memref<128xi32, #tpu.memory_space<vmem>>
        %dma_wait3A_96 = arith.constant 0 : i32
        %dma_wait3A_97 = arith.constant 0 : i32
        %dma_wait3A_98 = tpu.memref_slice %arg13[%dma_wait3A_96, %dma_wait3A_97] : memref<10240x128xf32, #tpu.memory_space<vmem_shared>> -> memref<10240x128xf32, #tpu.memory_space<vmem_shared>>
        tpu.wait_indirect_dma semaphore(%arg12 : memref<!tpu.dma_semaphore, #tpu.memory_space<semaphore_mem>>) src(%arg8 : memref<128x128xf32, #tpu.memory_space<vmem>>) dst(%dma_wait3A_98 : memref<10240x128xf32, #tpu.memory_space<vmem_shared>>)
        %mul3A_99 = arith.constant 128 : i32
        %mul3A_100 = arith.muli %add3A_86, %mul3A_99 : i32
        %add3A_101 = arith.addi %mul3A_2, %mul3A_100 : i32
        %dma_start3A_102 = arith.constant 0 : i32
        %dma_start3A_103 = tpu.memref_slice %arg2[%add3A_101, %dma_start3A_102] : memref<163840x128xf32, #tpu.memory_space<hbm>> -> memref<128x128xf32, #tpu.memory_space<hbm>>
        %dma_start3A_104 = arith.constant 0 : i32
        %dma_start3A_105 = tpu.memref_slice %arg2[%add3A_101, %dma_start3A_104] : memref<163840x128xf32, #tpu.memory_space<hbm>> -> memref<128x128xf32, #tpu.memory_space<hbm>>
        tpu.enqueue_dma source(%dma_start3A_105 : memref<128x128xf32, #tpu.memory_space<hbm>>) target(%arg8 : memref<128x128xf32, #tpu.memory_space<vmem>>) target_semaphore(%arg10 : memref<!tpu.dma_semaphore, #tpu.memory_space<semaphore_mem>>)
      } else {
      }
    }
    %scan3A_22 = arith.constant 20 : i32
    %dma_wait3A = arith.constant 0 : i32
    %dma_wait3A_23 = arith.constant 0 : i32
    %dma_wait3A_24 = tpu.memref_slice %arg6[%dma_wait3A, %dma_wait3A_23] : memref<40x128xi32, #tpu.memory_space<vmem>> -> memref<1x128xi32, #tpu.memory_space<vmem>>
    %dma_wait3A_25 = tpu.memref_squeeze %dma_wait3A_24 : memref<1x128xi32, #tpu.memory_space<vmem>> -> memref<128xi32, #tpu.memory_space<vmem>>
    %dma_wait3A_26 = arith.constant 0 : i32
    %dma_wait3A_27 = arith.constant 0 : i32
    %dma_wait3A_28 = tpu.memref_slice %arg13[%dma_wait3A_26, %dma_wait3A_27] : memref<10240x128xf32, #tpu.memory_space<vmem_shared>> -> memref<10240x128xf32, #tpu.memory_space<vmem_shared>>
    tpu.wait_indirect_dma semaphore(%arg11 : memref<!tpu.dma_semaphore, #tpu.memory_space<semaphore_mem>>) src(%arg7 : memref<128x128xf32, #tpu.memory_space<vmem>>) dst(%dma_wait3A_28 : memref<10240x128xf32, #tpu.memory_space<vmem_shared>>)
    %dma_wait3A_29 = arith.constant 0 : i32
    %dma_wait3A_30 = arith.constant 0 : i32
    %dma_wait3A_31 = tpu.memref_slice %arg6[%dma_wait3A_29, %dma_wait3A_30] : memref<40x128xi32, #tpu.memory_space<vmem>> -> memref<1x128xi32, #tpu.memory_space<vmem>>
    %dma_wait3A_32 = tpu.memref_squeeze %dma_wait3A_31 : memref<1x128xi32, #tpu.memory_space<vmem>> -> memref<128xi32, #tpu.memory_space<vmem>>
    %dma_wait3A_33 = arith.constant 0 : i32
    %dma_wait3A_34 = arith.constant 0 : i32
    %dma_wait3A_35 = tpu.memref_slice %arg13[%dma_wait3A_33, %dma_wait3A_34] : memref<10240x128xf32, #tpu.memory_space<vmem_shared>> -> memref<10240x128xf32, #tpu.memory_space<vmem_shared>>
    tpu.wait_indirect_dma semaphore(%arg12 : memref<!tpu.dma_semaphore, #tpu.memory_space<semaphore_mem>>) src(%arg8 : memref<128x128xf32, #tpu.memory_space<vmem>>) dst(%dma_wait3A_35 : memref<10240x128xf32, #tpu.memory_space<vmem_shared>>)
    %barrier3A_36 = arith.constant 0 : index
    tpu.barrier barrier_id(%barrier3A_36)
    %mul3A_37 = arith.constant 640 : i32
    %mul3A_38 = arith.muli %arg1, %mul3A_37 : i32
    %mul3A_39 = arith.constant 10240 : i32
    %mul3A_40 = arith.muli %arg0, %mul3A_39 : i32
    %mul3A_41 = arith.constant 640 : i32
    %mul3A_42 = arith.muli %arg1, %mul3A_41 : i32
    %add3A_43 = arith.addi %mul3A_40, %mul3A_42 : i32
    "tpu.region"() ({
      %run_scoped3A = tpu.sem_alloc : memref<!tpu.dma_semaphore, #tpu.memory_space<semaphore_mem>>
      %dma_start3A_44 = arith.constant 0 : i32
      %dma_start3A_45 = tpu.memref_slice %arg5[%add3A_43, %dma_start3A_44] : memref<20480x128xf32, #tpu.memory_space<hbm>> -> memref<640x128xf32, #tpu.memory_space<hbm>>
      %dma_start3A_46 = arith.constant 0 : i32
      %dma_start3A_47 = tpu.memref_slice %arg13[%mul3A_38, %dma_start3A_46] : memref<10240x128xf32, #tpu.memory_space<vmem_shared>> -> memref<640x128xf32, #tpu.memory_space<vmem_shared>>
      tpu.enqueue_dma source(%dma_start3A_47 : memref<640x128xf32, #tpu.memory_space<vmem_shared>>) target(%dma_start3A_45 : memref<640x128xf32, #tpu.memory_space<hbm>>) target_semaphore(%run_scoped3A : memref<!tpu.dma_semaphore, #tpu.memory_space<semaphore_mem>>)
      %dma_wait3A_48 = arith.constant 0 : i32
      %dma_wait3A_49 = tpu.memref_slice %arg5[%add3A_43, %dma_wait3A_48] : memref<20480x128xf32, #tpu.memory_space<hbm>> -> memref<640x128xf32, #tpu.memory_space<hbm>>
      %dma_wait3A_50 = arith.constant 0 : i32
      %dma_wait3A_51 = tpu.memref_slice %arg13[%mul3A_38, %dma_wait3A_50] : memref<10240x128xf32, #tpu.memory_space<vmem_shared>> -> memref<640x128xf32, #tpu.memory_space<vmem_shared>>
      tpu.wait_dma2 semaphore(%run_scoped3A : memref<!tpu.dma_semaphore, #tpu.memory_space<semaphore_mem>>) src(%dma_wait3A_51 : memref<640x128xf32, #tpu.memory_space<vmem_shared>>) dst(%dma_wait3A_49 : memref<640x128xf32, #tpu.memory_space<hbm>>)
      tpu.yield
    }) : () -> ()
    return
  }
}

#map = affine_map<(d0, d1) -> (0, 0)>
#map1 = affine_map<(d0, d1) -> (0, 0, 0)>
module attributes {stable_mosaic.version = 14 : i64} {
  func.func @k(%arg0: i32, %arg1: i32, %arg2: memref<10240x128xf32, #tpu.memory_space<hbm>>, %arg3: memref<32x40x128xi32, #tpu.memory_space<hbm>>, %arg4: memref<163840x128xf32, #tpu.memory_space<hbm>>, %arg5: memref<40x128xi32, #tpu.memory_space<vmem>>, %arg6: memref<128x128xf32, #tpu.memory_space<vmem>>, %arg7: memref<128x128xf32, #tpu.memory_space<vmem>>, %arg8: memref<!tpu.dma_semaphore, #tpu.memory_space<semaphore_mem>>, %arg9: memref<!tpu.dma_semaphore, #tpu.memory_space<semaphore_mem>>, %arg10: memref<!tpu.dma_semaphore, #tpu.memory_space<semaphore_mem>>, %arg11: memref<!tpu.dma_semaphore, #tpu.memory_space<semaphore_mem>>, %arg12: memref<10240x128xf32, #tpu.memory_space<vmem_shared>>) attributes {dimension_semantics = [#tpu.dimension_semantics<core_parallel>, #tpu.dimension_semantics<subcore_parallel>], iteration_bounds = array<i64: 2, 16>, scalar_prefetch = 0 : i64, scratch_operands = 8 : i64, tpu.core_type = #tpu.core_type<sc_vector_subcore>, window_params = [{transform_indices = #map}, {transform_indices = #map1}, {transform_indices = #map}]} {
    %mul3A = arith.constant 2 : i32
    %mul3A_0 = arith.muli %arg1, %mul3A : i32
    %add3A = arith.addi %mul3A_0, %arg0 : i32
    %mul3A_1 = arith.constant 5120 : i32
    %mul3A_2 = arith.muli %add3A, %mul3A_1 : i32
    %mul3A_3 = arith.constant 640 : i32
    %mul3A_4 = arith.muli %arg1, %mul3A_3 : i32
    %mul3A_5 = arith.constant 640 : i32
    %mul3A_6 = arith.muli %arg1, %mul3A_5 : i32
    "tpu.region"() ({
      %run_scoped3A = tpu.sem_alloc : memref<!tpu.dma_semaphore, #tpu.memory_space<semaphore_mem>>
      %dma_start3A_32 = arith.constant 0 : i32
      %dma_start3A_33 = tpu.memref_slice %arg12[%mul3A_6, %dma_start3A_32] : memref<10240x128xf32, #tpu.memory_space<vmem_shared>> -> memref<640x128xf32, #tpu.memory_space<vmem_shared>>
      %dma_start3A_34 = arith.constant 0 : i32
      %dma_start3A_35 = tpu.memref_slice %arg2[%mul3A_4, %dma_start3A_34] : memref<10240x128xf32, #tpu.memory_space<hbm>> -> memref<640x128xf32, #tpu.memory_space<hbm>>
      tpu.enqueue_dma source(%dma_start3A_35 : memref<640x128xf32, #tpu.memory_space<hbm>>) target(%dma_start3A_33 : memref<640x128xf32, #tpu.memory_space<vmem_shared>>) target_semaphore(%run_scoped3A : memref<!tpu.dma_semaphore, #tpu.memory_space<semaphore_mem>>)
      %dma_wait3A_36 = arith.constant 0 : i32
      %dma_wait3A_37 = tpu.memref_slice %arg12[%mul3A_6, %dma_wait3A_36] : memref<10240x128xf32, #tpu.memory_space<vmem_shared>> -> memref<640x128xf32, #tpu.memory_space<vmem_shared>>
      %dma_wait3A_38 = arith.constant 0 : i32
      %dma_wait3A_39 = tpu.memref_slice %arg2[%mul3A_4, %dma_wait3A_38] : memref<10240x128xf32, #tpu.memory_space<hbm>> -> memref<640x128xf32, #tpu.memory_space<hbm>>
      tpu.wait_dma2 semaphore(%run_scoped3A : memref<!tpu.dma_semaphore, #tpu.memory_space<semaphore_mem>>) src(%dma_wait3A_39 : memref<640x128xf32, #tpu.memory_space<hbm>>) dst(%dma_wait3A_37 : memref<640x128xf32, #tpu.memory_space<vmem_shared>>)
      tpu.yield
    }) : () -> ()
    "tpu.region"() ({
      %run_scoped3A = tpu.sem_alloc : memref<!tpu.dma_semaphore, #tpu.memory_space<semaphore_mem>>
      %dma_start3A_32 = arith.constant 0 : i32
      %dma_start3A_33 = arith.constant 0 : i32
      %dma_start3A_34 = tpu.memref_slice %arg3[%add3A, %dma_start3A_32, %dma_start3A_33] : memref<32x40x128xi32, #tpu.memory_space<hbm>> -> memref<1x40x128xi32, #tpu.memory_space<hbm>>
      %dma_start3A_35 = tpu.memref_squeeze %dma_start3A_34 : memref<1x40x128xi32, #tpu.memory_space<hbm>> -> memref<40x128xi32, #tpu.memory_space<hbm>>
      %dma_start3A_36 = arith.constant 0 : i32
      %dma_start3A_37 = arith.constant 0 : i32
      %dma_start3A_38 = tpu.memref_slice %arg3[%add3A, %dma_start3A_36, %dma_start3A_37] : memref<32x40x128xi32, #tpu.memory_space<hbm>> -> memref<1x40x128xi32, #tpu.memory_space<hbm>>
      %dma_start3A_39 = tpu.memref_squeeze %dma_start3A_38 : memref<1x40x128xi32, #tpu.memory_space<hbm>> -> memref<40x128xi32, #tpu.memory_space<hbm>>
      tpu.enqueue_dma source(%dma_start3A_39 : memref<40x128xi32, #tpu.memory_space<hbm>>) target(%arg5 : memref<40x128xi32, #tpu.memory_space<vmem>>) target_semaphore(%run_scoped3A : memref<!tpu.dma_semaphore, #tpu.memory_space<semaphore_mem>>)
      %dma_wait3A_40 = arith.constant 0 : i32
      %dma_wait3A_41 = arith.constant 0 : i32
      %dma_wait3A_42 = tpu.memref_slice %arg3[%add3A, %dma_wait3A_40, %dma_wait3A_41] : memref<32x40x128xi32, #tpu.memory_space<hbm>> -> memref<1x40x128xi32, #tpu.memory_space<hbm>>
      %dma_wait3A_43 = tpu.memref_squeeze %dma_wait3A_42 : memref<1x40x128xi32, #tpu.memory_space<hbm>> -> memref<40x128xi32, #tpu.memory_space<hbm>>
      %dma_wait3A_44 = arith.constant 0 : i32
      %dma_wait3A_45 = arith.constant 0 : i32
      %dma_wait3A_46 = tpu.memref_slice %arg3[%add3A, %dma_wait3A_44, %dma_wait3A_45] : memref<32x40x128xi32, #tpu.memory_space<hbm>> -> memref<1x40x128xi32, #tpu.memory_space<hbm>>
      %dma_wait3A_47 = tpu.memref_squeeze %dma_wait3A_46 : memref<1x40x128xi32, #tpu.memory_space<hbm>> -> memref<40x128xi32, #tpu.memory_space<hbm>>
      tpu.wait_dma2 semaphore(%run_scoped3A : memref<!tpu.dma_semaphore, #tpu.memory_space<semaphore_mem>>) src(%dma_wait3A_47 : memref<40x128xi32, #tpu.memory_space<hbm>>) dst(%arg5 : memref<40x128xi32, #tpu.memory_space<vmem>>)
      tpu.yield
    }) : () -> ()
    %barrier3A = arith.constant 0 : index
    tpu.barrier barrier_id(%barrier3A)
    %dma_start3A = arith.constant 0 : i32
    %dma_start3A_7 = arith.constant 0 : i32
    %dma_start3A_8 = tpu.memref_slice %arg5[%dma_start3A, %dma_start3A_7] : memref<40x128xi32, #tpu.memory_space<vmem>> -> memref<1x128xi32, #tpu.memory_space<vmem>>
    %dma_start3A_9 = tpu.memref_squeeze %dma_start3A_8 : memref<1x128xi32, #tpu.memory_space<vmem>> -> memref<128xi32, #tpu.memory_space<vmem>>
    %dma_start3A_10 = arith.constant 0 : i32
    %dma_start3A_11 = arith.constant 0 : i32
    %dma_start3A_12 = tpu.memref_slice %arg12[%dma_start3A_10, %dma_start3A_11] : memref<10240x128xf32, #tpu.memory_space<vmem_shared>> -> memref<10240x128xf32, #tpu.memory_space<vmem_shared>>
    tpu.enqueue_indirect_dma source(%dma_start3A_12 : memref<10240x128xf32, #tpu.memory_space<vmem_shared>>) target(%arg6 : memref<128x128xf32, #tpu.memory_space<vmem>>) offsets(%dma_start3A_9 : memref<128xi32, #tpu.memory_space<vmem>>) semaphore(%arg8 : memref<!tpu.dma_semaphore, #tpu.memory_space<semaphore_mem>>)
    %dma_start3A_13 = arith.constant 1 : i32
    %dma_start3A_14 = arith.constant 0 : i32
    %dma_start3A_15 = tpu.memref_slice %arg5[%dma_start3A_13, %dma_start3A_14] : memref<40x128xi32, #tpu.memory_space<vmem>> -> memref<1x128xi32, #tpu.memory_space<vmem>>
    %dma_start3A_16 = tpu.memref_squeeze %dma_start3A_15 : memref<1x128xi32, #tpu.memory_space<vmem>> -> memref<128xi32, #tpu.memory_space<vmem>>
    %dma_start3A_17 = arith.constant 0 : i32
    %dma_start3A_18 = arith.constant 0 : i32
    %dma_start3A_19 = tpu.memref_slice %arg12[%dma_start3A_17, %dma_start3A_18] : memref<10240x128xf32, #tpu.memory_space<vmem_shared>> -> memref<10240x128xf32, #tpu.memory_space<vmem_shared>>
    tpu.enqueue_indirect_dma source(%dma_start3A_19 : memref<10240x128xf32, #tpu.memory_space<vmem_shared>>) target(%arg7 : memref<128x128xf32, #tpu.memory_space<vmem>>) offsets(%dma_start3A_16 : memref<128xi32, #tpu.memory_space<vmem>>) semaphore(%arg9 : memref<!tpu.dma_semaphore, #tpu.memory_space<semaphore_mem>>)
    %scan3A = arith.constant 0 : i32
    %scan3A_20 = arith.constant 0 : i32
    %scan3A_21 = arith.constant 20 : i32
    %scan3A_22 = arith.addi %scan3A_20, %scan3A_21 : i32
    %scan3A_23 = arith.constant 1 : i32
    scf.for %scan3A_32 = %scan3A_20 to %scan3A_22 step %scan3A_23  : i32 {
      %mul3A_33 = arith.constant 2 : i32
      %mul3A_34 = arith.muli %scan3A_32, %mul3A_33 : i32
      %add3A_35 = arith.constant 0 : i32
      %add3A_36 = arith.addi %mul3A_34, %add3A_35 : i32
      %dma_wait3A_37 = arith.constant 0 : i32
      %dma_wait3A_38 = tpu.memref_slice %arg5[%add3A_36, %dma_wait3A_37] : memref<40x128xi32, #tpu.memory_space<vmem>> -> memref<1x128xi32, #tpu.memory_space<vmem>>
      %dma_wait3A_39 = tpu.memref_squeeze %dma_wait3A_38 : memref<1x128xi32, #tpu.memory_space<vmem>> -> memref<128xi32, #tpu.memory_space<vmem>>
      %dma_wait3A_40 = arith.constant 0 : i32
      %dma_wait3A_41 = arith.constant 0 : i32
      %dma_wait3A_42 = tpu.memref_slice %arg12[%dma_wait3A_40, %dma_wait3A_41] : memref<10240x128xf32, #tpu.memory_space<vmem_shared>> -> memref<10240x128xf32, #tpu.memory_space<vmem_shared>>
      tpu.wait_indirect_dma semaphore(%arg8 : memref<!tpu.dma_semaphore, #tpu.memory_space<semaphore_mem>>) src(%dma_wait3A_42 : memref<10240x128xf32, #tpu.memory_space<vmem_shared>>) dst(%arg6 : memref<128x128xf32, #tpu.memory_space<vmem>>)
      %mul3A_43 = arith.constant 128 : i32
      %mul3A_44 = arith.muli %add3A_36, %mul3A_43 : i32
      %add3A_45 = arith.addi %mul3A_2, %mul3A_44 : i32
      %dma_start3A_46 = arith.constant 0 : i32
      %dma_start3A_47 = tpu.memref_slice %arg4[%add3A_45, %dma_start3A_46] : memref<163840x128xf32, #tpu.memory_space<hbm>> -> memref<128x128xf32, #tpu.memory_space<hbm>>
      %dma_start3A_48 = arith.constant 0 : i32
      %dma_start3A_49 = tpu.memref_slice %arg4[%add3A_45, %dma_start3A_48] : memref<163840x128xf32, #tpu.memory_space<hbm>> -> memref<128x128xf32, #tpu.memory_space<hbm>>
      tpu.enqueue_dma source(%arg6 : memref<128x128xf32, #tpu.memory_space<vmem>>) target(%dma_start3A_49 : memref<128x128xf32, #tpu.memory_space<hbm>>) target_semaphore(%arg10 : memref<!tpu.dma_semaphore, #tpu.memory_space<semaphore_mem>>)
      %mul3A_50 = arith.constant 2 : i32
      %mul3A_51 = arith.muli %scan3A_32, %mul3A_50 : i32
      %add3A_52 = arith.constant 1 : i32
      %add3A_53 = arith.addi %mul3A_51, %add3A_52 : i32
      %dma_wait3A_54 = arith.constant 0 : i32
      %dma_wait3A_55 = tpu.memref_slice %arg5[%add3A_53, %dma_wait3A_54] : memref<40x128xi32, #tpu.memory_space<vmem>> -> memref<1x128xi32, #tpu.memory_space<vmem>>
      %dma_wait3A_56 = tpu.memref_squeeze %dma_wait3A_55 : memref<1x128xi32, #tpu.memory_space<vmem>> -> memref<128xi32, #tpu.memory_space<vmem>>
      %dma_wait3A_57 = arith.constant 0 : i32
      %dma_wait3A_58 = arith.constant 0 : i32
      %dma_wait3A_59 = tpu.memref_slice %arg12[%dma_wait3A_57, %dma_wait3A_58] : memref<10240x128xf32, #tpu.memory_space<vmem_shared>> -> memref<10240x128xf32, #tpu.memory_space<vmem_shared>>
      tpu.wait_indirect_dma semaphore(%arg9 : memref<!tpu.dma_semaphore, #tpu.memory_space<semaphore_mem>>) src(%dma_wait3A_59 : memref<10240x128xf32, #tpu.memory_space<vmem_shared>>) dst(%arg7 : memref<128x128xf32, #tpu.memory_space<vmem>>)
      %mul3A_60 = arith.constant 128 : i32
      %mul3A_61 = arith.muli %add3A_53, %mul3A_60 : i32
      %add3A_62 = arith.addi %mul3A_2, %mul3A_61 : i32
      %dma_start3A_63 = arith.constant 0 : i32
      %dma_start3A_64 = tpu.memref_slice %arg4[%add3A_62, %dma_start3A_63] : memref<163840x128xf32, #tpu.memory_space<hbm>> -> memref<128x128xf32, #tpu.memory_space<hbm>>
      %dma_start3A_65 = arith.constant 0 : i32
      %dma_start3A_66 = tpu.memref_slice %arg4[%add3A_62, %dma_start3A_65] : memref<163840x128xf32, #tpu.memory_space<hbm>> -> memref<128x128xf32, #tpu.memory_space<hbm>>
      tpu.enqueue_dma source(%arg7 : memref<128x128xf32, #tpu.memory_space<vmem>>) target(%dma_start3A_66 : memref<128x128xf32, #tpu.memory_space<hbm>>) target_semaphore(%arg11 : memref<!tpu.dma_semaphore, #tpu.memory_space<semaphore_mem>>)
      %add3A_67 = arith.constant 1 : i32
      %add3A_68 = arith.addi %scan3A_32, %add3A_67 : i32
      %mul3A_69 = arith.constant 2 : i32
      %mul3A_70 = arith.muli %add3A_68, %mul3A_69 : i32
      %add3A_71 = arith.constant 0 : i32
      %add3A_72 = arith.addi %mul3A_70, %add3A_71 : i32
      %lt3A = arith.constant 40 : i32
      %lt3A_73 = arith.cmpi slt, %add3A_72, %lt3A : i32
      %convert_element_type3A = arith.extui %lt3A_73 : i1 to i32
      %cond3A = arith.constant 0 : i32
      %cond3A_74 = arith.cmpi ne, %convert_element_type3A, %cond3A : i32
      scf.if %cond3A_74 {
        %dma_wait3A_86 = arith.constant 0 : i32
        %dma_wait3A_87 = tpu.memref_slice %arg4[%mul3A_2, %dma_wait3A_86] : memref<163840x128xf32, #tpu.memory_space<hbm>> -> memref<128x128xf32, #tpu.memory_space<hbm>>
        %dma_wait3A_88 = arith.constant 0 : i32
        %dma_wait3A_89 = tpu.memref_slice %arg4[%mul3A_2, %dma_wait3A_88] : memref<163840x128xf32, #tpu.memory_space<hbm>> -> memref<128x128xf32, #tpu.memory_space<hbm>>
        tpu.wait_dma2 semaphore(%arg10 : memref<!tpu.dma_semaphore, #tpu.memory_space<semaphore_mem>>) src(%arg6 : memref<128x128xf32, #tpu.memory_space<vmem>>) dst(%dma_wait3A_89 : memref<128x128xf32, #tpu.memory_space<hbm>>)
        %dma_start3A_90 = arith.constant 0 : i32
        %dma_start3A_91 = tpu.memref_slice %arg5[%add3A_72, %dma_start3A_90] : memref<40x128xi32, #tpu.memory_space<vmem>> -> memref<1x128xi32, #tpu.memory_space<vmem>>
        %dma_start3A_92 = tpu.memref_squeeze %dma_start3A_91 : memref<1x128xi32, #tpu.memory_space<vmem>> -> memref<128xi32, #tpu.memory_space<vmem>>
        %dma_start3A_93 = arith.constant 0 : i32
        %dma_start3A_94 = arith.constant 0 : i32
        %dma_start3A_95 = tpu.memref_slice %arg12[%dma_start3A_93, %dma_start3A_94] : memref<10240x128xf32, #tpu.memory_space<vmem_shared>> -> memref<10240x128xf32, #tpu.memory_space<vmem_shared>>
        tpu.enqueue_indirect_dma source(%dma_start3A_95 : memref<10240x128xf32, #tpu.memory_space<vmem_shared>>) target(%arg6 : memref<128x128xf32, #tpu.memory_space<vmem>>) offsets(%dma_start3A_92 : memref<128xi32, #tpu.memory_space<vmem>>) semaphore(%arg8 : memref<!tpu.dma_semaphore, #tpu.memory_space<semaphore_mem>>)
      } else {
      }
      %add3A_75 = arith.constant 1 : i32
      %add3A_76 = arith.addi %scan3A_32, %add3A_75 : i32
      %mul3A_77 = arith.constant 2 : i32
      %mul3A_78 = arith.muli %add3A_76, %mul3A_77 : i32
      %add3A_79 = arith.constant 1 : i32
      %add3A_80 = arith.addi %mul3A_78, %add3A_79 : i32
      %lt3A_81 = arith.constant 40 : i32
      %lt3A_82 = arith.cmpi slt, %add3A_80, %lt3A_81 : i32
      %convert_element_type3A_83 = arith.extui %lt3A_82 : i1 to i32
      %cond3A_84 = arith.constant 0 : i32
      %cond3A_85 = arith.cmpi ne, %convert_element_type3A_83, %cond3A_84 : i32
      scf.if %cond3A_85 {
        %dma_wait3A_86 = arith.constant 0 : i32
        %dma_wait3A_87 = tpu.memref_slice %arg4[%mul3A_2, %dma_wait3A_86] : memref<163840x128xf32, #tpu.memory_space<hbm>> -> memref<128x128xf32, #tpu.memory_space<hbm>>
        %dma_wait3A_88 = arith.constant 0 : i32
        %dma_wait3A_89 = tpu.memref_slice %arg4[%mul3A_2, %dma_wait3A_88] : memref<163840x128xf32, #tpu.memory_space<hbm>> -> memref<128x128xf32, #tpu.memory_space<hbm>>
        tpu.wait_dma2 semaphore(%arg11 : memref<!tpu.dma_semaphore, #tpu.memory_space<semaphore_mem>>) src(%arg7 : memref<128x128xf32, #tpu.memory_space<vmem>>) dst(%dma_wait3A_89 : memref<128x128xf32, #tpu.memory_space<hbm>>)
        %dma_start3A_90 = arith.constant 0 : i32
        %dma_start3A_91 = tpu.memref_slice %arg5[%add3A_80, %dma_start3A_90] : memref<40x128xi32, #tpu.memory_space<vmem>> -> memref<1x128xi32, #tpu.memory_space<vmem>>
        %dma_start3A_92 = tpu.memref_squeeze %dma_start3A_91 : memref<1x128xi32, #tpu.memory_space<vmem>> -> memref<128xi32, #tpu.memory_space<vmem>>
        %dma_start3A_93 = arith.constant 0 : i32
        %dma_start3A_94 = arith.constant 0 : i32
        %dma_start3A_95 = tpu.memref_slice %arg12[%dma_start3A_93, %dma_start3A_94] : memref<10240x128xf32, #tpu.memory_space<vmem_shared>> -> memref<10240x128xf32, #tpu.memory_space<vmem_shared>>
        tpu.enqueue_indirect_dma source(%dma_start3A_95 : memref<10240x128xf32, #tpu.memory_space<vmem_shared>>) target(%arg7 : memref<128x128xf32, #tpu.memory_space<vmem>>) offsets(%dma_start3A_92 : memref<128xi32, #tpu.memory_space<vmem>>) semaphore(%arg9 : memref<!tpu.dma_semaphore, #tpu.memory_space<semaphore_mem>>)
      } else {
      }
    }
    %scan3A_24 = arith.constant 20 : i32
    %dma_wait3A = arith.constant 0 : i32
    %dma_wait3A_25 = tpu.memref_slice %arg4[%mul3A_2, %dma_wait3A] : memref<163840x128xf32, #tpu.memory_space<hbm>> -> memref<128x128xf32, #tpu.memory_space<hbm>>
    %dma_wait3A_26 = arith.constant 0 : i32
    %dma_wait3A_27 = tpu.memref_slice %arg4[%mul3A_2, %dma_wait3A_26] : memref<163840x128xf32, #tpu.memory_space<hbm>> -> memref<128x128xf32, #tpu.memory_space<hbm>>
    tpu.wait_dma2 semaphore(%arg10 : memref<!tpu.dma_semaphore, #tpu.memory_space<semaphore_mem>>) src(%arg6 : memref<128x128xf32, #tpu.memory_space<vmem>>) dst(%dma_wait3A_27 : memref<128x128xf32, #tpu.memory_space<hbm>>)
    %dma_wait3A_28 = arith.constant 0 : i32
    %dma_wait3A_29 = tpu.memref_slice %arg4[%mul3A_2, %dma_wait3A_28] : memref<163840x128xf32, #tpu.memory_space<hbm>> -> memref<128x128xf32, #tpu.memory_space<hbm>>
    %dma_wait3A_30 = arith.constant 0 : i32
    %dma_wait3A_31 = tpu.memref_slice %arg4[%mul3A_2, %dma_wait3A_30] : memref<163840x128xf32, #tpu.memory_space<hbm>> -> memref<128x128xf32, #tpu.memory_space<hbm>>
    tpu.wait_dma2 semaphore(%arg11 : memref<!tpu.dma_semaphore, #tpu.memory_space<semaphore_mem>>) src(%arg7 : memref<128x128xf32, #tpu.memory_space<vmem>>) dst(%dma_wait3A_31 : memref<128x128xf32, #tpu.memory_space<hbm>>)
    return
  }
}

#map = affine_map<(d0, d1) -> (0, 0)>
#map1 = affine_map<(d0, d1) -> (0, 0, 0)>
module attributes {stable_mosaic.version = 14 : i64} {
  func.func @k(%arg0: i32, %arg1: i32, %arg2: memref<163840x128xf32, #tpu.memory_space<hbm>>, %arg3: memref<32x40x128xi32, #tpu.memory_space<hbm>>, %arg4: memref<10240x128xf32, #tpu.memory_space<hbm>>, %arg5: memref<20480x128xf32, #tpu.memory_space<hbm>>, %arg6: memref<40x128xi32, #tpu.memory_space<vmem>>, %arg7: memref<128x128xf32, #tpu.memory_space<vmem>>, %arg8: memref<128x128xf32, #tpu.memory_space<vmem>>, %arg9: memref<!tpu.dma_semaphore, #tpu.memory_space<semaphore_mem>>, %arg10: memref<!tpu.dma_semaphore, #tpu.memory_space<semaphore_mem>>, %arg11: memref<!tpu.dma_semaphore, #tpu.memory_space<semaphore_mem>>, %arg12: memref<!tpu.dma_semaphore, #tpu.memory_space<semaphore_mem>>, %arg13: memref<10240x128xf32, #tpu.memory_space<vmem_shared>>) attributes {dimension_semantics = [#tpu.dimension_semantics<core_parallel>, #tpu.dimension_semantics<subcore_parallel>], iteration_bounds = array<i64: 2, 16>, scalar_prefetch = 0 : i64, scratch_operands = 8 : i64, tpu.core_type = #tpu.core_type<sc_vector_subcore>, window_params = [{transform_indices = #map}, {transform_indices = #map1}, {transform_indices = #map}, {transform_indices = #map}]} {
    %mul3A = arith.constant 2 : i32
    %mul3A_0 = arith.muli %arg1, %mul3A : i32
    %add3A = arith.addi %mul3A_0, %arg0 : i32
    %mul3A_1 = arith.constant 5120 : i32
    %mul3A_2 = arith.muli %add3A, %mul3A_1 : i32
    %mul3A_3 = arith.constant 640 : i32
    %mul3A_4 = arith.muli %arg1, %mul3A_3 : i32
    %mul3A_5 = arith.constant 640 : i32
    %mul3A_6 = arith.muli %arg1, %mul3A_5 : i32
    "tpu.region"() ({
      %run_scoped3A = tpu.sem_alloc : memref<!tpu.dma_semaphore, #tpu.memory_space<semaphore_mem>>
      %dma_start3A_44 = arith.constant 0 : i32
      %dma_start3A_45 = tpu.memref_slice %arg13[%mul3A_6, %dma_start3A_44] : memref<10240x128xf32, #tpu.memory_space<vmem_shared>> -> memref<640x128xf32, #tpu.memory_space<vmem_shared>>
      %dma_start3A_46 = arith.constant 0 : i32
      %dma_start3A_47 = tpu.memref_slice %arg4[%mul3A_4, %dma_start3A_46] : memref<10240x128xf32, #tpu.memory_space<hbm>> -> memref<640x128xf32, #tpu.memory_space<hbm>>
      tpu.enqueue_dma source(%dma_start3A_47 : memref<640x128xf32, #tpu.memory_space<hbm>>) target(%dma_start3A_45 : memref<640x128xf32, #tpu.memory_space<vmem_shared>>) target_semaphore(%run_scoped3A : memref<!tpu.dma_semaphore, #tpu.memory_space<semaphore_mem>>)
      %dma_wait3A_48 = arith.constant 0 : i32
      %dma_wait3A_49 = tpu.memref_slice %arg13[%mul3A_6, %dma_wait3A_48] : memref<10240x128xf32, #tpu.memory_space<vmem_shared>> -> memref<640x128xf32, #tpu.memory_space<vmem_shared>>
      %dma_wait3A_50 = arith.constant 0 : i32
      %dma_wait3A_51 = tpu.memref_slice %arg4[%mul3A_4, %dma_wait3A_50] : memref<10240x128xf32, #tpu.memory_space<hbm>> -> memref<640x128xf32, #tpu.memory_space<hbm>>
      tpu.wait_dma2 semaphore(%run_scoped3A : memref<!tpu.dma_semaphore, #tpu.memory_space<semaphore_mem>>) src(%dma_wait3A_51 : memref<640x128xf32, #tpu.memory_space<hbm>>) dst(%dma_wait3A_49 : memref<640x128xf32, #tpu.memory_space<vmem_shared>>)
      tpu.yield
    }) : () -> ()
    "tpu.region"() ({
      %run_scoped3A = tpu.sem_alloc : memref<!tpu.dma_semaphore, #tpu.memory_space<semaphore_mem>>
      %dma_start3A_44 = arith.constant 0 : i32
      %dma_start3A_45 = arith.constant 0 : i32
      %dma_start3A_46 = tpu.memref_slice %arg3[%add3A, %dma_start3A_44, %dma_start3A_45] : memref<32x40x128xi32, #tpu.memory_space<hbm>> -> memref<1x40x128xi32, #tpu.memory_space<hbm>>
      %dma_start3A_47 = tpu.memref_squeeze %dma_start3A_46 : memref<1x40x128xi32, #tpu.memory_space<hbm>> -> memref<40x128xi32, #tpu.memory_space<hbm>>
      %dma_start3A_48 = arith.constant 0 : i32
      %dma_start3A_49 = arith.constant 0 : i32
      %dma_start3A_50 = tpu.memref_slice %arg3[%add3A, %dma_start3A_48, %dma_start3A_49] : memref<32x40x128xi32, #tpu.memory_space<hbm>> -> memref<1x40x128xi32, #tpu.memory_space<hbm>>
      %dma_start3A_51 = tpu.memref_squeeze %dma_start3A_50 : memref<1x40x128xi32, #tpu.memory_space<hbm>> -> memref<40x128xi32, #tpu.memory_space<hbm>>
      tpu.enqueue_dma source(%dma_start3A_51 : memref<40x128xi32, #tpu.memory_space<hbm>>) target(%arg6 : memref<40x128xi32, #tpu.memory_space<vmem>>) target_semaphore(%run_scoped3A : memref<!tpu.dma_semaphore, #tpu.memory_space<semaphore_mem>>)
      %dma_wait3A_52 = arith.constant 0 : i32
      %dma_wait3A_53 = arith.constant 0 : i32
      %dma_wait3A_54 = tpu.memref_slice %arg3[%add3A, %dma_wait3A_52, %dma_wait3A_53] : memref<32x40x128xi32, #tpu.memory_space<hbm>> -> memref<1x40x128xi32, #tpu.memory_space<hbm>>
      %dma_wait3A_55 = tpu.memref_squeeze %dma_wait3A_54 : memref<1x40x128xi32, #tpu.memory_space<hbm>> -> memref<40x128xi32, #tpu.memory_space<hbm>>
      %dma_wait3A_56 = arith.constant 0 : i32
      %dma_wait3A_57 = arith.constant 0 : i32
      %dma_wait3A_58 = tpu.memref_slice %arg3[%add3A, %dma_wait3A_56, %dma_wait3A_57] : memref<32x40x128xi32, #tpu.memory_space<hbm>> -> memref<1x40x128xi32, #tpu.memory_space<hbm>>
      %dma_wait3A_59 = tpu.memref_squeeze %dma_wait3A_58 : memref<1x40x128xi32, #tpu.memory_space<hbm>> -> memref<40x128xi32, #tpu.memory_space<hbm>>
      tpu.wait_dma2 semaphore(%run_scoped3A : memref<!tpu.dma_semaphore, #tpu.memory_space<semaphore_mem>>) src(%dma_wait3A_59 : memref<40x128xi32, #tpu.memory_space<hbm>>) dst(%arg6 : memref<40x128xi32, #tpu.memory_space<vmem>>)
      tpu.yield
    }) : () -> ()
    %barrier3A = arith.constant 0 : index
    tpu.barrier barrier_id(%barrier3A)
    %add3A_7 = arith.constant 0 : i32
    %add3A_8 = arith.addi %mul3A_2, %add3A_7 : i32
    %dma_start3A = arith.constant 0 : i32
    %dma_start3A_9 = tpu.memref_slice %arg2[%add3A_8, %dma_start3A] : memref<163840x128xf32, #tpu.memory_space<hbm>> -> memref<128x128xf32, #tpu.memory_space<hbm>>
    %dma_start3A_10 = arith.constant 0 : i32
    %dma_start3A_11 = tpu.memref_slice %arg2[%add3A_8, %dma_start3A_10] : memref<163840x128xf32, #tpu.memory_space<hbm>> -> memref<128x128xf32, #tpu.memory_space<hbm>>
    tpu.enqueue_dma source(%dma_start3A_11 : memref<128x128xf32, #tpu.memory_space<hbm>>) target(%arg7 : memref<128x128xf32, #tpu.memory_space<vmem>>) target_semaphore(%arg9 : memref<!tpu.dma_semaphore, #tpu.memory_space<semaphore_mem>>)
    %add3A_12 = arith.constant 128 : i32
    %add3A_13 = arith.addi %mul3A_2, %add3A_12 : i32
    %dma_start3A_14 = arith.constant 0 : i32
    %dma_start3A_15 = tpu.memref_slice %arg2[%add3A_13, %dma_start3A_14] : memref<163840x128xf32, #tpu.memory_space<hbm>> -> memref<128x128xf32, #tpu.memory_space<hbm>>
    %dma_start3A_16 = arith.constant 0 : i32
    %dma_start3A_17 = tpu.memref_slice %arg2[%add3A_13, %dma_start3A_16] : memref<163840x128xf32, #tpu.memory_space<hbm>> -> memref<128x128xf32, #tpu.memory_space<hbm>>
    tpu.enqueue_dma source(%dma_start3A_17 : memref<128x128xf32, #tpu.memory_space<hbm>>) target(%arg8 : memref<128x128xf32, #tpu.memory_space<vmem>>) target_semaphore(%arg10 : memref<!tpu.dma_semaphore, #tpu.memory_space<semaphore_mem>>)
    %scan3A = arith.constant 0 : i32
    %scan3A_18 = arith.constant 0 : i32
    %scan3A_19 = arith.constant 20 : i32
    %scan3A_20 = arith.addi %scan3A_18, %scan3A_19 : i32
    %scan3A_21 = arith.constant 1 : i32
    scf.for %scan3A_44 = %scan3A_18 to %scan3A_20 step %scan3A_21  : i32 {
      %mul3A_45 = arith.constant 2 : i32
      %mul3A_46 = arith.muli %scan3A_44, %mul3A_45 : i32
      %add3A_47 = arith.constant 0 : i32
      %add3A_48 = arith.addi %mul3A_46, %add3A_47 : i32
      %dma_wait3A_49 = arith.constant 0 : i32
      %dma_wait3A_50 = tpu.memref_slice %arg2[%mul3A_2, %dma_wait3A_49] : memref<163840x128xf32, #tpu.memory_space<hbm>> -> memref<128x128xf32, #tpu.memory_space<hbm>>
      %dma_wait3A_51 = arith.constant 0 : i32
      %dma_wait3A_52 = tpu.memref_slice %arg2[%mul3A_2, %dma_wait3A_51] : memref<163840x128xf32, #tpu.memory_space<hbm>> -> memref<128x128xf32, #tpu.memory_space<hbm>>
      tpu.wait_dma2 semaphore(%arg9 : memref<!tpu.dma_semaphore, #tpu.memory_space<semaphore_mem>>) src(%dma_wait3A_52 : memref<128x128xf32, #tpu.memory_space<hbm>>) dst(%arg7 : memref<128x128xf32, #tpu.memory_space<vmem>>)
      %dma_start3A_53 = arith.constant 0 : i32
      %dma_start3A_54 = tpu.memref_slice %arg6[%add3A_48, %dma_start3A_53] : memref<40x128xi32, #tpu.memory_space<vmem>> -> memref<1x128xi32, #tpu.memory_space<vmem>>
      %dma_start3A_55 = tpu.memref_squeeze %dma_start3A_54 : memref<1x128xi32, #tpu.memory_space<vmem>> -> memref<128xi32, #tpu.memory_space<vmem>>
      %dma_start3A_56 = arith.constant 0 : i32
      %dma_start3A_57 = arith.constant 0 : i32
      %dma_start3A_58 = tpu.memref_slice %arg13[%dma_start3A_56, %dma_start3A_57] : memref<10240x128xf32, #tpu.memory_space<vmem_shared>> -> memref<10240x128xf32, #tpu.memory_space<vmem_shared>>
      tpu.enqueue_indirect_dma source(%arg7 : memref<128x128xf32, #tpu.memory_space<vmem>>) target(%dma_start3A_58 : memref<10240x128xf32, #tpu.memory_space<vmem_shared>>) offsets(%dma_start3A_55 : memref<128xi32, #tpu.memory_space<vmem>>) semaphore(%arg11 : memref<!tpu.dma_semaphore, #tpu.memory_space<semaphore_mem>>) {add = true}
      %mul3A_59 = arith.constant 2 : i32
      %mul3A_60 = arith.muli %scan3A_44, %mul3A_59 : i32
      %add3A_61 = arith.constant 1 : i32
      %add3A_62 = arith.addi %mul3A_60, %add3A_61 : i32
      %dma_wait3A_63 = arith.constant 0 : i32
      %dma_wait3A_64 = tpu.memref_slice %arg2[%mul3A_2, %dma_wait3A_63] : memref<163840x128xf32, #tpu.memory_space<hbm>> -> memref<128x128xf32, #tpu.memory_space<hbm>>
      %dma_wait3A_65 = arith.constant 0 : i32
      %dma_wait3A_66 = tpu.memref_slice %arg2[%mul3A_2, %dma_wait3A_65] : memref<163840x128xf32, #tpu.memory_space<hbm>> -> memref<128x128xf32, #tpu.memory_space<hbm>>
      tpu.wait_dma2 semaphore(%arg10 : memref<!tpu.dma_semaphore, #tpu.memory_space<semaphore_mem>>) src(%dma_wait3A_66 : memref<128x128xf32, #tpu.memory_space<hbm>>) dst(%arg8 : memref<128x128xf32, #tpu.memory_space<vmem>>)
      %dma_start3A_67 = arith.constant 0 : i32
      %dma_start3A_68 = tpu.memref_slice %arg6[%add3A_62, %dma_start3A_67] : memref<40x128xi32, #tpu.memory_space<vmem>> -> memref<1x128xi32, #tpu.memory_space<vmem>>
      %dma_start3A_69 = tpu.memref_squeeze %dma_start3A_68 : memref<1x128xi32, #tpu.memory_space<vmem>> -> memref<128xi32, #tpu.memory_space<vmem>>
      %dma_start3A_70 = arith.constant 0 : i32
      %dma_start3A_71 = arith.constant 0 : i32
      %dma_start3A_72 = tpu.memref_slice %arg13[%dma_start3A_70, %dma_start3A_71] : memref<10240x128xf32, #tpu.memory_space<vmem_shared>> -> memref<10240x128xf32, #tpu.memory_space<vmem_shared>>
      tpu.enqueue_indirect_dma source(%arg8 : memref<128x128xf32, #tpu.memory_space<vmem>>) target(%dma_start3A_72 : memref<10240x128xf32, #tpu.memory_space<vmem_shared>>) offsets(%dma_start3A_69 : memref<128xi32, #tpu.memory_space<vmem>>) semaphore(%arg12 : memref<!tpu.dma_semaphore, #tpu.memory_space<semaphore_mem>>) {add = true}
      %add3A_73 = arith.constant 1 : i32
      %add3A_74 = arith.addi %scan3A_44, %add3A_73 : i32
      %mul3A_75 = arith.constant 2 : i32
      %mul3A_76 = arith.muli %add3A_74, %mul3A_75 : i32
      %add3A_77 = arith.constant 0 : i32
      %add3A_78 = arith.addi %mul3A_76, %add3A_77 : i32
      %lt3A = arith.constant 40 : i32
      %lt3A_79 = arith.cmpi slt, %add3A_78, %lt3A : i32
      %convert_element_type3A = arith.extui %lt3A_79 : i1 to i32
      %cond3A = arith.constant 0 : i32
      %cond3A_80 = arith.cmpi ne, %convert_element_type3A, %cond3A : i32
      scf.if %cond3A_80 {
        %dma_wait3A_92 = arith.constant 0 : i32
        %dma_wait3A_93 = arith.constant 0 : i32
        %dma_wait3A_94 = tpu.memref_slice %arg6[%dma_wait3A_92, %dma_wait3A_93] : memref<40x128xi32, #tpu.memory_space<vmem>> -> memref<1x128xi32, #tpu.memory_space<vmem>>
        %dma_wait3A_95 = tpu.memref_squeeze %dma_wait3A_94 : memref<1x128xi32, #tpu.memory_space<vmem>> -> memref<128xi32, #tpu.memory_space<vmem>>
        %dma_wait3A_96 = arith.constant 0 : i32
        %dma_wait3A_97 = arith.constant 0 : i32
        %dma_wait3A_98 = tpu.memref_slice %arg13[%dma_wait3A_96, %dma_wait3A_97] : memref<10240x128xf32, #tpu.memory_space<vmem_shared>> -> memref<10240x128xf32, #tpu.memory_space<vmem_shared>>
        tpu.wait_indirect_dma semaphore(%arg11 : memref<!tpu.dma_semaphore, #tpu.memory_space<semaphore_mem>>) src(%arg7 : memref<128x128xf32, #tpu.memory_space<vmem>>) dst(%dma_wait3A_98 : memref<10240x128xf32, #tpu.memory_space<vmem_shared>>)
        %mul3A_99 = arith.constant 128 : i32
        %mul3A_100 = arith.muli %add3A_78, %mul3A_99 : i32
        %add3A_101 = arith.addi %mul3A_2, %mul3A_100 : i32
        %dma_start3A_102 = arith.constant 0 : i32
        %dma_start3A_103 = tpu.memref_slice %arg2[%add3A_101, %dma_start3A_102] : memref<163840x128xf32, #tpu.memory_space<hbm>> -> memref<128x128xf32, #tpu.memory_space<hbm>>
        %dma_start3A_104 = arith.constant 0 : i32
        %dma_start3A_105 = tpu.memref_slice %arg2[%add3A_101, %dma_start3A_104] : memref<163840x128xf32, #tpu.memory_space<hbm>> -> memref<128x128xf32, #tpu.memory_space<hbm>>
        tpu.enqueue_dma source(%dma_start3A_105 : memref<128x128xf32, #tpu.memory_space<hbm>>) target(%arg7 : memref<128x128xf32, #tpu.memory_space<vmem>>) target_semaphore(%arg9 : memref<!tpu.dma_semaphore, #tpu.memory_space<semaphore_mem>>)
      } else {
      }
      %add3A_81 = arith.constant 1 : i32
      %add3A_82 = arith.addi %scan3A_44, %add3A_81 : i32
      %mul3A_83 = arith.constant 2 : i32
      %mul3A_84 = arith.muli %add3A_82, %mul3A_83 : i32
      %add3A_85 = arith.constant 1 : i32
      %add3A_86 = arith.addi %mul3A_84, %add3A_85 : i32
      %lt3A_87 = arith.constant 40 : i32
      %lt3A_88 = arith.cmpi slt, %add3A_86, %lt3A_87 : i32
      %convert_element_type3A_89 = arith.extui %lt3A_88 : i1 to i32
      %cond3A_90 = arith.constant 0 : i32
      %cond3A_91 = arith.cmpi ne, %convert_element_type3A_89, %cond3A_90 : i32
      scf.if %cond3A_91 {
        %dma_wait3A_92 = arith.constant 0 : i32
        %dma_wait3A_93 = arith.constant 0 : i32
        %dma_wait3A_94 = tpu.memref_slice %arg6[%dma_wait3A_92, %dma_wait3A_93] : memref<40x128xi32, #tpu.memory_space<vmem>> -> memref<1x128xi32, #tpu.memory_space<vmem>>
        %dma_wait3A_95 = tpu.memref_squeeze %dma_wait3A_94 : memref<1x128xi32, #tpu.memory_space<vmem>> -> memref<128xi32, #tpu.memory_space<vmem>>
        %dma_wait3A_96 = arith.constant 0 : i32
        %dma_wait3A_97 = arith.constant 0 : i32
        %dma_wait3A_98 = tpu.memref_slice %arg13[%dma_wait3A_96, %dma_wait3A_97] : memref<10240x128xf32, #tpu.memory_space<vmem_shared>> -> memref<10240x128xf32, #tpu.memory_space<vmem_shared>>
        tpu.wait_indirect_dma semaphore(%arg12 : memref<!tpu.dma_semaphore, #tpu.memory_space<semaphore_mem>>) src(%arg8 : memref<128x128xf32, #tpu.memory_space<vmem>>) dst(%dma_wait3A_98 : memref<10240x128xf32, #tpu.memory_space<vmem_shared>>)
        %mul3A_99 = arith.constant 128 : i32
        %mul3A_100 = arith.muli %add3A_86, %mul3A_99 : i32
        %add3A_101 = arith.addi %mul3A_2, %mul3A_100 : i32
        %dma_start3A_102 = arith.constant 0 : i32
        %dma_start3A_103 = tpu.memref_slice %arg2[%add3A_101, %dma_start3A_102] : memref<163840x128xf32, #tpu.memory_space<hbm>> -> memref<128x128xf32, #tpu.memory_space<hbm>>
        %dma_start3A_104 = arith.constant 0 : i32
        %dma_start3A_105 = tpu.memref_slice %arg2[%add3A_101, %dma_start3A_104] : memref<163840x128xf32, #tpu.memory_space<hbm>> -> memref<128x128xf32, #tpu.memory_space<hbm>>
        tpu.enqueue_dma source(%dma_start3A_105 : memref<128x128xf32, #tpu.memory_space<hbm>>) target(%arg8 : memref<128x128xf32, #tpu.memory_space<vmem>>) target_semaphore(%arg10 : memref<!tpu.dma_semaphore, #tpu.memory_space<semaphore_mem>>)
      } else {
      }
    }
    %scan3A_22 = arith.constant 20 : i32
    %dma_wait3A = arith.constant 0 : i32
    %dma_wait3A_23 = arith.constant 0 : i32
    %dma_wait3A_24 = tpu.memref_slice %arg6[%dma_wait3A, %dma_wait3A_23] : memref<40x128xi32, #tpu.memory_space<vmem>> -> memref<1x128xi32, #tpu.memory_space<vmem>>
    %dma_wait3A_25 = tpu.memref_squeeze %dma_wait3A_24 : memref<1x128xi32, #tpu.memory_space<vmem>> -> memref<128xi32, #tpu.memory_space<vmem>>
    %dma_wait3A_26 = arith.constant 0 : i32
    %dma_wait3A_27 = arith.constant 0 : i32
    %dma_wait3A_28 = tpu.memref_slice %arg13[%dma_wait3A_26, %dma_wait3A_27] : memref<10240x128xf32, #tpu.memory_space<vmem_shared>> -> memref<10240x128xf32, #tpu.memory_space<vmem_shared>>
    tpu.wait_indirect_dma semaphore(%arg11 : memref<!tpu.dma_semaphore, #tpu.memory_space<semaphore_mem>>) src(%arg7 : memref<128x128xf32, #tpu.memory_space<vmem>>) dst(%dma_wait3A_28 : memref<10240x128xf32, #tpu.memory_space<vmem_shared>>)
    %dma_wait3A_29 = arith.constant 0 : i32
    %dma_wait3A_30 = arith.constant 0 : i32
    %dma_wait3A_31 = tpu.memref_slice %arg6[%dma_wait3A_29, %dma_wait3A_30] : memref<40x128xi32, #tpu.memory_space<vmem>> -> memref<1x128xi32, #tpu.memory_space<vmem>>
    %dma_wait3A_32 = tpu.memref_squeeze %dma_wait3A_31 : memref<1x128xi32, #tpu.memory_space<vmem>> -> memref<128xi32, #tpu.memory_space<vmem>>
    %dma_wait3A_33 = arith.constant 0 : i32
    %dma_wait3A_34 = arith.constant 0 : i32
    %dma_wait3A_35 = tpu.memref_slice %arg13[%dma_wait3A_33, %dma_wait3A_34] : memref<10240x128xf32, #tpu.memory_space<vmem_shared>> -> memref<10240x128xf32, #tpu.memory_space<vmem_shared>>
    tpu.wait_indirect_dma semaphore(%arg12 : memref<!tpu.dma_semaphore, #tpu.memory_space<semaphore_mem>>) src(%arg8 : memref<128x128xf32, #tpu.memory_space<vmem>>) dst(%dma_wait3A_35 : memref<10240x128xf32, #tpu.memory_space<vmem_shared>>)
    %barrier3A_36 = arith.constant 0 : index
    tpu.barrier barrier_id(%barrier3A_36)
    %mul3A_37 = arith.constant 640 : i32
    %mul3A_38 = arith.muli %arg1, %mul3A_37 : i32
    %mul3A_39 = arith.constant 10240 : i32
    %mul3A_40 = arith.muli %arg0, %mul3A_39 : i32
    %mul3A_41 = arith.constant 640 : i32
    %mul3A_42 = arith.muli %arg1, %mul3A_41 : i32
    %add3A_43 = arith.addi %mul3A_40, %mul3A_42 : i32
    "tpu.region"() ({
      %run_scoped3A = tpu.sem_alloc : memref<!tpu.dma_semaphore, #tpu.memory_space<semaphore_mem>>
      %dma_start3A_44 = arith.constant 0 : i32
      %dma_start3A_45 = tpu.memref_slice %arg5[%add3A_43, %dma_start3A_44] : memref<20480x128xf32, #tpu.memory_space<hbm>> -> memref<640x128xf32, #tpu.memory_space<hbm>>
      %dma_start3A_46 = arith.constant 0 : i32
      %dma_start3A_47 = tpu.memref_slice %arg13[%mul3A_38, %dma_start3A_46] : memref<10240x128xf32, #tpu.memory_space<vmem_shared>> -> memref<640x128xf32, #tpu.memory_space<vmem_shared>>
      tpu.enqueue_dma source(%dma_start3A_47 : memref<640x128xf32, #tpu.memory_space<vmem_shared>>) target(%dma_start3A_45 : memref<640x128xf32, #tpu.memory_space<hbm>>) target_semaphore(%run_scoped3A : memref<!tpu.dma_semaphore, #tpu.memory_space<semaphore_mem>>)
      %dma_wait3A_48 = arith.constant 0 : i32
      %dma_wait3A_49 = tpu.memref_slice %arg5[%add3A_43, %dma_wait3A_48] : memref<20480x128xf32, #tpu.memory_space<hbm>> -> memref<640x128xf32, #tpu.memory_space<hbm>>
      %dma_wait3A_50 = arith.constant 0 : i32
      %dma_wait3A_51 = tpu.memref_slice %arg13[%mul3A_38, %dma_wait3A_50] : memref<10240x128xf32, #tpu.memory_space<vmem_shared>> -> memref<640x128xf32, #tpu.memory_space<vmem_shared>>
      tpu.wait_dma2 semaphore(%run_scoped3A : memref<!tpu.dma_semaphore, #tpu.memory_space<semaphore_mem>>) src(%dma_wait3A_51 : memref<640x128xf32, #tpu.memory_space<vmem_shared>>) dst(%dma_wait3A_49 : memref<640x128xf32, #tpu.memory_space<hbm>>)
      tpu.yield
    }) : () -> ()
    return
  }
}

module attributes {stable_mosaic.version = 14 : i64} {
  func.func @_edge_body(%arg0: i32, %arg1: memref<2048x128xf32, #tpu.memory_space<vmem>>, %arg2: memref<2048x128xf32, #tpu.memory_space<vmem>>, %arg3: memref<16x256xf32, #tpu.memory_space<vmem>>, %arg4: memref<256x16xf32, #tpu.memory_space<vmem>>, %arg5: memref<16x256xf32, #tpu.memory_space<vmem>>, %arg6: memref<256x128xf32, #tpu.memory_space<vmem>>, %arg7: memref<8x128xi32, #tpu.memory_space<vmem>>, %arg8: memref<8x128xf32, #tpu.memory_space<vmem>>, %arg9: memref<2048x128xf32, #tpu.memory_space<vmem>>, %arg10: memref<2048x128xf32, #tpu.memory_space<vmem>>) attributes {dimension_semantics = [#tpu.dimension_semantics<arbitrary>], iteration_bounds = array<i64: 80>, scalar_prefetch = 0 : i64, scratch_operands = 0 : i64, tpu.core_type = #tpu.core_type<tc>, window_params = [{transform_indices = @transform_0, window_bounds = array<i64: 2048, 128>}, {transform_indices = @transform_1, window_bounds = array<i64: 2048, 128>}, {pipeline_mode = #tpu.pipeline_mode<synchronous>, transform_indices = @transform_2, window_bounds = array<i64: 16, 256>}, {pipeline_mode = #tpu.pipeline_mode<synchronous>, transform_indices = @transform_3, window_bounds = array<i64: 256, 16>}, {pipeline_mode = #tpu.pipeline_mode<synchronous>, transform_indices = @transform_4, window_bounds = array<i64: 16, 256>}, {pipeline_mode = #tpu.pipeline_mode<synchronous>, transform_indices = @transform_5, window_bounds = array<i64: 256, 128>}, {pipeline_mode = #tpu.pipeline_mode<synchronous>, transform_indices = @transform_6, window_bounds = array<i64: 8, 128>}, {pipeline_mode = #tpu.pipeline_mode<synchronous>, transform_indices = @transform_7, window_bounds = array<i64: 8, 128>}, {transform_indices = @transform_8, window_bounds = array<i64: 2048, 128>}, {transform_indices = @transform_9, window_bounds = array<i64: 2048, 128>}]} {
    %get3A = arith.constant 0 : index
    %get3A_0 = arith.constant 0 : index
    %get3A_1 = vector.load %arg1[%get3A, %get3A_0] : memref<2048x128xf32, #tpu.memory_space<vmem>>, vector<2048x128xf32>
    %get3A_2 = arith.constant 0 : index
    %get3A_3 = arith.constant 0 : index
    %get3A_4 = vector.load %arg2[%get3A_2, %get3A_3] : memref<2048x128xf32, #tpu.memory_space<vmem>>, vector<2048x128xf32>
    %sub3A = arith.subf %get3A_1, %get3A_4 : vector<2048x128xf32>
    %slice3A = vector.extract_strided_slice %sub3A {offsets = [0, 0], sizes = [2048, 1], strides = [1, 1]} : vector<2048x128xf32> to vector<2048x1xf32>
    %slice3A_5 = vector.extract_strided_slice %sub3A {offsets = [0, 1], sizes = [2048, 1], strides = [1, 1]} : vector<2048x128xf32> to vector<2048x1xf32>
    %slice3A_6 = vector.extract_strided_slice %sub3A {offsets = [0, 2], sizes = [2048, 1], strides = [1, 1]} : vector<2048x128xf32> to vector<2048x1xf32>
    %mul3A = arith.mulf %slice3A, %slice3A : vector<2048x1xf32>
    %mul3A_7 = arith.mulf %slice3A_5, %slice3A_5 : vector<2048x1xf32>
    %add3A = arith.addf %mul3A, %mul3A_7 : vector<2048x1xf32>
    %mul3A_8 = arith.mulf %slice3A_6, %slice3A_6 : vector<2048x1xf32>
    %add3A_9 = arith.addf %add3A, %mul3A_8 : vector<2048x1xf32>
    %sqrt3A = math.sqrt %add3A_9 : vector<2048x1xf32>
    %add3A_10 = arith.constant 9.99999971E-10 : f32
    %add3A_11 = vector.broadcast %add3A_10 : f32 to vector<2048x1xf32>
    %add3A_12 = arith.addf %sqrt3A, %add3A_11 : vector<2048x1xf32>
    %div3A = arith.constant 1.000000e+00 : f32
    %div3A_13 = vector.broadcast %div3A : f32 to vector<2048x1xf32>
    %div3A_14 = arith.divf %div3A_13, %add3A_12 : vector<2048x1xf32>
    %mul3A_15 = arith.mulf %slice3A, %div3A_14 : vector<2048x1xf32>
    %broadcast_in_dim3A = vector.shape_cast %mul3A_15 : vector<2048x1xf32> to vector<2048x1xf32>
    %broadcast_in_dim3A_16 = vector.broadcast %broadcast_in_dim3A : vector<2048x1xf32> to vector<2048x128xf32>
    %mul3A_17 = arith.mulf %slice3A_5, %div3A_14 : vector<2048x1xf32>
    %broadcast_in_dim3A_18 = vector.shape_cast %mul3A_17 : vector<2048x1xf32> to vector<2048x1xf32>
    %broadcast_in_dim3A_19 = vector.broadcast %broadcast_in_dim3A_18 : vector<2048x1xf32> to vector<2048x128xf32>
    %mul3A_20 = arith.mulf %slice3A_6, %div3A_14 : vector<2048x1xf32>
    %broadcast_in_dim3A_21 = vector.shape_cast %mul3A_20 : vector<2048x1xf32> to vector<2048x1xf32>
    %broadcast_in_dim3A_22 = vector.broadcast %broadcast_in_dim3A_21 : vector<2048x1xf32> to vector<2048x128xf32>
    %get3A_23 = arith.constant 0 : index
    %get3A_24 = arith.constant 0 : index
    %get3A_25 = vector.load %arg7[%get3A_23, %get3A_24] : memref<8x128xi32, #tpu.memory_space<vmem>>, vector<8x128xi32>
    %get3A_26 = arith.constant 0 : index
    %get3A_27 = arith.constant 0 : index
    %get3A_28 = vector.load %arg8[%get3A_26, %get3A_27] : memref<8x128xf32, #tpu.memory_space<vmem>>, vector<8x128xf32>
    %slice3A_29 = vector.extract_strided_slice %get3A_28 {offsets = [0, 0], sizes = [1, 128], strides = [1, 1]} : vector<8x128xf32> to vector<1x128xf32>
    %broadcast_in_dim3A_30 = vector.shape_cast %slice3A_29 : vector<1x128xf32> to vector<1x128xf32>
    %broadcast_in_dim3A_31 = vector.broadcast %broadcast_in_dim3A_30 : vector<1x128xf32> to vector<2048x128xf32>
    %slice3A_32 = vector.extract_strided_slice %get3A_28 {offsets = [1, 0], sizes = [1, 128], strides = [1, 1]} : vector<8x128xf32> to vector<1x128xf32>
    %broadcast_in_dim3A_33 = vector.shape_cast %slice3A_32 : vector<1x128xf32> to vector<1x128xf32>
    %broadcast_in_dim3A_34 = vector.broadcast %broadcast_in_dim3A_33 : vector<1x128xf32> to vector<2048x128xf32>
    %slice3A_35 = vector.extract_strided_slice %get3A_25 {offsets = [0, 0], sizes = [1, 128], strides = [1, 1]} : vector<8x128xi32> to vector<1x128xi32>
    %broadcast_in_dim3A_36 = vector.shape_cast %slice3A_35 : vector<1x128xi32> to vector<1x128xi32>
    %broadcast_in_dim3A_37 = vector.broadcast %broadcast_in_dim3A_36 : vector<1x128xi32> to vector<2048x128xi32>
    %eq3A = arith.constant 0 : i32
    %eq3A_38 = vector.broadcast %eq3A : i32 to vector<2048x128xi32>
    %eq3A_39 = arith.cmpi eq, %broadcast_in_dim3A_37, %eq3A_38 : vector<2048x128xi32>
    %eq3A_40 = arith.constant 1 : i32
    %eq3A_41 = vector.broadcast %eq3A_40 : i32 to vector<2048x128xi32>
    %eq3A_42 = arith.cmpi eq, %broadcast_in_dim3A_37, %eq3A_41 : vector<2048x128xi32>
    %eq3A_43 = arith.constant 2 : i32
    %eq3A_44 = vector.broadcast %eq3A_43 : i32 to vector<2048x128xi32>
    %eq3A_45 = arith.cmpi eq, %broadcast_in_dim3A_37, %eq3A_44 : vector<2048x128xi32>
    %jit3A = arith.constant 1.000000e+00 : f32
    %broadcast_in_dim3A_46 = vector.broadcast %jit3A : f32 to vector<2048x128xf32>
    %select_n3A = arith.select %eq3A_45, %broadcast_in_dim3A_22, %broadcast_in_dim3A_46 : vector<2048x128xi1>, vector<2048x128xf32>
    %select_n3A_47 = arith.select %eq3A_42, %broadcast_in_dim3A_19, %select_n3A : vector<2048x128xi1>, vector<2048x128xf32>
    %select_n3A_48 = arith.select %eq3A_39, %broadcast_in_dim3A_16, %select_n3A_47 : vector<2048x128xi1>, vector<2048x128xf32>
    %slice3A_49 = vector.extract_strided_slice %get3A_25 {offsets = [1, 0], sizes = [1, 128], strides = [1, 1]} : vector<8x128xi32> to vector<1x128xi32>
    %broadcast_in_dim3A_50 = vector.shape_cast %slice3A_49 : vector<1x128xi32> to vector<1x128xi32>
    %broadcast_in_dim3A_51 = vector.broadcast %broadcast_in_dim3A_50 : vector<1x128xi32> to vector<2048x128xi32>
    %eq3A_52 = arith.constant 0 : i32
    %eq3A_53 = vector.broadcast %eq3A_52 : i32 to vector<2048x128xi32>
    %eq3A_54 = arith.cmpi eq, %broadcast_in_dim3A_51, %eq3A_53 : vector<2048x128xi32>
    %eq3A_55 = arith.constant 1 : i32
    %eq3A_56 = vector.broadcast %eq3A_55 : i32 to vector<2048x128xi32>
    %eq3A_57 = arith.cmpi eq, %broadcast_in_dim3A_51, %eq3A_56 : vector<2048x128xi32>
    %eq3A_58 = arith.constant 2 : i32
    %eq3A_59 = vector.broadcast %eq3A_58 : i32 to vector<2048x128xi32>
    %eq3A_60 = arith.cmpi eq, %broadcast_in_dim3A_51, %eq3A_59 : vector<2048x128xi32>
    %jit3A_61 = arith.constant 1.000000e+00 : f32
    %broadcast_in_dim3A_62 = vector.broadcast %jit3A_61 : f32 to vector<2048x128xf32>
    %select_n3A_63 = arith.select %eq3A_60, %broadcast_in_dim3A_22, %broadcast_in_dim3A_62 : vector<2048x128xi1>, vector<2048x128xf32>
    %select_n3A_64 = arith.select %eq3A_57, %broadcast_in_dim3A_19, %select_n3A_63 : vector<2048x128xi1>, vector<2048x128xf32>
    %select_n3A_65 = arith.select %eq3A_54, %broadcast_in_dim3A_16, %select_n3A_64 : vector<2048x128xi1>, vector<2048x128xf32>
    %mul3A_66 = arith.mulf %select_n3A_48, %select_n3A_65 : vector<2048x128xf32>
    %slice3A_67 = vector.extract_strided_slice %get3A_25 {offsets = [2, 0], sizes = [1, 128], strides = [1, 1]} : vector<8x128xi32> to vector<1x128xi32>
    %broadcast_in_dim3A_68 = vector.shape_cast %slice3A_67 : vector<1x128xi32> to vector<1x128xi32>
    %broadcast_in_dim3A_69 = vector.broadcast %broadcast_in_dim3A_68 : vector<1x128xi32> to vector<2048x128xi32>
    %eq3A_70 = arith.constant 0 : i32
    %eq3A_71 = vector.broadcast %eq3A_70 : i32 to vector<2048x128xi32>
    %eq3A_72 = arith.cmpi eq, %broadcast_in_dim3A_69, %eq3A_71 : vector<2048x128xi32>
    %eq3A_73 = arith.constant 1 : i32
    %eq3A_74 = vector.broadcast %eq3A_73 : i32 to vector<2048x128xi32>
    %eq3A_75 = arith.cmpi eq, %broadcast_in_dim3A_69, %eq3A_74 : vector<2048x128xi32>
    %eq3A_76 = arith.constant 2 : i32
    %eq3A_77 = vector.broadcast %eq3A_76 : i32 to vector<2048x128xi32>
    %eq3A_78 = arith.cmpi eq, %broadcast_in_dim3A_69, %eq3A_77 : vector<2048x128xi32>
    %jit3A_79 = arith.constant 1.000000e+00 : f32
    %broadcast_in_dim3A_80 = vector.broadcast %jit3A_79 : f32 to vector<2048x128xf32>
    %select_n3A_81 = arith.select %eq3A_78, %broadcast_in_dim3A_22, %broadcast_in_dim3A_80 : vector<2048x128xi1>, vector<2048x128xf32>
    %select_n3A_82 = arith.select %eq3A_75, %broadcast_in_dim3A_19, %select_n3A_81 : vector<2048x128xi1>, vector<2048x128xf32>
    %select_n3A_83 = arith.select %eq3A_72, %broadcast_in_dim3A_16, %select_n3A_82 : vector<2048x128xi1>, vector<2048x128xf32>
    %mul3A_84 = arith.mulf %mul3A_66, %select_n3A_83 : vector<2048x128xf32>
    %mul3A_85 = arith.mulf %mul3A_84, %broadcast_in_dim3A_31 : vector<2048x128xf32>
    %slice3A_86 = vector.extract_strided_slice %get3A_25 {offsets = [3, 0], sizes = [1, 128], strides = [1, 1]} : vector<8x128xi32> to vector<1x128xi32>
    %broadcast_in_dim3A_87 = vector.shape_cast %slice3A_86 : vector<1x128xi32> to vector<1x128xi32>
    %broadcast_in_dim3A_88 = vector.broadcast %broadcast_in_dim3A_87 : vector<1x128xi32> to vector<2048x128xi32>
    %eq3A_89 = arith.constant 0 : i32
    %eq3A_90 = vector.broadcast %eq3A_89 : i32 to vector<2048x128xi32>
    %eq3A_91 = arith.cmpi eq, %broadcast_in_dim3A_88, %eq3A_90 : vector<2048x128xi32>
    %eq3A_92 = arith.constant 1 : i32
    %eq3A_93 = vector.broadcast %eq3A_92 : i32 to vector<2048x128xi32>
    %eq3A_94 = arith.cmpi eq, %broadcast_in_dim3A_88, %eq3A_93 : vector<2048x128xi32>
    %eq3A_95 = arith.constant 2 : i32
    %eq3A_96 = vector.broadcast %eq3A_95 : i32 to vector<2048x128xi32>
    %eq3A_97 = arith.cmpi eq, %broadcast_in_dim3A_88, %eq3A_96 : vector<2048x128xi32>
    %jit3A_98 = arith.constant 1.000000e+00 : f32
    %broadcast_in_dim3A_99 = vector.broadcast %jit3A_98 : f32 to vector<2048x128xf32>
    %select_n3A_100 = arith.select %eq3A_97, %broadcast_in_dim3A_22, %broadcast_in_dim3A_99 : vector<2048x128xi1>, vector<2048x128xf32>
    %select_n3A_101 = arith.select %eq3A_94, %broadcast_in_dim3A_19, %select_n3A_100 : vector<2048x128xi1>, vector<2048x128xf32>
    %select_n3A_102 = arith.select %eq3A_91, %broadcast_in_dim3A_16, %select_n3A_101 : vector<2048x128xi1>, vector<2048x128xf32>
    %slice3A_103 = vector.extract_strided_slice %get3A_25 {offsets = [4, 0], sizes = [1, 128], strides = [1, 1]} : vector<8x128xi32> to vector<1x128xi32>
    %broadcast_in_dim3A_104 = vector.shape_cast %slice3A_103 : vector<1x128xi32> to vector<1x128xi32>
    %broadcast_in_dim3A_105 = vector.broadcast %broadcast_in_dim3A_104 : vector<1x128xi32> to vector<2048x128xi32>
    %eq3A_106 = arith.constant 0 : i32
    %eq3A_107 = vector.broadcast %eq3A_106 : i32 to vector<2048x128xi32>
    %eq3A_108 = arith.cmpi eq, %broadcast_in_dim3A_105, %eq3A_107 : vector<2048x128xi32>
    %eq3A_109 = arith.constant 1 : i32
    %eq3A_110 = vector.broadcast %eq3A_109 : i32 to vector<2048x128xi32>
    %eq3A_111 = arith.cmpi eq, %broadcast_in_dim3A_105, %eq3A_110 : vector<2048x128xi32>
    %eq3A_112 = arith.constant 2 : i32
    %eq3A_113 = vector.broadcast %eq3A_112 : i32 to vector<2048x128xi32>
    %eq3A_114 = arith.cmpi eq, %broadcast_in_dim3A_105, %eq3A_113 : vector<2048x128xi32>
    %jit3A_115 = arith.constant 1.000000e+00 : f32
    %broadcast_in_dim3A_116 = vector.broadcast %jit3A_115 : f32 to vector<2048x128xf32>
    %select_n3A_117 = arith.select %eq3A_114, %broadcast_in_dim3A_22, %broadcast_in_dim3A_116 : vector<2048x128xi1>, vector<2048x128xf32>
    %select_n3A_118 = arith.select %eq3A_111, %broadcast_in_dim3A_19, %select_n3A_117 : vector<2048x128xi1>, vector<2048x128xf32>
    %select_n3A_119 = arith.select %eq3A_108, %broadcast_in_dim3A_16, %select_n3A_118 : vector<2048x128xi1>, vector<2048x128xf32>
    %mul3A_120 = arith.mulf %select_n3A_102, %select_n3A_119 : vector<2048x128xf32>
    %slice3A_121 = vector.extract_strided_slice %get3A_25 {offsets = [5, 0], sizes = [1, 128], strides = [1, 1]} : vector<8x128xi32> to vector<1x128xi32>
    %broadcast_in_dim3A_122 = vector.shape_cast %slice3A_121 : vector<1x128xi32> to vector<1x128xi32>
    %broadcast_in_dim3A_123 = vector.broadcast %broadcast_in_dim3A_122 : vector<1x128xi32> to vector<2048x128xi32>
    %eq3A_124 = arith.constant 0 : i32
    %eq3A_125 = vector.broadcast %eq3A_124 : i32 to vector<2048x128xi32>
    %eq3A_126 = arith.cmpi eq, %broadcast_in_dim3A_123, %eq3A_125 : vector<2048x128xi32>
    %eq3A_127 = arith.constant 1 : i32
    %eq3A_128 = vector.broadcast %eq3A_127 : i32 to vector<2048x128xi32>
    %eq3A_129 = arith.cmpi eq, %broadcast_in_dim3A_123, %eq3A_128 : vector<2048x128xi32>
    %eq3A_130 = arith.constant 2 : i32
    %eq3A_131 = vector.broadcast %eq3A_130 : i32 to vector<2048x128xi32>
    %eq3A_132 = arith.cmpi eq, %broadcast_in_dim3A_123, %eq3A_131 : vector<2048x128xi32>
    %jit3A_133 = arith.constant 1.000000e+00 : f32
    %broadcast_in_dim3A_134 = vector.broadcast %jit3A_133 : f32 to vector<2048x128xf32>
    %select_n3A_135 = arith.select %eq3A_132, %broadcast_in_dim3A_22, %broadcast_in_dim3A_134 : vector<2048x128xi1>, vector<2048x128xf32>
    %select_n3A_136 = arith.select %eq3A_129, %broadcast_in_dim3A_19, %select_n3A_135 : vector<2048x128xi1>, vector<2048x128xf32>
    %select_n3A_137 = arith.select %eq3A_126, %broadcast_in_dim3A_16, %select_n3A_136 : vector<2048x128xi1>, vector<2048x128xf32>
    %mul3A_138 = arith.mulf %mul3A_120, %select_n3A_137 : vector<2048x128xf32>
    %mul3A_139 = arith.mulf %mul3A_138, %broadcast_in_dim3A_34 : vector<2048x128xf32>
    %add3A_140 = arith.addf %mul3A_85, %mul3A_139 : vector<2048x128xf32>
    %iota3A = tpu.iota {dimensions = array<i32: 1>} : vector<2048x16xi32>
    %broadcast_in_dim3A_141 = vector.shape_cast %sqrt3A : vector<2048x1xf32> to vector<2048x1xf32>
    %broadcast_in_dim3A_142 = vector.broadcast %broadcast_in_dim3A_141 : vector<2048x1xf32> to vector<2048x16xf32>
    %convert_element_type3A = arith.sitofp %iota3A : vector<2048x16xi32> to vector<2048x16xf32>
    %mul3A_143 = arith.constant 5.000000e-01 : f32
    %mul3A_144 = vector.broadcast %mul3A_143 : f32 to vector<2048x16xf32>
    %mul3A_145 = arith.mulf %mul3A_144, %convert_element_type3A : vector<2048x16xf32>
    %add3A_146 = arith.constant 1.000000e+00 : f32
    %add3A_147 = vector.broadcast %add3A_146 : f32 to vector<2048x16xf32>
    %add3A_148 = arith.addf %add3A_147, %mul3A_145 : vector<2048x16xf32>
    %sub3A_149 = arith.subf %broadcast_in_dim3A_142, %add3A_148 : vector<2048x16xf32>
    %mul3A_150 = arith.constant 2.000000e+00 : f32
    %mul3A_151 = vector.broadcast %mul3A_150 : f32 to vector<2048x16xf32>
    %mul3A_152 = arith.mulf %sub3A_149, %mul3A_151 : vector<2048x16xf32>
    %lt3A = arith.constant 3 : i32
    %lt3A_153 = vector.broadcast %lt3A : i32 to vector<2048x16xi32>
    %lt3A_154 = arith.cmpi slt, %iota3A, %lt3A_153 : vector<2048x16xi32>
    %neg3A = arith.constant 0.000000e+00 : f32
    %neg3A_155 = vector.broadcast %neg3A : f32 to vector<2048x16xf32>
    %neg3A_156 = arith.subf %neg3A_155, %mul3A_152 : vector<2048x16xf32>
    %mul3A_157 = arith.mulf %neg3A_156, %mul3A_152 : vector<2048x16xf32>
    %exp3A = math.exp %mul3A_157 : vector<2048x16xf32>
    %mul3A_158 = arith.constant 1.73205078 : f32
    %mul3A_159 = vector.broadcast %mul3A_158 : f32 to vector<2048x16xf32>
    %mul3A_160 = arith.mulf %exp3A, %mul3A_159 : vector<2048x16xf32>
    %jit3A_161 = arith.constant 0.000000e+00 : f32
    %broadcast_in_dim3A_162 = vector.broadcast %jit3A_161 : f32 to vector<2048x16xf32>
    %select_n3A_163 = arith.select %lt3A_154, %mul3A_160, %broadcast_in_dim3A_162 : vector<2048x16xi1>, vector<2048x16xf32>
    %get3A_164 = arith.constant 0 : index
    %get3A_165 = arith.constant 0 : index
    %get3A_166 = vector.load %arg3[%get3A_164, %get3A_165] : memref<16x256xf32, #tpu.memory_space<vmem>>, vector<16x256xf32>
    %dot_general3A = arith.constant dense<0.000000e+00> : vector<2048x256xf32>
    %dot_general3A_167 = tpu.matmul %select_n3A_163, %get3A_166, %dot_general3A {dimension_numbers = #tpu.dot_dimension_numbers<[1], [0], [0], [1], [0, 0, 1, 1], [], []>, transpose_lhs_hint = false} : vector<2048x16xf32>, vector<16x256xf32>, vector<2048x256xf32> -> vector<2048x256xf32>
    %max3A = arith.constant 0.000000e+00 : f32
    %max3A_168 = vector.broadcast %max3A : f32 to vector<2048x256xf32>
    %max3A_169 = arith.maximumf %dot_general3A_167, %max3A_168 : vector<2048x256xf32>
    %get3A_170 = arith.constant 0 : index
    %get3A_171 = arith.constant 0 : index
    %get3A_172 = vector.load %arg5[%get3A_170, %get3A_171] : memref<16x256xf32, #tpu.memory_space<vmem>>, vector<16x256xf32>
    %dot_general3A_173 = arith.constant dense<0.000000e+00> : vector<2048x256xf32>
    %dot_general3A_174 = tpu.matmul %select_n3A_163, %get3A_172, %dot_general3A_173 {dimension_numbers = #tpu.dot_dimension_numbers<[1], [0], [0], [1], [0, 0, 1, 1], [], []>, transpose_lhs_hint = false} : vector<2048x16xf32>, vector<16x256xf32>, vector<2048x256xf32> -> vector<2048x256xf32>
    %max3A_175 = arith.constant 0.000000e+00 : f32
    %max3A_176 = vector.broadcast %max3A_175 : f32 to vector<2048x256xf32>
    %max3A_177 = arith.maximumf %dot_general3A_174, %max3A_176 : vector<2048x256xf32>
    %get3A_178 = arith.constant 0 : index
    %get3A_179 = arith.constant 0 : index
    %get3A_180 = vector.load %arg4[%get3A_178, %get3A_179] : memref<256x16xf32, #tpu.memory_space<vmem>>, vector<256x16xf32>
    %dot_general3A_181 = arith.constant dense<0.000000e+00> : vector<2048x16xf32>
    %dot_general3A_182 = tpu.matmul %max3A_169, %get3A_180, %dot_general3A_181 {dimension_numbers = #tpu.dot_dimension_numbers<[1], [0], [0], [1], [0, 0, 1, 1], [], []>, transpose_lhs_hint = false} : vector<2048x256xf32>, vector<256x16xf32>, vector<2048x16xf32> -> vector<2048x16xf32>
    %mul3A_183 = arith.constant 0.0360843912 : f32
    %mul3A_184 = vector.broadcast %mul3A_183 : f32 to vector<2048x16xf32>
    %mul3A_185 = arith.mulf %dot_general3A_182, %mul3A_184 : vector<2048x16xf32>
    %jit3A_186 = arith.constant 0 : i32
    %convert_element_type3A_187 = arith.sitofp %jit3A_186 : i32 to f32
    %pad3A = vector.broadcast %convert_element_type3A_187 : f32 to vector<2048x16xf32>
    %pad3A_188 = tpu.concatenate %pad3A, %mul3A_185 in 1 : vector<2048x16xf32>, vector<2048x16xf32> -> vector<2048x32xf32>
    %pad3A_189 = vector.broadcast %convert_element_type3A_187 : f32 to vector<2048x96xf32>
    %pad3A_190 = tpu.concatenate %pad3A_188, %pad3A_189 in 1 : vector<2048x32xf32>, vector<2048x96xf32> -> vector<2048x128xf32>
    %add3A_191 = arith.addf %add3A_140, %pad3A_190 : vector<2048x128xf32>
    %swap3A = arith.constant 0 : index
    %swap3A_192 = arith.constant 0 : index
    %swap3A_193 = vector.load %arg9[%swap3A, %swap3A_192] : memref<2048x128xf32, #tpu.memory_space<vmem>>, vector<2048x128xf32>
    tpu.vector_store %arg9[%swap3A, %swap3A_192], %add3A_191 {strides = array<i32>} : memref<2048x128xf32, #tpu.memory_space<vmem>>, vector<2048x128xf32>,
    %get3A_194 = arith.constant 0 : index
    %get3A_195 = arith.constant 0 : index
    %get3A_196 = vector.load %arg6[%get3A_194, %get3A_195] : memref<256x128xf32, #tpu.memory_space<vmem>>, vector<256x128xf32>
    %dot_general3A_197 = arith.constant dense<0.000000e+00> : vector<2048x128xf32>
    %dot_general3A_198 = tpu.matmul %max3A_177, %get3A_196, %dot_general3A_197 {dimension_numbers = #tpu.dot_dimension_numbers<[1], [0], [0], [1], [0, 0, 1, 1], [], []>, transpose_lhs_hint = false} : vector<2048x256xf32>, vector<256x128xf32>, vector<2048x128xf32> -> vector<2048x128xf32>
    %mul3A_199 = arith.constant 0.0360843912 : f32
    %mul3A_200 = vector.broadcast %mul3A_199 : f32 to vector<2048x128xf32>
    %mul3A_201 = arith.mulf %dot_general3A_198, %mul3A_200 : vector<2048x128xf32>
    %swap3A_202 = arith.constant 0 : index
    %swap3A_203 = arith.constant 0 : index
    %swap3A_204 = vector.load %arg10[%swap3A_202, %swap3A_203] : memref<2048x128xf32, #tpu.memory_space<vmem>>, vector<2048x128xf32>
    tpu.vector_store %arg10[%swap3A_202, %swap3A_203], %mul3A_201 {strides = array<i32>} : memref<2048x128xf32, #tpu.memory_space<vmem>>, vector<2048x128xf32>,
    return
  }
  func.func @transform_0(%arg0: i32) -> (i32, i32) {
    %c0_i32 = arith.constant 0 : i32
    %c0_i32_0 = arith.constant 0 : i32
    return %arg0, %c0_i32 : i32, i32
  }
  func.func @transform_1(%arg0: i32) -> (i32, i32) {
    %c0_i32 = arith.constant 0 : i32
    %c0_i32_0 = arith.constant 0 : i32
    return %arg0, %c0_i32 : i32, i32
  }
  func.func @transform_2(%arg0: i32) -> (i32, i32) {
    %c0_i32 = arith.constant 0 : i32
    %c0_i32_0 = arith.constant 0 : i32
    %c0_i32_1 = arith.constant 0 : i32
    return %c0_i32, %c0_i32_0 : i32, i32
  }
  func.func @transform_3(%arg0: i32) -> (i32, i32) {
    %c0_i32 = arith.constant 0 : i32
    %c0_i32_0 = arith.constant 0 : i32
    %c0_i32_1 = arith.constant 0 : i32
    return %c0_i32, %c0_i32_0 : i32, i32
  }
  func.func @transform_4(%arg0: i32) -> (i32, i32) {
    %c0_i32 = arith.constant 0 : i32
    %c0_i32_0 = arith.constant 0 : i32
    %c0_i32_1 = arith.constant 0 : i32
    return %c0_i32, %c0_i32_0 : i32, i32
  }
  func.func @transform_5(%arg0: i32) -> (i32, i32) {
    %c0_i32 = arith.constant 0 : i32
    %c0_i32_0 = arith.constant 0 : i32
    %c0_i32_1 = arith.constant 0 : i32
    return %c0_i32, %c0_i32_0 : i32, i32
  }
  func.func @transform_6(%arg0: i32) -> (i32, i32) {
    %c0_i32 = arith.constant 0 : i32
    %c0_i32_0 = arith.constant 0 : i32
    %c0_i32_1 = arith.constant 0 : i32
    return %c0_i32, %c0_i32_0 : i32, i32
  }
  func.func @transform_7(%arg0: i32) -> (i32, i32) {
    %c0_i32 = arith.constant 0 : i32
    %c0_i32_0 = arith.constant 0 : i32
    %c0_i32_1 = arith.constant 0 : i32
    return %c0_i32, %c0_i32_0 : i32, i32
  }
  func.func @transform_8(%arg0: i32) -> (i32, i32) {
    %c0_i32 = arith.constant 0 : i32
    %c0_i32_0 = arith.constant 0 : i32
    return %arg0, %c0_i32 : i32, i32
  }
  func.func @transform_9(%arg0: i32) -> (i32, i32) {
    %c0_i32 = arith.constant 0 : i32
    %c0_i32_0 = arith.constant 0 : i32
    return %arg0, %c0_i32 : i32, i32
  }
}

module attributes {stable_mosaic.version = 14 : i64} {
  func.func @_add2_body(%arg0: i32, %arg1: memref<1024x128xf32, #tpu.memory_space<vmem>>, %arg2: memref<1024x128xf32, #tpu.memory_space<vmem>>, %arg3: memref<1024x128xf32, #tpu.memory_space<vmem>>) attributes {dimension_semantics = [#tpu.dimension_semantics<arbitrary>], iteration_bounds = array<i64: 10>, scalar_prefetch = 0 : i64, scratch_operands = 0 : i64, tpu.core_type = #tpu.core_type<tc>, window_params = [{transform_indices = @transform_0, window_bounds = array<i64: 1024, 128>}, {transform_indices = @transform_1, window_bounds = array<i64: 1024, 128>}, {transform_indices = @transform_2, window_bounds = array<i64: 1024, 128>}]} {
    %get3A = arith.constant 0 : index
    %get3A_0 = arith.constant 0 : index
    %get3A_1 = vector.load %arg1[%get3A, %get3A_0] : memref<1024x128xf32, #tpu.memory_space<vmem>>, vector<1024x128xf32>
    %get3A_2 = arith.constant 0 : index
    %get3A_3 = arith.constant 0 : index
    %get3A_4 = vector.load %arg2[%get3A_2, %get3A_3] : memref<1024x128xf32, #tpu.memory_space<vmem>>, vector<1024x128xf32>
    %add3A = arith.addf %get3A_1, %get3A_4 : vector<1024x128xf32>
    %swap3A = arith.constant 0 : index
    %swap3A_5 = arith.constant 0 : index
    %swap3A_6 = vector.load %arg3[%swap3A, %swap3A_5] : memref<1024x128xf32, #tpu.memory_space<vmem>>, vector<1024x128xf32>
    tpu.vector_store %arg3[%swap3A, %swap3A_5], %add3A {strides = array<i32>} : memref<1024x128xf32, #tpu.memory_space<vmem>>, vector<1024x128xf32>,
    return
  }
  func.func @transform_0(%arg0: i32) -> (i32, i32) {
    %c0_i32 = arith.constant 0 : i32
    %c0_i32_0 = arith.constant 0 : i32
    return %arg0, %c0_i32 : i32, i32
  }
  func.func @transform_1(%arg0: i32) -> (i32, i32) {
    %add3A = arith.constant 10 : i32
    %add3A_0 = arith.addi %arg0, %add3A : i32
    %c0_i32 = arith.constant 0 : i32
    %c0_i32_1 = arith.constant 0 : i32
    return %add3A_0, %c0_i32 : i32, i32
  }
  func.func @transform_2(%arg0: i32) -> (i32, i32) {
    %c0_i32 = arith.constant 0 : i32
    %c0_i32_0 = arith.constant 0 : i32
    return %arg0, %c0_i32 : i32, i32
  }
}

module attributes {stable_mosaic.version = 14 : i64} {
  func.func @_msg1_body(%arg0: i32, %arg1: memref<2048x128xf32, #tpu.memory_space<vmem>>, %arg2: memref<2048x128xf32, #tpu.memory_space<vmem>>, %arg3: memref<16x160xf32, #tpu.memory_space<vmem>>, %arg4: memref<16x160xf32, #tpu.memory_space<vmem>>, %arg5: memref<2048x128xf32, #tpu.memory_space<vmem>>, %arg6: memref<2048x128xf32, #tpu.memory_space<vmem>>) attributes {dimension_semantics = [#tpu.dimension_semantics<arbitrary>], iteration_bounds = array<i64: 80>, scalar_prefetch = 0 : i64, scratch_operands = 0 : i64, tpu.core_type = #tpu.core_type<tc>, window_params = [{transform_indices = @transform_0, window_bounds = array<i64: 2048, 128>}, {transform_indices = @transform_1, window_bounds = array<i64: 2048, 128>}, {pipeline_mode = #tpu.pipeline_mode<synchronous>, transform_indices = @transform_2, window_bounds = array<i64: 16, 160>}, {pipeline_mode = #tpu.pipeline_mode<synchronous>, transform_indices = @transform_3, window_bounds = array<i64: 16, 160>}, {transform_indices = @transform_4, window_bounds = array<i64: 2048, 128>}, {transform_indices = @transform_5, window_bounds = array<i64: 2048, 128>}]} {
    %get3A = arith.constant 0 : index
    %get3A_0 = arith.constant 0 : index
    %get3A_1 = vector.load %arg2[%get3A, %get3A_0] : memref<2048x128xf32, #tpu.memory_space<vmem>>, vector<2048x128xf32>
    %get3A_2 = arith.constant 0 : index
    %get3A_3 = arith.constant 0 : index
    %get3A_4 = vector.load %arg1[%get3A_2, %get3A_3] : memref<2048x128xf32, #tpu.memory_space<vmem>>, vector<2048x128xf32>
    %slice3A = vector.extract_strided_slice %get3A_4 {offsets = [0, 0], sizes = [2048, 16], strides = [1, 1]} : vector<2048x128xf32> to vector<2048x16xf32>
    %mul3A = arith.constant 0.512989163 : f32
    %mul3A_5 = vector.broadcast %mul3A : f32 to vector<2048x16xf32>
    %mul3A_6 = arith.mulf %slice3A, %mul3A_5 : vector<2048x16xf32>
    %slice3A_7 = vector.extract_strided_slice %get3A_1 {offsets = [0, 16], sizes = [2048, 16], strides = [1, 1]} : vector<2048x128xf32> to vector<2048x16xf32>
    %mul3A_8 = arith.mulf %mul3A_6, %slice3A_7 : vector<2048x16xf32>
    %get3A_9 = arith.constant 0 : index
    %get3A_10 = arith.constant 0 : index
    %get3A_11 = vector.load %arg3[%get3A_9, %get3A_10] : memref<16x160xf32, #tpu.memory_space<vmem>>, vector<16x160xf32>
    %dot_general3A = arith.constant dense<0.000000e+00> : vector<2048x160xf32>
    %dot_general3A_12 = tpu.matmul %mul3A_8, %get3A_11, %dot_general3A {dimension_numbers = #tpu.dot_dimension_numbers<[1], [0], [0], [1], [0, 0, 1, 1], [], []>, transpose_lhs_hint = false} : vector<2048x16xf32>, vector<16x160xf32>, vector<2048x160xf32> -> vector<2048x160xf32>
    %slice3A_13 = vector.extract_strided_slice %get3A_1 {offsets = [0, 0], sizes = [2048, 16], strides = [1, 1]} : vector<2048x128xf32> to vector<2048x16xf32>
    %get3A_14 = arith.constant 0 : index
    %get3A_15 = arith.constant 0 : index
    %get3A_16 = vector.load %arg4[%get3A_14, %get3A_15] : memref<16x160xf32, #tpu.memory_space<vmem>>, vector<16x160xf32>
    %dot_general3A_17 = arith.constant dense<0.000000e+00> : vector<2048x160xf32>
    %dot_general3A_18 = tpu.matmul %slice3A_13, %get3A_16, %dot_general3A_17 {dimension_numbers = #tpu.dot_dimension_numbers<[1], [0], [0], [1], [0, 0, 1, 1], [], []>, transpose_lhs_hint = false} : vector<2048x16xf32>, vector<16x160xf32>, vector<2048x160xf32> -> vector<2048x160xf32>
    %mul3A_19 = arith.mulf %dot_general3A_12, %dot_general3A_18 : vector<2048x160xf32>
    %slice3A_20 = vector.extract_strided_slice %mul3A_19 {offsets = [0, 0], sizes = [2048, 128], strides = [1, 1]} : vector<2048x160xf32> to vector<2048x128xf32>
    %swap3A = arith.constant 0 : index
    %swap3A_21 = arith.constant 0 : index
    %swap3A_22 = vector.load %arg5[%swap3A, %swap3A_21] : memref<2048x128xf32, #tpu.memory_space<vmem>>, vector<2048x128xf32>
    tpu.vector_store %arg5[%swap3A, %swap3A_21], %slice3A_20 {strides = array<i32>} : memref<2048x128xf32, #tpu.memory_space<vmem>>, vector<2048x128xf32>,
    %slice3A_23 = vector.extract_strided_slice %mul3A_19 {offsets = [0, 128], sizes = [2048, 32], strides = [1, 1]} : vector<2048x160xf32> to vector<2048x32xf32>
    %broadcast_in_dim3A = arith.constant 0.000000e+00 : f32
    %broadcast_in_dim3A_24 = vector.broadcast %broadcast_in_dim3A : f32 to vector<2048x96xf32>
    %concatenate3A = tpu.concatenate %slice3A_23, %broadcast_in_dim3A_24 in 1 : vector<2048x32xf32>, vector<2048x96xf32> -> vector<2048x128xf32>
    %swap3A_25 = arith.constant 0 : index
    %swap3A_26 = arith.constant 0 : index
    %swap3A_27 = vector.load %arg6[%swap3A_25, %swap3A_26] : memref<2048x128xf32, #tpu.memory_space<vmem>>, vector<2048x128xf32>
    tpu.vector_store %arg6[%swap3A_25, %swap3A_26], %concatenate3A {strides = array<i32>} : memref<2048x128xf32, #tpu.memory_space<vmem>>, vector<2048x128xf32>,
    return
  }
  func.func @transform_0(%arg0: i32) -> (i32, i32) {
    %c0_i32 = arith.constant 0 : i32
    %c0_i32_0 = arith.constant 0 : i32
    return %arg0, %c0_i32 : i32, i32
  }
  func.func @transform_1(%arg0: i32) -> (i32, i32) {
    %c0_i32 = arith.constant 0 : i32
    %c0_i32_0 = arith.constant 0 : i32
    return %arg0, %c0_i32 : i32, i32
  }
  func.func @transform_2(%arg0: i32) -> (i32, i32) {
    %c0_i32 = arith.constant 0 : i32
    %c0_i32_0 = arith.constant 0 : i32
    %c0_i32_1 = arith.constant 0 : i32
    return %c0_i32, %c0_i32_0 : i32, i32
  }
  func.func @transform_3(%arg0: i32) -> (i32, i32) {
    %c0_i32 = arith.constant 0 : i32
    %c0_i32_0 = arith.constant 0 : i32
    %c0_i32_1 = arith.constant 0 : i32
    return %c0_i32, %c0_i32_0 : i32, i32
  }
  func.func @transform_4(%arg0: i32) -> (i32, i32) {
    %c0_i32 = arith.constant 0 : i32
    %c0_i32_0 = arith.constant 0 : i32
    return %arg0, %c0_i32 : i32, i32
  }
  func.func @transform_5(%arg0: i32) -> (i32, i32) {
    %c0_i32 = arith.constant 0 : i32
    %c0_i32_0 = arith.constant 0 : i32
    return %arg0, %c0_i32 : i32, i32
  }
}

module attributes {stable_mosaic.version = 14 : i64} {
  func.func @_gate_body(%arg0: i32, %arg1: memref<1024x128xf32, #tpu.memory_space<vmem>>, %arg2: memref<1024x128xf32, #tpu.memory_space<vmem>>, %arg3: memref<1024x128xf32, #tpu.memory_space<vmem>>, %arg4: memref<1024x128xf32, #tpu.memory_space<vmem>>, %arg5: memref<1024x128xf32, #tpu.memory_space<vmem>>) attributes {dimension_semantics = [#tpu.dimension_semantics<arbitrary>], iteration_bounds = array<i64: 10>, scalar_prefetch = 0 : i64, scratch_operands = 0 : i64, tpu.core_type = #tpu.core_type<tc>, window_params = [{transform_indices = @transform_0, window_bounds = array<i64: 1024, 128>}, {transform_indices = @transform_1, window_bounds = array<i64: 1024, 128>}, {transform_indices = @transform_2, window_bounds = array<i64: 1024, 128>}, {transform_indices = @transform_3, window_bounds = array<i64: 1024, 128>}, {transform_indices = @transform_4, window_bounds = array<i64: 1024, 128>}]} {
    %get3A = arith.constant 0 : index
    %get3A_0 = arith.constant 0 : index
    %get3A_1 = vector.load %arg1[%get3A, %get3A_0] : memref<1024x128xf32, #tpu.memory_space<vmem>>, vector<1024x128xf32>
    %get3A_2 = arith.constant 0 : index
    %get3A_3 = arith.constant 0 : index
    %get3A_4 = vector.load %arg2[%get3A_2, %get3A_3] : memref<1024x128xf32, #tpu.memory_space<vmem>>, vector<1024x128xf32>
    %add3A = arith.addf %get3A_1, %get3A_4 : vector<1024x128xf32>
    %mul3A = arith.constant 0.512989163 : f32
    %mul3A_5 = vector.broadcast %mul3A : f32 to vector<1024x128xf32>
    %mul3A_6 = arith.mulf %add3A, %mul3A_5 : vector<1024x128xf32>
    %get3A_7 = arith.constant 0 : index
    %get3A_8 = arith.constant 0 : index
    %get3A_9 = vector.load %arg3[%get3A_7, %get3A_8] : memref<1024x128xf32, #tpu.memory_space<vmem>>, vector<1024x128xf32>
    %get3A_10 = arith.constant 0 : index
    %get3A_11 = arith.constant 0 : index
    %get3A_12 = vector.load %arg4[%get3A_10, %get3A_11] : memref<1024x128xf32, #tpu.memory_space<vmem>>, vector<1024x128xf32>
    %add3A_13 = arith.addf %get3A_9, %get3A_12 : vector<1024x128xf32>
    %mul3A_14 = arith.constant 0.512989163 : f32
    %mul3A_15 = vector.broadcast %mul3A_14 : f32 to vector<1024x128xf32>
    %mul3A_16 = arith.mulf %add3A_13, %mul3A_15 : vector<1024x128xf32>
    %slice3A = vector.extract_strided_slice %mul3A_16 {offsets = [0, 0], sizes = [1024, 32], strides = [1, 1]} : vector<1024x128xf32> to vector<1024x32xf32>
    %concatenate3A = tpu.concatenate %mul3A_6, %slice3A in 1 : vector<1024x128xf32>, vector<1024x32xf32> -> vector<1024x160xf32>
    %slice3A_17 = vector.extract_strided_slice %concatenate3A {offsets = [0, 0], sizes = [1024, 16], strides = [1, 1]} : vector<1024x160xf32> to vector<1024x16xf32>
    %max3A = arith.constant 0.000000e+00 : f32
    %max3A_18 = vector.broadcast %max3A : f32 to vector<1024x16xf32>
    %max3A_19 = arith.maximumf %slice3A_17, %max3A_18 : vector<1024x16xf32>
    %slice3A_20 = vector.extract_strided_slice %concatenate3A {offsets = [0, 16], sizes = [1024, 16], strides = [1, 1]} : vector<1024x160xf32> to vector<1024x16xf32>
    %abs3A = math.absf %slice3A_20 : vector<1024x16xf32>
    %concatenate3A_21 = tpu.concatenate %max3A_19, %abs3A in 1 : vector<1024x16xf32>, vector<1024x16xf32> -> vector<1024x32xf32>
    %slice3A_22 = vector.extract_strided_slice %concatenate3A {offsets = [0, 32], sizes = [1024, 8], strides = [1, 1]} : vector<1024x160xf32> to vector<1024x8xf32>
    %max3A_23 = arith.constant 0.000000e+00 : f32
    %max3A_24 = vector.broadcast %max3A_23 : f32 to vector<1024x8xf32>
    %max3A_25 = arith.maximumf %slice3A_22, %max3A_24 : vector<1024x8xf32>
    %slice3A_26 = vector.extract_strided_slice %concatenate3A {offsets = [0, 40], sizes = [1024, 8], strides = [1, 1]} : vector<1024x160xf32> to vector<1024x8xf32>
    %tanh3A = math.tanh %slice3A_26 : vector<1024x8xf32>
    %slice3A_27 = vector.extract_strided_slice %concatenate3A {offsets = [0, 48], sizes = [1024, 8], strides = [1, 1]} : vector<1024x160xf32> to vector<1024x8xf32>
    %max3A_28 = arith.constant 0.000000e+00 : f32
    %max3A_29 = vector.broadcast %max3A_28 : f32 to vector<1024x8xf32>
    %max3A_30 = arith.maximumf %slice3A_27, %max3A_29 : vector<1024x8xf32>
    %slice3A_31 = vector.extract_strided_slice %concatenate3A {offsets = [0, 56], sizes = [1024, 8], strides = [1, 1]} : vector<1024x160xf32> to vector<1024x8xf32>
    %tanh3A_32 = math.tanh %slice3A_31 : vector<1024x8xf32>
    %concatenate3A_33 = tpu.concatenate %max3A_25, %tanh3A, %max3A_30, %tanh3A_32 in 1 : vector<1024x8xf32>, vector<1024x8xf32>, vector<1024x8xf32>, vector<1024x8xf32> -> vector<1024x32xf32>
    %iota3A = tpu.iota {dimensions = array<i32: 0>} : vector<32x96xi32>
    %iota3A_34 = tpu.iota {dimensions = array<i32: 1>} : vector<32x96xi32>
    %jit3A = arith.constant 3 : i32
    %div3A = vector.broadcast %jit3A : i32 to vector<32x96xi32>
    %div3A_35 = arith.divsi %iota3A_34, %div3A : vector<32x96xi32>
    %sign3A = arith.constant 0 : i32
    %sign3A_36 = vector.broadcast %sign3A : i32 to vector<32x96xi32>
    %sign3A_37 = arith.cmpi sgt, %iota3A_34, %sign3A_36 : vector<32x96xi32>
    %sign3A_38 = arith.extui %sign3A_37 : vector<32x96xi1> to vector<32x96xi32>
    %sign3A_39 = arith.constant 0 : i32
    %sign3A_40 = vector.broadcast %sign3A_39 : i32 to vector<32x96xi32>
    %sign3A_41 = arith.cmpi slt, %iota3A_34, %sign3A_40 : vector<32x96xi32>
    %sign3A_42 = arith.extui %sign3A_41 : vector<32x96xi1> to vector<32x96xi32>
    %sign3A_43 = arith.subi %sign3A_38, %sign3A_42 : vector<32x96xi32>
    %sign3A_44 = arith.constant 0 : i32
    %sign3A_45 = arith.cmpi sgt, %jit3A, %sign3A_44 : i32
    %sign3A_46 = arith.extui %sign3A_45 : i1 to i32
    %sign3A_47 = arith.constant 0 : i32
    %sign3A_48 = arith.cmpi slt, %jit3A, %sign3A_47 : i32
    %sign3A_49 = arith.extui %sign3A_48 : i1 to i32
    %sign3A_50 = arith.subi %sign3A_46, %sign3A_49 : i32
    %ne3A = vector.broadcast %sign3A_50 : i32 to vector<32x96xi32>
    %ne3A_51 = arith.cmpi ne, %sign3A_43, %ne3A : vector<32x96xi32>
    %rem3A = vector.broadcast %jit3A : i32 to vector<32x96xi32>
    %rem3A_52 = arith.remsi %iota3A_34, %rem3A : vector<32x96xi32>
    %ne3A_53 = arith.constant 0 : i32
    %ne3A_54 = vector.broadcast %ne3A_53 : i32 to vector<32x96xi32>
    %ne3A_55 = arith.cmpi ne, %rem3A_52, %ne3A_54 : vector<32x96xi32>
    %and3A = arith.andi %ne3A_51, %ne3A_55 : vector<32x96xi1>
    %sub3A = arith.constant 1 : i32
    %sub3A_56 = vector.broadcast %sub3A : i32 to vector<32x96xi32>
    %sub3A_57 = arith.subi %div3A_35, %sub3A_56 : vector<32x96xi32>
    %select_n3A = arith.select %and3A, %sub3A_57, %div3A_35 : vector<32x96xi1>, vector<32x96xi32>
    %eq3A = arith.cmpi eq, %iota3A, %select_n3A : vector<32x96xi32>
    %jit3A_58 = arith.constant 1.000000e+00 : f32
    %jit3A_59 = arith.constant 0.000000e+00 : f32
    %broadcast_in_dim3A = vector.broadcast %jit3A_58 : f32 to vector<32x96xf32>
    %broadcast_in_dim3A_60 = vector.broadcast %jit3A_59 : f32 to vector<32x96xf32>
    %select_n3A_61 = arith.select %eq3A, %broadcast_in_dim3A, %broadcast_in_dim3A_60 : vector<32x96xi1>, vector<32x96xf32>
    %dot_general3A = arith.constant dense<0.000000e+00> : vector<1024x96xf32>
    %dot_general3A_62 = tpu.matmul %concatenate3A_33, %select_n3A_61, %dot_general3A {dimension_numbers = #tpu.dot_dimension_numbers<[1], [0], [0], [1], [0, 0, 1, 1], [], []>, precision = #tpu.contract_precision<fp32>, transpose_lhs_hint = false} : vector<1024x32xf32>, vector<32x96xf32>, vector<1024x96xf32> -> vector<1024x96xf32>
    %slice3A_63 = vector.extract_strided_slice %concatenate3A {offsets = [0, 64], sizes = [1024, 96], strides = [1, 1]} : vector<1024x160xf32> to vector<1024x96xf32>
    %mul3A_64 = arith.mulf %slice3A_63, %dot_general3A_62 : vector<1024x96xf32>
    %concatenate3A_65 = tpu.concatenate %concatenate3A_21, %mul3A_64 in 1 : vector<1024x32xf32>, vector<1024x96xf32> -> vector<1024x128xf32>
    %swap3A = arith.constant 0 : index
    %swap3A_66 = arith.constant 0 : index
    %swap3A_67 = vector.load %arg5[%swap3A, %swap3A_66] : memref<1024x128xf32, #tpu.memory_space<vmem>>, vector<1024x128xf32>
    tpu.vector_store %arg5[%swap3A, %swap3A_66], %concatenate3A_65 {strides = array<i32>} : memref<1024x128xf32, #tpu.memory_space<vmem>>, vector<1024x128xf32>,
    return
  }
  func.func @transform_0(%arg0: i32) -> (i32, i32) {
    %c0_i32 = arith.constant 0 : i32
    %c0_i32_0 = arith.constant 0 : i32
    return %arg0, %c0_i32 : i32, i32
  }
  func.func @transform_1(%arg0: i32) -> (i32, i32) {
    %add3A = arith.constant 10 : i32
    %add3A_0 = arith.addi %arg0, %add3A : i32
    %c0_i32 = arith.constant 0 : i32
    %c0_i32_1 = arith.constant 0 : i32
    return %add3A_0, %c0_i32 : i32, i32
  }
  func.func @transform_2(%arg0: i32) -> (i32, i32) {
    %c0_i32 = arith.constant 0 : i32
    %c0_i32_0 = arith.constant 0 : i32
    return %arg0, %c0_i32 : i32, i32
  }
  func.func @transform_3(%arg0: i32) -> (i32, i32) {
    %add3A = arith.constant 10 : i32
    %add3A_0 = arith.addi %arg0, %add3A : i32
    %c0_i32 = arith.constant 0 : i32
    %c0_i32_1 = arith.constant 0 : i32
    return %add3A_0, %c0_i32 : i32, i32
  }
  func.func @transform_4(%arg0: i32) -> (i32, i32) {
    %c0_i32 = arith.constant 0 : i32
    %c0_i32_0 = arith.constant 0 : i32
    return %arg0, %c0_i32 : i32, i32
  }
}

module attributes {stable_mosaic.version = 14 : i64} {
  func.func @_msg2_body(%arg0: i32, %arg1: memref<2048x128xf32, #tpu.memory_space<vmem>>, %arg2: memref<2048x128xf32, #tpu.memory_space<vmem>>, %arg3: memref<2048x128xf32, #tpu.memory_space<vmem>>, %arg4: memref<128x16xf32, #tpu.memory_space<vmem>>, %arg5: memref<16x16xf32, #tpu.memory_space<vmem>>, %arg6: memref<2048x128xf32, #tpu.memory_space<vmem>>) attributes {dimension_semantics = [#tpu.dimension_semantics<arbitrary>], iteration_bounds = array<i64: 80>, scalar_prefetch = 0 : i64, scratch_operands = 0 : i64, tpu.core_type = #tpu.core_type<tc>, window_params = [{transform_indices = @transform_0, window_bounds = array<i64: 2048, 128>}, {transform_indices = @transform_1, window_bounds = array<i64: 2048, 128>}, {transform_indices = @transform_2, window_bounds = array<i64: 2048, 128>}, {pipeline_mode = #tpu.pipeline_mode<synchronous>, transform_indices = @transform_3, window_bounds = array<i64: 128, 16>}, {pipeline_mode = #tpu.pipeline_mode<synchronous>, transform_indices = @transform_4, window_bounds = array<i64: 16, 16>}, {transform_indices = @transform_5, window_bounds = array<i64: 2048, 128>}]} {
    %get3A = arith.constant 0 : index
    %get3A_0 = arith.constant 0 : index
    %get3A_1 = vector.load %arg1[%get3A, %get3A_0] : memref<2048x128xf32, #tpu.memory_space<vmem>>, vector<2048x128xf32>
    %get3A_2 = arith.constant 0 : index
    %get3A_3 = arith.constant 0 : index
    %get3A_4 = vector.load %arg2[%get3A_2, %get3A_3] : memref<2048x128xf32, #tpu.memory_space<vmem>>, vector<2048x128xf32>
    %mul3A = arith.mulf %get3A_1, %get3A_4 : vector<2048x128xf32>
    %get3A_5 = arith.constant 0 : index
    %get3A_6 = arith.constant 0 : index
    %get3A_7 = vector.load %arg4[%get3A_5, %get3A_6] : memref<128x16xf32, #tpu.memory_space<vmem>>, vector<128x16xf32>
    %dot_general3A = arith.constant dense<0.000000e+00> : vector<2048x16xf32>
    %dot_general3A_8 = tpu.matmul %mul3A, %get3A_7, %dot_general3A {dimension_numbers = #tpu.dot_dimension_numbers<[1], [0], [0], [1], [0, 0, 1, 1], [], []>, transpose_lhs_hint = false} : vector<2048x128xf32>, vector<128x16xf32>, vector<2048x16xf32> -> vector<2048x16xf32>
    %get3A_9 = arith.constant 0 : index
    %get3A_10 = arith.constant 0 : index
    %get3A_11 = vector.load %arg3[%get3A_9, %get3A_10] : memref<2048x128xf32, #tpu.memory_space<vmem>>, vector<2048x128xf32>
    %slice3A = vector.extract_strided_slice %get3A_11 {offsets = [0, 0], sizes = [2048, 16], strides = [1, 1]} : vector<2048x128xf32> to vector<2048x16xf32>
    %get3A_12 = arith.constant 0 : index
    %get3A_13 = arith.constant 0 : index
    %get3A_14 = vector.load %arg5[%get3A_12, %get3A_13] : memref<16x16xf32, #tpu.memory_space<vmem>>, vector<16x16xf32>
    %dot_general3A_15 = arith.constant dense<0.000000e+00> : vector<2048x16xf32>
    %dot_general3A_16 = tpu.matmul %slice3A, %get3A_14, %dot_general3A_15 {dimension_numbers = #tpu.dot_dimension_numbers<[1], [0], [0], [1], [0, 0, 1, 1], [], []>, transpose_lhs_hint = false} : vector<2048x16xf32>, vector<16x16xf32>, vector<2048x16xf32> -> vector<2048x16xf32>
    %mul3A_17 = arith.mulf %dot_general3A_8, %dot_general3A_16 : vector<2048x16xf32>
    %broadcast_in_dim3A = arith.constant 0.000000e+00 : f32
    %broadcast_in_dim3A_18 = vector.broadcast %broadcast_in_dim3A : f32 to vector<2048x112xf32>
    %concatenate3A = tpu.concatenate %mul3A_17, %broadcast_in_dim3A_18 in 1 : vector<2048x16xf32>, vector<2048x112xf32> -> vector<2048x128xf32>
    %swap3A = arith.constant 0 : index
    %swap3A_19 = arith.constant 0 : index
    %swap3A_20 = vector.load %arg6[%swap3A, %swap3A_19] : memref<2048x128xf32, #tpu.memory_space<vmem>>, vector<2048x128xf32>
    tpu.vector_store %arg6[%swap3A, %swap3A_19], %concatenate3A {strides = array<i32>} : memref<2048x128xf32, #tpu.memory_space<vmem>>, vector<2048x128xf32>,
    return
  }
  func.func @transform_0(%arg0: i32) -> (i32, i32) {
    %c0_i32 = arith.constant 0 : i32
    %c0_i32_0 = arith.constant 0 : i32
    return %arg0, %c0_i32 : i32, i32
  }
  func.func @transform_1(%arg0: i32) -> (i32, i32) {
    %c0_i32 = arith.constant 0 : i32
    %c0_i32_0 = arith.constant 0 : i32
    return %arg0, %c0_i32 : i32, i32
  }
  func.func @transform_2(%arg0: i32) -> (i32, i32) {
    %c0_i32 = arith.constant 0 : i32
    %c0_i32_0 = arith.constant 0 : i32
    return %arg0, %c0_i32 : i32, i32
  }
  func.func @transform_3(%arg0: i32) -> (i32, i32) {
    %c0_i32 = arith.constant 0 : i32
    %c0_i32_0 = arith.constant 0 : i32
    %c0_i32_1 = arith.constant 0 : i32
    return %c0_i32, %c0_i32_0 : i32, i32
  }
  func.func @transform_4(%arg0: i32) -> (i32, i32) {
    %c0_i32 = arith.constant 0 : i32
    %c0_i32_0 = arith.constant 0 : i32
    %c0_i32_1 = arith.constant 0 : i32
    return %c0_i32, %c0_i32_0 : i32, i32
  }
  func.func @transform_5(%arg0: i32) -> (i32, i32) {
    %c0_i32 = arith.constant 0 : i32
    %c0_i32_0 = arith.constant 0 : i32
    return %arg0, %c0_i32 : i32, i32
  }
}

module attributes {stable_mosaic.version = 14 : i64} {
  func.func @_graph_body(%arg0: i32, %arg1: memref<1x2000x128xf32, #tpu.memory_space<vmem>>, %arg2: memref<1x2000x128xf32, #tpu.memory_space<vmem>>, %arg3: memref<2000x1xf32, #tpu.memory_space<vmem>>, %arg4: memref<64x128xf32, #tpu.memory_space<vmem>>) attributes {dimension_semantics = [#tpu.dimension_semantics<arbitrary>], iteration_bounds = array<i64: 5>, scalar_prefetch = 0 : i64, scratch_operands = 0 : i64, tpu.core_type = #tpu.core_type<tc>, window_params = [{transform_indices = @transform_0, window_bounds = array<i64: 1, 2000, 128>}, {transform_indices = @transform_1, window_bounds = array<i64: 1, 2000, 128>}, {transform_indices = @transform_2, window_bounds = array<i64: 2000, 1>}, {pipeline_mode = #tpu.pipeline_mode<synchronous>, transform_indices = @transform_3, window_bounds = array<i64: 64, 128>}]} {
    %eq3A = arith.constant 0 : i32
    %eq3A_0 = arith.cmpi eq, %arg0, %eq3A : i32
    %convert_element_type3A = arith.extui %eq3A_0 : i1 to i32
    %cond3A = arith.constant 0 : i32
    %cond3A_1 = arith.cmpi ne, %convert_element_type3A, %cond3A : i32
    scf.if %cond3A_1 {
      %broadcast_in_dim3A_28 = arith.constant 0.000000e+00 : f32
      %broadcast_in_dim3A_29 = vector.broadcast %broadcast_in_dim3A_28 : f32 to vector<64x128xf32>
      %swap3A_30 = arith.constant 0 : index
      %swap3A_31 = arith.constant 0 : index
      %swap3A_32 = vector.load %arg4[%swap3A_30, %swap3A_31] : memref<64x128xf32, #tpu.memory_space<vmem>>, vector<64x128xf32>
      tpu.vector_store %arg4[%swap3A_30, %swap3A_31], %broadcast_in_dim3A_29 {strides = array<i32>} : memref<64x128xf32, #tpu.memory_space<vmem>>, vector<64x128xf32>,
    } else {
    }
    %get3A = arith.constant 0 : index
    %get3A_2 = arith.constant 0 : index
    %get3A_3 = arith.constant 0 : index
    %get3A_4 = vector.load %arg1[%get3A, %get3A_2, %get3A_3] : memref<1x2000x128xf32, #tpu.memory_space<vmem>>, vector<1x2000x128xf32>
    %get3A_5 = vector.shape_cast %get3A_4 : vector<1x2000x128xf32> to vector<2000x128xf32>
    %get3A_6 = arith.constant 0 : index
    %get3A_7 = arith.constant 0 : index
    %get3A_8 = arith.constant 0 : index
    %get3A_9 = vector.load %arg2[%get3A_6, %get3A_7, %get3A_8] : memref<1x2000x128xf32, #tpu.memory_space<vmem>>, vector<1x2000x128xf32>
    %get3A_10 = vector.shape_cast %get3A_9 : vector<1x2000x128xf32> to vector<2000x128xf32>
    %add3A = arith.addf %get3A_5, %get3A_10 : vector<2000x128xf32>
    %mul3A = arith.constant 0.256494582 : f32
    %mul3A_11 = vector.broadcast %mul3A : f32 to vector<2000x128xf32>
    %mul3A_12 = arith.mulf %add3A, %mul3A_11 : vector<2000x128xf32>
    %get3A_13 = arith.constant 0 : index
    %get3A_14 = arith.constant 0 : index
    %get3A_15 = vector.load %arg3[%get3A_13, %get3A_14] : memref<2000x1xf32, #tpu.memory_space<vmem>>, vector<2000x1xf32>
    %iota3A = tpu.iota {dimensions = array<i32: 1>} : vector<2000x64xi32>
    %convert_element_type3A_16 = arith.sitofp %iota3A : vector<2000x64xi32> to vector<2000x64xf32>
    %eq3A_17 = vector.broadcast %get3A_15 : vector<2000x1xf32> to vector<2000x64xf32>
    %eq3A_18 = arith.cmpf oeq, %eq3A_17, %convert_element_type3A_16 : vector<2000x64xf32>
    %jit3A = arith.constant 1.000000e+00 : f32
    %jit3A_19 = arith.constant 0.000000e+00 : f32
    %broadcast_in_dim3A = vector.broadcast %jit3A : f32 to vector<2000x64xf32>
    %broadcast_in_dim3A_20 = vector.broadcast %jit3A_19 : f32 to vector<2000x64xf32>
    %select_n3A = arith.select %eq3A_18, %broadcast_in_dim3A, %broadcast_in_dim3A_20 : vector<2000x64xi1>, vector<2000x64xf32>
    %get3A_21 = arith.constant 0 : index
    %get3A_22 = arith.constant 0 : index
    %get3A_23 = vector.load %arg4[%get3A_21, %get3A_22] : memref<64x128xf32, #tpu.memory_space<vmem>>, vector<64x128xf32>
    %dot_general3A = arith.constant dense<0.000000e+00> : vector<64x128xf32>
    %dot_general3A_24 = tpu.matmul %select_n3A, %mul3A_12, %dot_general3A {dimension_numbers = #tpu.dot_dimension_numbers<[0], [0], [1], [1], [0, 1, 1, 1], [], []>, precision = #tpu.contract_precision<fp32>, transpose_lhs_hint = false} : vector<2000x64xf32>, vector<2000x128xf32>, vector<64x128xf32> -> vector<64x128xf32>
    %add3A_25 = arith.addf %get3A_23, %dot_general3A_24 : vector<64x128xf32>
    %swap3A = arith.constant 0 : index
    %swap3A_26 = arith.constant 0 : index
    %swap3A_27 = vector.load %arg4[%swap3A, %swap3A_26] : memref<64x128xf32, #tpu.memory_space<vmem>>, vector<64x128xf32>
    tpu.vector_store %arg4[%swap3A, %swap3A_26], %add3A_25 {strides = array<i32>} : memref<64x128xf32, #tpu.memory_space<vmem>>, vector<64x128xf32>,
    return
  }
  func.func @transform_0(%arg0: i32) -> (i32, i32, i32) {
    %c0_i32 = arith.constant 0 : i32
    %c0_i32_0 = arith.constant 0 : i32
    %c0_i32_1 = arith.constant 0 : i32
    return %c0_i32, %arg0, %c0_i32_0 : i32, i32, i32
  }
  func.func @transform_1(%arg0: i32) -> (i32, i32, i32) {
    %c1_i32 = arith.constant 1 : i32
    %c0_i32 = arith.constant 0 : i32
    %c0_i32_0 = arith.constant 0 : i32
    return %c1_i32, %arg0, %c0_i32 : i32, i32, i32
  }
  func.func @transform_2(%arg0: i32) -> (i32, i32) {
    %c0_i32 = arith.constant 0 : i32
    %c0_i32_0 = arith.constant 0 : i32
    return %arg0, %c0_i32 : i32, i32
  }
  func.func @transform_3(%arg0: i32) -> (i32, i32) {
    %c0_i32 = arith.constant 0 : i32
    %c0_i32_0 = arith.constant 0 : i32
    %c0_i32_1 = arith.constant 0 : i32
    return %c0_i32, %c0_i32_0 : i32, i32
  }
}

</mosaic_0001>

<sc_bundles>
// kernel: kernel.16.cloned.1.call-start
scs
__scs_entry_jumppad:
0x0: {  	(pc) =	sbr.rel $0x88, $3  }
0x1: {  	(tag) =	ssettag $0x0;
	lr =	simm.s32 $0x1  }
0x2: {  	[smem:$0x3F95] =	sst lr;
	_ =	strace $0xD0000000  }
0x3: {  	_ = 	snop  }
0x4: {  	_ = 	snop  }
0x5: {  	_ = 	snop  }
0x6: {  	_ = 	snop  }
0x7: {  	_ = 	snop  }
__scs_overlays_trampoline_lowered:
0x8: {  	[smem:$0x3FA4] =	sst s0  }
0x9: {  	[smem:$0x3FA5] =	sst s1  }
0xa: {  	[smem:$0x3FA6] =	sst s2  }
0xb: {  	[smem:$0x3FA7] =	sst s3  }
0xc: {  	[smem:$0x3FA8] =	sst s4  }
0xd: {  	[smem:$0x3FA9] =	sst s5  }
0xe: {  	[smem:$0x3FAA] =	sst s6  }
0xf: {  	[smem:$0x3FAB] =	sst s7  }
0x10: {  	[smem:$0x3FAC] =	sst s8  }
0x11: {  	[smem:$0x3FAD] =	sst s9;
	s0 =	simm.s32 @!p0 $0x0  }
0x12: {  	s1 =	sld [smem:$0x3F93];
	s0 =	simm.s32 @p0 $0x1  }
0x13: {  	[smem:$0x3FAE] =	sst s0;
	s0 =	simm.s32 @!p1 $0x0  }
0x14: {  	s2 =	sld [smem:$0x3F92];
	s0 =	simm.s32 @p1 $0x1  }
0x15: {  	[smem:$0x3FAF] =	sst s0;
	s0 =	simm.s32 @!p2 $0x0  }
0x16: {  	s3 =	sld [smem:$0x3FDB];
	s0 =	simm.s32 @p2 $0x1  }
0x17: {  	s4 =	simm.s32 $0x1BF5;
	[smem:$0x3FB1] =	sst s0  }
0x18: {  	s0 =	sld [smem:$0x3F94];
	_ =	swait.ge [sflag:s4], $0x0  }
0x19: {  	s7 =	sld [smem:$0x3F95]  }
0x1a: {  	s8 =	sadd.s32 $0xFFFFE003, lr  }
0x1b: {  	s9 =	sadd.s32 $0xFFFFFEF7, lr;
	s5 =	simm.s32 $0xFFFFFFFF;
	p2 =	slt.u32 s8, $0xFFFFF086  }
0x1c: {  	p1 =	slt.u32 s9, $0xF7A;
	s5 =	simm.s32 @!p2 $0x0  }
0x1d: {  	s5 =	simm.s32 @p1 $0x1;
	p0 =	seq.s32 s7, s2  }
0x1e: {  	s7 =	smul.u32 @!p0 $0xF7A, s2;
	p2 =	seq.s32 @!p0 s5, $0x0  }
0x1f: {  	s9 =	smul.u32 $0xF7A, s1;
	s8 =	simm.s32 @!p0 $0x1BF5;
	p2 =	por !p2, p0  }
0x20: {  	[sflag:s8] =	ssyncset.s32 @!p0 $0xFFFFF086;
	s6 =	sadd.s32 @!p0 s3, s7;
	s7 =	simm.s32 @!p0 $0x108  }
0x21: {  	s3 =	sadd.s32 s3, s9;
	s6 =	sadd.s32 @!p0 $0x88, s6;
	s7 =	simm.s32 @p2 $0x1082  }
0x22: {  	[simem:s7], [sflag:s8] =	dma.local @!p0 [hbm:s6], $0xF7A  }
0x23: {  	s9 =	sor.u32 $0xD0000000, s2;
	s6 =	simm.s32 $0x108;
	_ =	swait.ge @!p0 [sflag:s8], $0x0  }
0x24: {  	s3 =	sadd.s32 $0x88, s3;
	s6 =	simm.s32 @!p1 $0x1082;
	[sflag:s4] =	ssyncset.s32 $0xFFFFF086  }
0x25: {  	[simem:s6], [sflag:s4] =	dma.local [hbm:s3], $0xF7A  }
0x26: {  	[smem:$0x3F95] =	sst s1;
	(tag) =	ssettag s2;
	_ =	strace s9  }
0x27: {  	s1 =	sld [smem:$0x3FA5]  }
0x28: {  	s2 =	sld [smem:$0x3FA6]  }
0x29: {  	s4 =	sld [smem:$0x3FA8]  }
0x2a: {  	p0 =	seq.s32 s5, $0x0;
	s5 =	sld [smem:$0x3FA9]  }
0x2b: {  	s6 =	sld [smem:$0x3FAA]  }
0x2c: {  	s7 =	sld [smem:$0x3FAB]  }
0x2d: {  	s3 =	simm.s32 $0x108;
	s8 =	sld [smem:$0x3FAC]  }
0x2e: {  	s3 =	simm.s32 @!p0 $0x1082;
	s9 =	sld [smem:$0x3FAD]  }
0x2f: {  	lr =	sadd.s32 s0, s3;
	s0 =	sld [smem:$0x3FA4]  }
0x30: {  	s3 =	sld [smem:$0x3FA7]  }
0x31: {  	[smem:$0x3FB0] =	sst s10  }
0x32: {  	s10 =	sld [smem:$0x3FAE];
	_ =	sdelay $0x3  }
0x33: {  	p0 =	seq.s32 s10, $0x1;
	s10 =	sld [smem:$0x3FB0];
	_ =	sdelay $0x3  }
0x34: {  	[smem:$0x3FB0] =	sst s10  }
0x35: {  	s10 =	sld [smem:$0x3FAF];
	_ =	sdelay $0x3  }
0x36: {  	p1 =	seq.s32 s10, $0x1;
	s10 =	sld [smem:$0x3FB0];
	_ =	sdelay $0x3  }
0x37: {  	[smem:$0x3FB0] =	sst s10  }
0x38: {  	s10 =	sld [smem:$0x3FB1]  }
0x39: {  	_ = 	snop;
	(pc) =	sbr.ind lr, $3  }
0x3a: {  	_ = 	snop  }
0x3b: {  	_ = 	snop  }
0x3c: {  	p2 =	seq.s32 s10, $0x1;
	s10 =	sld [smem:$0x3FB0]  }
0x3d: {  	_ =	shalt  }
0x3e: {  	_ =	shalt  }
0x3f: {  	_ =	shalt  }
0x40: {  	_ =	shalt  }
0x41: {  	_ =	shalt  }
0x42: {  	_ =	shalt  }
0x43: {  	_ =	shalt  }
0x44: {  	_ =	shalt  }
0x45: {  	_ =	shalt  }
0x46: {  	_ =	shalt  }
0x47: {  	_ =	shalt  }
0x48: {  	_ =	shalt  }
0x49: {  	_ =	shalt  }
0x4a: {  	_ =	shalt  }
0x4b: {  	_ =	shalt  }
0x4c: {  	_ =	shalt  }
0x4d: {  	_ =	shalt  }
0x4e: {  	_ =	shalt  }
0x4f: {  	_ =	shalt  }
0x50: {  	_ =	shalt  }
0x51: {  	_ =	shalt  }
0x52: {  	_ =	shalt  }
0x53: {  	_ =	shalt  }
0x54: {  	_ =	shalt  }
0x55: {  	_ =	shalt  }
0x56: {  	_ =	shalt  }
0x57: {  	_ =	shalt  }
0x58: {  	_ =	shalt  }
0x59: {  	_ =	shalt  }
0x5a: {  	_ =	shalt  }
0x5b: {  	_ =	shalt  }
0x5c: {  	_ =	shalt  }
0x5d: {  	_ =	shalt  }
0x5e: {  	_ =	shalt  }
0x5f: {  	_ =	shalt  }
0x60: {  	_ =	shalt  }
0x61: {  	_ =	shalt  }
0x62: {  	_ =	shalt  }
0x63: {  	_ =	shalt  }
0x64: {  	_ =	shalt  }
0x65: {  	_ =	shalt  }
0x66: {  	_ =	shalt  }
0x67: {  	_ =	shalt  }
0x68: {  	_ =	shalt  }
0x69: {  	_ =	shalt  }
0x6a: {  	_ =	shalt  }
0x6b: {  	_ =	shalt  }
0x6c: {  	_ =	shalt  }
0x6d: {  	_ =	shalt  }
0x6e: {  	_ =	shalt  }
0x6f: {  	_ =	shalt  }
0x70: {  	_ =	shalt  }
0x71: {  	_ =	shalt  }
0x72: {  	_ =	shalt  }
0x73: {  	_ =	shalt  }
0x74: {  	_ =	shalt  }
0x75: {  	_ =	shalt  }
0x76: {  	_ =	shalt  }
0x77: {  	_ =	shalt  }
0x78: {  	_ =	shalt  }
0x79: {  	_ =	shalt  }
0x7a: {  	_ =	shalt  }
0x7b: {  	_ =	shalt  }
0x7c: {  	_ =	shalt  }
0x7d: {  	_ =	shalt  }
0x7e: {  	_ =	shalt  }
0x7f: {  	_ =	shalt  }
0x80: {  	_ =	shalt  }
0x81: {  	_ =	shalt  }
0x82: {  	_ =	shalt  }
0x83: {  	_ =	shalt  }
0x84: {  	_ =	shalt  }
0x85: {  	_ =	shalt  }
0x86: {  	_ =	shalt  }
0x87: {  	_ =	shalt  }
.Lfunc_end0:
.L_simem_size_0:
called_computation_lowered:
.L_overlay_start_0:
0x88: {  	s2 =	sld [smem:$0x3FD9]  }
0x89: {  	s3 =	sld [smem:$0x3FFE];
	_ =	sdelay $0x1  }
0x8a: {  	s1 =	srdreg.scid  }
0x8b: {  	s0 =	sand.u32 $0x1, s1  }
0x8c: {  	s16 =	sshll.u32 s0, $0xA;
	s2 =	sadd.s32 s3, s2  }
0x8d: {  	s2 =	sadd.s32 s2, s16  }
0x8e: {  	[smem:$0x3FBC] =	sst s2  }
0x8f: {  	_ = 	snop  }
0x90: {  	(tm) =	ssettm $0x1  }
0x91: {  	s17 =	sld [smem:$0x3FFB];
	_ =	sdelay $0x3  }
0x92: {  	_ =	strace s17  }
0x93: {  	s2 =	sld [smem:$0x3FFC];
	_ =	sdelay $0x3  }
0x94: {  	_ =	strace s2  }
0x95: {  	s2 =	sld [smem:$0x3FFD];
	_ =	sdelay $0x3  }
0x96: {  	_ =	strace s2  }
0x97: {  	_ =	strace $0x8FFFFFFF  }
0x98: {  	s18 =	sld [smem:$0x3FDB];
	_ =	sdelay $0x1  }
0x99: {  	s19 =	simm.s32 $_scs_section_size  }
0x9a: {  	s4 =	simm.s32 $_size__tile_overlayer_lowered;
	s5 =	simm.s32 $_tile_overlayer_lowered  }
0x9b: {  	s22 =	simm.s32 $0x1BFF;
	s21 =	sshll.u32 s5, $0x1;
	s2 =	sadd.s32 s19, s18  }
0x9c: {  	s6 =	simm.s32 $0x0;
	s20 =	sshll.u32 s4, $0x1;
	s4 =	sadd.s32 s21, s2  }
0x9d: {  	[timem:s6], [sflag:s22] =	dma.local [hbm:s4], s20  }
0x9e: {  	_ =	swait.ge [sflag:s22], s20  }
0x9f: {  	s3 =	ssub.s32 $0x0, s20;
	[sflag:s22] =	ssyncset.done $0x0  }
0xa0: {  	[sflag:s22] =	ssyncadd.s32 s3;
	_ =	sdelay $0x1  }
0xa1: {  	s23 =	simm.s32 $0x1B8B  }
0xa2: {  	_ =	swait.ge [sflag:s23], $0x1  }
0xa3: {  	[sflag:s23] =	ssyncset.done $0x0  }
0xa4: {  	s25 =	simm.s32 $0x1B8E;
	s24 =	sld [smem:$0x3FFE];
	[sflag:s23] =	ssyncadd.s32 $0xFFFFFFFF  }
0xa5: {  	s26 =	simm.s32 $execute0_lowered;
	[smem:$0x3FD2] =	sst s25  }
0xa6: {  	s4 =	sshll.u32 s26, $0x1;
	_ =	strace $0x80000046;
	[dreg:$0x1] =	wrdreg $0xFFFFFFFF  }
0xa7: {  	s28 =	simm.s32 $_size_execute0_lowered;
	s2 =	sadd.s32 s2, s4;
	[dreg:$0x0] =	wrdreg $0x0  }
0xa8: {  	s4 =	sshll.u32 s28, $0x1;
	[dreg:$0x2] =	wrdreg s2  }
0xa9: {  	[dreg:$0x3] =	wrdreg s4  }
0xaa: {  	[dreg:$0x4] =	wrdreg $0xC0  }
0xab: {  	_ =	task [dreg:s6], $0x5FFFF  }
0xac: {  	[dreg:$0x1] =	wrdreg $0xFFFFFFFF  }
0xad: {  	[dreg:$0x0] =	wrdreg $0x60  }
0xae: {  	[dreg:$0x2] =	wrdreg s24  }
0xaf: {  	[dreg:$0x3] =	wrdreg $0x94000  }
0xb0: {  	[dreg:$0x4] =	wrdreg $0x9  }
0xb1: {  	_ =	task.clear_ibuf [dreg:s6], $0x5FFFF;
	_ =	strace $0x90000046  }
0xb2: {  	s29 =	simm.s32 $0x9;
	_ =	strace $0x80000048  }
0xb3: {  	_ =	swait.ge [sflag:s29], $0x1  }
0xb4: {  	[sflag:s29] =	ssyncadd.s32 $0xFFFFFFFF  }
0xb5: {  	_ =	strace $0x90000048  }
0xb6: {  	_ =	sfence  }
0xb7: {  	s30 =	sld [smem:$0x0];
	_ =	sdelay $0x2  }
0xb8: {  	s31 =	sshll.u32 s1, $0xD;
	s1 =	sshrl.u32 s1, $0x2  }
0xb9: {  	s3 =	sand.u32 $0x4000, s31;
	s1 =	sadd.s32 s1, s30  }
0xba: {  	s0 =	sor.u32 s3, s0;
	s1 =	sshll.u32 s1, $0x11  }
0xbb: {  	s0 =	sor.u32 s1, s0  }
0xbc: {  	s0 =	sadd.s32 $0x8F2B, s0  }
0xbd: {  	[sflag:s0] =	ssyncadd.remote.s32 $0x1  }
0xbe: {  	_ =	sfence.sel $0xFFFF  }
0xbf: {  	[dreg:$0x0] =	wrdreg $0xFFFFFFFF;
	(pc) =	sbr.abs _section_cstart, $3  }
0xc0: {  	[dreg:$0x1] =	wrdreg $0xFFFFFFFF  }
0xc1: {  	_ =	task.clear_ibuf [dreg:s6], $0x2FFFF;
	_ =	strace $0x9FFFFFFF  }
0xc2: {  	(tm) =	ssettm $0x7FFFFFFF  }
0xc3: {  	_ =	shalt  }
tec
execute0_lowered:
.L_overlay_start_1:
0x0: {  	(tag) =	ssettag $0x1  }
0x1: {  	s4 =	rddreg [dreg:$0x0]  }
0x2: {  	s2 =	rddreg [dreg:$0x1];
	s1 =	stileid.u32  }
0x3: {  	s3 =	srdreg.scid;
	s0 =	rddreg [dreg:$0x2];
	s17 =	simm.s32 $0x1  }
0x4: {  	s18 =	simm.s32 $0x2;
	s19 =	simm.s32 $0x3;
	s6 =	smul.u32 $0x2800, s1  }
0x5: {  	s20 =	simm.s32 $0x4;
	s21 =	simm.s32 $0x0;
	s8 =	smul.u32 $0x50000, s1  }
0x6: {  	s9 =	sand.u32 $0x1, s3;
	s5 =	sshll.u32 s1, $0x1;
	s15 =	smul.u32 $0x28000, s1  }
0x7: {  	s3 =	simm.s32 $0x0;
	s11 =	sadd.s32 $0x31800, s4;
	s28 =	smul.u32 $0x140000, s1  }
0x8: {  	s25 =	sshll.u32 s1, $0x6;
	s5 =	sor.u32 s9, s5;
	s16 =	smul.u32 $0xA0000, s9  }
0x9: {  	[smem:$0x7FF] =	sst s3;
	s24 =	ssub.s32 $0x2, s9;
	s29 =	smul.u32 $0x14000, s9  }
0xa: {  	s7 =	smul.u32 $0x280, s5;
	_ =	strace $0x80000047;
	s6 =	sadd.s32 s6, s4  }
0xb: {  	s10 =	sshrl.u32 s24, $0x1;
	s8 =	sshrl.u32 s8, $0x2;
	s12 =	smul.u32 $0xA0000, s5  }
0xc: {  	s14 =	smul.u32 $0x14000, s5;
	s5 =	sor.u32 $0x1C05, s25;
	s31 =	sadd.s32 s15, s11  }
0xd: {  	s15 =	simm.s32 $0x1400;
	s10 =	ssub.s32 s24, s10;
	s13 =	sadd.s32 s8, s2  }
0xe: {  	s7 =	sadd.s32 s7, s4;
	s4 =	sadd.s32 $0x9800, s6;
	s26 =	sshrl.u32 s12, $0x3  }
0xf: {  	s30 =	sadd.s32 s14, s11;
	s12 =	sadd.s32 s16, s28;
	s14 =	simm.s32 $0x80  }
0x10: {  	s16 =	simm.s32 $0x5400;
	s6 =	sadd.s32 $0x4800, s7;
	s8 =	sadd.s32 s11, s26  }
0x11: {  	s7 =	smax.u32 s10, $0x1;
	s9 =	sadd.s32 $0x13800, s30;
	s10 =	sadd.s32 s29, s31  }
0x12: {  	s12 =	sshrl.u32 s12, $0x3;
	s8 =	sadd.s32 $0x13000, s8;
	s10 =	sadd.s32 $0x800, s10  }
0x13: {  	s11 =	sadd.s32 s12, s11;
	s12 =	sshrl.u32 s13, $0x3;
	s13 =	simm.s32 $0x5  }
.LBB2_1:
0x14: {  	[spmem:s12], [sflag:s5] =	dma.local [hbm:s4], $0x2800  }
0x15: {  	_ =	swait.ge [sflag:s13], $0x2800  }
0x16: {  	[sflag:s13] =	ssyncset.done $0x0  }
0x17: {  	[sflag:s13] =	ssyncadd.s32 $0xFFFFD800  }
0x18: {  	[tilespmem:s3], [sflag:$0x5] =	stream.linear.gather [hbm4b:s6+s3], $0x1400, $0x38;
	[tilespmem:$0x1D400] =	vst v63  }
0x19: {  	_ =	swait.ge [sflag:s13], $0x1400  }
0x1a: {  	[sflag:s13] =	ssyncset.done $0x0  }
0x1b: {  	[sflag:s13] =	ssyncadd.s32 $0xFFFFEC00  }
0x1c: {  	[bflag:$0x0] =	sbarrier.arrive $0xFFFF  }
0x1d: {  	[tilespmem:s15], [sflag:$0x1] =	stream.indirect.gather [spmem:s2], $0x80, s3, s14, $0xb8;
	[tilespmem:$0x1D400] =	vst v63  }
0x1e: {  	_ = 	snop  }
0x1f: {  	[tilespmem:s16], [sflag:$0x2] =	stream.indirect.gather [spmem:s2], $0x80, s14, s14, $0xb8;
	[tilespmem:$0x1D400] =	vst v63  }
0x20: {  	_ =	swait.ge [sflag:s17], $0x4000  }
0x21: {  	[sflag:s17] =	ssyncset.done $0x0  }
0x22: {  	s22 =	sadd.s32 $0x0, s11;
	[sflag:s17] =	ssyncadd.s32 $0xFFFFC000  }
0x23: {  	[hbm4b:s22+s3] =	stream.linear.scatter [tilespmem:s15], [sflag:$0x3], $0x4000, $0x38;
	[tilespmem:$0x1D400] =	vst v63  }
0x24: {  	_ =	swait.ge [sflag:s18], $0x4000  }
0x25: {  	[sflag:s18] =	ssyncset.done $0x0  }
0x26: {  	s30 =	sadd.s32 $0x0, s10;
	[sflag:s18] =	ssyncadd.s32 $0xFFFFC000  }
0x27: {  	[hbm4b:s30+s3] =	stream.linear.scatter [tilespmem:s16], [sflag:$0x4], $0x4000, $0x38;
	[tilespmem:$0x1D400] =	vst v63  }
0x28: {  	_ =	swait.ge [sflag:s19], $0x4000  }
0x29: {  	[sflag:s19] =	ssyncset.done $0x0  }
0x2a: {  	s31 =	simm.s32 $0x100;
	[sflag:s19] =	ssyncadd.s32 $0xFFFFC000  }
0x2b: {  	[tilespmem:s15], [sflag:$0x1] =	stream.indirect.gather [spmem:s2], $0x80, s31, s14, $0xb8;
	[tilespmem:$0x1D400] =	vst v63  }
0x2c: {  	_ =	swait.ge [sflag:s20], $0x4000  }
0x2d: {  	s23 =	simm.s32 $0x1000;
	[sflag:s20] =	ssyncset.done $0x0  }
0x2e: {  	s24 =	simm.s32 $0x280;
	s22 =	simm.s32 $0x180;
	[sflag:s20] =	ssyncadd.s32 $0xFFFFC000  }
.LBB2_2:
0x2f: {  	[tilespmem:s16], [sflag:$0x2] =	stream.indirect.gather [spmem:s2], $0x80, s22, s14, $0xb8;
	[tilespmem:$0x1D400] =	vst v63  }
0x30: {  	s25 =	smov.u32 s23;
	s22 =	smov.u32 s24  }
0x31: {  	p0 =	sne.s32 s23, $0x12000;
	s23 =	sadd.s32 $0x1000, s23;
	_ =	swait.ge [sflag:s17], $0x4000  }
0x32: {  	[sflag:s17] =	ssyncset.done $0x0  }
0x33: {  	s26 =	sadd.s32 s25, s11;
	[sflag:s17] =	ssyncadd.s32 $0xFFFFC000  }
0x34: {  	[hbm4b:s26+s3] =	stream.linear.scatter [tilespmem:s15], [sflag:$0x3], $0x4000, $0x38;
	[tilespmem:$0x1D400] =	vst v63  }
0x35: {  	_ =	swait.ge [sflag:s18], $0x4000  }
0x36: {  	[sflag:s18] =	ssyncset.done $0x0  }
0x37: {  	s25 =	sadd.s32 s25, s10;
	[sflag:s18] =	ssyncadd.s32 $0xFFFFC000  }
0x38: {  	[hbm4b:s25+s3] =	stream.linear.scatter [tilespmem:s16], [sflag:$0x4], $0x4000, $0x38;
	[tilespmem:$0x1D400] =	vst v63  }
0x39: {  	_ =	swait.ge [sflag:s19], $0x4000  }
0x3a: {  	[sflag:s19] =	ssyncset.done $0x0  }
.Ltmp0:
0x3b: {  	s25 =	sadd.s32 $0xFFFFFF80, s24;
	[sflag:s19] =	ssyncadd.s32 $0xFFFFC000;
	(pc) =	sbr.rel @p0 .LBB2_2-.Ltmp0, $4  }
0x3c: {  	[tilespmem:s15], [sflag:$0x1] =	stream.indirect.gather [spmem:s2], $0x80, s25, s14, $0xb8;
	[tilespmem:$0x1D400] =	vst v63  }
0x3d: {  	_ =	swait.ge [sflag:s20], $0x4000  }
0x3e: {  	[sflag:s20] =	ssyncset.done $0x0  }
0x3f: {  	s24 =	sadd.s32 $0x100, s24;
	[sflag:s20] =	ssyncadd.s32 $0xFFFFC000  }
0x40: {  	[tilespmem:s16], [sflag:$0x2] =	stream.indirect.gather [spmem:s2], $0x80, s22, s14, $0xb8;
	[tilespmem:$0x1D400] =	vst v63  }
0x41: {  	_ =	swait.ge [sflag:s17], $0x4000  }
0x42: {  	[sflag:s17] =	ssyncset.done $0x0  }
0x43: {  	[sflag:s17] =	ssyncadd.s32 $0xFFFFC000  }
0x44: {  	[hbm4b:s8+s3] =	stream.linear.scatter [tilespmem:s15], [sflag:$0x3], $0x4000, $0x38;
	[tilespmem:$0x1D400] =	vst v63  }
0x45: {  	_ =	swait.ge [sflag:s18], $0x4000  }
0x46: {  	[sflag:s18] =	ssyncset.done $0x0  }
0x47: {  	s21 =	sadd.s32 $0x1, s21;
	[sflag:s18] =	ssyncadd.s32 $0xFFFFC000  }
0x48: {  	[hbm4b:s9+s3] =	stream.linear.scatter [tilespmem:s16], [sflag:$0x4], $0x4000, $0x38;
	[tilespmem:$0x1D400] =	vst v63  }
0x49: {  	p0 =	sne.s32 s21, s7;
	_ =	swait.ge [sflag:s19], $0x4000  }
.Ltmp1:
0x4a: {  	[sflag:s19] =	ssyncset.done $0x0;
	(pc) =	sbr.rel @p0 .LBB2_1-.Ltmp1, $4  }
0x4b: {  	[sflag:s19] =	ssyncadd.s32 $0xFFFFC000  }
0x4c: {  	_ =	swait.ge [sflag:s20], $0x4000  }
0x4d: {  	[sflag:s20] =	ssyncset.done $0x0  }
0x4e: {  	[sflag:s20] =	ssyncadd.s32 $0xFFFFC000  }
0x4f: {  	_ =	sfence.sel $0x180000  }
0x50: {  	[bflag:$0x0] =	sbarrier.arrive $0xFFFF  }
0x51: {  	p0 =	sne.s32 s1, $0x0;
	_ =	strace $0x90000047  }
0x52: {  	s0 =	sadd.s32 @!p0 $0x100000, s0;
	[bflag:$0x2] =	sbarrier.arrive $0xFFFF  }
0x53: {  	[sflag:s0] =	ssyncadd.tile.s32 @!p0 $0x1;
	_ =	shalt  }
.Lfunc_end2:
_tile_overlayer_lowered:
.L_overlay_start_2:
0x54: {  	(tag) =	ssettag $0x2  }
0x55: {  	s0 =	rddreg [dreg:$0x0];
	s2 =	stileid.u32  }
0x56: {  	s1 =	rddreg [dreg:$0x1];
	p0 =	sne.s32 s2, $0x0  }
0x57: {  	s3 =	rddreg [dreg:$0x2];
	[bflag:$0x3] =	sbarrier.arrive $0xFFFF;
	s2 =	simm.s32 @!p0 $0x1C05  }
0x58: {  	[timem:s3], [sflag:s2] =	dma.local @!p0 [hbm:s0], s1  }
0x59: {  	s0 =	simm.s32 @!p0 $0x5  }
0x5a: {  	_ =	swait.ge @!p0 [sflag:s0], s1  }
0x5b: {  	s1 =	ssub.s32 @!p0 $0x0, s1;
	[sflag:s0] =	ssyncset.done @!p0 $0x0  }
0x5c: {  	[sflag:s0] =	ssyncadd.s32 @!p0 s1  }
0x5d: {  	[bflag:$0x3] =	sbarrier.arrive $0xFFFF  }
0x5e: {  	_ =	shalt  }

// kernel: kernel.19.cloned.1.call-start
scs
__scs_entry_jumppad:
0x0: {  	(pc) =	sbr.rel $0x88, $3  }
0x1: {  	(tag) =	ssettag $0x0;
	lr =	simm.s32 $0x1  }
0x2: {  	[smem:$0x3F95] =	sst lr;
	_ =	strace $0xD0000000  }
0x3: {  	_ = 	snop  }
0x4: {  	_ = 	snop  }
0x5: {  	_ = 	snop  }
0x6: {  	_ = 	snop  }
0x7: {  	_ = 	snop  }
__scs_overlays_trampoline_lowered:
0x8: {  	[smem:$0x3FA4] =	sst s0  }
0x9: {  	[smem:$0x3FA5] =	sst s1  }
0xa: {  	[smem:$0x3FA6] =	sst s2  }
0xb: {  	[smem:$0x3FA7] =	sst s3  }
0xc: {  	[smem:$0x3FA8] =	sst s4  }
0xd: {  	[smem:$0x3FA9] =	sst s5  }
0xe: {  	[smem:$0x3FAA] =	sst s6  }
0xf: {  	[smem:$0x3FAB] =	sst s7  }
0x10: {  	[smem:$0x3FAC] =	sst s8  }
0x11: {  	[smem:$0x3FAD] =	sst s9;
	s0 =	simm.s32 @!p0 $0x0  }
0x12: {  	s1 =	sld [smem:$0x3F93];
	s0 =	simm.s32 @p0 $0x1  }
0x13: {  	[smem:$0x3FAE] =	sst s0;
	s0 =	simm.s32 @!p1 $0x0  }
0x14: {  	s2 =	sld [smem:$0x3F92];
	s0 =	simm.s32 @p1 $0x1  }
0x15: {  	[smem:$0x3FAF] =	sst s0;
	s0 =	simm.s32 @!p2 $0x0  }
0x16: {  	s3 =	sld [smem:$0x3FDB];
	s0 =	simm.s32 @p2 $0x1  }
0x17: {  	s4 =	simm.s32 $0x1BF5;
	[smem:$0x3FB1] =	sst s0  }
0x18: {  	s0 =	sld [smem:$0x3F94];
	_ =	swait.ge [sflag:s4], $0x0  }
0x19: {  	s7 =	sld [smem:$0x3F95]  }
0x1a: {  	s8 =	sadd.s32 $0xFFFFE003, lr  }
0x1b: {  	s9 =	sadd.s32 $0xFFFFFEF7, lr;
	s5 =	simm.s32 $0xFFFFFFFF;
	p2 =	slt.u32 s8, $0xFFFFF086  }
0x1c: {  	p1 =	slt.u32 s9, $0xF7A;
	s5 =	simm.s32 @!p2 $0x0  }
0x1d: {  	s5 =	simm.s32 @p1 $0x1;
	p0 =	seq.s32 s7, s2  }
0x1e: {  	s7 =	smul.u32 @!p0 $0xF7A, s2;
	p2 =	seq.s32 @!p0 s5, $0x0  }
0x1f: {  	s9 =	smul.u32 $0xF7A, s1;
	s8 =	simm.s32 @!p0 $0x1BF5;
	p2 =	por !p2, p0  }
0x20: {  	[sflag:s8] =	ssyncset.s32 @!p0 $0xFFFFF086;
	s6 =	sadd.s32 @!p0 s3, s7;
	s7 =	simm.s32 @!p0 $0x108  }
0x21: {  	s3 =	sadd.s32 s3, s9;
	s6 =	sadd.s32 @!p0 $0x88, s6;
	s7 =	simm.s32 @p2 $0x1082  }
0x22: {  	[simem:s7], [sflag:s8] =	dma.local @!p0 [hbm:s6], $0xF7A  }
0x23: {  	s9 =	sor.u32 $0xD0000000, s2;
	s6 =	simm.s32 $0x108;
	_ =	swait.ge @!p0 [sflag:s8], $0x0  }
0x24: {  	s3 =	sadd.s32 $0x88, s3;
	s6 =	simm.s32 @!p1 $0x1082;
	[sflag:s4] =	ssyncset.s32 $0xFFFFF086  }
0x25: {  	[simem:s6], [sflag:s4] =	dma.local [hbm:s3], $0xF7A  }
0x26: {  	[smem:$0x3F95] =	sst s1;
	(tag) =	ssettag s2;
	_ =	strace s9  }
0x27: {  	s1 =	sld [smem:$0x3FA5]  }
0x28: {  	s2 =	sld [smem:$0x3FA6]  }
0x29: {  	s4 =	sld [smem:$0x3FA8]  }
0x2a: {  	p0 =	seq.s32 s5, $0x0;
	s5 =	sld [smem:$0x3FA9]  }
0x2b: {  	s6 =	sld [smem:$0x3FAA]  }
0x2c: {  	s7 =	sld [smem:$0x3FAB]  }
0x2d: {  	s3 =	simm.s32 $0x108;
	s8 =	sld [smem:$0x3FAC]  }
0x2e: {  	s3 =	simm.s32 @!p0 $0x1082;
	s9 =	sld [smem:$0x3FAD]  }
0x2f: {  	lr =	sadd.s32 s0, s3;
	s0 =	sld [smem:$0x3FA4]  }
0x30: {  	s3 =	sld [smem:$0x3FA7]  }
0x31: {  	[smem:$0x3FB0] =	sst s10  }
0x32: {  	s10 =	sld [smem:$0x3FAE];
	_ =	sdelay $0x3  }
0x33: {  	p0 =	seq.s32 s10, $0x1;
	s10 =	sld [smem:$0x3FB0];
	_ =	sdelay $0x3  }
0x34: {  	[smem:$0x3FB0] =	sst s10  }
0x35: {  	s10 =	sld [smem:$0x3FAF];
	_ =	sdelay $0x3  }
0x36: {  	p1 =	seq.s32 s10, $0x1;
	s10 =	sld [smem:$0x3FB0];
	_ =	sdelay $0x3  }
0x37: {  	[smem:$0x3FB0] =	sst s10  }
0x38: {  	s10 =	sld [smem:$0x3FB1]  }
0x39: {  	_ = 	snop;
	(pc) =	sbr.ind lr, $3  }
0x3a: {  	_ = 	snop  }
0x3b: {  	_ = 	snop  }
0x3c: {  	p2 =	seq.s32 s10, $0x1;
	s10 =	sld [smem:$0x3FB0]  }
0x3d: {  	_ =	shalt  }
0x3e: {  	_ =	shalt  }
0x3f: {  	_ =	shalt  }
0x40: {  	_ =	shalt  }
0x41: {  	_ =	shalt  }
0x42: {  	_ =	shalt  }
0x43: {  	_ =	shalt  }
0x44: {  	_ =	shalt  }
0x45: {  	_ =	shalt  }
0x46: {  	_ =	shalt  }
0x47: {  	_ =	shalt  }
0x48: {  	_ =	shalt  }
0x49: {  	_ =	shalt  }
0x4a: {  	_ =	shalt  }
0x4b: {  	_ =	shalt  }
0x4c: {  	_ =	shalt  }
0x4d: {  	_ =	shalt  }
0x4e: {  	_ =	shalt  }
0x4f: {  	_ =	shalt  }
0x50: {  	_ =	shalt  }
0x51: {  	_ =	shalt  }
0x52: {  	_ =	shalt  }
0x53: {  	_ =	shalt  }
0x54: {  	_ =	shalt  }
0x55: {  	_ =	shalt  }
0x56: {  	_ =	shalt  }
0x57: {  	_ =	shalt  }
0x58: {  	_ =	shalt  }
0x59: {  	_ =	shalt  }
0x5a: {  	_ =	shalt  }
0x5b: {  	_ =	shalt  }
0x5c: {  	_ =	shalt  }
0x5d: {  	_ =	shalt  }
0x5e: {  	_ =	shalt  }
0x5f: {  	_ =	shalt  }
0x60: {  	_ =	shalt  }
0x61: {  	_ =	shalt  }
0x62: {  	_ =	shalt  }
0x63: {  	_ =	shalt  }
0x64: {  	_ =	shalt  }
0x65: {  	_ =	shalt  }
0x66: {  	_ =	shalt  }
0x67: {  	_ =	shalt  }
0x68: {  	_ =	shalt  }
0x69: {  	_ =	shalt  }
0x6a: {  	_ =	shalt  }
0x6b: {  	_ =	shalt  }
0x6c: {  	_ =	shalt  }
0x6d: {  	_ =	shalt  }
0x6e: {  	_ =	shalt  }
0x6f: {  	_ =	shalt  }
0x70: {  	_ =	shalt  }
0x71: {  	_ =	shalt  }
0x72: {  	_ =	shalt  }
0x73: {  	_ =	shalt  }
0x74: {  	_ =	shalt  }
0x75: {  	_ =	shalt  }
0x76: {  	_ =	shalt  }
0x77: {  	_ =	shalt  }
0x78: {  	_ =	shalt  }
0x79: {  	_ =	shalt  }
0x7a: {  	_ =	shalt  }
0x7b: {  	_ =	shalt  }
0x7c: {  	_ =	shalt  }
0x7d: {  	_ =	shalt  }
0x7e: {  	_ =	shalt  }
0x7f: {  	_ =	shalt  }
0x80: {  	_ =	shalt  }
0x81: {  	_ =	shalt  }
0x82: {  	_ =	shalt  }
0x83: {  	_ =	shalt  }
0x84: {  	_ =	shalt  }
0x85: {  	_ =	shalt  }
0x86: {  	_ =	shalt  }
0x87: {  	_ =	shalt  }
.Lfunc_end0:
.L_simem_size_0:
called_computation.1_lowered:
.L_overlay_start_0:
0x88: {  	s2 =	sld [smem:$0x3FD9]  }
0x89: {  	s3 =	sld [smem:$0x3FFE];
	_ =	sdelay $0x1  }
0x8a: {  	s1 =	srdreg.scid  }
0x8b: {  	s0 =	sand.u32 $0x1, s1  }
0x8c: {  	s17 =	sshll.u32 s0, $0xA;
	s2 =	sadd.s32 s3, s2  }
0x8d: {  	s2 =	sadd.s32 s2, s17  }
0x8e: {  	[smem:$0x3FBC] =	sst s2  }
0x8f: {  	_ = 	snop  }
0x90: {  	(tm) =	ssettm $0x1  }
0x91: {  	s18 =	sld [smem:$0x3FFB];
	_ =	sdelay $0x3  }
0x92: {  	_ =	strace s18  }
0x93: {  	s2 =	sld [smem:$0x3FFC];
	_ =	sdelay $0x3  }
0x94: {  	_ =	strace s2  }
0x95: {  	s2 =	sld [smem:$0x3FFD];
	_ =	sdelay $0x3  }
0x96: {  	_ =	strace s2  }
0x97: {  	_ =	strace $0x8FFFFFFF  }
0x98: {  	s19 =	sld [smem:$0x3FDB];
	_ =	sdelay $0x1  }
0x99: {  	s20 =	simm.s32 $_scs_section_size  }
0x9a: {  	s4 =	simm.s32 $_size__tile_overlayer_lowered;
	s5 =	simm.s32 $_tile_overlayer_lowered  }
0x9b: {  	s6 =	simm.s32 $0x1BFF;
	s21 =	sshll.u32 s5, $0x1;
	s3 =	sadd.s32 s20, s19  }
0x9c: {  	s22 =	simm.s32 $0x0;
	s4 =	sshll.u32 s4, $0x1;
	s5 =	sadd.s32 s21, s3  }
0x9d: {  	[timem:s22], [sflag:s6] =	dma.local [hbm:s5], s4  }
0x9e: {  	_ =	swait.ge [sflag:s6], s4  }
0x9f: {  	s4 =	ssub.s32 $0x0, s4;
	[sflag:s6] =	ssyncset.done $0x0  }
0xa0: {  	[sflag:s6] =	ssyncadd.s32 s4;
	_ =	sdelay $0x1  }
0xa1: {  	s23 =	simm.s32 $0x1B8B  }
0xa2: {  	_ =	swait.ge [sflag:s23], $0x1  }
0xa3: {  	[sflag:s23] =	ssyncset.done $0x0  }
0xa4: {  	[sflag:s23] =	ssyncadd.s32 $0xFFFFFFFF  }
0xa5: {  	s4 =	sld [smem:$0x0]  }
0xa6: {  	s5 =	sand.u32 $0xFFFFFFFE, s1  }
0xa7: {  	p0 =	sne.s32 s1, s5  }
0xa8: {  	s5 =	sshll.u32 @p0 s5, $0xE  }
0xa9: {  	s5 =	sadd.s32 @p0 $0x11B8D, s5;
	s6 =	sshll.u32 @p0 s4, $0x11  }
0xaa: {  	s5 =	sor.u32 @p0 s6, s5  }
0xab: {  	[sflag:s5] =	ssyncadd.remote.s32 @p0 $0x1;
	_ =	sdelay $0x1  }
0xac: {  	s5 =	simm.s32 @p0 $0x1B8D  }
0xad: {  	_ =	swait.eq @p0 [sflag:s5], $0x1  }
0xae: {  	[sflag:s5] =	ssyncadd.s32 @p0 $0xFFFFFFFF  }
0xaf: {  	s6 =	sshll.u32 @!p0 s1, $0xE  }
0xb0: {  	s6 =	sor.u32 @!p0 $0x4000, s6;
	s5 =	simm.s32 @!p0 $0x1B8D  }
0xb1: {  	s4 =	sshll.u32 @!p0 s4, $0x11;
	s6 =	sadd.s32 @!p0 $0x11B8D, s6;
	_ =	swait.eq @!p0 [sflag:s5], $0x1  }
0xb2: {  	s4 =	sor.u32 @!p0 s4, s6;
	[sflag:s5] =	ssyncadd.s32 @!p0 $0xFFFFFFFF  }
0xb3: {  	s25 =	simm.s32 $0x1B8E;
	s24 =	sld [smem:$0x3FFE];
	[sflag:s4] =	ssyncadd.remote.s32 @!p0 $0x1  }
0xb4: {  	s26 =	simm.s32 $execute0_lowered;
	[smem:$0x3FD2] =	sst s25  }
0xb5: {  	s5 =	sshll.u32 s26, $0x1;
	_ =	strace $0x80000049;
	[dreg:$0x1] =	wrdreg $0xFFFFFFFF  }
0xb6: {  	s28 =	simm.s32 $_size_execute0_lowered;
	s3 =	sadd.s32 s3, s5;
	[dreg:$0x0] =	wrdreg $0x0  }
0xb7: {  	s5 =	sshll.u32 s28, $0x1;
	[dreg:$0x2] =	wrdreg s3  }
0xb8: {  	[dreg:$0x3] =	wrdreg s5  }
0xb9: {  	[dreg:$0x4] =	wrdreg $0xC0  }
0xba: {  	_ =	task [dreg:s22], $0x5FFFF  }
0xbb: {  	[dreg:$0x1] =	wrdreg $0xFFFFFFFF  }
0xbc: {  	[dreg:$0x0] =	wrdreg $0x60  }
0xbd: {  	[dreg:$0x2] =	wrdreg s24  }
0xbe: {  	[dreg:$0x3] =	wrdreg $0x94000  }
0xbf: {  	[dreg:$0x4] =	wrdreg $0xA  }
0xc0: {  	_ =	task.clear_ibuf [dreg:s22], $0x5FFFF;
	_ =	strace $0x90000049  }
0xc1: {  	s29 =	simm.s32 $0xA;
	_ =	strace $0x8000004B  }
0xc2: {  	_ =	swait.ge [sflag:s29], $0x1  }
0xc3: {  	[sflag:s29] =	ssyncadd.s32 $0xFFFFFFFF  }
0xc4: {  	_ =	strace $0x9000004B  }
0xc5: {  	_ =	sfence  }
0xc6: {  	s30 =	sld [smem:$0x0];
	_ =	sdelay $0x2  }
0xc7: {  	s31 =	sshll.u32 s1, $0xD;
	s1 =	sshrl.u32 s1, $0x2  }
0xc8: {  	s4 =	sand.u32 $0x4000, s31;
	s1 =	sadd.s32 s1, s30  }
0xc9: {  	s0 =	sor.u32 s4, s0;
	s1 =	sshll.u32 s1, $0x11  }
0xca: {  	s0 =	sor.u32 s1, s0  }
0xcb: {  	s0 =	sadd.s32 $0x8F2B, s0  }
0xcc: {  	[sflag:s0] =	ssyncadd.remote.s32 $0x1  }
0xcd: {  	_ =	sfence.sel $0xFFFF  }
0xce: {  	[dreg:$0x0] =	wrdreg $0xFFFFFFFF;
	(pc) =	sbr.abs _section_cstart, $3  }
0xcf: {  	[dreg:$0x1] =	wrdreg $0xFFFFFFFF  }
0xd0: {  	_ =	task.clear_ibuf [dreg:s22], $0x2FFFF;
	_ =	strace $0x9FFFFFFF  }
0xd1: {  	(tm) =	ssettm $0x7FFFFFFF  }
tec
execute0_lowered:
.L_overlay_start_1:
0x0: {  	(tag) =	ssettag $0x1  }
0x1: {  	s4 =	rddreg [dreg:$0x0]  }
0x2: {  	s2 =	rddreg [dreg:$0x1];
	s1 =	stileid.u32  }
0x3: {  	s3 =	srdreg.scid;
	s0 =	rddreg [dreg:$0x2];
	s17 =	simm.s32 $0x1  }
0x4: {  	s18 =	simm.s32 $0x2;
	s19 =	simm.s32 $0x3;
	s6 =	smul.u32 $0x2800, s1  }
0x5: {  	s20 =	simm.s32 $0x4;
	s21 =	simm.s32 $0x0;
	s8 =	smul.u32 $0x50000, s1  }
0x6: {  	s9 =	sand.u32 $0x1, s3;
	s5 =	sshll.u32 s1, $0x1;
	s15 =	smul.u32 $0x28000, s1  }
0x7: {  	s3 =	simm.s32 $0x0;
	s11 =	sadd.s32 $0x2BB800, s4;
	s28 =	smul.u32 $0x140000, s1  }
0x8: {  	s25 =	sshll.u32 s1, $0x6;
	s5 =	sor.u32 s9, s5;
	s16 =	smul.u32 $0xA0000, s9  }
0x9: {  	[smem:$0x7FF] =	sst s3;
	s24 =	ssub.s32 $0x2, s9;
	s29 =	smul.u32 $0x14000, s9  }
0xa: {  	s7 =	smul.u32 $0x280, s5;
	_ =	strace $0x8000004A;
	s6 =	sadd.s32 s6, s4  }
0xb: {  	s10 =	sshrl.u32 s24, $0x1;
	s8 =	sshrl.u32 s8, $0x2;
	s12 =	smul.u32 $0xA0000, s5  }
0xc: {  	s14 =	smul.u32 $0x14000, s5;
	s5 =	sor.u32 $0x1C05, s25;
	s31 =	sadd.s32 s15, s11  }
0xd: {  	s15 =	simm.s32 $0x1400;
	s10 =	ssub.s32 s24, s10;
	s13 =	sadd.s32 s8, s2  }
0xe: {  	s7 =	sadd.s32 s7, s4;
	s4 =	sadd.s32 $0x9800, s6;
	s26 =	sshrl.u32 s12, $0x3  }
0xf: {  	s30 =	sadd.s32 s14, s11;
	s12 =	sadd.s32 s16, s28;
	s14 =	simm.s32 $0x80  }
0x10: {  	s16 =	simm.s32 $0x5400;
	s6 =	sadd.s32 $0x2B1800, s7;
	s8 =	sadd.s32 s11, s26  }
0x11: {  	s7 =	smax.u32 s10, $0x1;
	s9 =	sadd.s32 $0x13800, s30;
	s10 =	sadd.s32 s29, s31  }
0x12: {  	s12 =	sshrl.u32 s12, $0x3;
	s8 =	sadd.s32 $0x13000, s8;
	s10 =	sadd.s32 $0x800, s10  }
0x13: {  	s11 =	sadd.s32 s12, s11;
	s12 =	sshrl.u32 s13, $0x3;
	s13 =	simm.s32 $0x5  }
.LBB2_1:
0x14: {  	[spmem:s12], [sflag:s5] =	dma.local [hbm:s4], $0x2800  }
0x15: {  	_ =	swait.ge [sflag:s13], $0x2800  }
0x16: {  	[sflag:s13] =	ssyncset.done $0x0  }
0x17: {  	[sflag:s13] =	ssyncadd.s32 $0xFFFFD800  }
0x18: {  	[tilespmem:s3], [sflag:$0x5] =	stream.linear.gather [hbm4b:s6+s3], $0x1400, $0x38;
	[tilespmem:$0x1D400] =	vst v63  }
0x19: {  	_ =	swait.ge [sflag:s13], $0x1400  }
0x1a: {  	[sflag:s13] =	ssyncset.done $0x0  }
0x1b: {  	[sflag:s13] =	ssyncadd.s32 $0xFFFFEC00  }
0x1c: {  	[bflag:$0x0] =	sbarrier.arrive $0xFFFF  }
0x1d: {  	[tilespmem:s15], [sflag:$0x1] =	stream.indirect.gather [spmem:s2], $0x80, s3, s14, $0xb8;
	[tilespmem:$0x1D400] =	vst v63  }
0x1e: {  	_ = 	snop  }
0x1f: {  	[tilespmem:s16], [sflag:$0x2] =	stream.indirect.gather [spmem:s2], $0x80, s14, s14, $0xb8;
	[tilespmem:$0x1D400] =	vst v63  }
0x20: {  	_ =	swait.ge [sflag:s17], $0x4000  }
0x21: {  	[sflag:s17] =	ssyncset.done $0x0  }
0x22: {  	s22 =	sadd.s32 $0x0, s11;
	[sflag:s17] =	ssyncadd.s32 $0xFFFFC000  }
0x23: {  	[hbm4b:s22+s3] =	stream.linear.scatter [tilespmem:s15], [sflag:$0x3], $0x4000, $0x38;
	[tilespmem:$0x1D400] =	vst v63  }
0x24: {  	_ =	swait.ge [sflag:s18], $0x4000  }
0x25: {  	[sflag:s18] =	ssyncset.done $0x0  }
0x26: {  	s30 =	sadd.s32 $0x0, s10;
	[sflag:s18] =	ssyncadd.s32 $0xFFFFC000  }
0x27: {  	[hbm4b:s30+s3] =	stream.linear.scatter [tilespmem:s16], [sflag:$0x4], $0x4000, $0x38;
	[tilespmem:$0x1D400] =	vst v63  }
0x28: {  	_ =	swait.ge [sflag:s19], $0x4000  }
0x29: {  	[sflag:s19] =	ssyncset.done $0x0  }
0x2a: {  	s31 =	simm.s32 $0x100;
	[sflag:s19] =	ssyncadd.s32 $0xFFFFC000  }
0x2b: {  	[tilespmem:s15], [sflag:$0x1] =	stream.indirect.gather [spmem:s2], $0x80, s31, s14, $0xb8;
	[tilespmem:$0x1D400] =	vst v63  }
0x2c: {  	_ =	swait.ge [sflag:s20], $0x4000  }
0x2d: {  	s23 =	simm.s32 $0x1000;
	[sflag:s20] =	ssyncset.done $0x0  }
0x2e: {  	s24 =	simm.s32 $0x280;
	s22 =	simm.s32 $0x180;
	[sflag:s20] =	ssyncadd.s32 $0xFFFFC000  }
.LBB2_2:
0x2f: {  	[tilespmem:s16], [sflag:$0x2] =	stream.indirect.gather [spmem:s2], $0x80, s22, s14, $0xb8;
	[tilespmem:$0x1D400] =	vst v63  }
0x30: {  	s25 =	smov.u32 s23;
	s22 =	smov.u32 s24  }
0x31: {  	p0 =	sne.s32 s23, $0x12000;
	s23 =	sadd.s32 $0x1000, s23;
	_ =	swait.ge [sflag:s17], $0x4000  }
0x32: {  	[sflag:s17] =	ssyncset.done $0x0  }
0x33: {  	s26 =	sadd.s32 s25, s11;
	[sflag:s17] =	ssyncadd.s32 $0xFFFFC000  }
0x34: {  	[hbm4b:s26+s3] =	stream.linear.scatter [tilespmem:s15], [sflag:$0x3], $0x4000, $0x38;
	[tilespmem:$0x1D400] =	vst v63  }
0x35: {  	_ =	swait.ge [sflag:s18], $0x4000  }
0x36: {  	[sflag:s18] =	ssyncset.done $0x0  }
0x37: {  	s25 =	sadd.s32 s25, s10;
	[sflag:s18] =	ssyncadd.s32 $0xFFFFC000  }
0x38: {  	[hbm4b:s25+s3] =	stream.linear.scatter [tilespmem:s16], [sflag:$0x4], $0x4000, $0x38;
	[tilespmem:$0x1D400] =	vst v63  }
0x39: {  	_ =	swait.ge [sflag:s19], $0x4000  }
0x3a: {  	[sflag:s19] =	ssyncset.done $0x0  }
.Ltmp0:
0x3b: {  	s25 =	sadd.s32 $0xFFFFFF80, s24;
	[sflag:s19] =	ssyncadd.s32 $0xFFFFC000;
	(pc) =	sbr.rel @p0 .LBB2_2-.Ltmp0, $4  }
0x3c: {  	[tilespmem:s15], [sflag:$0x1] =	stream.indirect.gather [spmem:s2], $0x80, s25, s14, $0xb8;
	[tilespmem:$0x1D400] =	vst v63  }
0x3d: {  	_ =	swait.ge [sflag:s20], $0x4000  }
0x3e: {  	[sflag:s20] =	ssyncset.done $0x0  }
0x3f: {  	s24 =	sadd.s32 $0x100, s24;
	[sflag:s20] =	ssyncadd.s32 $0xFFFFC000  }
0x40: {  	[tilespmem:s16], [sflag:$0x2] =	stream.indirect.gather [spmem:s2], $0x80, s22, s14, $0xb8;
	[tilespmem:$0x1D400] =	vst v63  }
0x41: {  	_ =	swait.ge [sflag:s17], $0x4000  }
0x42: {  	[sflag:s17] =	ssyncset.done $0x0  }
0x43: {  	[sflag:s17] =	ssyncadd.s32 $0xFFFFC000  }
0x44: {  	[hbm4b:s8+s3] =	stream.linear.scatter [tilespmem:s15], [sflag:$0x3], $0x4000, $0x38;
	[tilespmem:$0x1D400] =	vst v63  }
0x45: {  	_ =	swait.ge [sflag:s18], $0x4000  }
0x46: {  	[sflag:s18] =	ssyncset.done $0x0  }
0x47: {  	s21 =	sadd.s32 $0x1, s21;
	[sflag:s18] =	ssyncadd.s32 $0xFFFFC000  }
0x48: {  	[hbm4b:s9+s3] =	stream.linear.scatter [tilespmem:s16], [sflag:$0x4], $0x4000, $0x38;
	[tilespmem:$0x1D400] =	vst v63  }
0x49: {  	p0 =	sne.s32 s21, s7;
	_ =	swait.ge [sflag:s19], $0x4000  }
.Ltmp1:
0x4a: {  	[sflag:s19] =	ssyncset.done $0x0;
	(pc) =	sbr.rel @p0 .LBB2_1-.Ltmp1, $4  }
0x4b: {  	[sflag:s19] =	ssyncadd.s32 $0xFFFFC000  }
0x4c: {  	_ =	swait.ge [sflag:s20], $0x4000  }
0x4d: {  	[sflag:s20] =	ssyncset.done $0x0  }
0x4e: {  	[sflag:s20] =	ssyncadd.s32 $0xFFFFC000  }
0x4f: {  	_ =	sfence.sel $0x180000  }
0x50: {  	[bflag:$0x0] =	sbarrier.arrive $0xFFFF  }
0x51: {  	p0 =	sne.s32 s1, $0x0;
	_ =	strace $0x9000004A  }
0x52: {  	s0 =	sadd.s32 @!p0 $0x100000, s0;
	[bflag:$0x2] =	sbarrier.arrive $0xFFFF  }
0x53: {  	[sflag:s0] =	ssyncadd.tile.s32 @!p0 $0x1;
	_ =	shalt  }
.Lfunc_end2:
_tile_overlayer_lowered:
.L_overlay_start_2:
0x54: {  	(tag) =	ssettag $0x2  }
0x55: {  	s0 =	rddreg [dreg:$0x0];
	s2 =	stileid.u32  }
0x56: {  	s1 =	rddreg [dreg:$0x1];
	p0 =	sne.s32 s2, $0x0  }
0x57: {  	s3 =	rddreg [dreg:$0x2];
	[bflag:$0x3] =	sbarrier.arrive $0xFFFF;
	s2 =	simm.s32 @!p0 $0x1C05  }
0x58: {  	[timem:s3], [sflag:s2] =	dma.local @!p0 [hbm:s0], s1  }
0x59: {  	s0 =	simm.s32 @!p0 $0x5  }
0x5a: {  	_ =	swait.ge @!p0 [sflag:s0], s1  }
0x5b: {  	s1 =	ssub.s32 @!p0 $0x0, s1;
	[sflag:s0] =	ssyncset.done @!p0 $0x0  }
0x5c: {  	[sflag:s0] =	ssyncadd.s32 @!p0 s1  }
0x5d: {  	[bflag:$0x3] =	sbarrier.arrive $0xFFFF  }
0x5e: {  	_ =	shalt  }

// kernel: kernel.22.cloned.1.call-start
scs
__scs_entry_jumppad:
0x0: {  	(pc) =	sbr.rel $0x88, $3  }
0x1: {  	(tag) =	ssettag $0x0;
	lr =	simm.s32 $0x1  }
0x2: {  	[smem:$0x3F95] =	sst lr;
	_ =	strace $0xD0000000  }
0x3: {  	_ = 	snop  }
0x4: {  	_ = 	snop  }
0x5: {  	_ = 	snop  }
0x6: {  	_ = 	snop  }
0x7: {  	_ = 	snop  }
__scs_overlays_trampoline_lowered:
0x8: {  	[smem:$0x3FA4] =	sst s0  }
0x9: {  	[smem:$0x3FA5] =	sst s1  }
0xa: {  	[smem:$0x3FA6] =	sst s2  }
0xb: {  	[smem:$0x3FA7] =	sst s3  }
0xc: {  	[smem:$0x3FA8] =	sst s4  }
0xd: {  	[smem:$0x3FA9] =	sst s5  }
0xe: {  	[smem:$0x3FAA] =	sst s6  }
0xf: {  	[smem:$0x3FAB] =	sst s7  }
0x10: {  	[smem:$0x3FAC] =	sst s8  }
0x11: {  	[smem:$0x3FAD] =	sst s9;
	s0 =	simm.s32 @!p0 $0x0  }
0x12: {  	s1 =	sld [smem:$0x3F93];
	s0 =	simm.s32 @p0 $0x1  }
0x13: {  	[smem:$0x3FAE] =	sst s0;
	s0 =	simm.s32 @!p1 $0x0  }
0x14: {  	s2 =	sld [smem:$0x3F92];
	s0 =	simm.s32 @p1 $0x1  }
0x15: {  	[smem:$0x3FAF] =	sst s0;
	s0 =	simm.s32 @!p2 $0x0  }
0x16: {  	s3 =	sld [smem:$0x3FDB];
	s0 =	simm.s32 @p2 $0x1  }
0x17: {  	s4 =	simm.s32 $0x1BF5;
	[smem:$0x3FB1] =	sst s0  }
0x18: {  	s0 =	sld [smem:$0x3F94];
	_ =	swait.ge [sflag:s4], $0x0  }
0x19: {  	s7 =	sld [smem:$0x3F95]  }
0x1a: {  	s8 =	sadd.s32 $0xFFFFE003, lr  }
0x1b: {  	s9 =	sadd.s32 $0xFFFFFEF7, lr;
	s5 =	simm.s32 $0xFFFFFFFF;
	p2 =	slt.u32 s8, $0xFFFFF086  }
0x1c: {  	p1 =	slt.u32 s9, $0xF7A;
	s5 =	simm.s32 @!p2 $0x0  }
0x1d: {  	s5 =	simm.s32 @p1 $0x1;
	p0 =	seq.s32 s7, s2  }
0x1e: {  	s7 =	smul.u32 @!p0 $0xF7A, s2;
	p2 =	seq.s32 @!p0 s5, $0x0  }
0x1f: {  	s9 =	smul.u32 $0xF7A, s1;
	s8 =	simm.s32 @!p0 $0x1BF5;
	p2 =	por !p2, p0  }
0x20: {  	[sflag:s8] =	ssyncset.s32 @!p0 $0xFFFFF086;
	s6 =	sadd.s32 @!p0 s3, s7;
	s7 =	simm.s32 @!p0 $0x108  }
0x21: {  	s3 =	sadd.s32 s3, s9;
	s6 =	sadd.s32 @!p0 $0x88, s6;
	s7 =	simm.s32 @p2 $0x1082  }
0x22: {  	[simem:s7], [sflag:s8] =	dma.local @!p0 [hbm:s6], $0xF7A  }
0x23: {  	s9 =	sor.u32 $0xD0000000, s2;
	s6 =	simm.s32 $0x108;
	_ =	swait.ge @!p0 [sflag:s8], $0x0  }
0x24: {  	s3 =	sadd.s32 $0x88, s3;
	s6 =	simm.s32 @!p1 $0x1082;
	[sflag:s4] =	ssyncset.s32 $0xFFFFF086  }
0x25: {  	[simem:s6], [sflag:s4] =	dma.local [hbm:s3], $0xF7A  }
0x26: {  	[smem:$0x3F95] =	sst s1;
	(tag) =	ssettag s2;
	_ =	strace s9  }
0x27: {  	s1 =	sld [smem:$0x3FA5]  }
0x28: {  	s2 =	sld [smem:$0x3FA6]  }
0x29: {  	s4 =	sld [smem:$0x3FA8]  }
0x2a: {  	p0 =	seq.s32 s5, $0x0;
	s5 =	sld [smem:$0x3FA9]  }
0x2b: {  	s6 =	sld [smem:$0x3FAA]  }
0x2c: {  	s7 =	sld [smem:$0x3FAB]  }
0x2d: {  	s3 =	simm.s32 $0x108;
	s8 =	sld [smem:$0x3FAC]  }
0x2e: {  	s3 =	simm.s32 @!p0 $0x1082;
	s9 =	sld [smem:$0x3FAD]  }
0x2f: {  	lr =	sadd.s32 s0, s3;
	s0 =	sld [smem:$0x3FA4]  }
0x30: {  	s3 =	sld [smem:$0x3FA7]  }
0x31: {  	[smem:$0x3FB0] =	sst s10  }
0x32: {  	s10 =	sld [smem:$0x3FAE];
	_ =	sdelay $0x3  }
0x33: {  	p0 =	seq.s32 s10, $0x1;
	s10 =	sld [smem:$0x3FB0];
	_ =	sdelay $0x3  }
0x34: {  	[smem:$0x3FB0] =	sst s10  }
0x35: {  	s10 =	sld [smem:$0x3FAF];
	_ =	sdelay $0x3  }
0x36: {  	p1 =	seq.s32 s10, $0x1;
	s10 =	sld [smem:$0x3FB0];
	_ =	sdelay $0x3  }
0x37: {  	[smem:$0x3FB0] =	sst s10  }
0x38: {  	s10 =	sld [smem:$0x3FB1]  }
0x39: {  	_ = 	snop;
	(pc) =	sbr.ind lr, $3  }
0x3a: {  	_ = 	snop  }
0x3b: {  	_ = 	snop  }
0x3c: {  	p2 =	seq.s32 s10, $0x1;
	s10 =	sld [smem:$0x3FB0]  }
0x3d: {  	_ =	shalt  }
0x3e: {  	_ =	shalt  }
0x3f: {  	_ =	shalt  }
0x40: {  	_ =	shalt  }
0x41: {  	_ =	shalt  }
0x42: {  	_ =	shalt  }
0x43: {  	_ =	shalt  }
0x44: {  	_ =	shalt  }
0x45: {  	_ =	shalt  }
0x46: {  	_ =	shalt  }
0x47: {  	_ =	shalt  }
0x48: {  	_ =	shalt  }
0x49: {  	_ =	shalt  }
0x4a: {  	_ =	shalt  }
0x4b: {  	_ =	shalt  }
0x4c: {  	_ =	shalt  }
0x4d: {  	_ =	shalt  }
0x4e: {  	_ =	shalt  }
0x4f: {  	_ =	shalt  }
0x50: {  	_ =	shalt  }
0x51: {  	_ =	shalt  }
0x52: {  	_ =	shalt  }
0x53: {  	_ =	shalt  }
0x54: {  	_ =	shalt  }
0x55: {  	_ =	shalt  }
0x56: {  	_ =	shalt  }
0x57: {  	_ =	shalt  }
0x58: {  	_ =	shalt  }
0x59: {  	_ =	shalt  }
0x5a: {  	_ =	shalt  }
0x5b: {  	_ =	shalt  }
0x5c: {  	_ =	shalt  }
0x5d: {  	_ =	shalt  }
0x5e: {  	_ =	shalt  }
0x5f: {  	_ =	shalt  }
0x60: {  	_ =	shalt  }
0x61: {  	_ =	shalt  }
0x62: {  	_ =	shalt  }
0x63: {  	_ =	shalt  }
0x64: {  	_ =	shalt  }
0x65: {  	_ =	shalt  }
0x66: {  	_ =	shalt  }
0x67: {  	_ =	shalt  }
0x68: {  	_ =	shalt  }
0x69: {  	_ =	shalt  }
0x6a: {  	_ =	shalt  }
0x6b: {  	_ =	shalt  }
0x6c: {  	_ =	shalt  }
0x6d: {  	_ =	shalt  }
0x6e: {  	_ =	shalt  }
0x6f: {  	_ =	shalt  }
0x70: {  	_ =	shalt  }
0x71: {  	_ =	shalt  }
0x72: {  	_ =	shalt  }
0x73: {  	_ =	shalt  }
0x74: {  	_ =	shalt  }
0x75: {  	_ =	shalt  }
0x76: {  	_ =	shalt  }
0x77: {  	_ =	shalt  }
0x78: {  	_ =	shalt  }
0x79: {  	_ =	shalt  }
0x7a: {  	_ =	shalt  }
0x7b: {  	_ =	shalt  }
0x7c: {  	_ =	shalt  }
0x7d: {  	_ =	shalt  }
0x7e: {  	_ =	shalt  }
0x7f: {  	_ =	shalt  }
0x80: {  	_ =	shalt  }
0x81: {  	_ =	shalt  }
0x82: {  	_ =	shalt  }
0x83: {  	_ =	shalt  }
0x84: {  	_ =	shalt  }
0x85: {  	_ =	shalt  }
0x86: {  	_ =	shalt  }
0x87: {  	_ =	shalt  }
.Lfunc_end0:
.L_simem_size_0:
called_computation.2_lowered:
.L_overlay_start_0:
0x88: {  	s2 =	sld [smem:$0x3FD9]  }
0x89: {  	s3 =	sld [smem:$0x3FFE];
	_ =	sdelay $0x1  }
0x8a: {  	s1 =	srdreg.scid  }
0x8b: {  	s0 =	sand.u32 $0x1, s1  }
0x8c: {  	s16 =	sshll.u32 s0, $0xA;
	s2 =	sadd.s32 s3, s2  }
0x8d: {  	s2 =	sadd.s32 s2, s16  }
0x8e: {  	[smem:$0x3FBC] =	sst s2  }
0x8f: {  	_ = 	snop  }
0x90: {  	(tm) =	ssettm $0x1  }
0x91: {  	s17 =	sld [smem:$0x3FFB];
	_ =	sdelay $0x3  }
0x92: {  	_ =	strace s17  }
0x93: {  	s2 =	sld [smem:$0x3FFC];
	_ =	sdelay $0x3  }
0x94: {  	_ =	strace s2  }
0x95: {  	s2 =	sld [smem:$0x3FFD];
	_ =	sdelay $0x3  }
0x96: {  	_ =	strace s2  }
0x97: {  	_ =	strace $0x8FFFFFFF  }
0x98: {  	s18 =	sld [smem:$0x3FDB];
	_ =	sdelay $0x1  }
0x99: {  	s19 =	simm.s32 $_scs_section_size  }
0x9a: {  	s4 =	simm.s32 $_size__tile_overlayer_lowered;
	s5 =	simm.s32 $_tile_overlayer_lowered  }
0x9b: {  	s22 =	simm.s32 $0x1BFF;
	s21 =	sshll.u32 s5, $0x1;
	s2 =	sadd.s32 s19, s18  }
0x9c: {  	s6 =	simm.s32 $0x0;
	s20 =	sshll.u32 s4, $0x1;
	s4 =	sadd.s32 s21, s2  }
0x9d: {  	[timem:s6], [sflag:s22] =	dma.local [hbm:s4], s20  }
0x9e: {  	_ =	swait.ge [sflag:s22], s20  }
0x9f: {  	s3 =	ssub.s32 $0x0, s20;
	[sflag:s22] =	ssyncset.done $0x0  }
0xa0: {  	[sflag:s22] =	ssyncadd.s32 s3;
	_ =	sdelay $0x1  }
0xa1: {  	s23 =	simm.s32 $0x1B8B  }
0xa2: {  	_ =	swait.ge [sflag:s23], $0x1  }
0xa3: {  	[sflag:s23] =	ssyncset.done $0x0  }
0xa4: {  	s25 =	simm.s32 $0x1B8E;
	s24 =	sld [smem:$0x3FFE];
	[sflag:s23] =	ssyncadd.s32 $0xFFFFFFFF  }
0xa5: {  	s26 =	simm.s32 $execute0_lowered;
	[smem:$0x3FD2] =	sst s25  }
0xa6: {  	s4 =	sshll.u32 s26, $0x1;
	_ =	strace $0x8000004C;
	[dreg:$0x1] =	wrdreg $0xFFFFFFFF  }
0xa7: {  	s28 =	simm.s32 $_size_execute0_lowered;
	s2 =	sadd.s32 s2, s4;
	[dreg:$0x0] =	wrdreg $0x0  }
0xa8: {  	s4 =	sshll.u32 s28, $0x1;
	[dreg:$0x2] =	wrdreg s2  }
0xa9: {  	[dreg:$0x3] =	wrdreg s4  }
0xaa: {  	[dreg:$0x4] =	wrdreg $0xC0  }
0xab: {  	_ =	task [dreg:s6], $0x5FFFF  }
0xac: {  	[dreg:$0x1] =	wrdreg $0xFFFFFFFF  }
0xad: {  	[dreg:$0x0] =	wrdreg $0x60  }
0xae: {  	[dreg:$0x2] =	wrdreg s24  }
0xaf: {  	[dreg:$0x3] =	wrdreg $0x94000  }
0xb0: {  	[dreg:$0x4] =	wrdreg $0x9  }
0xb1: {  	_ =	task.clear_ibuf [dreg:s6], $0x5FFFF;
	_ =	strace $0x9000004C  }
0xb2: {  	s29 =	simm.s32 $0x9;
	_ =	strace $0x8000004E  }
0xb3: {  	_ =	swait.ge [sflag:s29], $0x1  }
0xb4: {  	[sflag:s29] =	ssyncadd.s32 $0xFFFFFFFF  }
0xb5: {  	_ =	strace $0x9000004E  }
0xb6: {  	_ =	sfence  }
0xb7: {  	s30 =	sld [smem:$0x0];
	_ =	sdelay $0x2  }
0xb8: {  	s31 =	sshll.u32 s1, $0xD;
	s1 =	sshrl.u32 s1, $0x2  }
0xb9: {  	s3 =	sand.u32 $0x4000, s31;
	s1 =	sadd.s32 s1, s30  }
0xba: {  	s0 =	sor.u32 s3, s0;
	s1 =	sshll.u32 s1, $0x11  }
0xbb: {  	s0 =	sor.u32 s1, s0  }
0xbc: {  	s0 =	sadd.s32 $0x8F2B, s0  }
0xbd: {  	[sflag:s0] =	ssyncadd.remote.s32 $0x1  }
0xbe: {  	_ =	sfence.sel $0xFFFF  }
0xbf: {  	[dreg:$0x0] =	wrdreg $0xFFFFFFFF;
	(pc) =	sbr.abs _section_cstart, $3  }
0xc0: {  	[dreg:$0x1] =	wrdreg $0xFFFFFFFF  }
0xc1: {  	_ =	task.clear_ibuf [dreg:s6], $0x2FFFF;
	_ =	strace $0x9FFFFFFF  }
0xc2: {  	(tm) =	ssettm $0x7FFFFFFF  }
0xc3: {  	_ =	shalt  }
tec
execute0_lowered:
.L_overlay_start_1:
0x0: {  	(tag) =	ssettag $0x1  }
0x1: {  	s4 =	rddreg [dreg:$0x0];
	s1 =	srdreg.scid  }
0x2: {  	s0 =	stileid.u32;
	s2 =	rddreg [dreg:$0x1]  }
0x3: {  	s3 =	simm.s32 $0x0;
	s16 =	simm.s32 $0x5400;
	s17 =	simm.s32 $0x1  }
0x4: {  	s18 =	simm.s32 $0x80;
	s19 =	simm.s32 $0x2;
	s20 =	simm.s32 $0x3  }
0x5: {  	s21 =	simm.s32 $0x4;
	s22 =	simm.s32 $0x1300;
	s8 =	smul.u32 $0x2800, s0  }
0x6: {  	s5 =	sand.u32 $0x1, s1;
	s1 =	rddreg [dreg:$0x2];
	s13 =	smul.u32 $0x50000, s0  }
0x7: {  	s6 =	sshll.u32 s0, $0x1;
	[smem:$0x7FF] =	sst s3;
	s24 =	smul.u32 $0x140000, s0  }
0x8: {  	s12 =	sadd.s32 $0x53B800, s4;
	s26 =	sshll.u32 s0, $0x6;
	s9 =	smul.u32 $0x28000, s5  }
0x9: {  	s6 =	sor.u32 s5, s6;
	_ =	strace $0x8000004D;
	s28 =	smul.u32 $0xA0000, s5  }
0xa: {  	s11 =	ssub.s32 $0x2, s5;
	s5 =	sor.u32 $0x1C05, s26;
	s7 =	smul.u32 $0x280, s6  }
0xb: {  	s10 =	sadd.s32 s8, s4;
	s23 =	sshrl.u32 s11, $0x1;
	s14 =	smul.u32 $0x14000, s6  }
0xc: {  	s25 =	sshrl.u32 s13, $0x2;
	s8 =	sadd.s32 s8, s9;
	s11 =	ssub.s32 s11, s23  }
0xd: {  	s13 =	sadd.s32 s25, s2;
	s9 =	sadd.s32 s28, s24;
	s23 =	simm.s32 $0x1380  }
0xe: {  	s24 =	simm.s32 $0x0;
	s7 =	sadd.s32 s7, s4;
	s15 =	sadd.s32 s8, s4  }
0xf: {  	s4 =	sadd.s32 $0x2BB800, s10;
	s29 =	sor.u32 $0xC000, s9;
	s30 =	sor.u32 $0x8000, s9  }
0x10: {  	s10 =	smax.u32 s11, $0x1;
	s13 =	sshrl.u32 s13, $0x3;
	s6 =	sadd.s32 $0x2B6800, s7  }
0x11: {  	s7 =	sadd.s32 s12, s14;
	s9 =	sadd.s32 $0x2E3800, s15;
	s31 =	sshrl.u32 s29, $0x3  }
0x12: {  	s14 =	sshrl.u32 s30, $0x3;
	s15 =	simm.s32 $0x1400;
	s8 =	sadd.s32 $0x800, s7  }
0x13: {  	s11 =	sadd.s32 s31, s12;
	s12 =	sadd.s32 s14, s12;
	s14 =	simm.s32 $0x5  }
.LBB2_1:
0x14: {  	[spmem:s13], [sflag:s5] =	dma.local [hbm:s4], $0x2800  }
0x15: {  	_ =	swait.ge [sflag:s14], $0x2800  }
0x16: {  	[sflag:s14] =	ssyncset.done $0x0  }
0x17: {  	[sflag:s14] =	ssyncadd.s32 $0xFFFFD800  }
0x18: {  	[tilespmem:s3], [sflag:$0x5] =	stream.linear.gather [hbm4b:s6+s3], $0x1400, $0x38;
	[tilespmem:$0x1D400] =	vst v63  }
0x19: {  	_ =	swait.ge [sflag:s14], $0x1400  }
0x1a: {  	[sflag:s14] =	ssyncset.done $0x0  }
0x1b: {  	[sflag:s14] =	ssyncadd.s32 $0xFFFFEC00  }
0x1c: {  	[bflag:$0x0] =	sbarrier.arrive $0xFFFF  }
0x1d: {  	[tilespmem:s15], [sflag:$0x1] =	stream.linear.gather [hbm4b:s7+s3], $0x4000, $0x38;
	[tilespmem:$0x1D400] =	vst v63  }
0x1e: {  	_ = 	snop  }
0x1f: {  	[tilespmem:s16], [sflag:$0x2] =	stream.linear.gather [hbm4b:s8+s3], $0x4000, $0x38;
	[tilespmem:$0x1D400] =	vst v63  }
0x20: {  	_ =	swait.ge [sflag:s17], $0x4000  }
0x21: {  	[sflag:s17] =	ssyncset.done $0x0  }
0x22: {  	s25 =	simm.s32 $0x0;
	[sflag:s17] =	ssyncadd.s32 $0xFFFFC000  }
0x23: {  	[spmem:s2] =	stream.indirect.scatter.add.f32 [tilespmem:s15], [sflag:$0x3], $0x80, s25, s18, $0xb8;
	[tilespmem:$0x1D400] =	vst v63  }
0x24: {  	_ =	swait.ge [sflag:s19], $0x4000  }
0x25: {  	[sflag:s19] =	ssyncset.done $0x0  }
0x26: {  	[sflag:s19] =	ssyncadd.s32 $0xFFFFC000  }
0x27: {  	[spmem:s2] =	stream.indirect.scatter.add.f32 [tilespmem:s16], [sflag:$0x4], $0x80, s18, s18, $0xb8;
	[tilespmem:$0x1D400] =	vst v63  }
0x28: {  	_ =	swait.ge [sflag:s20], $0x4000  }
0x29: {  	[sflag:s20] =	ssyncset.done $0x0  }
0x2a: {  	s31 =	sadd.s32 $0x0, s12;
	[sflag:s20] =	ssyncadd.s32 $0xFFFFC000  }
0x2b: {  	[tilespmem:s15], [sflag:$0x1] =	stream.linear.gather [hbm4b:s31+s3], $0x4000, $0x38;
	[tilespmem:$0x1D400] =	vst v63  }
0x2c: {  	_ =	swait.ge [sflag:s21], $0x4000  }
0x2d: {  	s28 =	sadd.s32 $0x0, s11;
	[sflag:s21] =	ssyncset.done $0x0  }
0x2e: {  	s26 =	simm.s32 $0x180;
	s25 =	simm.s32 $0x1000;
	[sflag:s21] =	ssyncadd.s32 $0xFFFFC000  }
.LBB2_2:
0x2f: {  	[tilespmem:s16], [sflag:$0x2] =	stream.linear.gather [hbm4b:s28+s3], $0x4000, $0x38;
	[tilespmem:$0x1D400] =	vst v63  }
0x30: {  	s28 =	smov.u32 s25  }
0x31: {  	p0 =	sne.s32 s25, $0x12000;
	s25 =	sadd.s32 $0x1000, s25;
	_ =	swait.ge [sflag:s17], $0x4000  }
0x32: {  	[sflag:s17] =	ssyncset.done $0x0  }
0x33: {  	s29 =	sadd.s32 $0xFFFFFF80, s26;
	[sflag:s17] =	ssyncadd.s32 $0xFFFFC000  }
0x34: {  	[spmem:s2] =	stream.indirect.scatter.add.f32 [tilespmem:s15], [sflag:$0x3], $0x80, s29, s18, $0xb8;
	[tilespmem:$0x1D400] =	vst v63  }
0x35: {  	_ =	swait.ge [sflag:s19], $0x4000  }
0x36: {  	[sflag:s19] =	ssyncset.done $0x0  }
0x37: {  	[sflag:s19] =	ssyncadd.s32 $0xFFFFC000  }
0x38: {  	[spmem:s2] =	stream.indirect.scatter.add.f32 [tilespmem:s16], [sflag:$0x4], $0x80, s26, s18, $0xb8;
	[tilespmem:$0x1D400] =	vst v63  }
0x39: {  	_ =	swait.ge [sflag:s20], $0x4000  }
0x3a: {  	[sflag:s20] =	ssyncset.done $0x0  }
.Ltmp0:
0x3b: {  	s29 =	sadd.s32 s28, s12;
	[sflag:s20] =	ssyncadd.s32 $0xFFFFC000;
	(pc) =	sbr.rel @p0 .LBB2_2-.Ltmp0, $4  }
0x3c: {  	[tilespmem:s15], [sflag:$0x1] =	stream.linear.gather [hbm4b:s29+s3], $0x4000, $0x38;
	[tilespmem:$0x1D400] =	vst v63  }
0x3d: {  	_ =	swait.ge [sflag:s21], $0x4000  }
0x3e: {  	[sflag:s21] =	ssyncset.done $0x0  }
0x3f: {  	s28 =	sadd.s32 s28, s11;
	s26 =	sadd.s32 $0x100, s26;
	[sflag:s21] =	ssyncadd.s32 $0xFFFFC000  }
0x40: {  	[tilespmem:s16], [sflag:$0x2] =	stream.linear.gather [hbm4b:s28+s3], $0x4000, $0x38;
	[tilespmem:$0x1D400] =	vst v63  }
0x41: {  	_ =	swait.ge [sflag:s17], $0x4000  }
0x42: {  	[sflag:s17] =	ssyncset.done $0x0  }
0x43: {  	[sflag:s17] =	ssyncadd.s32 $0xFFFFC000  }
0x44: {  	[spmem:s2] =	stream.indirect.scatter.add.f32 [tilespmem:s15], [sflag:$0x3], $0x80, s22, s18, $0xb8;
	[tilespmem:$0x1D400] =	vst v63  }
0x45: {  	_ =	swait.ge [sflag:s19], $0x4000  }
0x46: {  	[sflag:s19] =	ssyncset.done $0x0  }
0x47: {  	[sflag:s19] =	ssyncadd.s32 $0xFFFFC000  }
0x48: {  	[spmem:s2] =	stream.indirect.scatter.add.f32 [tilespmem:s16], [sflag:$0x4], $0x80, s23, s18, $0xb8;
	[tilespmem:$0x1D400] =	vst v63  }
0x49: {  	_ =	swait.ge [sflag:s20], $0x4000  }
0x4a: {  	[sflag:s20] =	ssyncset.done $0x0  }
0x4b: {  	[sflag:s20] =	ssyncadd.s32 $0xFFFFC000  }
0x4c: {  	_ =	swait.ge [sflag:s21], $0x4000  }
0x4d: {  	s24 =	sadd.s32 $0x1, s24;
	[sflag:s21] =	ssyncset.done $0x0  }
0x4e: {  	p0 =	sne.s32 s24, s10;
	[sflag:s21] =	ssyncadd.s32 $0xFFFFC000  }
.Ltmp1:
0x4f: {  	[bflag:$0x0] =	sbarrier.arrive $0xFFFF;
	(pc) =	sbr.rel @p0 .LBB2_1-.Ltmp1, $4  }
0x50: {  	[hbm:s9], [sflag:s5] =	dma.local [spmem:s13], $0x2800  }
0x51: {  	_ =	swait.ge [sflag:s14], $0x2800  }
0x52: {  	[sflag:s14] =	ssyncset.done $0x0  }
0x53: {  	[sflag:s14] =	ssyncadd.s32 $0xFFFFD800  }
0x54: {  	_ =	sfence.sel $0x180000  }
0x55: {  	[bflag:$0x0] =	sbarrier.arrive $0xFFFF  }
0x56: {  	p0 =	sne.s32 s0, $0x0;
	_ =	strace $0x9000004D  }
0x57: {  	s0 =	sadd.s32 @!p0 $0x100000, s1;
	[bflag:$0x2] =	sbarrier.arrive $0xFFFF  }
0x58: {  	[sflag:s0] =	ssyncadd.tile.s32 @!p0 $0x1;
	_ =	shalt  }
.Lfunc_end2:
_tile_overlayer_lowered:
.L_overlay_start_2:
0x59: {  	(tag) =	ssettag $0x2  }
0x5a: {  	s0 =	rddreg [dreg:$0x0];
	s2 =	stileid.u32  }
0x5b: {  	s1 =	rddreg [dreg:$0x1];
	p0 =	sne.s32 s2, $0x0  }
0x5c: {  	s3 =	rddreg [dreg:$0x2];
	[bflag:$0x3] =	sbarrier.arrive $0xFFFF;
	s2 =	simm.s32 @!p0 $0x1C05  }
0x5d: {  	[timem:s3], [sflag:s2] =	dma.local @!p0 [hbm:s0], s1  }
0x5e: {  	s0 =	simm.s32 @!p0 $0x5  }
0x5f: {  	_ =	swait.ge @!p0 [sflag:s0], s1  }
0x60: {  	s1 =	ssub.s32 @!p0 $0x0, s1;
	[sflag:s0] =	ssyncset.done @!p0 $0x0  }
0x61: {  	[sflag:s0] =	ssyncadd.s32 @!p0 s1  }
0x62: {  	[bflag:$0x3] =	sbarrier.arrive $0xFFFF  }
0x63: {  	_ =	shalt  }

// kernel: kernel.25.cloned.1.call-start
scs
__scs_entry_jumppad:
0x0: {  	(pc) =	sbr.rel $0x88, $3  }
0x1: {  	(tag) =	ssettag $0x0;
	lr =	simm.s32 $0x1  }
0x2: {  	[smem:$0x3F95] =	sst lr;
	_ =	strace $0xD0000000  }
0x3: {  	_ = 	snop  }
0x4: {  	_ = 	snop  }
0x5: {  	_ = 	snop  }
0x6: {  	_ = 	snop  }
0x7: {  	_ = 	snop  }
__scs_overlays_trampoline_lowered:
0x8: {  	[smem:$0x3FA4] =	sst s0  }
0x9: {  	[smem:$0x3FA5] =	sst s1  }
0xa: {  	[smem:$0x3FA6] =	sst s2  }
0xb: {  	[smem:$0x3FA7] =	sst s3  }
0xc: {  	[smem:$0x3FA8] =	sst s4  }
0xd: {  	[smem:$0x3FA9] =	sst s5  }
0xe: {  	[smem:$0x3FAA] =	sst s6  }
0xf: {  	[smem:$0x3FAB] =	sst s7  }
0x10: {  	[smem:$0x3FAC] =	sst s8  }
0x11: {  	[smem:$0x3FAD] =	sst s9;
	s0 =	simm.s32 @!p0 $0x0  }
0x12: {  	s1 =	sld [smem:$0x3F93];
	s0 =	simm.s32 @p0 $0x1  }
0x13: {  	[smem:$0x3FAE] =	sst s0;
	s0 =	simm.s32 @!p1 $0x0  }
0x14: {  	s2 =	sld [smem:$0x3F92];
	s0 =	simm.s32 @p1 $0x1  }
0x15: {  	[smem:$0x3FAF] =	sst s0;
	s0 =	simm.s32 @!p2 $0x0  }
0x16: {  	s3 =	sld [smem:$0x3FDB];
	s0 =	simm.s32 @p2 $0x1  }
0x17: {  	s4 =	simm.s32 $0x1BF5;
	[smem:$0x3FB1] =	sst s0  }
0x18: {  	s0 =	sld [smem:$0x3F94];
	_ =	swait.ge [sflag:s4], $0x0  }
0x19: {  	s7 =	sld [smem:$0x3F95]  }
0x1a: {  	s8 =	sadd.s32 $0xFFFFE003, lr  }
0x1b: {  	s9 =	sadd.s32 $0xFFFFFEF7, lr;
	s5 =	simm.s32 $0xFFFFFFFF;
	p2 =	slt.u32 s8, $0xFFFFF086  }
0x1c: {  	p1 =	slt.u32 s9, $0xF7A;
	s5 =	simm.s32 @!p2 $0x0  }
0x1d: {  	s5 =	simm.s32 @p1 $0x1;
	p0 =	seq.s32 s7, s2  }
0x1e: {  	s7 =	smul.u32 @!p0 $0xF7A, s2;
	p2 =	seq.s32 @!p0 s5, $0x0  }
0x1f: {  	s9 =	smul.u32 $0xF7A, s1;
	s8 =	simm.s32 @!p0 $0x1BF5;
	p2 =	por !p2, p0  }
0x20: {  	[sflag:s8] =	ssyncset.s32 @!p0 $0xFFFFF086;
	s6 =	sadd.s32 @!p0 s3, s7;
	s7 =	simm.s32 @!p0 $0x108  }
0x21: {  	s3 =	sadd.s32 s3, s9;
	s6 =	sadd.s32 @!p0 $0x88, s6;
	s7 =	simm.s32 @p2 $0x1082  }
0x22: {  	[simem:s7], [sflag:s8] =	dma.local @!p0 [hbm:s6], $0xF7A  }
0x23: {  	s9 =	sor.u32 $0xD0000000, s2;
	s6 =	simm.s32 $0x108;
	_ =	swait.ge @!p0 [sflag:s8], $0x0  }
0x24: {  	s3 =	sadd.s32 $0x88, s3;
	s6 =	simm.s32 @!p1 $0x1082;
	[sflag:s4] =	ssyncset.s32 $0xFFFFF086  }
0x25: {  	[simem:s6], [sflag:s4] =	dma.local [hbm:s3], $0xF7A  }
0x26: {  	[smem:$0x3F95] =	sst s1;
	(tag) =	ssettag s2;
	_ =	strace s9  }
0x27: {  	s1 =	sld [smem:$0x3FA5]  }
0x28: {  	s2 =	sld [smem:$0x3FA6]  }
0x29: {  	s4 =	sld [smem:$0x3FA8]  }
0x2a: {  	p0 =	seq.s32 s5, $0x0;
	s5 =	sld [smem:$0x3FA9]  }
0x2b: {  	s6 =	sld [smem:$0x3FAA]  }
0x2c: {  	s7 =	sld [smem:$0x3FAB]  }
0x2d: {  	s3 =	simm.s32 $0x108;
	s8 =	sld [smem:$0x3FAC]  }
0x2e: {  	s3 =	simm.s32 @!p0 $0x1082;
	s9 =	sld [smem:$0x3FAD]  }
0x2f: {  	lr =	sadd.s32 s0, s3;
	s0 =	sld [smem:$0x3FA4]  }
0x30: {  	s3 =	sld [smem:$0x3FA7]  }
0x31: {  	[smem:$0x3FB0] =	sst s10  }
0x32: {  	s10 =	sld [smem:$0x3FAE];
	_ =	sdelay $0x3  }
0x33: {  	p0 =	seq.s32 s10, $0x1;
	s10 =	sld [smem:$0x3FB0];
	_ =	sdelay $0x3  }
0x34: {  	[smem:$0x3FB0] =	sst s10  }
0x35: {  	s10 =	sld [smem:$0x3FAF];
	_ =	sdelay $0x3  }
0x36: {  	p1 =	seq.s32 s10, $0x1;
	s10 =	sld [smem:$0x3FB0];
	_ =	sdelay $0x3  }
0x37: {  	[smem:$0x3FB0] =	sst s10  }
0x38: {  	s10 =	sld [smem:$0x3FB1]  }
0x39: {  	_ = 	snop;
	(pc) =	sbr.ind lr, $3  }
0x3a: {  	_ = 	snop  }
0x3b: {  	_ = 	snop  }
0x3c: {  	p2 =	seq.s32 s10, $0x1;
	s10 =	sld [smem:$0x3FB0]  }
0x3d: {  	_ =	shalt  }
0x3e: {  	_ =	shalt  }
0x3f: {  	_ =	shalt  }
0x40: {  	_ =	shalt  }
0x41: {  	_ =	shalt  }
0x42: {  	_ =	shalt  }
0x43: {  	_ =	shalt  }
0x44: {  	_ =	shalt  }
0x45: {  	_ =	shalt  }
0x46: {  	_ =	shalt  }
0x47: {  	_ =	shalt  }
0x48: {  	_ =	shalt  }
0x49: {  	_ =	shalt  }
0x4a: {  	_ =	shalt  }
0x4b: {  	_ =	shalt  }
0x4c: {  	_ =	shalt  }
0x4d: {  	_ =	shalt  }
0x4e: {  	_ =	shalt  }
0x4f: {  	_ =	shalt  }
0x50: {  	_ =	shalt  }
0x51: {  	_ =	shalt  }
0x52: {  	_ =	shalt  }
0x53: {  	_ =	shalt  }
0x54: {  	_ =	shalt  }
0x55: {  	_ =	shalt  }
0x56: {  	_ =	shalt  }
0x57: {  	_ =	shalt  }
0x58: {  	_ =	shalt  }
0x59: {  	_ =	shalt  }
0x5a: {  	_ =	shalt  }
0x5b: {  	_ =	shalt  }
0x5c: {  	_ =	shalt  }
0x5d: {  	_ =	shalt  }
0x5e: {  	_ =	shalt  }
0x5f: {  	_ =	shalt  }
0x60: {  	_ =	shalt  }
0x61: {  	_ =	shalt  }
0x62: {  	_ =	shalt  }
0x63: {  	_ =	shalt  }
0x64: {  	_ =	shalt  }
0x65: {  	_ =	shalt  }
0x66: {  	_ =	shalt  }
0x67: {  	_ =	shalt  }
0x68: {  	_ =	shalt  }
0x69: {  	_ =	shalt  }
0x6a: {  	_ =	shalt  }
0x6b: {  	_ =	shalt  }
0x6c: {  	_ =	shalt  }
0x6d: {  	_ =	shalt  }
0x6e: {  	_ =	shalt  }
0x6f: {  	_ =	shalt  }
0x70: {  	_ =	shalt  }
0x71: {  	_ =	shalt  }
0x72: {  	_ =	shalt  }
0x73: {  	_ =	shalt  }
0x74: {  	_ =	shalt  }
0x75: {  	_ =	shalt  }
0x76: {  	_ =	shalt  }
0x77: {  	_ =	shalt  }
0x78: {  	_ =	shalt  }
0x79: {  	_ =	shalt  }
0x7a: {  	_ =	shalt  }
0x7b: {  	_ =	shalt  }
0x7c: {  	_ =	shalt  }
0x7d: {  	_ =	shalt  }
0x7e: {  	_ =	shalt  }
0x7f: {  	_ =	shalt  }
0x80: {  	_ =	shalt  }
0x81: {  	_ =	shalt  }
0x82: {  	_ =	shalt  }
0x83: {  	_ =	shalt  }
0x84: {  	_ =	shalt  }
0x85: {  	_ =	shalt  }
0x86: {  	_ =	shalt  }
0x87: {  	_ =	shalt  }
.Lfunc_end0:
.L_simem_size_0:
called_computation.3_lowered:
.L_overlay_start_0:
0x88: {  	s2 =	sld [smem:$0x3FD9]  }
0x89: {  	s3 =	sld [smem:$0x3FFE];
	_ =	sdelay $0x1  }
0x8a: {  	s1 =	srdreg.scid  }
0x8b: {  	s0 =	sand.u32 $0x1, s1  }
0x8c: {  	s16 =	sshll.u32 s0, $0xA;
	s2 =	sadd.s32 s3, s2  }
0x8d: {  	s2 =	sadd.s32 s2, s16  }
0x8e: {  	[smem:$0x3FBC] =	sst s2  }
0x8f: {  	_ = 	snop  }
0x90: {  	(tm) =	ssettm $0x1  }
0x91: {  	s17 =	sld [smem:$0x3FFB];
	_ =	sdelay $0x3  }
0x92: {  	_ =	strace s17  }
0x93: {  	s2 =	sld [smem:$0x3FFC];
	_ =	sdelay $0x3  }
0x94: {  	_ =	strace s2  }
0x95: {  	s2 =	sld [smem:$0x3FFD];
	_ =	sdelay $0x3  }
0x96: {  	_ =	strace s2  }
0x97: {  	_ =	strace $0x8FFFFFFF  }
0x98: {  	s18 =	sld [smem:$0x3FDB];
	_ =	sdelay $0x1  }
0x99: {  	s19 =	simm.s32 $_scs_section_size  }
0x9a: {  	s4 =	simm.s32 $_size__tile_overlayer_lowered;
	s5 =	simm.s32 $_tile_overlayer_lowered  }
0x9b: {  	s22 =	simm.s32 $0x1BFF;
	s21 =	sshll.u32 s5, $0x1;
	s2 =	sadd.s32 s19, s18  }
0x9c: {  	s6 =	simm.s32 $0x0;
	s20 =	sshll.u32 s4, $0x1;
	s4 =	sadd.s32 s21, s2  }
0x9d: {  	[timem:s6], [sflag:s22] =	dma.local [hbm:s4], s20  }
0x9e: {  	_ =	swait.ge [sflag:s22], s20  }
0x9f: {  	s3 =	ssub.s32 $0x0, s20;
	[sflag:s22] =	ssyncset.done $0x0  }
0xa0: {  	[sflag:s22] =	ssyncadd.s32 s3;
	_ =	sdelay $0x1  }
0xa1: {  	s23 =	simm.s32 $0x1B8B  }
0xa2: {  	_ =	swait.ge [sflag:s23], $0x1  }
0xa3: {  	[sflag:s23] =	ssyncset.done $0x0  }
0xa4: {  	s25 =	simm.s32 $0x1B8E;
	s24 =	sld [smem:$0x3FFE];
	[sflag:s23] =	ssyncadd.s32 $0xFFFFFFFF  }
0xa5: {  	s26 =	simm.s32 $execute0_lowered;
	[smem:$0x3FD2] =	sst s25  }
0xa6: {  	s4 =	sshll.u32 s26, $0x1;
	_ =	strace $0x8000004F;
	[dreg:$0x1] =	wrdreg $0xFFFFFFFF  }
0xa7: {  	s28 =	simm.s32 $_size_execute0_lowered;
	s2 =	sadd.s32 s2, s4;
	[dreg:$0x0] =	wrdreg $0x0  }
0xa8: {  	s4 =	sshll.u32 s28, $0x1;
	[dreg:$0x2] =	wrdreg s2  }
0xa9: {  	[dreg:$0x3] =	wrdreg s4  }
0xaa: {  	[dreg:$0x4] =	wrdreg $0xC0  }
0xab: {  	_ =	task [dreg:s6], $0x5FFFF  }
0xac: {  	[dreg:$0x1] =	wrdreg $0xFFFFFFFF  }
0xad: {  	[dreg:$0x0] =	wrdreg $0x60  }
0xae: {  	[dreg:$0x2] =	wrdreg s24  }
0xaf: {  	[dreg:$0x3] =	wrdreg $0x94000  }
0xb0: {  	[dreg:$0x4] =	wrdreg $0x9  }
0xb1: {  	_ =	task.clear_ibuf [dreg:s6], $0x5FFFF;
	_ =	strace $0x9000004F  }
0xb2: {  	s29 =	simm.s32 $0x9;
	_ =	strace $0x80000051  }
0xb3: {  	_ =	swait.ge [sflag:s29], $0x1  }
0xb4: {  	[sflag:s29] =	ssyncadd.s32 $0xFFFFFFFF  }
0xb5: {  	_ =	strace $0x90000051  }
0xb6: {  	_ =	sfence  }
0xb7: {  	s30 =	sld [smem:$0x0];
	_ =	sdelay $0x2  }
0xb8: {  	s31 =	sshll.u32 s1, $0xD;
	s1 =	sshrl.u32 s1, $0x2  }
0xb9: {  	s3 =	sand.u32 $0x4000, s31;
	s1 =	sadd.s32 s1, s30  }
0xba: {  	s0 =	sor.u32 s3, s0;
	s1 =	sshll.u32 s1, $0x11  }
0xbb: {  	s0 =	sor.u32 s1, s0  }
0xbc: {  	s0 =	sadd.s32 $0x8F2B, s0  }
0xbd: {  	[sflag:s0] =	ssyncadd.remote.s32 $0x1  }
0xbe: {  	_ =	sfence.sel $0xFFFF  }
0xbf: {  	[dreg:$0x0] =	wrdreg $0xFFFFFFFF;
	(pc) =	sbr.abs _section_cstart, $3  }
0xc0: {  	[dreg:$0x1] =	wrdreg $0xFFFFFFFF  }
0xc1: {  	_ =	task.clear_ibuf [dreg:s6], $0x2FFFF;
	_ =	strace $0x9FFFFFFF  }
0xc2: {  	(tm) =	ssettm $0x7FFFFFFF  }
0xc3: {  	_ =	shalt  }
tec
execute0_lowered:
.L_overlay_start_1:
0x0: {  	(tag) =	ssettag $0x1  }
0x1: {  	s4 =	rddreg [dreg:$0x0]  }
0x2: {  	s2 =	rddreg [dreg:$0x1];
	s1 =	stileid.u32  }
0x3: {  	s3 =	srdreg.scid;
	s0 =	rddreg [dreg:$0x2];
	s17 =	simm.s32 $0x1  }
0x4: {  	s18 =	simm.s32 $0x2;
	s19 =	simm.s32 $0x3;
	s6 =	smul.u32 $0x2800, s1  }
0x5: {  	s20 =	simm.s32 $0x4;
	s21 =	simm.s32 $0x0;
	s8 =	smul.u32 $0x50000, s1  }
0x6: {  	s9 =	sand.u32 $0x1, s3;
	s5 =	sshll.u32 s1, $0x1;
	s15 =	smul.u32 $0x28000, s1  }
0x7: {  	s3 =	simm.s32 $0x0;
	s11 =	sadd.s32 $0x9800, s4;
	s28 =	smul.u32 $0x140000, s1  }
0x8: {  	s25 =	sshll.u32 s1, $0x6;
	s5 =	sor.u32 s9, s5;
	s16 =	smul.u32 $0xA0000, s9  }
0x9: {  	[smem:$0x7FF] =	sst s3;
	s24 =	ssub.s32 $0x2, s9;
	s29 =	smul.u32 $0x14000, s9  }
0xa: {  	s7 =	smul.u32 $0x280, s5;
	_ =	strace $0x80000050;
	s6 =	sadd.s32 s6, s4  }
0xb: {  	s10 =	sshrl.u32 s24, $0x1;
	s8 =	sshrl.u32 s8, $0x2;
	s12 =	smul.u32 $0xA0000, s5  }
0xc: {  	s14 =	smul.u32 $0x14000, s5;
	s5 =	sor.u32 $0x1C05, s25;
	s31 =	sadd.s32 s15, s11  }
0xd: {  	s15 =	simm.s32 $0x1400;
	s10 =	ssub.s32 s24, s10;
	s13 =	sadd.s32 s8, s2  }
0xe: {  	s7 =	sadd.s32 s7, s4;
	s4 =	sadd.s32 $0x2E3800, s6;
	s26 =	sshrl.u32 s12, $0x3  }
0xf: {  	s30 =	sadd.s32 s14, s11;
	s12 =	sadd.s32 s16, s28;
	s14 =	simm.s32 $0x80  }
0x10: {  	s16 =	simm.s32 $0x5400;
	s6 =	sadd.s32 $0x4800, s7;
	s8 =	sadd.s32 s11, s26  }
0x11: {  	s7 =	smax.u32 s10, $0x1;
	s9 =	sadd.s32 $0x13800, s30;
	s10 =	sadd.s32 s29, s31  }
0x12: {  	s12 =	sshrl.u32 s12, $0x3;
	s8 =	sadd.s32 $0x13000, s8;
	s10 =	sadd.s32 $0x800, s10  }
0x13: {  	s11 =	sadd.s32 s12, s11;
	s12 =	sshrl.u32 s13, $0x3;
	s13 =	simm.s32 $0x5  }
.LBB2_1:
0x14: {  	[spmem:s12], [sflag:s5] =	dma.local [hbm:s4], $0x2800  }
0x15: {  	_ =	swait.ge [sflag:s13], $0x2800  }
0x16: {  	[sflag:s13] =	ssyncset.done $0x0  }
0x17: {  	[sflag:s13] =	ssyncadd.s32 $0xFFFFD800  }
0x18: {  	[tilespmem:s3], [sflag:$0x5] =	stream.linear.gather [hbm4b:s6+s3], $0x1400, $0x38;
	[tilespmem:$0x1D400] =	vst v63  }
0x19: {  	_ =	swait.ge [sflag:s13], $0x1400  }
0x1a: {  	[sflag:s13] =	ssyncset.done $0x0  }
0x1b: {  	[sflag:s13] =	ssyncadd.s32 $0xFFFFEC00  }
0x1c: {  	[bflag:$0x0] =	sbarrier.arrive $0xFFFF  }
0x1d: {  	[tilespmem:s15], [sflag:$0x1] =	stream.indirect.gather [spmem:s2], $0x80, s3, s14, $0xb8;
	[tilespmem:$0x1D400] =	vst v63  }
0x1e: {  	_ = 	snop  }
0x1f: {  	[tilespmem:s16], [sflag:$0x2] =	stream.indirect.gather [spmem:s2], $0x80, s14, s14, $0xb8;
	[tilespmem:$0x1D400] =	vst v63  }
0x20: {  	_ =	swait.ge [sflag:s17], $0x4000  }
0x21: {  	[sflag:s17] =	ssyncset.done $0x0  }
0x22: {  	s22 =	sadd.s32 $0x0, s11;
	[sflag:s17] =	ssyncadd.s32 $0xFFFFC000  }
0x23: {  	[hbm4b:s22+s3] =	stream.linear.scatter [tilespmem:s15], [sflag:$0x3], $0x4000, $0x38;
	[tilespmem:$0x1D400] =	vst v63  }
0x24: {  	_ =	swait.ge [sflag:s18], $0x4000  }
0x25: {  	[sflag:s18] =	ssyncset.done $0x0  }
0x26: {  	s30 =	sadd.s32 $0x0, s10;
	[sflag:s18] =	ssyncadd.s32 $0xFFFFC000  }
0x27: {  	[hbm4b:s30+s3] =	stream.linear.scatter [tilespmem:s16], [sflag:$0x4], $0x4000, $0x38;
	[tilespmem:$0x1D400] =	vst v63  }
0x28: {  	_ =	swait.ge [sflag:s19], $0x4000  }
0x29: {  	[sflag:s19] =	ssyncset.done $0x0  }
0x2a: {  	s31 =	simm.s32 $0x100;
	[sflag:s19] =	ssyncadd.s32 $0xFFFFC000  }
0x2b: {  	[tilespmem:s15], [sflag:$0x1] =	stream.indirect.gather [spmem:s2], $0x80, s31, s14, $0xb8;
	[tilespmem:$0x1D400] =	vst v63  }
0x2c: {  	_ =	swait.ge [sflag:s20], $0x4000  }
0x2d: {  	s23 =	simm.s32 $0x1000;
	[sflag:s20] =	ssyncset.done $0x0  }
0x2e: {  	s24 =	simm.s32 $0x280;
	s22 =	simm.s32 $0x180;
	[sflag:s20] =	ssyncadd.s32 $0xFFFFC000  }
.LBB2_2:
0x2f: {  	[tilespmem:s16], [sflag:$0x2] =	stream.indirect.gather [spmem:s2], $0x80, s22, s14, $0xb8;
	[tilespmem:$0x1D400] =	vst v63  }
0x30: {  	s25 =	smov.u32 s23;
	s22 =	smov.u32 s24  }
0x31: {  	p0 =	sne.s32 s23, $0x12000;
	s23 =	sadd.s32 $0x1000, s23;
	_ =	swait.ge [sflag:s17], $0x4000  }
0x32: {  	[sflag:s17] =	ssyncset.done $0x0  }
0x33: {  	s26 =	sadd.s32 s25, s11;
	[sflag:s17] =	ssyncadd.s32 $0xFFFFC000  }
0x34: {  	[hbm4b:s26+s3] =	stream.linear.scatter [tilespmem:s15], [sflag:$0x3], $0x4000, $0x38;
	[tilespmem:$0x1D400] =	vst v63  }
0x35: {  	_ =	swait.ge [sflag:s18], $0x4000  }
0x36: {  	[sflag:s18] =	ssyncset.done $0x0  }
0x37: {  	s25 =	sadd.s32 s25, s10;
	[sflag:s18] =	ssyncadd.s32 $0xFFFFC000  }
0x38: {  	[hbm4b:s25+s3] =	stream.linear.scatter [tilespmem:s16], [sflag:$0x4], $0x4000, $0x38;
	[tilespmem:$0x1D400] =	vst v63  }
0x39: {  	_ =	swait.ge [sflag:s19], $0x4000  }
0x3a: {  	[sflag:s19] =	ssyncset.done $0x0  }
.Ltmp0:
0x3b: {  	s25 =	sadd.s32 $0xFFFFFF80, s24;
	[sflag:s19] =	ssyncadd.s32 $0xFFFFC000;
	(pc) =	sbr.rel @p0 .LBB2_2-.Ltmp0, $4  }
0x3c: {  	[tilespmem:s15], [sflag:$0x1] =	stream.indirect.gather [spmem:s2], $0x80, s25, s14, $0xb8;
	[tilespmem:$0x1D400] =	vst v63  }
0x3d: {  	_ =	swait.ge [sflag:s20], $0x4000  }
0x3e: {  	[sflag:s20] =	ssyncset.done $0x0  }
0x3f: {  	s24 =	sadd.s32 $0x100, s24;
	[sflag:s20] =	ssyncadd.s32 $0xFFFFC000  }
0x40: {  	[tilespmem:s16], [sflag:$0x2] =	stream.indirect.gather [spmem:s2], $0x80, s22, s14, $0xb8;
	[tilespmem:$0x1D400] =	vst v63  }
0x41: {  	_ =	swait.ge [sflag:s17], $0x4000  }
0x42: {  	[sflag:s17] =	ssyncset.done $0x0  }
0x43: {  	[sflag:s17] =	ssyncadd.s32 $0xFFFFC000  }
0x44: {  	[hbm4b:s8+s3] =	stream.linear.scatter [tilespmem:s15], [sflag:$0x3], $0x4000, $0x38;
	[tilespmem:$0x1D400] =	vst v63  }
0x45: {  	_ =	swait.ge [sflag:s18], $0x4000  }
0x46: {  	[sflag:s18] =	ssyncset.done $0x0  }
0x47: {  	s21 =	sadd.s32 $0x1, s21;
	[sflag:s18] =	ssyncadd.s32 $0xFFFFC000  }
0x48: {  	[hbm4b:s9+s3] =	stream.linear.scatter [tilespmem:s16], [sflag:$0x4], $0x4000, $0x38;
	[tilespmem:$0x1D400] =	vst v63  }
0x49: {  	p0 =	sne.s32 s21, s7;
	_ =	swait.ge [sflag:s19], $0x4000  }
.Ltmp1:
0x4a: {  	[sflag:s19] =	ssyncset.done $0x0;
	(pc) =	sbr.rel @p0 .LBB2_1-.Ltmp1, $4  }
0x4b: {  	[sflag:s19] =	ssyncadd.s32 $0xFFFFC000  }
0x4c: {  	_ =	swait.ge [sflag:s20], $0x4000  }
0x4d: {  	[sflag:s20] =	ssyncset.done $0x0  }
0x4e: {  	[sflag:s20] =	ssyncadd.s32 $0xFFFFC000  }
0x4f: {  	_ =	sfence.sel $0x180000  }
0x50: {  	[bflag:$0x0] =	sbarrier.arrive $0xFFFF  }
0x51: {  	p0 =	sne.s32 s1, $0x0;
	_ =	strace $0x90000050  }
0x52: {  	s0 =	sadd.s32 @!p0 $0x100000, s0;
	[bflag:$0x2] =	sbarrier.arrive $0xFFFF  }
0x53: {  	[sflag:s0] =	ssyncadd.tile.s32 @!p0 $0x1;
	_ =	shalt  }
.Lfunc_end2:
_tile_overlayer_lowered:
.L_overlay_start_2:
0x54: {  	(tag) =	ssettag $0x2  }
0x55: {  	s0 =	rddreg [dreg:$0x0];
	s2 =	stileid.u32  }
0x56: {  	s1 =	rddreg [dreg:$0x1];
	p0 =	sne.s32 s2, $0x0  }
0x57: {  	s3 =	rddreg [dreg:$0x2];
	[bflag:$0x3] =	sbarrier.arrive $0xFFFF;
	s2 =	simm.s32 @!p0 $0x1C05  }
0x58: {  	[timem:s3], [sflag:s2] =	dma.local @!p0 [hbm:s0], s1  }
0x59: {  	s0 =	simm.s32 @!p0 $0x5  }
0x5a: {  	_ =	swait.ge @!p0 [sflag:s0], s1  }
0x5b: {  	s1 =	ssub.s32 @!p0 $0x0, s1;
	[sflag:s0] =	ssyncset.done @!p0 $0x0  }
0x5c: {  	[sflag:s0] =	ssyncadd.s32 @!p0 s1  }
0x5d: {  	[bflag:$0x3] =	sbarrier.arrive $0xFFFF  }
0x5e: {  	_ =	shalt  }

// kernel: kernel.28.cloned.1.call-start
scs
__scs_entry_jumppad:
0x0: {  	(pc) =	sbr.rel $0x88, $3  }
0x1: {  	(tag) =	ssettag $0x0;
	lr =	simm.s32 $0x1  }
0x2: {  	[smem:$0x3F95] =	sst lr;
	_ =	strace $0xD0000000  }
0x3: {  	_ = 	snop  }
0x4: {  	_ = 	snop  }
0x5: {  	_ = 	snop  }
0x6: {  	_ = 	snop  }
0x7: {  	_ = 	snop  }
__scs_overlays_trampoline_lowered:
0x8: {  	[smem:$0x3FA4] =	sst s0  }
0x9: {  	[smem:$0x3FA5] =	sst s1  }
0xa: {  	[smem:$0x3FA6] =	sst s2  }
0xb: {  	[smem:$0x3FA7] =	sst s3  }
0xc: {  	[smem:$0x3FA8] =	sst s4  }
0xd: {  	[smem:$0x3FA9] =	sst s5  }
0xe: {  	[smem:$0x3FAA] =	sst s6  }
0xf: {  	[smem:$0x3FAB] =	sst s7  }
0x10: {  	[smem:$0x3FAC] =	sst s8  }
0x11: {  	[smem:$0x3FAD] =	sst s9;
	s0 =	simm.s32 @!p0 $0x0  }
0x12: {  	s1 =	sld [smem:$0x3F93];
	s0 =	simm.s32 @p0 $0x1  }
0x13: {  	[smem:$0x3FAE] =	sst s0;
	s0 =	simm.s32 @!p1 $0x0  }
0x14: {  	s2 =	sld [smem:$0x3F92];
	s0 =	simm.s32 @p1 $0x1  }
0x15: {  	[smem:$0x3FAF] =	sst s0;
	s0 =	simm.s32 @!p2 $0x0  }
0x16: {  	s3 =	sld [smem:$0x3FDB];
	s0 =	simm.s32 @p2 $0x1  }
0x17: {  	s4 =	simm.s32 $0x1BF5;
	[smem:$0x3FB1] =	sst s0  }
0x18: {  	s0 =	sld [smem:$0x3F94];
	_ =	swait.ge [sflag:s4], $0x0  }
0x19: {  	s7 =	sld [smem:$0x3F95]  }
0x1a: {  	s8 =	sadd.s32 $0xFFFFE003, lr  }
0x1b: {  	s9 =	sadd.s32 $0xFFFFFEF7, lr;
	s5 =	simm.s32 $0xFFFFFFFF;
	p2 =	slt.u32 s8, $0xFFFFF086  }
0x1c: {  	p1 =	slt.u32 s9, $0xF7A;
	s5 =	simm.s32 @!p2 $0x0  }
0x1d: {  	s5 =	simm.s32 @p1 $0x1;
	p0 =	seq.s32 s7, s2  }
0x1e: {  	s7 =	smul.u32 @!p0 $0xF7A, s2;
	p2 =	seq.s32 @!p0 s5, $0x0  }
0x1f: {  	s9 =	smul.u32 $0xF7A, s1;
	s8 =	simm.s32 @!p0 $0x1BF5;
	p2 =	por !p2, p0  }
0x20: {  	[sflag:s8] =	ssyncset.s32 @!p0 $0xFFFFF086;
	s6 =	sadd.s32 @!p0 s3, s7;
	s7 =	simm.s32 @!p0 $0x108  }
0x21: {  	s3 =	sadd.s32 s3, s9;
	s6 =	sadd.s32 @!p0 $0x88, s6;
	s7 =	simm.s32 @p2 $0x1082  }
0x22: {  	[simem:s7], [sflag:s8] =	dma.local @!p0 [hbm:s6], $0xF7A  }
0x23: {  	s9 =	sor.u32 $0xD0000000, s2;
	s6 =	simm.s32 $0x108;
	_ =	swait.ge @!p0 [sflag:s8], $0x0  }
0x24: {  	s3 =	sadd.s32 $0x88, s3;
	s6 =	simm.s32 @!p1 $0x1082;
	[sflag:s4] =	ssyncset.s32 $0xFFFFF086  }
0x25: {  	[simem:s6], [sflag:s4] =	dma.local [hbm:s3], $0xF7A  }
0x26: {  	[smem:$0x3F95] =	sst s1;
	(tag) =	ssettag s2;
	_ =	strace s9  }
0x27: {  	s1 =	sld [smem:$0x3FA5]  }
0x28: {  	s2 =	sld [smem:$0x3FA6]  }
0x29: {  	s4 =	sld [smem:$0x3FA8]  }
0x2a: {  	p0 =	seq.s32 s5, $0x0;
	s5 =	sld [smem:$0x3FA9]  }
0x2b: {  	s6 =	sld [smem:$0x3FAA]  }
0x2c: {  	s7 =	sld [smem:$0x3FAB]  }
0x2d: {  	s3 =	simm.s32 $0x108;
	s8 =	sld [smem:$0x3FAC]  }
0x2e: {  	s3 =	simm.s32 @!p0 $0x1082;
	s9 =	sld [smem:$0x3FAD]  }
0x2f: {  	lr =	sadd.s32 s0, s3;
	s0 =	sld [smem:$0x3FA4]  }
0x30: {  	s3 =	sld [smem:$0x3FA7]  }
0x31: {  	[smem:$0x3FB0] =	sst s10  }
0x32: {  	s10 =	sld [smem:$0x3FAE];
	_ =	sdelay $0x3  }
0x33: {  	p0 =	seq.s32 s10, $0x1;
	s10 =	sld [smem:$0x3FB0];
	_ =	sdelay $0x3  }
0x34: {  	[smem:$0x3FB0] =	sst s10  }
0x35: {  	s10 =	sld [smem:$0x3FAF];
	_ =	sdelay $0x3  }
0x36: {  	p1 =	seq.s32 s10, $0x1;
	s10 =	sld [smem:$0x3FB0];
	_ =	sdelay $0x3  }
0x37: {  	[smem:$0x3FB0] =	sst s10  }
0x38: {  	s10 =	sld [smem:$0x3FB1]  }
0x39: {  	_ = 	snop;
	(pc) =	sbr.ind lr, $3  }
0x3a: {  	_ = 	snop  }
0x3b: {  	_ = 	snop  }
0x3c: {  	p2 =	seq.s32 s10, $0x1;
	s10 =	sld [smem:$0x3FB0]  }
0x3d: {  	_ =	shalt  }
0x3e: {  	_ =	shalt  }
0x3f: {  	_ =	shalt  }
0x40: {  	_ =	shalt  }
0x41: {  	_ =	shalt  }
0x42: {  	_ =	shalt  }
0x43: {  	_ =	shalt  }
0x44: {  	_ =	shalt  }
0x45: {  	_ =	shalt  }
0x46: {  	_ =	shalt  }
0x47: {  	_ =	shalt  }
0x48: {  	_ =	shalt  }
0x49: {  	_ =	shalt  }
0x4a: {  	_ =	shalt  }
0x4b: {  	_ =	shalt  }
0x4c: {  	_ =	shalt  }
0x4d: {  	_ =	shalt  }
0x4e: {  	_ =	shalt  }
0x4f: {  	_ =	shalt  }
0x50: {  	_ =	shalt  }
0x51: {  	_ =	shalt  }
0x52: {  	_ =	shalt  }
0x53: {  	_ =	shalt  }
0x54: {  	_ =	shalt  }
0x55: {  	_ =	shalt  }
0x56: {  	_ =	shalt  }
0x57: {  	_ =	shalt  }
0x58: {  	_ =	shalt  }
0x59: {  	_ =	shalt  }
0x5a: {  	_ =	shalt  }
0x5b: {  	_ =	shalt  }
0x5c: {  	_ =	shalt  }
0x5d: {  	_ =	shalt  }
0x5e: {  	_ =	shalt  }
0x5f: {  	_ =	shalt  }
0x60: {  	_ =	shalt  }
0x61: {  	_ =	shalt  }
0x62: {  	_ =	shalt  }
0x63: {  	_ =	shalt  }
0x64: {  	_ =	shalt  }
0x65: {  	_ =	shalt  }
0x66: {  	_ =	shalt  }
0x67: {  	_ =	shalt  }
0x68: {  	_ =	shalt  }
0x69: {  	_ =	shalt  }
0x6a: {  	_ =	shalt  }
0x6b: {  	_ =	shalt  }
0x6c: {  	_ =	shalt  }
0x6d: {  	_ =	shalt  }
0x6e: {  	_ =	shalt  }
0x6f: {  	_ =	shalt  }
0x70: {  	_ =	shalt  }
0x71: {  	_ =	shalt  }
0x72: {  	_ =	shalt  }
0x73: {  	_ =	shalt  }
0x74: {  	_ =	shalt  }
0x75: {  	_ =	shalt  }
0x76: {  	_ =	shalt  }
0x77: {  	_ =	shalt  }
0x78: {  	_ =	shalt  }
0x79: {  	_ =	shalt  }
0x7a: {  	_ =	shalt  }
0x7b: {  	_ =	shalt  }
0x7c: {  	_ =	shalt  }
0x7d: {  	_ =	shalt  }
0x7e: {  	_ =	shalt  }
0x7f: {  	_ =	shalt  }
0x80: {  	_ =	shalt  }
0x81: {  	_ =	shalt  }
0x82: {  	_ =	shalt  }
0x83: {  	_ =	shalt  }
0x84: {  	_ =	shalt  }
0x85: {  	_ =	shalt  }
0x86: {  	_ =	shalt  }
0x87: {  	_ =	shalt  }
.Lfunc_end0:
.L_simem_size_0:
called_computation.4_lowered:
.L_overlay_start_0:
0x88: {  	s2 =	sld [smem:$0x3FD9]  }
0x89: {  	s3 =	sld [smem:$0x3FFE];
	_ =	sdelay $0x1  }
0x8a: {  	s1 =	srdreg.scid  }
0x8b: {  	s0 =	sand.u32 $0x1, s1  }
0x8c: {  	s17 =	sshll.u32 s0, $0xA;
	s2 =	sadd.s32 s3, s2  }
0x8d: {  	s2 =	sadd.s32 s2, s17  }
0x8e: {  	[smem:$0x3FBC] =	sst s2  }
0x8f: {  	_ = 	snop  }
0x90: {  	(tm) =	ssettm $0x1  }
0x91: {  	s18 =	sld [smem:$0x3FFB];
	_ =	sdelay $0x3  }
0x92: {  	_ =	strace s18  }
0x93: {  	s2 =	sld [smem:$0x3FFC];
	_ =	sdelay $0x3  }
0x94: {  	_ =	strace s2  }
0x95: {  	s2 =	sld [smem:$0x3FFD];
	_ =	sdelay $0x3  }
0x96: {  	_ =	strace s2  }
0x97: {  	_ =	strace $0x8FFFFFFF  }
0x98: {  	s19 =	sld [smem:$0x3FDB];
	_ =	sdelay $0x1  }
0x99: {  	s20 =	simm.s32 $_scs_section_size  }
0x9a: {  	s4 =	simm.s32 $_size__tile_overlayer_lowered;
	s5 =	simm.s32 $_tile_overlayer_lowered  }
0x9b: {  	s6 =	simm.s32 $0x1BFF;
	s21 =	sshll.u32 s5, $0x1;
	s3 =	sadd.s32 s20, s19  }
0x9c: {  	s22 =	simm.s32 $0x0;
	s4 =	sshll.u32 s4, $0x1;
	s5 =	sadd.s32 s21, s3  }
0x9d: {  	[timem:s22], [sflag:s6] =	dma.local [hbm:s5], s4  }
0x9e: {  	_ =	swait.ge [sflag:s6], s4  }
0x9f: {  	s4 =	ssub.s32 $0x0, s4;
	[sflag:s6] =	ssyncset.done $0x0  }
0xa0: {  	[sflag:s6] =	ssyncadd.s32 s4;
	_ =	sdelay $0x1  }
0xa1: {  	s23 =	simm.s32 $0x1B8B  }
0xa2: {  	_ =	swait.ge [sflag:s23], $0x1  }
0xa3: {  	[sflag:s23] =	ssyncset.done $0x0  }
0xa4: {  	[sflag:s23] =	ssyncadd.s32 $0xFFFFFFFF  }
0xa5: {  	s4 =	sld [smem:$0x0]  }
0xa6: {  	s5 =	sand.u32 $0xFFFFFFFE, s1  }
0xa7: {  	p0 =	sne.s32 s1, s5  }
0xa8: {  	s5 =	sshll.u32 @p0 s5, $0xE  }
0xa9: {  	s5 =	sadd.s32 @p0 $0x11B8D, s5;
	s6 =	sshll.u32 @p0 s4, $0x11  }
0xaa: {  	s5 =	sor.u32 @p0 s6, s5  }
0xab: {  	[sflag:s5] =	ssyncadd.remote.s32 @p0 $0x1;
	_ =	sdelay $0x1  }
0xac: {  	s5 =	simm.s32 @p0 $0x1B8D  }
0xad: {  	_ =	swait.eq @p0 [sflag:s5], $0x1  }
0xae: {  	[sflag:s5] =	ssyncadd.s32 @p0 $0xFFFFFFFF  }
0xaf: {  	s6 =	sshll.u32 @!p0 s1, $0xE  }
0xb0: {  	s6 =	sor.u32 @!p0 $0x4000, s6;
	s5 =	simm.s32 @!p0 $0x1B8D  }
0xb1: {  	s4 =	sshll.u32 @!p0 s4, $0x11;
	s6 =	sadd.s32 @!p0 $0x11B8D, s6;
	_ =	swait.eq @!p0 [sflag:s5], $0x1  }
0xb2: {  	s4 =	sor.u32 @!p0 s4, s6;
	[sflag:s5] =	ssyncadd.s32 @!p0 $0xFFFFFFFF  }
0xb3: {  	s25 =	simm.s32 $0x1B8E;
	s24 =	sld [smem:$0x3FFE];
	[sflag:s4] =	ssyncadd.remote.s32 @!p0 $0x1  }
0xb4: {  	s26 =	simm.s32 $execute0_lowered;
	[smem:$0x3FD2] =	sst s25  }
0xb5: {  	s5 =	sshll.u32 s26, $0x1;
	_ =	strace $0x80000055;
	[dreg:$0x1] =	wrdreg $0xFFFFFFFF  }
0xb6: {  	s28 =	simm.s32 $_size_execute0_lowered;
	s3 =	sadd.s32 s3, s5;
	[dreg:$0x0] =	wrdreg $0x0  }
0xb7: {  	s5 =	sshll.u32 s28, $0x1;
	[dreg:$0x2] =	wrdreg s3  }
0xb8: {  	[dreg:$0x3] =	wrdreg s5  }
0xb9: {  	[dreg:$0x4] =	wrdreg $0xC0  }
0xba: {  	_ =	task [dreg:s22], $0x5FFFF  }
0xbb: {  	[dreg:$0x1] =	wrdreg $0xFFFFFFFF  }
0xbc: {  	[dreg:$0x0] =	wrdreg $0x60  }
0xbd: {  	[dreg:$0x2] =	wrdreg s24  }
0xbe: {  	[dreg:$0x3] =	wrdreg $0x94000  }
0xbf: {  	[dreg:$0x4] =	wrdreg $0x9  }
0xc0: {  	_ =	task.clear_ibuf [dreg:s22], $0x5FFFF;
	_ =	strace $0x90000055  }
0xc1: {  	s29 =	simm.s32 $0x9;
	_ =	strace $0x80000057  }
0xc2: {  	_ =	swait.ge [sflag:s29], $0x1  }
0xc3: {  	[sflag:s29] =	ssyncadd.s32 $0xFFFFFFFF  }
0xc4: {  	_ =	strace $0x90000057  }
0xc5: {  	_ =	sfence  }
0xc6: {  	s30 =	sld [smem:$0x0];
	_ =	sdelay $0x2  }
0xc7: {  	s31 =	sshll.u32 s1, $0xD;
	s1 =	sshrl.u32 s1, $0x2  }
0xc8: {  	s4 =	sand.u32 $0x4000, s31;
	s1 =	sadd.s32 s1, s30  }
0xc9: {  	s0 =	sor.u32 s4, s0;
	s1 =	sshll.u32 s1, $0x11  }
0xca: {  	s0 =	sor.u32 s1, s0  }
0xcb: {  	s0 =	sadd.s32 $0x8F2B, s0  }
0xcc: {  	[sflag:s0] =	ssyncadd.remote.s32 $0x1  }
0xcd: {  	_ =	sfence.sel $0xFFFF  }
0xce: {  	[dreg:$0x0] =	wrdreg $0xFFFFFFFF;
	(pc) =	sbr.abs _section_cstart, $3  }
0xcf: {  	[dreg:$0x1] =	wrdreg $0xFFFFFFFF  }
0xd0: {  	_ =	task.clear_ibuf [dreg:s22], $0x2FFFF;
	_ =	strace $0x9FFFFFFF  }
0xd1: {  	(tm) =	ssettm $0x7FFFFFFF  }
tec
execute0_lowered:
.L_overlay_start_1:
0x0: {  	(tag) =	ssettag $0x1  }
0x1: {  	s4 =	rddreg [dreg:$0x0];
	s1 =	srdreg.scid  }
0x2: {  	s0 =	stileid.u32;
	s2 =	rddreg [dreg:$0x1]  }
0x3: {  	s3 =	simm.s32 $0x0;
	s16 =	simm.s32 $0x5400;
	s17 =	simm.s32 $0x1  }
0x4: {  	s18 =	simm.s32 $0x80;
	s19 =	simm.s32 $0x2;
	s20 =	simm.s32 $0x3  }
0x5: {  	s21 =	simm.s32 $0x4;
	s22 =	simm.s32 $0x1300;
	s8 =	smul.u32 $0x2800, s0  }
0x6: {  	s5 =	sand.u32 $0x1, s1;
	s1 =	rddreg [dreg:$0x2];
	s13 =	smul.u32 $0x50000, s0  }
0x7: {  	s6 =	sshll.u32 s0, $0x1;
	[smem:$0x7FF] =	sst s3;
	s24 =	smul.u32 $0x140000, s0  }
0x8: {  	s12 =	sadd.s32 $0xCBB800, s4;
	s26 =	sshll.u32 s0, $0x6;
	s9 =	smul.u32 $0x28000, s5  }
0x9: {  	s6 =	sor.u32 s5, s6;
	_ =	strace $0x80000056;
	s28 =	smul.u32 $0xA0000, s5  }
0xa: {  	s11 =	ssub.s32 $0x2, s5;
	s5 =	sor.u32 $0x1C05, s26;
	s7 =	smul.u32 $0x280, s6  }
0xb: {  	s10 =	sadd.s32 s8, s4;
	s23 =	sshrl.u32 s11, $0x1;
	s14 =	smul.u32 $0x14000, s6  }
0xc: {  	s25 =	sshrl.u32 s13, $0x2;
	s8 =	sadd.s32 s8, s9;
	s11 =	ssub.s32 s11, s23  }
0xd: {  	s13 =	sadd.s32 s25, s2;
	s9 =	sadd.s32 s28, s24;
	s23 =	simm.s32 $0x1380  }
0xe: {  	s24 =	simm.s32 $0x0;
	s7 =	sadd.s32 s7, s4;
	s15 =	sadd.s32 s8, s4  }
0xf: {  	s4 =	sadd.s32 $0x2BB800, s10;
	s29 =	sor.u32 $0xC000, s9;
	s30 =	sor.u32 $0x8000, s9  }
0x10: {  	s10 =	smax.u32 s11, $0x1;
	s13 =	sshrl.u32 s13, $0x3;
	s6 =	sadd.s32 $0x2B6800, s7  }
0x11: {  	s7 =	sadd.s32 s12, s14;
	s9 =	sadd.s32 $0x333800, s15;
	s31 =	sshrl.u32 s29, $0x3  }
0x12: {  	s14 =	sshrl.u32 s30, $0x3;
	s15 =	simm.s32 $0x1400;
	s8 =	sadd.s32 $0x800, s7  }
0x13: {  	s11 =	sadd.s32 s31, s12;
	s12 =	sadd.s32 s14, s12;
	s14 =	simm.s32 $0x5  }
.LBB2_1:
0x14: {  	[spmem:s13], [sflag:s5] =	dma.local [hbm:s4], $0x2800  }
0x15: {  	_ =	swait.ge [sflag:s14], $0x2800  }
0x16: {  	[sflag:s14] =	ssyncset.done $0x0  }
0x17: {  	[sflag:s14] =	ssyncadd.s32 $0xFFFFD800  }
0x18: {  	[tilespmem:s3], [sflag:$0x5] =	stream.linear.gather [hbm4b:s6+s3], $0x1400, $0x38;
	[tilespmem:$0x1D400] =	vst v63  }
0x19: {  	_ =	swait.ge [sflag:s14], $0x1400  }
0x1a: {  	[sflag:s14] =	ssyncset.done $0x0  }
0x1b: {  	[sflag:s14] =	ssyncadd.s32 $0xFFFFEC00  }
0x1c: {  	[bflag:$0x0] =	sbarrier.arrive $0xFFFF  }
0x1d: {  	[tilespmem:s15], [sflag:$0x1] =	stream.linear.gather [hbm4b:s7+s3], $0x4000, $0x38;
	[tilespmem:$0x1D400] =	vst v63  }
0x1e: {  	_ = 	snop  }
0x1f: {  	[tilespmem:s16], [sflag:$0x2] =	stream.linear.gather [hbm4b:s8+s3], $0x4000, $0x38;
	[tilespmem:$0x1D400] =	vst v63  }
0x20: {  	_ =	swait.ge [sflag:s17], $0x4000  }
0x21: {  	[sflag:s17] =	ssyncset.done $0x0  }
0x22: {  	s25 =	simm.s32 $0x0;
	[sflag:s17] =	ssyncadd.s32 $0xFFFFC000  }
0x23: {  	[spmem:s2] =	stream.indirect.scatter.add.f32 [tilespmem:s15], [sflag:$0x3], $0x80, s25, s18, $0xb8;
	[tilespmem:$0x1D400] =	vst v63  }
0x24: {  	_ =	swait.ge [sflag:s19], $0x4000  }
0x25: {  	[sflag:s19] =	ssyncset.done $0x0  }
0x26: {  	[sflag:s19] =	ssyncadd.s32 $0xFFFFC000  }
0x27: {  	[spmem:s2] =	stream.indirect.scatter.add.f32 [tilespmem:s16], [sflag:$0x4], $0x80, s18, s18, $0xb8;
	[tilespmem:$0x1D400] =	vst v63  }
0x28: {  	_ =	swait.ge [sflag:s20], $0x4000  }
0x29: {  	[sflag:s20] =	ssyncset.done $0x0  }
0x2a: {  	s31 =	sadd.s32 $0x0, s12;
	[sflag:s20] =	ssyncadd.s32 $0xFFFFC000  }
0x2b: {  	[tilespmem:s15], [sflag:$0x1] =	stream.linear.gather [hbm4b:s31+s3], $0x4000, $0x38;
	[tilespmem:$0x1D400] =	vst v63  }
0x2c: {  	_ =	swait.ge [sflag:s21], $0x4000  }
0x2d: {  	s28 =	sadd.s32 $0x0, s11;
	[sflag:s21] =	ssyncset.done $0x0  }
0x2e: {  	s26 =	simm.s32 $0x180;
	s25 =	simm.s32 $0x1000;
	[sflag:s21] =	ssyncadd.s32 $0xFFFFC000  }
.LBB2_2:
0x2f: {  	[tilespmem:s16], [sflag:$0x2] =	stream.linear.gather [hbm4b:s28+s3], $0x4000, $0x38;
	[tilespmem:$0x1D400] =	vst v63  }
0x30: {  	s28 =	smov.u32 s25  }
0x31: {  	p0 =	sne.s32 s25, $0x12000;
	s25 =	sadd.s32 $0x1000, s25;
	_ =	swait.ge [sflag:s17], $0x4000  }
0x32: {  	[sflag:s17] =	ssyncset.done $0x0  }
0x33: {  	s29 =	sadd.s32 $0xFFFFFF80, s26;
	[sflag:s17] =	ssyncadd.s32 $0xFFFFC000  }
0x34: {  	[spmem:s2] =	stream.indirect.scatter.add.f32 [tilespmem:s15], [sflag:$0x3], $0x80, s29, s18, $0xb8;
	[tilespmem:$0x1D400] =	vst v63  }
0x35: {  	_ =	swait.ge [sflag:s19], $0x4000  }
0x36: {  	[sflag:s19] =	ssyncset.done $0x0  }
0x37: {  	[sflag:s19] =	ssyncadd.s32 $0xFFFFC000  }
0x38: {  	[spmem:s2] =	stream.indirect.scatter.add.f32 [tilespmem:s16], [sflag:$0x4], $0x80, s26, s18, $0xb8;
	[tilespmem:$0x1D400] =	vst v63  }
0x39: {  	_ =	swait.ge [sflag:s20], $0x4000  }
0x3a: {  	[sflag:s20] =	ssyncset.done $0x0  }
.Ltmp0:
0x3b: {  	s29 =	sadd.s32 s28, s12;
	[sflag:s20] =	ssyncadd.s32 $0xFFFFC000;
	(pc) =	sbr.rel @p0 .LBB2_2-.Ltmp0, $4  }
0x3c: {  	[tilespmem:s15], [sflag:$0x1] =	stream.linear.gather [hbm4b:s29+s3], $0x4000, $0x38;
	[tilespmem:$0x1D400] =	vst v63  }
0x3d: {  	_ =	swait.ge [sflag:s21], $0x4000  }
0x3e: {  	[sflag:s21] =	ssyncset.done $0x0  }
0x3f: {  	s28 =	sadd.s32 s28, s11;
	s26 =	sadd.s32 $0x100, s26;
	[sflag:s21] =	ssyncadd.s32 $0xFFFFC000  }
0x40: {  	[tilespmem:s16], [sflag:$0x2] =	stream.linear.gather [hbm4b:s28+s3], $0x4000, $0x38;
	[tilespmem:$0x1D400] =	vst v63  }
0x41: {  	_ =	swait.ge [sflag:s17], $0x4000  }
0x42: {  	[sflag:s17] =	ssyncset.done $0x0  }
0x43: {  	[sflag:s17] =	ssyncadd.s32 $0xFFFFC000  }
0x44: {  	[spmem:s2] =	stream.indirect.scatter.add.f32 [tilespmem:s15], [sflag:$0x3], $0x80, s22, s18, $0xb8;
	[tilespmem:$0x1D400] =	vst v63  }
0x45: {  	_ =	swait.ge [sflag:s19], $0x4000  }
0x46: {  	[sflag:s19] =	ssyncset.done $0x0  }
0x47: {  	[sflag:s19] =	ssyncadd.s32 $0xFFFFC000  }
0x48: {  	[spmem:s2] =	stream.indirect.scatter.add.f32 [tilespmem:s16], [sflag:$0x4], $0x80, s23, s18, $0xb8;
	[tilespmem:$0x1D400] =	vst v63  }
0x49: {  	_ =	swait.ge [sflag:s20], $0x4000  }
0x4a: {  	[sflag:s20] =	ssyncset.done $0x0  }
0x4b: {  	[sflag:s20] =	ssyncadd.s32 $0xFFFFC000  }
0x4c: {  	_ =	swait.ge [sflag:s21], $0x4000  }
0x4d: {  	s24 =	sadd.s32 $0x1, s24;
	[sflag:s21] =	ssyncset.done $0x0  }
0x4e: {  	p0 =	sne.s32 s24, s10;
	[sflag:s21] =	ssyncadd.s32 $0xFFFFC000  }
.Ltmp1:
0x4f: {  	[bflag:$0x0] =	sbarrier.arrive $0xFFFF;
	(pc) =	sbr.rel @p0 .LBB2_1-.Ltmp1, $4  }
0x50: {  	[hbm:s9], [sflag:s5] =	dma.local [spmem:s13], $0x2800  }
0x51: {  	_ =	swait.ge [sflag:s14], $0x2800  }
0x52: {  	[sflag:s14] =	ssyncset.done $0x0  }
0x53: {  	[sflag:s14] =	ssyncadd.s32 $0xFFFFD800  }
0x54: {  	_ =	sfence.sel $0x180000  }
0x55: {  	[bflag:$0x0] =	sbarrier.arrive $0xFFFF  }
0x56: {  	p0 =	sne.s32 s0, $0x0;
	_ =	strace $0x90000056  }
0x57: {  	s0 =	sadd.s32 @!p0 $0x100000, s1;
	[bflag:$0x2] =	sbarrier.arrive $0xFFFF  }
0x58: {  	[sflag:s0] =	ssyncadd.tile.s32 @!p0 $0x1;
	_ =	shalt  }
.Lfunc_end2:
_tile_overlayer_lowered:
.L_overlay_start_2:
0x59: {  	(tag) =	ssettag $0x2  }
0x5a: {  	s0 =	rddreg [dreg:$0x0];
	s2 =	stileid.u32  }
0x5b: {  	s1 =	rddreg [dreg:$0x1];
	p0 =	sne.s32 s2, $0x0  }
0x5c: {  	s3 =	rddreg [dreg:$0x2];
	[bflag:$0x3] =	sbarrier.arrive $0xFFFF;
	s2 =	simm.s32 @!p0 $0x1C05  }
0x5d: {  	[timem:s3], [sflag:s2] =	dma.local @!p0 [hbm:s0], s1  }
0x5e: {  	s0 =	simm.s32 @!p0 $0x5  }
0x5f: {  	_ =	swait.ge @!p0 [sflag:s0], s1  }
0x60: {  	s1 =	ssub.s32 @!p0 $0x0, s1;
	[sflag:s0] =	ssyncset.done @!p0 $0x0  }
0x61: {  	[sflag:s0] =	ssyncadd.s32 @!p0 s1  }
0x62: {  	[bflag:$0x3] =	sbarrier.arrive $0xFFFF  }
0x63: {  	_ =	shalt  }

// kernel: kernel.31.cloned.1.call-start
scs
__scs_entry_jumppad:
0x0: {  	(pc) =	sbr.rel $0x88, $3  }
0x1: {  	(tag) =	ssettag $0x0;
	lr =	simm.s32 $0x1  }
0x2: {  	[smem:$0x3F95] =	sst lr;
	_ =	strace $0xD0000000  }
0x3: {  	_ = 	snop  }
0x4: {  	_ = 	snop  }
0x5: {  	_ = 	snop  }
0x6: {  	_ = 	snop  }
0x7: {  	_ = 	snop  }
__scs_overlays_trampoline_lowered:
0x8: {  	[smem:$0x3FA4] =	sst s0  }
0x9: {  	[smem:$0x3FA5] =	sst s1  }
0xa: {  	[smem:$0x3FA6] =	sst s2  }
0xb: {  	[smem:$0x3FA7] =	sst s3  }
0xc: {  	[smem:$0x3FA8] =	sst s4  }
0xd: {  	[smem:$0x3FA9] =	sst s5  }
0xe: {  	[smem:$0x3FAA] =	sst s6  }
0xf: {  	[smem:$0x3FAB] =	sst s7  }
0x10: {  	[smem:$0x3FAC] =	sst s8  }
0x11: {  	[smem:$0x3FAD] =	sst s9;
	s0 =	simm.s32 @!p0 $0x0  }
0x12: {  	s1 =	sld [smem:$0x3F93];
	s0 =	simm.s32 @p0 $0x1  }
0x13: {  	[smem:$0x3FAE] =	sst s0;
	s0 =	simm.s32 @!p1 $0x0  }
0x14: {  	s2 =	sld [smem:$0x3F92];
	s0 =	simm.s32 @p1 $0x1  }
0x15: {  	[smem:$0x3FAF] =	sst s0;
	s0 =	simm.s32 @!p2 $0x0  }
0x16: {  	s3 =	sld [smem:$0x3FDB];
	s0 =	simm.s32 @p2 $0x1  }
0x17: {  	s4 =	simm.s32 $0x1BF5;
	[smem:$0x3FB1] =	sst s0  }
0x18: {  	s0 =	sld [smem:$0x3F94];
	_ =	swait.ge [sflag:s4], $0x0  }
0x19: {  	s7 =	sld [smem:$0x3F95]  }
0x1a: {  	s8 =	sadd.s32 $0xFFFFE003, lr  }
0x1b: {  	s9 =	sadd.s32 $0xFFFFFEF7, lr;
	s5 =	simm.s32 $0xFFFFFFFF;
	p2 =	slt.u32 s8, $0xFFFFF086  }
0x1c: {  	p1 =	slt.u32 s9, $0xF7A;
	s5 =	simm.s32 @!p2 $0x0  }
0x1d: {  	s5 =	simm.s32 @p1 $0x1;
	p0 =	seq.s32 s7, s2  }
0x1e: {  	s7 =	smul.u32 @!p0 $0xF7A, s2;
	p2 =	seq.s32 @!p0 s5, $0x0  }
0x1f: {  	s9 =	smul.u32 $0xF7A, s1;
	s8 =	simm.s32 @!p0 $0x1BF5;
	p2 =	por !p2, p0  }
0x20: {  	[sflag:s8] =	ssyncset.s32 @!p0 $0xFFFFF086;
	s6 =	sadd.s32 @!p0 s3, s7;
	s7 =	simm.s32 @!p0 $0x108  }
0x21: {  	s3 =	sadd.s32 s3, s9;
	s6 =	sadd.s32 @!p0 $0x88, s6;
	s7 =	simm.s32 @p2 $0x1082  }
0x22: {  	[simem:s7], [sflag:s8] =	dma.local @!p0 [hbm:s6], $0xF7A  }
0x23: {  	s9 =	sor.u32 $0xD0000000, s2;
	s6 =	simm.s32 $0x108;
	_ =	swait.ge @!p0 [sflag:s8], $0x0  }
0x24: {  	s3 =	sadd.s32 $0x88, s3;
	s6 =	simm.s32 @!p1 $0x1082;
	[sflag:s4] =	ssyncset.s32 $0xFFFFF086  }
0x25: {  	[simem:s6], [sflag:s4] =	dma.local [hbm:s3], $0xF7A  }
0x26: {  	[smem:$0x3F95] =	sst s1;
	(tag) =	ssettag s2;
	_ =	strace s9  }
0x27: {  	s1 =	sld [smem:$0x3FA5]  }
0x28: {  	s2 =	sld [smem:$0x3FA6]  }
0x29: {  	s4 =	sld [smem:$0x3FA8]  }
0x2a: {  	p0 =	seq.s32 s5, $0x0;
	s5 =	sld [smem:$0x3FA9]  }
0x2b: {  	s6 =	sld [smem:$0x3FAA]  }
0x2c: {  	s7 =	sld [smem:$0x3FAB]  }
0x2d: {  	s3 =	simm.s32 $0x108;
	s8 =	sld [smem:$0x3FAC]  }
0x2e: {  	s3 =	simm.s32 @!p0 $0x1082;
	s9 =	sld [smem:$0x3FAD]  }
0x2f: {  	lr =	sadd.s32 s0, s3;
	s0 =	sld [smem:$0x3FA4]  }
0x30: {  	s3 =	sld [smem:$0x3FA7]  }
0x31: {  	[smem:$0x3FB0] =	sst s10  }
0x32: {  	s10 =	sld [smem:$0x3FAE];
	_ =	sdelay $0x3  }
0x33: {  	p0 =	seq.s32 s10, $0x1;
	s10 =	sld [smem:$0x3FB0];
	_ =	sdelay $0x3  }
0x34: {  	[smem:$0x3FB0] =	sst s10  }
0x35: {  	s10 =	sld [smem:$0x3FAF];
	_ =	sdelay $0x3  }
0x36: {  	p1 =	seq.s32 s10, $0x1;
	s10 =	sld [smem:$0x3FB0];
	_ =	sdelay $0x3  }
0x37: {  	[smem:$0x3FB0] =	sst s10  }
0x38: {  	s10 =	sld [smem:$0x3FB1]  }
0x39: {  	_ = 	snop;
	(pc) =	sbr.ind lr, $3  }
0x3a: {  	_ = 	snop  }
0x3b: {  	_ = 	snop  }
0x3c: {  	p2 =	seq.s32 s10, $0x1;
	s10 =	sld [smem:$0x3FB0]  }
0x3d: {  	_ =	shalt  }
0x3e: {  	_ =	shalt  }
0x3f: {  	_ =	shalt  }
0x40: {  	_ =	shalt  }
0x41: {  	_ =	shalt  }
0x42: {  	_ =	shalt  }
0x43: {  	_ =	shalt  }
0x44: {  	_ =	shalt  }
0x45: {  	_ =	shalt  }
0x46: {  	_ =	shalt  }
0x47: {  	_ =	shalt  }
0x48: {  	_ =	shalt  }
0x49: {  	_ =	shalt  }
0x4a: {  	_ =	shalt  }
0x4b: {  	_ =	shalt  }
0x4c: {  	_ =	shalt  }
0x4d: {  	_ =	shalt  }
0x4e: {  	_ =	shalt  }
0x4f: {  	_ =	shalt  }
0x50: {  	_ =	shalt  }
0x51: {  	_ =	shalt  }
0x52: {  	_ =	shalt  }
0x53: {  	_ =	shalt  }
0x54: {  	_ =	shalt  }
0x55: {  	_ =	shalt  }
0x56: {  	_ =	shalt  }
0x57: {  	_ =	shalt  }
0x58: {  	_ =	shalt  }
0x59: {  	_ =	shalt  }
0x5a: {  	_ =	shalt  }
0x5b: {  	_ =	shalt  }
0x5c: {  	_ =	shalt  }
0x5d: {  	_ =	shalt  }
0x5e: {  	_ =	shalt  }
0x5f: {  	_ =	shalt  }
0x60: {  	_ =	shalt  }
0x61: {  	_ =	shalt  }
0x62: {  	_ =	shalt  }
0x63: {  	_ =	shalt  }
0x64: {  	_ =	shalt  }
0x65: {  	_ =	shalt  }
0x66: {  	_ =	shalt  }
0x67: {  	_ =	shalt  }
0x68: {  	_ =	shalt  }
0x69: {  	_ =	shalt  }
0x6a: {  	_ =	shalt  }
0x6b: {  	_ =	shalt  }
0x6c: {  	_ =	shalt  }
0x6d: {  	_ =	shalt  }
0x6e: {  	_ =	shalt  }
0x6f: {  	_ =	shalt  }
0x70: {  	_ =	shalt  }
0x71: {  	_ =	shalt  }
0x72: {  	_ =	shalt  }
0x73: {  	_ =	shalt  }
0x74: {  	_ =	shalt  }
0x75: {  	_ =	shalt  }
0x76: {  	_ =	shalt  }
0x77: {  	_ =	shalt  }
0x78: {  	_ =	shalt  }
0x79: {  	_ =	shalt  }
0x7a: {  	_ =	shalt  }
0x7b: {  	_ =	shalt  }
0x7c: {  	_ =	shalt  }
0x7d: {  	_ =	shalt  }
0x7e: {  	_ =	shalt  }
0x7f: {  	_ =	shalt  }
0x80: {  	_ =	shalt  }
0x81: {  	_ =	shalt  }
0x82: {  	_ =	shalt  }
0x83: {  	_ =	shalt  }
0x84: {  	_ =	shalt  }
0x85: {  	_ =	shalt  }
0x86: {  	_ =	shalt  }
0x87: {  	_ =	shalt  }
.Lfunc_end0:
.L_simem_size_0:
called_computation.5_lowered:
.L_overlay_start_0:
0x88: {  	s2 =	sld [smem:$0x3FD9]  }
0x89: {  	s3 =	sld [smem:$0x3FFE];
	_ =	sdelay $0x1  }
0x8a: {  	s1 =	srdreg.scid  }
0x8b: {  	s0 =	sand.u32 $0x1, s1  }
0x8c: {  	s16 =	sshll.u32 s0, $0xA;
	s2 =	sadd.s32 s3, s2  }
0x8d: {  	s2 =	sadd.s32 s2, s16  }
0x8e: {  	[smem:$0x3FBC] =	sst s2  }
0x8f: {  	_ = 	snop  }
0x90: {  	(tm) =	ssettm $0x1  }
0x91: {  	s17 =	sld [smem:$0x3FFB];
	_ =	sdelay $0x3  }
0x92: {  	_ =	strace s17  }
0x93: {  	s2 =	sld [smem:$0x3FFC];
	_ =	sdelay $0x3  }
0x94: {  	_ =	strace s2  }
0x95: {  	s2 =	sld [smem:$0x3FFD];
	_ =	sdelay $0x3  }
0x96: {  	_ =	strace s2  }
0x97: {  	_ =	strace $0x8FFFFFFF  }
0x98: {  	s18 =	sld [smem:$0x3FDB];
	_ =	sdelay $0x1  }
0x99: {  	s19 =	simm.s32 $_scs_section_size  }
0x9a: {  	s4 =	simm.s32 $_size__tile_overlayer_lowered;
	s5 =	simm.s32 $_tile_overlayer_lowered  }
0x9b: {  	s22 =	simm.s32 $0x1BFF;
	s21 =	sshll.u32 s5, $0x1;
	s2 =	sadd.s32 s19, s18  }
0x9c: {  	s6 =	simm.s32 $0x0;
	s20 =	sshll.u32 s4, $0x1;
	s4 =	sadd.s32 s21, s2  }
0x9d: {  	[timem:s6], [sflag:s22] =	dma.local [hbm:s4], s20  }
0x9e: {  	_ =	swait.ge [sflag:s22], s20  }
0x9f: {  	s3 =	ssub.s32 $0x0, s20;
	[sflag:s22] =	ssyncset.done $0x0  }
0xa0: {  	[sflag:s22] =	ssyncadd.s32 s3;
	_ =	sdelay $0x1  }
0xa1: {  	s23 =	simm.s32 $0x1B8B  }
0xa2: {  	_ =	swait.ge [sflag:s23], $0x1  }
0xa3: {  	[sflag:s23] =	ssyncset.done $0x0  }
0xa4: {  	s25 =	simm.s32 $0x1B8E;
	s24 =	sld [smem:$0x3FFE];
	[sflag:s23] =	ssyncadd.s32 $0xFFFFFFFF  }
0xa5: {  	s26 =	simm.s32 $execute0_lowered;
	[smem:$0x3FD2] =	sst s25  }
0xa6: {  	s4 =	sshll.u32 s26, $0x1;
	_ =	strace $0x80000052;
	[dreg:$0x1] =	wrdreg $0xFFFFFFFF  }
0xa7: {  	s28 =	simm.s32 $_size_execute0_lowered;
	s2 =	sadd.s32 s2, s4;
	[dreg:$0x0] =	wrdreg $0x0  }
0xa8: {  	s4 =	sshll.u32 s28, $0x1;
	[dreg:$0x2] =	wrdreg s2  }
0xa9: {  	[dreg:$0x3] =	wrdreg s4  }
0xaa: {  	[dreg:$0x4] =	wrdreg $0xC0  }
0xab: {  	_ =	task [dreg:s6], $0x5FFFF  }
0xac: {  	[dreg:$0x1] =	wrdreg $0xFFFFFFFF  }
0xad: {  	[dreg:$0x0] =	wrdreg $0x60  }
0xae: {  	[dreg:$0x2] =	wrdreg s24  }
0xaf: {  	[dreg:$0x3] =	wrdreg $0x94000  }
0xb0: {  	[dreg:$0x4] =	wrdreg $0xA  }
0xb1: {  	_ =	task.clear_ibuf [dreg:s6], $0x5FFFF;
	_ =	strace $0x90000052  }
0xb2: {  	s29 =	simm.s32 $0xA;
	_ =	strace $0x80000054  }
0xb3: {  	_ =	swait.ge [sflag:s29], $0x1  }
0xb4: {  	[sflag:s29] =	ssyncadd.s32 $0xFFFFFFFF  }
0xb5: {  	_ =	strace $0x90000054  }
0xb6: {  	_ =	sfence  }
0xb7: {  	s30 =	sld [smem:$0x0];
	_ =	sdelay $0x2  }
0xb8: {  	s31 =	sshll.u32 s1, $0xD;
	s1 =	sshrl.u32 s1, $0x2  }
0xb9: {  	s3 =	sand.u32 $0x4000, s31;
	s1 =	sadd.s32 s1, s30  }
0xba: {  	s0 =	sor.u32 s3, s0;
	s1 =	sshll.u32 s1, $0x11  }
0xbb: {  	s0 =	sor.u32 s1, s0  }
0xbc: {  	s0 =	sadd.s32 $0x8F2B, s0  }
0xbd: {  	[sflag:s0] =	ssyncadd.remote.s32 $0x1  }
0xbe: {  	_ =	sfence.sel $0xFFFF  }
0xbf: {  	[dreg:$0x0] =	wrdreg $0xFFFFFFFF;
	(pc) =	sbr.abs _section_cstart, $3  }
0xc0: {  	[dreg:$0x1] =	wrdreg $0xFFFFFFFF  }
0xc1: {  	_ =	task.clear_ibuf [dreg:s6], $0x2FFFF;
	_ =	strace $0x9FFFFFFF  }
0xc2: {  	(tm) =	ssettm $0x7FFFFFFF  }
0xc3: {  	_ =	shalt  }
tec
execute0_lowered:
.L_overlay_start_1:
0x0: {  	(tag) =	ssettag $0x1  }
0x1: {  	s4 =	rddreg [dreg:$0x0];
	s1 =	srdreg.scid  }
0x2: {  	s0 =	stileid.u32;
	s2 =	rddreg [dreg:$0x1]  }
0x3: {  	s3 =	simm.s32 $0x0;
	s16 =	simm.s32 $0x5400;
	s17 =	simm.s32 $0x1  }
0x4: {  	s18 =	simm.s32 $0x80;
	s19 =	simm.s32 $0x2;
	s20 =	simm.s32 $0x3  }
0x5: {  	s21 =	simm.s32 $0x4;
	s22 =	simm.s32 $0x1300;
	s8 =	smul.u32 $0x2800, s0  }
0x6: {  	s5 =	sand.u32 $0x1, s1;
	s1 =	rddreg [dreg:$0x2];
	s13 =	smul.u32 $0x50000, s0  }
0x7: {  	s6 =	sshll.u32 s0, $0x1;
	[smem:$0x7FF] =	sst s3;
	s24 =	smul.u32 $0x140000, s0  }
0x8: {  	s12 =	sadd.s32 $0xA3B800, s4;
	s26 =	sshll.u32 s0, $0x6;
	s9 =	smul.u32 $0x28000, s5  }
0x9: {  	s6 =	sor.u32 s5, s6;
	_ =	strace $0x80000053;
	s28 =	smul.u32 $0xA0000, s5  }
0xa: {  	s11 =	ssub.s32 $0x2, s5;
	s5 =	sor.u32 $0x1C05, s26;
	s7 =	smul.u32 $0x280, s6  }
0xb: {  	s10 =	sadd.s32 s8, s4;
	s23 =	sshrl.u32 s11, $0x1;
	s14 =	smul.u32 $0x14000, s6  }
0xc: {  	s25 =	sshrl.u32 s13, $0x2;
	s8 =	sadd.s32 s8, s9;
	s11 =	ssub.s32 s11, s23  }
0xd: {  	s13 =	sadd.s32 s25, s2;
	s9 =	sadd.s32 s28, s24;
	s23 =	simm.s32 $0x1380  }
0xe: {  	s24 =	simm.s32 $0x0;
	s7 =	sadd.s32 s7, s4;
	s15 =	sadd.s32 s8, s4  }
0xf: {  	s4 =	sadd.s32 $0x2BB800, s10;
	s29 =	sor.u32 $0xC000, s9;
	s30 =	sor.u32 $0x8000, s9  }
0x10: {  	s10 =	smax.u32 s11, $0x1;
	s13 =	sshrl.u32 s13, $0x3;
	s6 =	sadd.s32 $0x2B6800, s7  }
0x11: {  	s7 =	sadd.s32 s12, s14;
	s9 =	sadd.s32 $0x2E3800, s15;
	s31 =	sshrl.u32 s29, $0x3  }
0x12: {  	s14 =	sshrl.u32 s30, $0x3;
	s15 =	simm.s32 $0x1400;
	s8 =	sadd.s32 $0x800, s7  }
0x13: {  	s11 =	sadd.s32 s31, s12;
	s12 =	sadd.s32 s14, s12;
	s14 =	simm.s32 $0x5  }
.LBB2_1:
0x14: {  	[spmem:s13], [sflag:s5] =	dma.local [hbm:s4], $0x2800  }
0x15: {  	_ =	swait.ge [sflag:s14], $0x2800  }
0x16: {  	[sflag:s14] =	ssyncset.done $0x0  }
0x17: {  	[sflag:s14] =	ssyncadd.s32 $0xFFFFD800  }
0x18: {  	[tilespmem:s3], [sflag:$0x5] =	stream.linear.gather [hbm4b:s6+s3], $0x1400, $0x38;
	[tilespmem:$0x1D400] =	vst v63  }
0x19: {  	_ =	swait.ge [sflag:s14], $0x1400  }
0x1a: {  	[sflag:s14] =	ssyncset.done $0x0  }
0x1b: {  	[sflag:s14] =	ssyncadd.s32 $0xFFFFEC00  }
0x1c: {  	[bflag:$0x0] =	sbarrier.arrive $0xFFFF  }
0x1d: {  	[tilespmem:s15], [sflag:$0x1] =	stream.linear.gather [hbm4b:s7+s3], $0x4000, $0x38;
	[tilespmem:$0x1D400] =	vst v63  }
0x1e: {  	_ = 	snop  }
0x1f: {  	[tilespmem:s16], [sflag:$0x2] =	stream.linear.gather [hbm4b:s8+s3], $0x4000, $0x38;
	[tilespmem:$0x1D400] =	vst v63  }
0x20: {  	_ =	swait.ge [sflag:s17], $0x4000  }
0x21: {  	[sflag:s17] =	ssyncset.done $0x0  }
0x22: {  	s25 =	simm.s32 $0x0;
	[sflag:s17] =	ssyncadd.s32 $0xFFFFC000  }
0x23: {  	[spmem:s2] =	stream.indirect.scatter.add.f32 [tilespmem:s15], [sflag:$0x3], $0x80, s25, s18, $0xb8;
	[tilespmem:$0x1D400] =	vst v63  }
0x24: {  	_ =	swait.ge [sflag:s19], $0x4000  }
0x25: {  	[sflag:s19] =	ssyncset.done $0x0  }
0x26: {  	[sflag:s19] =	ssyncadd.s32 $0xFFFFC000  }
0x27: {  	[spmem:s2] =	stream.indirect.scatter.add.f32 [tilespmem:s16], [sflag:$0x4], $0x80, s18, s18, $0xb8;
	[tilespmem:$0x1D400] =	vst v63  }
0x28: {  	_ =	swait.ge [sflag:s20], $0x4000  }
0x29: {  	[sflag:s20] =	ssyncset.done $0x0  }
0x2a: {  	s31 =	sadd.s32 $0x0, s12;
	[sflag:s20] =	ssyncadd.s32 $0xFFFFC000  }
0x2b: {  	[tilespmem:s15], [sflag:$0x1] =	stream.linear.gather [hbm4b:s31+s3], $0x4000, $0x38;
	[tilespmem:$0x1D400] =	vst v63  }
0x2c: {  	_ =	swait.ge [sflag:s21], $0x4000  }
0x2d: {  	s28 =	sadd.s32 $0x0, s11;
	[sflag:s21] =	ssyncset.done $0x0  }
0x2e: {  	s26 =	simm.s32 $0x180;
	s25 =	simm.s32 $0x1000;
	[sflag:s21] =	ssyncadd.s32 $0xFFFFC000  }
.LBB2_2:
0x2f: {  	[tilespmem:s16], [sflag:$0x2] =	stream.linear.gather [hbm4b:s28+s3], $0x4000, $0x38;
	[tilespmem:$0x1D400] =	vst v63  }
0x30: {  	s28 =	smov.u32 s25  }
0x31: {  	p0 =	sne.s32 s25, $0x12000;
	s25 =	sadd.s32 $0x1000, s25;
	_ =	swait.ge [sflag:s17], $0x4000  }
0x32: {  	[sflag:s17] =	ssyncset.done $0x0  }
0x33: {  	s29 =	sadd.s32 $0xFFFFFF80, s26;
	[sflag:s17] =	ssyncadd.s32 $0xFFFFC000  }
0x34: {  	[spmem:s2] =	stream.indirect.scatter.add.f32 [tilespmem:s15], [sflag:$0x3], $0x80, s29, s18, $0xb8;
	[tilespmem:$0x1D400] =	vst v63  }
0x35: {  	_ =	swait.ge [sflag:s19], $0x4000  }
0x36: {  	[sflag:s19] =	ssyncset.done $0x0  }
0x37: {  	[sflag:s19] =	ssyncadd.s32 $0xFFFFC000  }
0x38: {  	[spmem:s2] =	stream.indirect.scatter.add.f32 [tilespmem:s16], [sflag:$0x4], $0x80, s26, s18, $0xb8;
	[tilespmem:$0x1D400] =	vst v63  }
0x39: {  	_ =	swait.ge [sflag:s20], $0x4000  }
0x3a: {  	[sflag:s20] =	ssyncset.done $0x0  }
.Ltmp0:
0x3b: {  	s29 =	sadd.s32 s28, s12;
	[sflag:s20] =	ssyncadd.s32 $0xFFFFC000;
	(pc) =	sbr.rel @p0 .LBB2_2-.Ltmp0, $4  }
0x3c: {  	[tilespmem:s15], [sflag:$0x1] =	stream.linear.gather [hbm4b:s29+s3], $0x4000, $0x38;
	[tilespmem:$0x1D400] =	vst v63  }
0x3d: {  	_ =	swait.ge [sflag:s21], $0x4000  }
0x3e: {  	[sflag:s21] =	ssyncset.done $0x0  }
0x3f: {  	s28 =	sadd.s32 s28, s11;
	s26 =	sadd.s32 $0x100, s26;
	[sflag:s21] =	ssyncadd.s32 $0xFFFFC000  }
0x40: {  	[tilespmem:s16], [sflag:$0x2] =	stream.linear.gather [hbm4b:s28+s3], $0x4000, $0x38;
	[tilespmem:$0x1D400] =	vst v63  }
0x41: {  	_ =	swait.ge [sflag:s17], $0x4000  }
0x42: {  	[sflag:s17] =	ssyncset.done $0x0  }
0x43: {  	[sflag:s17] =	ssyncadd.s32 $0xFFFFC000  }
0x44: {  	[spmem:s2] =	stream.indirect.scatter.add.f32 [tilespmem:s15], [sflag:$0x3], $0x80, s22, s18, $0xb8;
	[tilespmem:$0x1D400] =	vst v63  }
0x45: {  	_ =	swait.ge [sflag:s19], $0x4000  }
0x46: {  	[sflag:s19] =	ssyncset.done $0x0  }
0x47: {  	[sflag:s19] =	ssyncadd.s32 $0xFFFFC000  }
0x48: {  	[spmem:s2] =	stream.indirect.scatter.add.f32 [tilespmem:s16], [sflag:$0x4], $0x80, s23, s18, $0xb8;
	[tilespmem:$0x1D400] =	vst v63  }
0x49: {  	_ =	swait.ge [sflag:s20], $0x4000  }
0x4a: {  	[sflag:s20] =	ssyncset.done $0x0  }
0x4b: {  	[sflag:s20] =	ssyncadd.s32 $0xFFFFC000  }
0x4c: {  	_ =	swait.ge [sflag:s21], $0x4000  }
0x4d: {  	s24 =	sadd.s32 $0x1, s24;
	[sflag:s21] =	ssyncset.done $0x0  }
0x4e: {  	p0 =	sne.s32 s24, s10;
	[sflag:s21] =	ssyncadd.s32 $0xFFFFC000  }
.Ltmp1:
0x4f: {  	[bflag:$0x0] =	sbarrier.arrive $0xFFFF;
	(pc) =	sbr.rel @p0 .LBB2_1-.Ltmp1, $4  }
0x50: {  	[hbm:s9], [sflag:s5] =	dma.local [spmem:s13], $0x2800  }
0x51: {  	_ =	swait.ge [sflag:s14], $0x2800  }
0x52: {  	[sflag:s14] =	ssyncset.done $0x0  }
0x53: {  	[sflag:s14] =	ssyncadd.s32 $0xFFFFD800  }
0x54: {  	_ =	sfence.sel $0x180000  }
0x55: {  	[bflag:$0x0] =	sbarrier.arrive $0xFFFF  }
0x56: {  	p0 =	sne.s32 s0, $0x0;
	_ =	strace $0x90000053  }
0x57: {  	s0 =	sadd.s32 @!p0 $0x100000, s1;
	[bflag:$0x2] =	sbarrier.arrive $0xFFFF  }
0x58: {  	[sflag:s0] =	ssyncadd.tile.s32 @!p0 $0x1;
	_ =	shalt  }
.Lfunc_end2:
_tile_overlayer_lowered:
.L_overlay_start_2:
0x59: {  	(tag) =	ssettag $0x2  }
0x5a: {  	s0 =	rddreg [dreg:$0x0];
	s2 =	stileid.u32  }
0x5b: {  	s1 =	rddreg [dreg:$0x1];
	p0 =	sne.s32 s2, $0x0  }
0x5c: {  	s3 =	rddreg [dreg:$0x2];
	[bflag:$0x3] =	sbarrier.arrive $0xFFFF;
	s2 =	simm.s32 @!p0 $0x1C05  }
0x5d: {  	[timem:s3], [sflag:s2] =	dma.local @!p0 [hbm:s0], s1  }
0x5e: {  	s0 =	simm.s32 @!p0 $0x5  }
0x5f: {  	_ =	swait.ge @!p0 [sflag:s0], s1  }
0x60: {  	s1 =	ssub.s32 @!p0 $0x0, s1;
	[sflag:s0] =	ssyncset.done @!p0 $0x0  }
0x61: {  	[sflag:s0] =	ssyncadd.s32 @!p0 s1  }
0x62: {  	[bflag:$0x3] =	sbarrier.arrive $0xFFFF  }
0x63: {  	_ =	shalt  }

// kernel: kernel.34.cloned.1.call-start
scs
__scs_entry_jumppad:
0x0: {  	(pc) =	sbr.rel $0x88, $3  }
0x1: {  	(tag) =	ssettag $0x0;
	lr =	simm.s32 $0x1  }
0x2: {  	[smem:$0x3F95] =	sst lr;
	_ =	strace $0xD0000000  }
0x3: {  	_ = 	snop  }
0x4: {  	_ = 	snop  }
0x5: {  	_ = 	snop  }
0x6: {  	_ = 	snop  }
0x7: {  	_ = 	snop  }
__scs_overlays_trampoline_lowered:
0x8: {  	[smem:$0x3FA4] =	sst s0  }
0x9: {  	[smem:$0x3FA5] =	sst s1  }
0xa: {  	[smem:$0x3FA6] =	sst s2  }
0xb: {  	[smem:$0x3FA7] =	sst s3  }
0xc: {  	[smem:$0x3FA8] =	sst s4  }
0xd: {  	[smem:$0x3FA9] =	sst s5  }
0xe: {  	[smem:$0x3FAA] =	sst s6  }
0xf: {  	[smem:$0x3FAB] =	sst s7  }
0x10: {  	[smem:$0x3FAC] =	sst s8  }
0x11: {  	[smem:$0x3FAD] =	sst s9;
	s0 =	simm.s32 @!p0 $0x0  }
0x12: {  	s1 =	sld [smem:$0x3F93];
	s0 =	simm.s32 @p0 $0x1  }
0x13: {  	[smem:$0x3FAE] =	sst s0;
	s0 =	simm.s32 @!p1 $0x0  }
0x14: {  	s2 =	sld [smem:$0x3F92];
	s0 =	simm.s32 @p1 $0x1  }
0x15: {  	[smem:$0x3FAF] =	sst s0;
	s0 =	simm.s32 @!p2 $0x0  }
0x16: {  	s3 =	sld [smem:$0x3FDB];
	s0 =	simm.s32 @p2 $0x1  }
0x17: {  	s4 =	simm.s32 $0x1BF5;
	[smem:$0x3FB1] =	sst s0  }
0x18: {  	s0 =	sld [smem:$0x3F94];
	_ =	swait.ge [sflag:s4], $0x0  }
0x19: {  	s7 =	sld [smem:$0x3F95]  }
0x1a: {  	s8 =	sadd.s32 $0xFFFFE003, lr  }
0x1b: {  	s9 =	sadd.s32 $0xFFFFFEF7, lr;
	s5 =	simm.s32 $0xFFFFFFFF;
	p2 =	slt.u32 s8, $0xFFFFF086  }
0x1c: {  	p1 =	slt.u32 s9, $0xF7A;
	s5 =	simm.s32 @!p2 $0x0  }
0x1d: {  	s5 =	simm.s32 @p1 $0x1;
	p0 =	seq.s32 s7, s2  }
0x1e: {  	s7 =	smul.u32 @!p0 $0xF7A, s2;
	p2 =	seq.s32 @!p0 s5, $0x0  }
0x1f: {  	s9 =	smul.u32 $0xF7A, s1;
	s8 =	simm.s32 @!p0 $0x1BF5;
	p2 =	por !p2, p0  }
0x20: {  	[sflag:s8] =	ssyncset.s32 @!p0 $0xFFFFF086;
	s6 =	sadd.s32 @!p0 s3, s7;
	s7 =	simm.s32 @!p0 $0x108  }
0x21: {  	s3 =	sadd.s32 s3, s9;
	s6 =	sadd.s32 @!p0 $0x88, s6;
	s7 =	simm.s32 @p2 $0x1082  }
0x22: {  	[simem:s7], [sflag:s8] =	dma.local @!p0 [hbm:s6], $0xF7A  }
0x23: {  	s9 =	sor.u32 $0xD0000000, s2;
	s6 =	simm.s32 $0x108;
	_ =	swait.ge @!p0 [sflag:s8], $0x0  }
0x24: {  	s3 =	sadd.s32 $0x88, s3;
	s6 =	simm.s32 @!p1 $0x1082;
	[sflag:s4] =	ssyncset.s32 $0xFFFFF086  }
0x25: {  	[simem:s6], [sflag:s4] =	dma.local [hbm:s3], $0xF7A  }
0x26: {  	[smem:$0x3F95] =	sst s1;
	(tag) =	ssettag s2;
	_ =	strace s9  }
0x27: {  	s1 =	sld [smem:$0x3FA5]  }
0x28: {  	s2 =	sld [smem:$0x3FA6]  }
0x29: {  	s4 =	sld [smem:$0x3FA8]  }
0x2a: {  	p0 =	seq.s32 s5, $0x0;
	s5 =	sld [smem:$0x3FA9]  }
0x2b: {  	s6 =	sld [smem:$0x3FAA]  }
0x2c: {  	s7 =	sld [smem:$0x3FAB]  }
0x2d: {  	s3 =	simm.s32 $0x108;
	s8 =	sld [smem:$0x3FAC]  }
0x2e: {  	s3 =	simm.s32 @!p0 $0x1082;
	s9 =	sld [smem:$0x3FAD]  }
0x2f: {  	lr =	sadd.s32 s0, s3;
	s0 =	sld [smem:$0x3FA4]  }
0x30: {  	s3 =	sld [smem:$0x3FA7]  }
0x31: {  	[smem:$0x3FB0] =	sst s10  }
0x32: {  	s10 =	sld [smem:$0x3FAE];
	_ =	sdelay $0x3  }
0x33: {  	p0 =	seq.s32 s10, $0x1;
	s10 =	sld [smem:$0x3FB0];
	_ =	sdelay $0x3  }
0x34: {  	[smem:$0x3FB0] =	sst s10  }
0x35: {  	s10 =	sld [smem:$0x3FAF];
	_ =	sdelay $0x3  }
0x36: {  	p1 =	seq.s32 s10, $0x1;
	s10 =	sld [smem:$0x3FB0];
	_ =	sdelay $0x3  }
0x37: {  	[smem:$0x3FB0] =	sst s10  }
0x38: {  	s10 =	sld [smem:$0x3FB1]  }
0x39: {  	_ = 	snop;
	(pc) =	sbr.ind lr, $3  }
0x3a: {  	_ = 	snop  }
0x3b: {  	_ = 	snop  }
0x3c: {  	p2 =	seq.s32 s10, $0x1;
	s10 =	sld [smem:$0x3FB0]  }
0x3d: {  	_ =	shalt  }
0x3e: {  	_ =	shalt  }
0x3f: {  	_ =	shalt  }
0x40: {  	_ =	shalt  }
0x41: {  	_ =	shalt  }
0x42: {  	_ =	shalt  }
0x43: {  	_ =	shalt  }
0x44: {  	_ =	shalt  }
0x45: {  	_ =	shalt  }
0x46: {  	_ =	shalt  }
0x47: {  	_ =	shalt  }
0x48: {  	_ =	shalt  }
0x49: {  	_ =	shalt  }
0x4a: {  	_ =	shalt  }
0x4b: {  	_ =	shalt  }
0x4c: {  	_ =	shalt  }
0x4d: {  	_ =	shalt  }
0x4e: {  	_ =	shalt  }
0x4f: {  	_ =	shalt  }
0x50: {  	_ =	shalt  }
0x51: {  	_ =	shalt  }
0x52: {  	_ =	shalt  }
0x53: {  	_ =	shalt  }
0x54: {  	_ =	shalt  }
0x55: {  	_ =	shalt  }
0x56: {  	_ =	shalt  }
0x57: {  	_ =	shalt  }
0x58: {  	_ =	shalt  }
0x59: {  	_ =	shalt  }
0x5a: {  	_ =	shalt  }
0x5b: {  	_ =	shalt  }
0x5c: {  	_ =	shalt  }
0x5d: {  	_ =	shalt  }
0x5e: {  	_ =	shalt  }
0x5f: {  	_ =	shalt  }
0x60: {  	_ =	shalt  }
0x61: {  	_ =	shalt  }
0x62: {  	_ =	shalt  }
0x63: {  	_ =	shalt  }
0x64: {  	_ =	shalt  }
0x65: {  	_ =	shalt  }
0x66: {  	_ =	shalt  }
0x67: {  	_ =	shalt  }
0x68: {  	_ =	shalt  }
0x69: {  	_ =	shalt  }
0x6a: {  	_ =	shalt  }
0x6b: {  	_ =	shalt  }
0x6c: {  	_ =	shalt  }
0x6d: {  	_ =	shalt  }
0x6e: {  	_ =	shalt  }
0x6f: {  	_ =	shalt  }
0x70: {  	_ =	shalt  }
0x71: {  	_ =	shalt  }
0x72: {  	_ =	shalt  }
0x73: {  	_ =	shalt  }
0x74: {  	_ =	shalt  }
0x75: {  	_ =	shalt  }
0x76: {  	_ =	shalt  }
0x77: {  	_ =	shalt  }
0x78: {  	_ =	shalt  }
0x79: {  	_ =	shalt  }
0x7a: {  	_ =	shalt  }
0x7b: {  	_ =	shalt  }
0x7c: {  	_ =	shalt  }
0x7d: {  	_ =	shalt  }
0x7e: {  	_ =	shalt  }
0x7f: {  	_ =	shalt  }
0x80: {  	_ =	shalt  }
0x81: {  	_ =	shalt  }
0x82: {  	_ =	shalt  }
0x83: {  	_ =	shalt  }
0x84: {  	_ =	shalt  }
0x85: {  	_ =	shalt  }
0x86: {  	_ =	shalt  }
0x87: {  	_ =	shalt  }
.Lfunc_end0:
.L_simem_size_0:
called_computation.6_lowered:
.L_overlay_start_0:
0x88: {  	s2 =	sld [smem:$0x3FD9]  }
0x89: {  	s3 =	sld [smem:$0x3FFE];
	_ =	sdelay $0x1  }
0x8a: {  	s1 =	srdreg.scid  }
0x8b: {  	s0 =	sand.u32 $0x1, s1  }
0x8c: {  	s16 =	sshll.u32 s0, $0xA;
	s2 =	sadd.s32 s3, s2  }
0x8d: {  	s2 =	sadd.s32 s2, s16  }
0x8e: {  	[smem:$0x3FBC] =	sst s2  }
0x8f: {  	_ = 	snop  }
0x90: {  	(tm) =	ssettm $0x1  }
0x91: {  	s17 =	sld [smem:$0x3FFB];
	_ =	sdelay $0x3  }
0x92: {  	_ =	strace s17  }
0x93: {  	s2 =	sld [smem:$0x3FFC];
	_ =	sdelay $0x3  }
0x94: {  	_ =	strace s2  }
0x95: {  	s2 =	sld [smem:$0x3FFD];
	_ =	sdelay $0x3  }
0x96: {  	_ =	strace s2  }
0x97: {  	_ =	strace $0x8FFFFFFF  }
0x98: {  	s18 =	sld [smem:$0x3FDB];
	_ =	sdelay $0x1  }
0x99: {  	s19 =	simm.s32 $_scs_section_size  }
0x9a: {  	s4 =	simm.s32 $_size__tile_overlayer_lowered;
	s5 =	simm.s32 $_tile_overlayer_lowered  }
0x9b: {  	s22 =	simm.s32 $0x1BFF;
	s21 =	sshll.u32 s5, $0x1;
	s2 =	sadd.s32 s19, s18  }
0x9c: {  	s6 =	simm.s32 $0x0;
	s20 =	sshll.u32 s4, $0x1;
	s4 =	sadd.s32 s21, s2  }
0x9d: {  	[timem:s6], [sflag:s22] =	dma.local [hbm:s4], s20  }
0x9e: {  	_ =	swait.ge [sflag:s22], s20  }
0x9f: {  	s3 =	ssub.s32 $0x0, s20;
	[sflag:s22] =	ssyncset.done $0x0  }
0xa0: {  	[sflag:s22] =	ssyncadd.s32 s3;
	_ =	sdelay $0x1  }
0xa1: {  	s23 =	simm.s32 $0x1B8B  }
0xa2: {  	_ =	swait.ge [sflag:s23], $0x1  }
0xa3: {  	[sflag:s23] =	ssyncset.done $0x0  }
0xa4: {  	s25 =	simm.s32 $0x1B8E;
	s24 =	sld [smem:$0x3FFE];
	[sflag:s23] =	ssyncadd.s32 $0xFFFFFFFF  }
0xa5: {  	s26 =	simm.s32 $execute0_lowered;
	[smem:$0x3FD2] =	sst s25  }
0xa6: {  	s4 =	sshll.u32 s26, $0x1;
	_ =	strace $0x80000058;
	[dreg:$0x1] =	wrdreg $0xFFFFFFFF  }
0xa7: {  	s28 =	simm.s32 $_size_execute0_lowered;
	s2 =	sadd.s32 s2, s4;
	[dreg:$0x0] =	wrdreg $0x0  }
0xa8: {  	s4 =	sshll.u32 s28, $0x1;
	[dreg:$0x2] =	wrdreg s2  }
0xa9: {  	[dreg:$0x3] =	wrdreg s4  }
0xaa: {  	[dreg:$0x4] =	wrdreg $0xC0  }
0xab: {  	_ =	task [dreg:s6], $0x5FFFF  }
0xac: {  	[dreg:$0x1] =	wrdreg $0xFFFFFFFF  }
0xad: {  	[dreg:$0x0] =	wrdreg $0x60  }
0xae: {  	[dreg:$0x2] =	wrdreg s24  }
0xaf: {  	[dreg:$0x3] =	wrdreg $0x94000  }
0xb0: {  	[dreg:$0x4] =	wrdreg $0x9  }
0xb1: {  	_ =	task.clear_ibuf [dreg:s6], $0x5FFFF;
	_ =	strace $0x90000058  }
0xb2: {  	s29 =	simm.s32 $0x9;
	_ =	strace $0x8000005A  }
0xb3: {  	_ =	swait.ge [sflag:s29], $0x1  }
0xb4: {  	[sflag:s29] =	ssyncadd.s32 $0xFFFFFFFF  }
0xb5: {  	_ =	strace $0x9000005A  }
0xb6: {  	_ =	sfence  }
0xb7: {  	s30 =	sld [smem:$0x0];
	_ =	sdelay $0x2  }
0xb8: {  	s31 =	sshll.u32 s1, $0xD;
	s1 =	sshrl.u32 s1, $0x2  }
0xb9: {  	s3 =	sand.u32 $0x4000, s31;
	s1 =	sadd.s32 s1, s30  }
0xba: {  	s0 =	sor.u32 s3, s0;
	s1 =	sshll.u32 s1, $0x11  }
0xbb: {  	s0 =	sor.u32 s1, s0  }
0xbc: {  	s0 =	sadd.s32 $0x8F2B, s0  }
0xbd: {  	[sflag:s0] =	ssyncadd.remote.s32 $0x1  }
0xbe: {  	_ =	sfence.sel $0xFFFF  }
0xbf: {  	[dreg:$0x0] =	wrdreg $0xFFFFFFFF;
	(pc) =	sbr.abs _section_cstart, $3  }
0xc0: {  	[dreg:$0x1] =	wrdreg $0xFFFFFFFF  }
0xc1: {  	_ =	task.clear_ibuf [dreg:s6], $0x2FFFF;
	_ =	strace $0x9FFFFFFF  }
0xc2: {  	(tm) =	ssettm $0x7FFFFFFF  }
0xc3: {  	_ =	shalt  }
tec
execute0_lowered:
.L_overlay_start_1:
0x0: {  	(tag) =	ssettag $0x1  }
0x1: {  	s4 =	rddreg [dreg:$0x0]  }
0x2: {  	s2 =	rddreg [dreg:$0x1];
	s1 =	stileid.u32  }
0x3: {  	s3 =	srdreg.scid;
	s0 =	rddreg [dreg:$0x2];
	s17 =	simm.s32 $0x1  }
0x4: {  	s18 =	simm.s32 $0x2;
	s19 =	simm.s32 $0x3;
	s6 =	smul.u32 $0x2800, s1  }
0x5: {  	s20 =	simm.s32 $0x4;
	s21 =	simm.s32 $0x0;
	s8 =	smul.u32 $0x50000, s1  }
0x6: {  	s9 =	sand.u32 $0x1, s3;
	s5 =	sshll.u32 s1, $0x1;
	s15 =	smul.u32 $0x28000, s1  }
0x7: {  	s3 =	simm.s32 $0x0;
	s11 =	sadd.s32 $0x9800, s4;
	s28 =	smul.u32 $0x140000, s1  }
0x8: {  	s25 =	sshll.u32 s1, $0x6;
	s5 =	sor.u32 s9, s5;
	s16 =	smul.u32 $0xA0000, s9  }
0x9: {  	[smem:$0x7FF] =	sst s3;
	s24 =	ssub.s32 $0x2, s9;
	s29 =	smul.u32 $0x14000, s9  }
0xa: {  	s7 =	smul.u32 $0x280, s5;
	_ =	strace $0x80000059;
	s6 =	sadd.s32 s6, s4  }
0xb: {  	s10 =	sshrl.u32 s24, $0x1;
	s8 =	sshrl.u32 s8, $0x2;
	s12 =	smul.u32 $0xA0000, s5  }
0xc: {  	s14 =	smul.u32 $0x14000, s5;
	s5 =	sor.u32 $0x1C05, s25;
	s31 =	sadd.s32 s15, s11  }
0xd: {  	s15 =	simm.s32 $0x1400;
	s10 =	ssub.s32 s24, s10;
	s13 =	sadd.s32 s8, s2  }
0xe: {  	s7 =	sadd.s32 s7, s4;
	s4 =	sadd.s32 $0x2E3800, s6;
	s26 =	sshrl.u32 s12, $0x3  }
0xf: {  	s30 =	sadd.s32 s14, s11;
	s12 =	sadd.s32 s16, s28;
	s14 =	simm.s32 $0x80  }
0x10: {  	s16 =	simm.s32 $0x5400;
	s6 =	sadd.s32 $0x4800, s7;
	s8 =	sadd.s32 s11, s26  }
0x11: {  	s7 =	smax.u32 s10, $0x1;
	s9 =	sadd.s32 $0x13800, s30;
	s10 =	sadd.s32 s29, s31  }
0x12: {  	s12 =	sshrl.u32 s12, $0x3;
	s8 =	sadd.s32 $0x13000, s8;
	s10 =	sadd.s32 $0x800, s10  }
0x13: {  	s11 =	sadd.s32 s12, s11;
	s12 =	sshrl.u32 s13, $0x3;
	s13 =	simm.s32 $0x5  }
.LBB2_1:
0x14: {  	[spmem:s12], [sflag:s5] =	dma.local [hbm:s4], $0x2800  }
0x15: {  	_ =	swait.ge [sflag:s13], $0x2800  }
0x16: {  	[sflag:s13] =	ssyncset.done $0x0  }
0x17: {  	[sflag:s13] =	ssyncadd.s32 $0xFFFFD800  }
0x18: {  	[tilespmem:s3], [sflag:$0x5] =	stream.linear.gather [hbm4b:s6+s3], $0x1400, $0x38;
	[tilespmem:$0x1D400] =	vst v63  }
0x19: {  	_ =	swait.ge [sflag:s13], $0x1400  }
0x1a: {  	[sflag:s13] =	ssyncset.done $0x0  }
0x1b: {  	[sflag:s13] =	ssyncadd.s32 $0xFFFFEC00  }
0x1c: {  	[bflag:$0x0] =	sbarrier.arrive $0xFFFF  }
0x1d: {  	[tilespmem:s15], [sflag:$0x1] =	stream.indirect.gather [spmem:s2], $0x80, s3, s14, $0xb8;
	[tilespmem:$0x1D400] =	vst v63  }
0x1e: {  	_ = 	snop  }
0x1f: {  	[tilespmem:s16], [sflag:$0x2] =	stream.indirect.gather [spmem:s2], $0x80, s14, s14, $0xb8;
	[tilespmem:$0x1D400] =	vst v63  }
0x20: {  	_ =	swait.ge [sflag:s17], $0x4000  }
0x21: {  	[sflag:s17] =	ssyncset.done $0x0  }
0x22: {  	s22 =	sadd.s32 $0x0, s11;
	[sflag:s17] =	ssyncadd.s32 $0xFFFFC000  }
0x23: {  	[hbm4b:s22+s3] =	stream.linear.scatter [tilespmem:s15], [sflag:$0x3], $0x4000, $0x38;
	[tilespmem:$0x1D400] =	vst v63  }
0x24: {  	_ =	swait.ge [sflag:s18], $0x4000  }
0x25: {  	[sflag:s18] =	ssyncset.done $0x0  }
0x26: {  	s30 =	sadd.s32 $0x0, s10;
	[sflag:s18] =	ssyncadd.s32 $0xFFFFC000  }
0x27: {  	[hbm4b:s30+s3] =	stream.linear.scatter [tilespmem:s16], [sflag:$0x4], $0x4000, $0x38;
	[tilespmem:$0x1D400] =	vst v63  }
0x28: {  	_ =	swait.ge [sflag:s19], $0x4000  }
0x29: {  	[sflag:s19] =	ssyncset.done $0x0  }
0x2a: {  	s31 =	simm.s32 $0x100;
	[sflag:s19] =	ssyncadd.s32 $0xFFFFC000  }
0x2b: {  	[tilespmem:s15], [sflag:$0x1] =	stream.indirect.gather [spmem:s2], $0x80, s31, s14, $0xb8;
	[tilespmem:$0x1D400] =	vst v63  }
0x2c: {  	_ =	swait.ge [sflag:s20], $0x4000  }
0x2d: {  	s23 =	simm.s32 $0x1000;
	[sflag:s20] =	ssyncset.done $0x0  }
0x2e: {  	s24 =	simm.s32 $0x280;
	s22 =	simm.s32 $0x180;
	[sflag:s20] =	ssyncadd.s32 $0xFFFFC000  }
.LBB2_2:
0x2f: {  	[tilespmem:s16], [sflag:$0x2] =	stream.indirect.gather [spmem:s2], $0x80, s22, s14, $0xb8;
	[tilespmem:$0x1D400] =	vst v63  }
0x30: {  	s25 =	smov.u32 s23;
	s22 =	smov.u32 s24  }
0x31: {  	p0 =	sne.s32 s23, $0x12000;
	s23 =	sadd.s32 $0x1000, s23;
	_ =	swait.ge [sflag:s17], $0x4000  }
0x32: {  	[sflag:s17] =	ssyncset.done $0x0  }
0x33: {  	s26 =	sadd.s32 s25, s11;
	[sflag:s17] =	ssyncadd.s32 $0xFFFFC000  }
0x34: {  	[hbm4b:s26+s3] =	stream.linear.scatter [tilespmem:s15], [sflag:$0x3], $0x4000, $0x38;
	[tilespmem:$0x1D400] =	vst v63  }
0x35: {  	_ =	swait.ge [sflag:s18], $0x4000  }
0x36: {  	[sflag:s18] =	ssyncset.done $0x0  }
0x37: {  	s25 =	sadd.s32 s25, s10;
	[sflag:s18] =	ssyncadd.s32 $0xFFFFC000  }
0x38: {  	[hbm4b:s25+s3] =	stream.linear.scatter [tilespmem:s16], [sflag:$0x4], $0x4000, $0x38;
	[tilespmem:$0x1D400] =	vst v63  }
0x39: {  	_ =	swait.ge [sflag:s19], $0x4000  }
0x3a: {  	[sflag:s19] =	ssyncset.done $0x0  }
.Ltmp0:
0x3b: {  	s25 =	sadd.s32 $0xFFFFFF80, s24;
	[sflag:s19] =	ssyncadd.s32 $0xFFFFC000;
	(pc) =	sbr.rel @p0 .LBB2_2-.Ltmp0, $4  }
0x3c: {  	[tilespmem:s15], [sflag:$0x1] =	stream.indirect.gather [spmem:s2], $0x80, s25, s14, $0xb8;
	[tilespmem:$0x1D400] =	vst v63  }
0x3d: {  	_ =	swait.ge [sflag:s20], $0x4000  }
0x3e: {  	[sflag:s20] =	ssyncset.done $0x0  }
0x3f: {  	s24 =	sadd.s32 $0x100, s24;
	[sflag:s20] =	ssyncadd.s32 $0xFFFFC000  }
0x40: {  	[tilespmem:s16], [sflag:$0x2] =	stream.indirect.gather [spmem:s2], $0x80, s22, s14, $0xb8;
	[tilespmem:$0x1D400] =	vst v63  }
0x41: {  	_ =	swait.ge [sflag:s17], $0x4000  }
0x42: {  	[sflag:s17] =	ssyncset.done $0x0  }
0x43: {  	[sflag:s17] =	ssyncadd.s32 $0xFFFFC000  }
0x44: {  	[hbm4b:s8+s3] =	stream.linear.scatter [tilespmem:s15], [sflag:$0x3], $0x4000, $0x38;
	[tilespmem:$0x1D400] =	vst v63  }
0x45: {  	_ =	swait.ge [sflag:s18], $0x4000  }
0x46: {  	[sflag:s18] =	ssyncset.done $0x0  }
0x47: {  	s21 =	sadd.s32 $0x1, s21;
	[sflag:s18] =	ssyncadd.s32 $0xFFFFC000  }
0x48: {  	[hbm4b:s9+s3] =	stream.linear.scatter [tilespmem:s16], [sflag:$0x4], $0x4000, $0x38;
	[tilespmem:$0x1D400] =	vst v63  }
0x49: {  	p0 =	sne.s32 s21, s7;
	_ =	swait.ge [sflag:s19], $0x4000  }
.Ltmp1:
0x4a: {  	[sflag:s19] =	ssyncset.done $0x0;
	(pc) =	sbr.rel @p0 .LBB2_1-.Ltmp1, $4  }
0x4b: {  	[sflag:s19] =	ssyncadd.s32 $0xFFFFC000  }
0x4c: {  	_ =	swait.ge [sflag:s20], $0x4000  }
0x4d: {  	[sflag:s20] =	ssyncset.done $0x0  }
0x4e: {  	[sflag:s20] =	ssyncadd.s32 $0xFFFFC000  }
0x4f: {  	_ =	sfence.sel $0x180000  }
0x50: {  	[bflag:$0x0] =	sbarrier.arrive $0xFFFF  }
0x51: {  	p0 =	sne.s32 s1, $0x0;
	_ =	strace $0x90000059  }
0x52: {  	s0 =	sadd.s32 @!p0 $0x100000, s0;
	[bflag:$0x2] =	sbarrier.arrive $0xFFFF  }
0x53: {  	[sflag:s0] =	ssyncadd.tile.s32 @!p0 $0x1;
	_ =	shalt  }
.Lfunc_end2:
_tile_overlayer_lowered:
.L_overlay_start_2:
0x54: {  	(tag) =	ssettag $0x2  }
0x55: {  	s0 =	rddreg [dreg:$0x0];
	s2 =	stileid.u32  }
0x56: {  	s1 =	rddreg [dreg:$0x1];
	p0 =	sne.s32 s2, $0x0  }
0x57: {  	s3 =	rddreg [dreg:$0x2];
	[bflag:$0x3] =	sbarrier.arrive $0xFFFF;
	s2 =	simm.s32 @!p0 $0x1C05  }
0x58: {  	[timem:s3], [sflag:s2] =	dma.local @!p0 [hbm:s0], s1  }
0x59: {  	s0 =	simm.s32 @!p0 $0x5  }
0x5a: {  	_ =	swait.ge @!p0 [sflag:s0], s1  }
0x5b: {  	s1 =	ssub.s32 @!p0 $0x0, s1;
	[sflag:s0] =	ssyncset.done @!p0 $0x0  }
0x5c: {  	[sflag:s0] =	ssyncadd.s32 @!p0 s1  }
0x5d: {  	[bflag:$0x3] =	sbarrier.arrive $0xFFFF  }
0x5e: {  	_ =	shalt  }

// kernel: kernel.37.cloned.1.call-start
scs
__scs_entry_jumppad:
0x0: {  	(pc) =	sbr.rel $0x88, $3  }
0x1: {  	(tag) =	ssettag $0x0;
	lr =	simm.s32 $0x1  }
0x2: {  	[smem:$0x3F95] =	sst lr;
	_ =	strace $0xD0000000  }
0x3: {  	_ = 	snop  }
0x4: {  	_ = 	snop  }
0x5: {  	_ = 	snop  }
0x6: {  	_ = 	snop  }
0x7: {  	_ = 	snop  }
__scs_overlays_trampoline_lowered:
0x8: {  	[smem:$0x3FA4] =	sst s0  }
0x9: {  	[smem:$0x3FA5] =	sst s1  }
0xa: {  	[smem:$0x3FA6] =	sst s2  }
0xb: {  	[smem:$0x3FA7] =	sst s3  }
0xc: {  	[smem:$0x3FA8] =	sst s4  }
0xd: {  	[smem:$0x3FA9] =	sst s5  }
0xe: {  	[smem:$0x3FAA] =	sst s6  }
0xf: {  	[smem:$0x3FAB] =	sst s7  }
0x10: {  	[smem:$0x3FAC] =	sst s8  }
0x11: {  	[smem:$0x3FAD] =	sst s9;
	s0 =	simm.s32 @!p0 $0x0  }
0x12: {  	s1 =	sld [smem:$0x3F93];
	s0 =	simm.s32 @p0 $0x1  }
0x13: {  	[smem:$0x3FAE] =	sst s0;
	s0 =	simm.s32 @!p1 $0x0  }
0x14: {  	s2 =	sld [smem:$0x3F92];
	s0 =	simm.s32 @p1 $0x1  }
0x15: {  	[smem:$0x3FAF] =	sst s0;
	s0 =	simm.s32 @!p2 $0x0  }
0x16: {  	s3 =	sld [smem:$0x3FDB];
	s0 =	simm.s32 @p2 $0x1  }
0x17: {  	s4 =	simm.s32 $0x1BF5;
	[smem:$0x3FB1] =	sst s0  }
0x18: {  	s0 =	sld [smem:$0x3F94];
	_ =	swait.ge [sflag:s4], $0x0  }
0x19: {  	s7 =	sld [smem:$0x3F95]  }
0x1a: {  	s8 =	sadd.s32 $0xFFFFE003, lr  }
0x1b: {  	s9 =	sadd.s32 $0xFFFFFEF7, lr;
	s5 =	simm.s32 $0xFFFFFFFF;
	p2 =	slt.u32 s8, $0xFFFFF086  }
0x1c: {  	p1 =	slt.u32 s9, $0xF7A;
	s5 =	simm.s32 @!p2 $0x0  }
0x1d: {  	s5 =	simm.s32 @p1 $0x1;
	p0 =	seq.s32 s7, s2  }
0x1e: {  	s7 =	smul.u32 @!p0 $0xF7A, s2;
	p2 =	seq.s32 @!p0 s5, $0x0  }
0x1f: {  	s9 =	smul.u32 $0xF7A, s1;
	s8 =	simm.s32 @!p0 $0x1BF5;
	p2 =	por !p2, p0  }
0x20: {  	[sflag:s8] =	ssyncset.s32 @!p0 $0xFFFFF086;
	s6 =	sadd.s32 @!p0 s3, s7;
	s7 =	simm.s32 @!p0 $0x108  }
0x21: {  	s3 =	sadd.s32 s3, s9;
	s6 =	sadd.s32 @!p0 $0x88, s6;
	s7 =	simm.s32 @p2 $0x1082  }
0x22: {  	[simem:s7], [sflag:s8] =	dma.local @!p0 [hbm:s6], $0xF7A  }
0x23: {  	s9 =	sor.u32 $0xD0000000, s2;
	s6 =	simm.s32 $0x108;
	_ =	swait.ge @!p0 [sflag:s8], $0x0  }
0x24: {  	s3 =	sadd.s32 $0x88, s3;
	s6 =	simm.s32 @!p1 $0x1082;
	[sflag:s4] =	ssyncset.s32 $0xFFFFF086  }
0x25: {  	[simem:s6], [sflag:s4] =	dma.local [hbm:s3], $0xF7A  }
0x26: {  	[smem:$0x3F95] =	sst s1;
	(tag) =	ssettag s2;
	_ =	strace s9  }
0x27: {  	s1 =	sld [smem:$0x3FA5]  }
0x28: {  	s2 =	sld [smem:$0x3FA6]  }
0x29: {  	s4 =	sld [smem:$0x3FA8]  }
0x2a: {  	p0 =	seq.s32 s5, $0x0;
	s5 =	sld [smem:$0x3FA9]  }
0x2b: {  	s6 =	sld [smem:$0x3FAA]  }
0x2c: {  	s7 =	sld [smem:$0x3FAB]  }
0x2d: {  	s3 =	simm.s32 $0x108;
	s8 =	sld [smem:$0x3FAC]  }
0x2e: {  	s3 =	simm.s32 @!p0 $0x1082;
	s9 =	sld [smem:$0x3FAD]  }
0x2f: {  	lr =	sadd.s32 s0, s3;
	s0 =	sld [smem:$0x3FA4]  }
0x30: {  	s3 =	sld [smem:$0x3FA7]  }
0x31: {  	[smem:$0x3FB0] =	sst s10  }
0x32: {  	s10 =	sld [smem:$0x3FAE];
	_ =	sdelay $0x3  }
0x33: {  	p0 =	seq.s32 s10, $0x1;
	s10 =	sld [smem:$0x3FB0];
	_ =	sdelay $0x3  }
0x34: {  	[smem:$0x3FB0] =	sst s10  }
0x35: {  	s10 =	sld [smem:$0x3FAF];
	_ =	sdelay $0x3  }
0x36: {  	p1 =	seq.s32 s10, $0x1;
	s10 =	sld [smem:$0x3FB0];
	_ =	sdelay $0x3  }
0x37: {  	[smem:$0x3FB0] =	sst s10  }
0x38: {  	s10 =	sld [smem:$0x3FB1]  }
0x39: {  	_ = 	snop;
	(pc) =	sbr.ind lr, $3  }
0x3a: {  	_ = 	snop  }
0x3b: {  	_ = 	snop  }
0x3c: {  	p2 =	seq.s32 s10, $0x1;
	s10 =	sld [smem:$0x3FB0]  }
0x3d: {  	_ =	shalt  }
0x3e: {  	_ =	shalt  }
0x3f: {  	_ =	shalt  }
0x40: {  	_ =	shalt  }
0x41: {  	_ =	shalt  }
0x42: {  	_ =	shalt  }
0x43: {  	_ =	shalt  }
0x44: {  	_ =	shalt  }
0x45: {  	_ =	shalt  }
0x46: {  	_ =	shalt  }
0x47: {  	_ =	shalt  }
0x48: {  	_ =	shalt  }
0x49: {  	_ =	shalt  }
0x4a: {  	_ =	shalt  }
0x4b: {  	_ =	shalt  }
0x4c: {  	_ =	shalt  }
0x4d: {  	_ =	shalt  }
0x4e: {  	_ =	shalt  }
0x4f: {  	_ =	shalt  }
0x50: {  	_ =	shalt  }
0x51: {  	_ =	shalt  }
0x52: {  	_ =	shalt  }
0x53: {  	_ =	shalt  }
0x54: {  	_ =	shalt  }
0x55: {  	_ =	shalt  }
0x56: {  	_ =	shalt  }
0x57: {  	_ =	shalt  }
0x58: {  	_ =	shalt  }
0x59: {  	_ =	shalt  }
0x5a: {  	_ =	shalt  }
0x5b: {  	_ =	shalt  }
0x5c: {  	_ =	shalt  }
0x5d: {  	_ =	shalt  }
0x5e: {  	_ =	shalt  }
0x5f: {  	_ =	shalt  }
0x60: {  	_ =	shalt  }
0x61: {  	_ =	shalt  }
0x62: {  	_ =	shalt  }
0x63: {  	_ =	shalt  }
0x64: {  	_ =	shalt  }
0x65: {  	_ =	shalt  }
0x66: {  	_ =	shalt  }
0x67: {  	_ =	shalt  }
0x68: {  	_ =	shalt  }
0x69: {  	_ =	shalt  }
0x6a: {  	_ =	shalt  }
0x6b: {  	_ =	shalt  }
0x6c: {  	_ =	shalt  }
0x6d: {  	_ =	shalt  }
0x6e: {  	_ =	shalt  }
0x6f: {  	_ =	shalt  }
0x70: {  	_ =	shalt  }
0x71: {  	_ =	shalt  }
0x72: {  	_ =	shalt  }
0x73: {  	_ =	shalt  }
0x74: {  	_ =	shalt  }
0x75: {  	_ =	shalt  }
0x76: {  	_ =	shalt  }
0x77: {  	_ =	shalt  }
0x78: {  	_ =	shalt  }
0x79: {  	_ =	shalt  }
0x7a: {  	_ =	shalt  }
0x7b: {  	_ =	shalt  }
0x7c: {  	_ =	shalt  }
0x7d: {  	_ =	shalt  }
0x7e: {  	_ =	shalt  }
0x7f: {  	_ =	shalt  }
0x80: {  	_ =	shalt  }
0x81: {  	_ =	shalt  }
0x82: {  	_ =	shalt  }
0x83: {  	_ =	shalt  }
0x84: {  	_ =	shalt  }
0x85: {  	_ =	shalt  }
0x86: {  	_ =	shalt  }
0x87: {  	_ =	shalt  }
.Lfunc_end0:
.L_simem_size_0:
called_computation.7_lowered:
.L_overlay_start_0:
0x88: {  	s2 =	sld [smem:$0x3FD9]  }
0x89: {  	s3 =	sld [smem:$0x3FFE];
	_ =	sdelay $0x1  }
0x8a: {  	s1 =	srdreg.scid  }
0x8b: {  	s0 =	sand.u32 $0x1, s1  }
0x8c: {  	s16 =	sshll.u32 s0, $0xA;
	s2 =	sadd.s32 s3, s2  }
0x8d: {  	s2 =	sadd.s32 s2, s16  }
0x8e: {  	[smem:$0x3FBC] =	sst s2  }
0x8f: {  	_ = 	snop  }
0x90: {  	(tm) =	ssettm $0x1  }
0x91: {  	s17 =	sld [smem:$0x3FFB];
	_ =	sdelay $0x3  }
0x92: {  	_ =	strace s17  }
0x93: {  	s2 =	sld [smem:$0x3FFC];
	_ =	sdelay $0x3  }
0x94: {  	_ =	strace s2  }
0x95: {  	s2 =	sld [smem:$0x3FFD];
	_ =	sdelay $0x3  }
0x96: {  	_ =	strace s2  }
0x97: {  	_ =	strace $0x8FFFFFFF  }
0x98: {  	s18 =	sld [smem:$0x3FDB];
	_ =	sdelay $0x1  }
0x99: {  	s19 =	simm.s32 $_scs_section_size  }
0x9a: {  	s4 =	simm.s32 $_size__tile_overlayer_lowered;
	s5 =	simm.s32 $_tile_overlayer_lowered  }
0x9b: {  	s22 =	simm.s32 $0x1BFF;
	s21 =	sshll.u32 s5, $0x1;
	s2 =	sadd.s32 s19, s18  }
0x9c: {  	s6 =	simm.s32 $0x0;
	s20 =	sshll.u32 s4, $0x1;
	s4 =	sadd.s32 s21, s2  }
0x9d: {  	[timem:s6], [sflag:s22] =	dma.local [hbm:s4], s20  }
0x9e: {  	_ =	swait.ge [sflag:s22], s20  }
0x9f: {  	s3 =	ssub.s32 $0x0, s20;
	[sflag:s22] =	ssyncset.done $0x0  }
0xa0: {  	[sflag:s22] =	ssyncadd.s32 s3;
	_ =	sdelay $0x1  }
0xa1: {  	s23 =	simm.s32 $0x1B8B  }
0xa2: {  	_ =	swait.ge [sflag:s23], $0x1  }
0xa3: {  	[sflag:s23] =	ssyncset.done $0x0  }
0xa4: {  	s25 =	simm.s32 $0x1B8E;
	s24 =	sld [smem:$0x3FFE];
	[sflag:s23] =	ssyncadd.s32 $0xFFFFFFFF  }
0xa5: {  	s26 =	simm.s32 $execute0_lowered;
	[smem:$0x3FD2] =	sst s25  }
0xa6: {  	s4 =	sshll.u32 s26, $0x1;
	_ =	strace $0x8000005B;
	[dreg:$0x1] =	wrdreg $0xFFFFFFFF  }
0xa7: {  	s28 =	simm.s32 $_size_execute0_lowered;
	s2 =	sadd.s32 s2, s4;
	[dreg:$0x0] =	wrdreg $0x0  }
0xa8: {  	s4 =	sshll.u32 s28, $0x1;
	[dreg:$0x2] =	wrdreg s2  }
0xa9: {  	[dreg:$0x3] =	wrdreg s4  }
0xaa: {  	[dreg:$0x4] =	wrdreg $0xC0  }
0xab: {  	_ =	task [dreg:s6], $0x5FFFF  }
0xac: {  	[dreg:$0x1] =	wrdreg $0xFFFFFFFF  }
0xad: {  	[dreg:$0x0] =	wrdreg $0x60  }
0xae: {  	[dreg:$0x2] =	wrdreg s24  }
0xaf: {  	[dreg:$0x3] =	wrdreg $0x94000  }
0xb0: {  	[dreg:$0x4] =	wrdreg $0x9  }
0xb1: {  	_ =	task.clear_ibuf [dreg:s6], $0x5FFFF;
	_ =	strace $0x9000005B  }
0xb2: {  	s29 =	simm.s32 $0x9;
	_ =	strace $0x8000005D  }
0xb3: {  	_ =	swait.ge [sflag:s29], $0x1  }
0xb4: {  	[sflag:s29] =	ssyncadd.s32 $0xFFFFFFFF  }
0xb5: {  	_ =	strace $0x9000005D  }
0xb6: {  	_ =	sfence  }
0xb7: {  	s30 =	sld [smem:$0x0];
	_ =	sdelay $0x2  }
0xb8: {  	s31 =	sshll.u32 s1, $0xD;
	s1 =	sshrl.u32 s1, $0x2  }
0xb9: {  	s3 =	sand.u32 $0x4000, s31;
	s1 =	sadd.s32 s1, s30  }
0xba: {  	s0 =	sor.u32 s3, s0;
	s1 =	sshll.u32 s1, $0x11  }
0xbb: {  	s0 =	sor.u32 s1, s0  }
0xbc: {  	s0 =	sadd.s32 $0x8F2B, s0  }
0xbd: {  	[sflag:s0] =	ssyncadd.remote.s32 $0x1  }
0xbe: {  	_ =	sfence.sel $0xFFFF  }
0xbf: {  	[dreg:$0x0] =	wrdreg $0xFFFFFFFF;
	(pc) =	sbr.abs _section_cstart, $3  }
0xc0: {  	[dreg:$0x1] =	wrdreg $0xFFFFFFFF  }
0xc1: {  	_ =	task.clear_ibuf [dreg:s6], $0x2FFFF;
	_ =	strace $0x9FFFFFFF  }
0xc2: {  	(tm) =	ssettm $0x7FFFFFFF  }
0xc3: {  	_ =	shalt  }
tec
execute0_lowered:
.L_overlay_start_1:
0x0: {  	(tag) =	ssettag $0x1  }
0x1: {  	s4 =	rddreg [dreg:$0x0];
	s1 =	srdreg.scid  }
0x2: {  	s0 =	stileid.u32;
	s2 =	rddreg [dreg:$0x1]  }
0x3: {  	s3 =	simm.s32 $0x0;
	s16 =	simm.s32 $0x5400;
	s17 =	simm.s32 $0x1  }
0x4: {  	s18 =	simm.s32 $0x80;
	s19 =	simm.s32 $0x2;
	s20 =	simm.s32 $0x3  }
0x5: {  	s21 =	simm.s32 $0x4;
	s22 =	simm.s32 $0x1300;
	s8 =	smul.u32 $0x2800, s0  }
0x6: {  	s5 =	sand.u32 $0x1, s1;
	s1 =	rddreg [dreg:$0x2];
	s13 =	smul.u32 $0x50000, s0  }
0x7: {  	s6 =	sshll.u32 s0, $0x1;
	[smem:$0x7FF] =	sst s3;
	s24 =	smul.u32 $0x140000, s0  }
0x8: {  	s12 =	sadd.s32 $0xA3B800, s4;
	s26 =	sshll.u32 s0, $0x6;
	s9 =	smul.u32 $0x28000, s5  }
0x9: {  	s6 =	sor.u32 s5, s6;
	_ =	strace $0x8000005C;
	s28 =	smul.u32 $0xA0000, s5  }
0xa: {  	s11 =	ssub.s32 $0x2, s5;
	s5 =	sor.u32 $0x1C05, s26;
	s7 =	smul.u32 $0x280, s6  }
0xb: {  	s10 =	sadd.s32 s8, s4;
	s23 =	sshrl.u32 s11, $0x1;
	s14 =	smul.u32 $0x14000, s6  }
0xc: {  	s25 =	sshrl.u32 s13, $0x2;
	s8 =	sadd.s32 s8, s9;
	s11 =	ssub.s32 s11, s23  }
0xd: {  	s13 =	sadd.s32 s25, s2;
	s9 =	sadd.s32 s28, s24;
	s23 =	simm.s32 $0x1380  }
0xe: {  	s24 =	simm.s32 $0x0;
	s7 =	sadd.s32 s7, s4;
	s15 =	sadd.s32 s8, s4  }
0xf: {  	s4 =	sadd.s32 $0x2BB800, s10;
	s29 =	sor.u32 $0xC000, s9;
	s30 =	sor.u32 $0x8000, s9  }
0x10: {  	s10 =	smax.u32 s11, $0x1;
	s13 =	sshrl.u32 s13, $0x3;
	s6 =	sadd.s32 $0x2B6800, s7  }
0x11: {  	s7 =	sadd.s32 s12, s14;
	s9 =	sadd.s32 $0x4800, s15;
	s31 =	sshrl.u32 s29, $0x3  }
0x12: {  	s14 =	sshrl.u32 s30, $0x3;
	s15 =	simm.s32 $0x1400;
	s8 =	sadd.s32 $0x800, s7  }
0x13: {  	s11 =	sadd.s32 s31, s12;
	s12 =	sadd.s32 s14, s12;
	s14 =	simm.s32 $0x5  }
.LBB2_1:
0x14: {  	[spmem:s13], [sflag:s5] =	dma.local [hbm:s4], $0x2800  }
0x15: {  	_ =	swait.ge [sflag:s14], $0x2800  }
0x16: {  	[sflag:s14] =	ssyncset.done $0x0  }
0x17: {  	[sflag:s14] =	ssyncadd.s32 $0xFFFFD800  }
0x18: {  	[tilespmem:s3], [sflag:$0x5] =	stream.linear.gather [hbm4b:s6+s3], $0x1400, $0x38;
	[tilespmem:$0x1D400] =	vst v63  }
0x19: {  	_ =	swait.ge [sflag:s14], $0x1400  }
0x1a: {  	[sflag:s14] =	ssyncset.done $0x0  }
0x1b: {  	[sflag:s14] =	ssyncadd.s32 $0xFFFFEC00  }
0x1c: {  	[bflag:$0x0] =	sbarrier.arrive $0xFFFF  }
0x1d: {  	[tilespmem:s15], [sflag:$0x1] =	stream.linear.gather [hbm4b:s7+s3], $0x4000, $0x38;
	[tilespmem:$0x1D400] =	vst v63  }
0x1e: {  	_ = 	snop  }
0x1f: {  	[tilespmem:s16], [sflag:$0x2] =	stream.linear.gather [hbm4b:s8+s3], $0x4000, $0x38;
	[tilespmem:$0x1D400] =	vst v63  }
0x20: {  	_ =	swait.ge [sflag:s17], $0x4000  }
0x21: {  	[sflag:s17] =	ssyncset.done $0x0  }
0x22: {  	s25 =	simm.s32 $0x0;
	[sflag:s17] =	ssyncadd.s32 $0xFFFFC000  }
0x23: {  	[spmem:s2] =	stream.indirect.scatter.add.f32 [tilespmem:s15], [sflag:$0x3], $0x80, s25, s18, $0xb8;
	[tilespmem:$0x1D400] =	vst v63  }
0x24: {  	_ =	swait.ge [sflag:s19], $0x4000  }
0x25: {  	[sflag:s19] =	ssyncset.done $0x0  }
0x26: {  	[sflag:s19] =	ssyncadd.s32 $0xFFFFC000  }
0x27: {  	[spmem:s2] =	stream.indirect.scatter.add.f32 [tilespmem:s16], [sflag:$0x4], $0x80, s18, s18, $0xb8;
	[tilespmem:$0x1D400] =	vst v63  }
0x28: {  	_ =	swait.ge [sflag:s20], $0x4000  }
0x29: {  	[sflag:s20] =	ssyncset.done $0x0  }
0x2a: {  	s31 =	sadd.s32 $0x0, s12;
	[sflag:s20] =	ssyncadd.s32 $0xFFFFC000  }
0x2b: {  	[tilespmem:s15], [sflag:$0x1] =	stream.linear.gather [hbm4b:s31+s3], $0x4000, $0x38;
	[tilespmem:$0x1D400] =	vst v63  }
0x2c: {  	_ =	swait.ge [sflag:s21], $0x4000  }
0x2d: {  	s28 =	sadd.s32 $0x0, s11;
	[sflag:s21] =	ssyncset.done $0x0  }
0x2e: {  	s26 =	simm.s32 $0x180;
	s25 =	simm.s32 $0x1000;
	[sflag:s21] =	ssyncadd.s32 $0xFFFFC000  }
.LBB2_2:
0x2f: {  	[tilespmem:s16], [sflag:$0x2] =	stream.linear.gather [hbm4b:s28+s3], $0x4000, $0x38;
	[tilespmem:$0x1D400] =	vst v63  }
0x30: {  	s28 =	smov.u32 s25  }
0x31: {  	p0 =	sne.s32 s25, $0x12000;
	s25 =	sadd.s32 $0x1000, s25;
	_ =	swait.ge [sflag:s17], $0x4000  }
0x32: {  	[sflag:s17] =	ssyncset.done $0x0  }
0x33: {  	s29 =	sadd.s32 $0xFFFFFF80, s26;
	[sflag:s17] =	ssyncadd.s32 $0xFFFFC000  }
0x34: {  	[spmem:s2] =	stream.indirect.scatter.add.f32 [tilespmem:s15], [sflag:$0x3], $0x80, s29, s18, $0xb8;
	[tilespmem:$0x1D400] =	vst v63  }
0x35: {  	_ =	swait.ge [sflag:s19], $0x4000  }
0x36: {  	[sflag:s19] =	ssyncset.done $0x0  }
0x37: {  	[sflag:s19] =	ssyncadd.s32 $0xFFFFC000  }
0x38: {  	[spmem:s2] =	stream.indirect.scatter.add.f32 [tilespmem:s16], [sflag:$0x4], $0x80, s26, s18, $0xb8;
	[tilespmem:$0x1D400] =	vst v63  }
0x39: {  	_ =	swait.ge [sflag:s20], $0x4000  }
0x3a: {  	[sflag:s20] =	ssyncset.done $0x0  }
.Ltmp0:
0x3b: {  	s29 =	sadd.s32 s28, s12;
	[sflag:s20] =	ssyncadd.s32 $0xFFFFC000;
	(pc) =	sbr.rel @p0 .LBB2_2-.Ltmp0, $4  }
0x3c: {  	[tilespmem:s15], [sflag:$0x1] =	stream.linear.gather [hbm4b:s29+s3], $0x4000, $0x38;
	[tilespmem:$0x1D400] =	vst v63  }
0x3d: {  	_ =	swait.ge [sflag:s21], $0x4000  }
0x3e: {  	[sflag:s21] =	ssyncset.done $0x0  }
0x3f: {  	s28 =	sadd.s32 s28, s11;
	s26 =	sadd.s32 $0x100, s26;
	[sflag:s21] =	ssyncadd.s32 $0xFFFFC000  }
0x40: {  	[tilespmem:s16], [sflag:$0x2] =	stream.linear.gather [hbm4b:s28+s3], $0x4000, $0x38;
	[tilespmem:$0x1D400] =	vst v63  }
0x41: {  	_ =	swait.ge [sflag:s17], $0x4000  }
0x42: {  	[sflag:s17] =	ssyncset.done $0x0  }
0x43: {  	[sflag:s17] =	ssyncadd.s32 $0xFFFFC000  }
0x44: {  	[spmem:s2] =	stream.indirect.scatter.add.f32 [tilespmem:s15], [sflag:$0x3], $0x80, s22, s18, $0xb8;
	[tilespmem:$0x1D400] =	vst v63  }
0x45: {  	_ =	swait.ge [sflag:s19], $0x4000  }
0x46: {  	[sflag:s19] =	ssyncset.done $0x0  }
0x47: {  	[sflag:s19] =	ssyncadd.s32 $0xFFFFC000  }
0x48: {  	[spmem:s2] =	stream.indirect.scatter.add.f32 [tilespmem:s16], [sflag:$0x4], $0x80, s23, s18, $0xb8;
	[tilespmem:$0x1D400] =	vst v63  }
0x49: {  	_ =	swait.ge [sflag:s20], $0x4000  }
0x4a: {  	[sflag:s20] =	ssyncset.done $0x0  }
0x4b: {  	[sflag:s20] =	ssyncadd.s32 $0xFFFFC000  }
0x4c: {  	_ =	swait.ge [sflag:s21], $0x4000  }
0x4d: {  	s24 =	sadd.s32 $0x1, s24;
	[sflag:s21] =	ssyncset.done $0x0  }
0x4e: {  	p0 =	sne.s32 s24, s10;
	[sflag:s21] =	ssyncadd.s32 $0xFFFFC000  }
.Ltmp1:
0x4f: {  	[bflag:$0x0] =	sbarrier.arrive $0xFFFF;
	(pc) =	sbr.rel @p0 .LBB2_1-.Ltmp1, $4  }
0x50: {  	[hbm:s9], [sflag:s5] =	dma.local [spmem:s13], $0x2800  }
0x51: {  	_ =	swait.ge [sflag:s14], $0x2800  }
0x52: {  	[sflag:s14] =	ssyncset.done $0x0  }
0x53: {  	[sflag:s14] =	ssyncadd.s32 $0xFFFFD800  }
0x54: {  	_ =	sfence.sel $0x180000  }
0x55: {  	[bflag:$0x0] =	sbarrier.arrive $0xFFFF  }
0x56: {  	p0 =	sne.s32 s0, $0x0;
	_ =	strace $0x9000005C  }
0x57: {  	s0 =	sadd.s32 @!p0 $0x100000, s1;
	[bflag:$0x2] =	sbarrier.arrive $0xFFFF  }
0x58: {  	[sflag:s0] =	ssyncadd.tile.s32 @!p0 $0x1;
	_ =	shalt  }
.Lfunc_end2:
_tile_overlayer_lowered:
.L_overlay_start_2:
0x59: {  	(tag) =	ssettag $0x2  }
0x5a: {  	s0 =	rddreg [dreg:$0x0];
	s2 =	stileid.u32  }
0x5b: {  	s1 =	rddreg [dreg:$0x1];
	p0 =	sne.s32 s2, $0x0  }
0x5c: {  	s3 =	rddreg [dreg:$0x2];
	[bflag:$0x3] =	sbarrier.arrive $0xFFFF;
	s2 =	simm.s32 @!p0 $0x1C05  }
0x5d: {  	[timem:s3], [sflag:s2] =	dma.local @!p0 [hbm:s0], s1  }
0x5e: {  	s0 =	simm.s32 @!p0 $0x5  }
0x5f: {  	_ =	swait.ge @!p0 [sflag:s0], s1  }
0x60: {  	s1 =	ssub.s32 @!p0 $0x0, s1;
	[sflag:s0] =	ssyncset.done @!p0 $0x0  }
0x61: {  	[sflag:s0] =	ssyncadd.s32 @!p0 s1  }
0x62: {  	[bflag:$0x3] =	sbarrier.arrive $0xFFFF  }
0x63: {  	_ =	shalt  }

</sc_bundles>
